<compile_context>
chip_gen: v7x
topology: tpu7x:2x2x1
jax: 0.10.2.dev20260603
libtpu: 0.0.44.dev20260713+nightly
codegen_flags: <defaults>
</compile_context>

<pallas_src>
import functools

import numpy as np

import jax
import jax.numpy as jnp
from jax import lax
from jax.experimental import pallas as pl
from jax.experimental.pallas import tpu as pltpu
from jax.experimental.pallas import tpu_sc as plsc

TOKENS = 32768
EXPERTS = 64
K = 8
NC, NS, L = 2, 16, 16
NW = NC * NS

T_SC = 8192
T_TC = TOKENS - T_SC
TPW = T_SC // NW
COLS_PER_BLOCK = 2048

_SIGN_BIT = np.uint32(0x80000000)
_NEG_FLIP = np.uint32(0xFFFF0000)
_LOW_MASK = np.uint32(0xFFFF0000)



def _monokey(v, e):
    b = lax.bitcast_convert_type(v, jnp.uint32)
    key = jnp.where(b >= _SIGN_BIT, b ^ _NEG_FLIP, b | _SIGN_BIT)
    return key + np.uint32(EXPERTS - 1 - e)


def _unkey(key):
    ids = (EXPERTS - 1) - (key & np.uint32(EXPERTS - 1)).astype(jnp.int32)
    kb = key & _LOW_MASK
    b = jnp.where(kb >= _SIGN_BIT, kb ^ _SIGN_BIT, kb ^ _NEG_FLIP)
    return ids, lax.bitcast_convert_type(b, jnp.float32)


def _sc_body(xt_hbm, ids_hbm, vals_hbm, x_v, ids_v, vals_v):
    wid = lax.axis_index("s") * NC + lax.axis_index("c")
    base = wid * TPW
    pltpu.sync_copy(xt_hbm.at[:, pl.ds(base, TPW)], x_v)

    def group(g, carry):
        col = g * L

        ts = [jnp.zeros((L,), jnp.uint32) for _ in range(K)]
        for e in range(EXPERTS):
            key = _monokey(x_v[e, pl.ds(col, L)], e)
            for k in range(K):
                hi_k = jnp.maximum(ts[k], key)
                key = jnp.minimum(ts[k], key)
                ts[k] = hi_k

        ids = []
        logits = []
        for k in range(K):
            i_k, l_k = _unkey(ts[k])
            ids.append(i_k)
            logits.append(l_k)
        m = logits[0]
        s = jnp.zeros((L,), jnp.float32)
        for e in range(EXPERTS):
            s = s + jnp.exp(x_v[e, pl.ds(col, L)] - m)

        for k in range(K):
            ids_v[k, pl.ds(col, L)] = ids[k]
            vals_v[k, pl.ds(col, L)] = jnp.exp(logits[k] - m) / s
        return carry

    lax.fori_loop(0, TPW // L, group, 0)

    pltpu.sync_copy(ids_v, ids_hbm.at[:, pl.ds(base, TPW)])
    pltpu.sync_copy(vals_v, vals_hbm.at[:, pl.ds(base, TPW)])


def _sc_call(xsf):
    mesh = plsc.VectorSubcoreMesh(core_axis_name="c", subcore_axis_name="s")
    return pl.kernel(
        _sc_body,
        mesh=mesh,
        out_type=[
            jax.ShapeDtypeStruct((K, T_SC), jnp.int32),
            jax.ShapeDtypeStruct((K, T_SC), jnp.float32),
        ],
        scratch_types=[
            pltpu.VMEM((EXPERTS, TPW), jnp.float32),
            pltpu.VMEM((K, TPW), jnp.int32),
            pltpu.VMEM((K, TPW), jnp.float32),
        ],
    )(xsf)



def _tc_body(xt_ref, ids_ref, vals_ref):
    xf = xt_ref[...].astype(jnp.float32)
    b = lax.bitcast_convert_type(xf, jnp.int32)
    key = jnp.where(b >= 0, b, b ^ 0x7FFF0000)
    eidx = lax.broadcasted_iota(jnp.int32, key.shape, 0)
    key = key + (EXPERTS - 1 - eidx)

    row = lax.broadcasted_iota(jnp.int32, (K, key.shape[1]), 0)
    kstack = jnp.zeros((K, key.shape[1]), jnp.int32)
    work = key
    for k in range(K):
        kmax = jnp.max(work, axis=0, keepdims=True)
        work = jnp.where(work == kmax, jnp.int32(-(2**31)), work)
        kstack = jnp.where(row == k, jnp.broadcast_to(kmax, kstack.shape), kstack)

    ids = (EXPERTS - 1) - (kstack & (EXPERTS - 1))
    kb = kstack & -65536
    bsel = jnp.where(kb >= 0, kb, kb ^ 0x7FFF0000)
    lsel = lax.bitcast_convert_type(bsel, jnp.float32)
    m = lsel[0:1, :]
    s = jnp.sum(jnp.exp(xf - m), axis=0, keepdims=True)
    vals = jnp.exp(lsel - m) / s

    ids_ref[...] = ids
    vals_ref[...] = vals


def _tc_call(xt):
    grid = (T_TC // COLS_PER_BLOCK,)
    return pl.pallas_call(
        _tc_body,
        grid=grid,
        in_specs=[pl.BlockSpec((EXPERTS, COLS_PER_BLOCK), lambda i: (0, i))],
        out_specs=[
            pl.BlockSpec((K, COLS_PER_BLOCK), lambda i: (0, i)),
            pl.BlockSpec((K, COLS_PER_BLOCK), lambda i: (0, i)),
        ],
        out_shape=[
            jax.ShapeDtypeStruct((K, T_TC), jnp.int32),
            jax.ShapeDtypeStruct((K, T_TC), jnp.float32),
        ],
    )(xt)


@jax.jit
def kernel(gate_logits):
    xt = gate_logits.T
    xsf = xt[:, T_TC:].astype(jnp.float32)
    sc_ids, sc_vals = _sc_call(xsf)
    tc_ids, tc_vals = _tc_call(xt[:, :T_TC])

    ids = jnp.concatenate([tc_ids, sc_ids], axis=1).T
    vals = jnp.concatenate([tc_vals, sc_vals], axis=1).T.astype(jnp.bfloat16)
    return (ids, vals)

# --- scband reference (transcript-rebuilt; emitter-appended) ---
"""Pipeline reference for scband-model-25056839205235 (READ-ONLY COPY).

The authoritative reference and input builder live on the scoring server;
editing this copy changes nothing except your own understanding.
"""

import jax, jax.numpy as jnp
import numpy as np

TOPK = 8

def setup_inputs(seed: int = 0) -> dict:
    key = jax.random.key(seed)
    gate_logits = jax.random.normal(key, (32768, 64), dtype=jnp.float32).astype(jnp.bfloat16)
    return {"gate_logits": gate_logits}

def reference(gate_logits):
    probs = jax.nn.softmax(gate_logits.astype(jnp.float32), axis=-1)
    topk_vals, topk_ids = jax.lax.top_k(probs, TOPK)
    return (topk_ids, topk_vals.astype(gate_logits.dtype))

if __name__ == "__main__":
    import jax
    _d = setup_inputs()
    print(jax.jit(kernel)(*tuple(_d.values())))

</pallas_src>

<mosaic_0001>
#map = affine_map<(d0, d1) -> (0, 0)>
module attributes {stable_mosaic.version = 14 : i64} {
  func.func @_sc_body(%arg0: i32, %arg1: i32, %arg2: memref<64x8192xf32, #tpu.memory_space<hbm>>, %arg3: memref<8x8192xi32, #tpu.memory_space<hbm>>, %arg4: memref<8x8192xf32, #tpu.memory_space<hbm>>, %arg5: memref<64x256xf32, #tpu.memory_space<vmem>>, %arg6: memref<8x256xi32, #tpu.memory_space<vmem>>, %arg7: memref<8x256xf32, #tpu.memory_space<vmem>>) attributes {dimension_semantics = [#tpu.dimension_semantics<core_parallel>, #tpu.dimension_semantics<subcore_parallel>], iteration_bounds = array<i64: 2, 16>, scalar_prefetch = 0 : i64, scratch_operands = 3 : i64, tpu.core_type = #tpu.core_type<sc_vector_subcore>, window_params = [{transform_indices = #map}, {transform_indices = #map}, {transform_indices = #map}]} {
    %mul3A = arith.constant 2 : i32
    %mul3A_0 = arith.muli %arg1, %mul3A : i32
    %add3A = arith.addi %mul3A_0, %arg0 : i32
    %mul3A_1 = arith.constant 256 : i32
    %mul3A_2 = arith.muli %add3A, %mul3A_1 : i32
    "tpu.region"() ({
      %run_scoped3A = tpu.sem_alloc : memref<!tpu.dma_semaphore, #tpu.memory_space<semaphore_mem>>
      %dma_start3A = arith.constant 0 : i32
      %dma_start3A_8 = tpu.memref_slice %arg2[%dma_start3A, %mul3A_2] : memref<64x8192xf32, #tpu.memory_space<hbm>> -> memref<64x256xf32, #tpu.memory_space<hbm>>
      %dma_start3A_9 = arith.constant 0 : i32
      %dma_start3A_10 = tpu.memref_slice %arg2[%dma_start3A_9, %mul3A_2] : memref<64x8192xf32, #tpu.memory_space<hbm>> -> memref<64x256xf32, #tpu.memory_space<hbm>>
      tpu.enqueue_dma source(%dma_start3A_10 : memref<64x256xf32, #tpu.memory_space<hbm>>) target(%arg5 : memref<64x256xf32, #tpu.memory_space<vmem>>) target_semaphore(%run_scoped3A : memref<!tpu.dma_semaphore, #tpu.memory_space<semaphore_mem>>)
      %dma_wait3A = arith.constant 0 : i32
      %dma_wait3A_11 = tpu.memref_slice %arg2[%dma_wait3A, %mul3A_2] : memref<64x8192xf32, #tpu.memory_space<hbm>> -> memref<64x256xf32, #tpu.memory_space<hbm>>
      %dma_wait3A_12 = arith.constant 0 : i32
      %dma_wait3A_13 = tpu.memref_slice %arg2[%dma_wait3A_12, %mul3A_2] : memref<64x8192xf32, #tpu.memory_space<hbm>> -> memref<64x256xf32, #tpu.memory_space<hbm>>
      tpu.wait_dma2 semaphore(%run_scoped3A : memref<!tpu.dma_semaphore, #tpu.memory_space<semaphore_mem>>) src(%dma_wait3A_13 : memref<64x256xf32, #tpu.memory_space<hbm>>) dst(%arg5 : memref<64x256xf32, #tpu.memory_space<vmem>>)
      tpu.yield
    }) : () -> ()
    %scan3A = arith.constant 0 : i32
    %scan3A_3 = arith.constant 0 : i32
    %scan3A_4 = arith.constant 16 : i32
    %scan3A_5 = arith.addi %scan3A_3, %scan3A_4 : i32
    %scan3A_6 = arith.constant 1 : i32
    scf.for %scan3A_8 = %scan3A_3 to %scan3A_5 step %scan3A_6  : i32 {
      %mul3A_9 = arith.constant 16 : i32
      %mul3A_10 = arith.muli %scan3A_8, %mul3A_9 : i32
      %broadcast_in_dim3A = arith.constant 0 : i32
      %broadcast_in_dim3A_11 = vector.broadcast %broadcast_in_dim3A : i32 to vector<16xi32>
      %broadcast_in_dim3A_12 = arith.constant 0 : i32
      %broadcast_in_dim3A_13 = vector.broadcast %broadcast_in_dim3A_12 : i32 to vector<16xi32>
      %broadcast_in_dim3A_14 = arith.constant 0 : i32
      %broadcast_in_dim3A_15 = vector.broadcast %broadcast_in_dim3A_14 : i32 to vector<16xi32>
      %broadcast_in_dim3A_16 = arith.constant 0 : i32
      %broadcast_in_dim3A_17 = vector.broadcast %broadcast_in_dim3A_16 : i32 to vector<16xi32>
      %broadcast_in_dim3A_18 = arith.constant 0 : i32
      %broadcast_in_dim3A_19 = vector.broadcast %broadcast_in_dim3A_18 : i32 to vector<16xi32>
      %broadcast_in_dim3A_20 = arith.constant 0 : i32
      %broadcast_in_dim3A_21 = vector.broadcast %broadcast_in_dim3A_20 : i32 to vector<16xi32>
      %broadcast_in_dim3A_22 = arith.constant 0 : i32
      %broadcast_in_dim3A_23 = vector.broadcast %broadcast_in_dim3A_22 : i32 to vector<16xi32>
      %broadcast_in_dim3A_24 = arith.constant 0 : i32
      %broadcast_in_dim3A_25 = vector.broadcast %broadcast_in_dim3A_24 : i32 to vector<16xi32>
      %get3A = arith.constant 0 : i32
      %get3A_26 = arith.index_cast %get3A : i32 to index
      %get3A_27 = arith.index_cast %mul3A_10 : i32 to index
      %get3A_28 = tpu.vector_load %arg5[%get3A_26, %get3A_27] {strides = array<i32>} : memref<64x256xf32, #tpu.memory_space<vmem>>, vector<1x16xf32>,
      %get3A_29 = vector.shape_cast %get3A_28 : vector<1x16xf32> to vector<16xf32>
      %bitcast_convert_type3A = tpu.bitcast %get3A_29 : vector<16xf32> -> vector<16xi32>
      %ge3A = arith.constant -2147483648 : i32
      %ge3A_30 = vector.broadcast %ge3A : i32 to vector<16xi32>
      %ge3A_31 = arith.cmpi uge, %bitcast_convert_type3A, %ge3A_30 : vector<16xi32>
      %xor3A = arith.constant -65536 : i32
      %xor3A_32 = vector.broadcast %xor3A : i32 to vector<16xi32>
      %xor3A_33 = arith.xori %bitcast_convert_type3A, %xor3A_32 : vector<16xi32>
      %or3A = arith.constant -2147483648 : i32
      %or3A_34 = vector.broadcast %or3A : i32 to vector<16xi32>
      %or3A_35 = arith.ori %bitcast_convert_type3A, %or3A_34 : vector<16xi32>
      %select_n3A = arith.select %ge3A_31, %xor3A_33, %or3A_35 : vector<16xi1>, vector<16xi32>
      %add3A_36 = arith.constant 63 : i32
      %add3A_37 = vector.broadcast %add3A_36 : i32 to vector<16xi32>
      %add3A_38 = arith.addi %select_n3A, %add3A_37 : vector<16xi32>
      %max3A = arith.maxui %broadcast_in_dim3A_11, %add3A_38 : vector<16xi32>
      %min3A = arith.minui %broadcast_in_dim3A_11, %add3A_38 : vector<16xi32>
      %max3A_39 = arith.maxui %broadcast_in_dim3A_13, %min3A : vector<16xi32>
      %min3A_40 = arith.minui %broadcast_in_dim3A_13, %min3A : vector<16xi32>
      %max3A_41 = arith.maxui %broadcast_in_dim3A_15, %min3A_40 : vector<16xi32>
      %min3A_42 = arith.minui %broadcast_in_dim3A_15, %min3A_40 : vector<16xi32>
      %max3A_43 = arith.maxui %broadcast_in_dim3A_17, %min3A_42 : vector<16xi32>
      %min3A_44 = arith.minui %broadcast_in_dim3A_17, %min3A_42 : vector<16xi32>
      %max3A_45 = arith.maxui %broadcast_in_dim3A_19, %min3A_44 : vector<16xi32>
      %min3A_46 = arith.minui %broadcast_in_dim3A_19, %min3A_44 : vector<16xi32>
      %max3A_47 = arith.maxui %broadcast_in_dim3A_21, %min3A_46 : vector<16xi32>
      %min3A_48 = arith.minui %broadcast_in_dim3A_21, %min3A_46 : vector<16xi32>
      %max3A_49 = arith.maxui %broadcast_in_dim3A_23, %min3A_48 : vector<16xi32>
      %min3A_50 = arith.minui %broadcast_in_dim3A_23, %min3A_48 : vector<16xi32>
      %max3A_51 = arith.maxui %broadcast_in_dim3A_25, %min3A_50 : vector<16xi32>
      %min3A_52 = arith.minui %broadcast_in_dim3A_25, %min3A_50 : vector<16xi32>
      %get3A_53 = arith.constant 1 : i32
      %get3A_54 = arith.index_cast %get3A_53 : i32 to index
      %get3A_55 = arith.index_cast %mul3A_10 : i32 to index
      %get3A_56 = tpu.vector_load %arg5[%get3A_54, %get3A_55] {strides = array<i32>} : memref<64x256xf32, #tpu.memory_space<vmem>>, vector<1x16xf32>,
      %get3A_57 = vector.shape_cast %get3A_56 : vector<1x16xf32> to vector<16xf32>
      %bitcast_convert_type3A_58 = tpu.bitcast %get3A_57 : vector<16xf32> -> vector<16xi32>
      %ge3A_59 = arith.constant -2147483648 : i32
      %ge3A_60 = vector.broadcast %ge3A_59 : i32 to vector<16xi32>
      %ge3A_61 = arith.cmpi uge, %bitcast_convert_type3A_58, %ge3A_60 : vector<16xi32>
      %xor3A_62 = arith.constant -65536 : i32
      %xor3A_63 = vector.broadcast %xor3A_62 : i32 to vector<16xi32>
      %xor3A_64 = arith.xori %bitcast_convert_type3A_58, %xor3A_63 : vector<16xi32>
      %or3A_65 = arith.constant -2147483648 : i32
      %or3A_66 = vector.broadcast %or3A_65 : i32 to vector<16xi32>
      %or3A_67 = arith.ori %bitcast_convert_type3A_58, %or3A_66 : vector<16xi32>
      %select_n3A_68 = arith.select %ge3A_61, %xor3A_64, %or3A_67 : vector<16xi1>, vector<16xi32>
      %add3A_69 = arith.constant 62 : i32
      %add3A_70 = vector.broadcast %add3A_69 : i32 to vector<16xi32>
      %add3A_71 = arith.addi %select_n3A_68, %add3A_70 : vector<16xi32>
      %max3A_72 = arith.maxui %max3A, %add3A_71 : vector<16xi32>
      %min3A_73 = arith.minui %max3A, %add3A_71 : vector<16xi32>
      %max3A_74 = arith.maxui %max3A_39, %min3A_73 : vector<16xi32>
      %min3A_75 = arith.minui %max3A_39, %min3A_73 : vector<16xi32>
      %max3A_76 = arith.maxui %max3A_41, %min3A_75 : vector<16xi32>
      %min3A_77 = arith.minui %max3A_41, %min3A_75 : vector<16xi32>
      %max3A_78 = arith.maxui %max3A_43, %min3A_77 : vector<16xi32>
      %min3A_79 = arith.minui %max3A_43, %min3A_77 : vector<16xi32>
      %max3A_80 = arith.maxui %max3A_45, %min3A_79 : vector<16xi32>
      %min3A_81 = arith.minui %max3A_45, %min3A_79 : vector<16xi32>
      %max3A_82 = arith.maxui %max3A_47, %min3A_81 : vector<16xi32>
      %min3A_83 = arith.minui %max3A_47, %min3A_81 : vector<16xi32>
      %max3A_84 = arith.maxui %max3A_49, %min3A_83 : vector<16xi32>
      %min3A_85 = arith.minui %max3A_49, %min3A_83 : vector<16xi32>
      %max3A_86 = arith.maxui %max3A_51, %min3A_85 : vector<16xi32>
      %min3A_87 = arith.minui %max3A_51, %min3A_85 : vector<16xi32>
      %get3A_88 = arith.constant 2 : i32
      %get3A_89 = arith.index_cast %get3A_88 : i32 to index
      %get3A_90 = arith.index_cast %mul3A_10 : i32 to index
      %get3A_91 = tpu.vector_load %arg5[%get3A_89, %get3A_90] {strides = array<i32>} : memref<64x256xf32, #tpu.memory_space<vmem>>, vector<1x16xf32>,
      %get3A_92 = vector.shape_cast %get3A_91 : vector<1x16xf32> to vector<16xf32>
      %bitcast_convert_type3A_93 = tpu.bitcast %get3A_92 : vector<16xf32> -> vector<16xi32>
      %ge3A_94 = arith.constant -2147483648 : i32
      %ge3A_95 = vector.broadcast %ge3A_94 : i32 to vector<16xi32>
      %ge3A_96 = arith.cmpi uge, %bitcast_convert_type3A_93, %ge3A_95 : vector<16xi32>
      %xor3A_97 = arith.constant -65536 : i32
      %xor3A_98 = vector.broadcast %xor3A_97 : i32 to vector<16xi32>
      %xor3A_99 = arith.xori %bitcast_convert_type3A_93, %xor3A_98 : vector<16xi32>
      %or3A_100 = arith.constant -2147483648 : i32
      %or3A_101 = vector.broadcast %or3A_100 : i32 to vector<16xi32>
      %or3A_102 = arith.ori %bitcast_convert_type3A_93, %or3A_101 : vector<16xi32>
      %select_n3A_103 = arith.select %ge3A_96, %xor3A_99, %or3A_102 : vector<16xi1>, vector<16xi32>
      %add3A_104 = arith.constant 61 : i32
      %add3A_105 = vector.broadcast %add3A_104 : i32 to vector<16xi32>
      %add3A_106 = arith.addi %select_n3A_103, %add3A_105 : vector<16xi32>
      %max3A_107 = arith.maxui %max3A_72, %add3A_106 : vector<16xi32>
      %min3A_108 = arith.minui %max3A_72, %add3A_106 : vector<16xi32>
      %max3A_109 = arith.maxui %max3A_74, %min3A_108 : vector<16xi32>
      %min3A_110 = arith.minui %max3A_74, %min3A_108 : vector<16xi32>
      %max3A_111 = arith.maxui %max3A_76, %min3A_110 : vector<16xi32>
      %min3A_112 = arith.minui %max3A_76, %min3A_110 : vector<16xi32>
      %max3A_113 = arith.maxui %max3A_78, %min3A_112 : vector<16xi32>
      %min3A_114 = arith.minui %max3A_78, %min3A_112 : vector<16xi32>
      %max3A_115 = arith.maxui %max3A_80, %min3A_114 : vector<16xi32>
      %min3A_116 = arith.minui %max3A_80, %min3A_114 : vector<16xi32>
      %max3A_117 = arith.maxui %max3A_82, %min3A_116 : vector<16xi32>
      %min3A_118 = arith.minui %max3A_82, %min3A_116 : vector<16xi32>
      %max3A_119 = arith.maxui %max3A_84, %min3A_118 : vector<16xi32>
      %min3A_120 = arith.minui %max3A_84, %min3A_118 : vector<16xi32>
      %max3A_121 = arith.maxui %max3A_86, %min3A_120 : vector<16xi32>
      %min3A_122 = arith.minui %max3A_86, %min3A_120 : vector<16xi32>
      %get3A_123 = arith.constant 3 : i32
      %get3A_124 = arith.index_cast %get3A_123 : i32 to index
      %get3A_125 = arith.index_cast %mul3A_10 : i32 to index
      %get3A_126 = tpu.vector_load %arg5[%get3A_124, %get3A_125] {strides = array<i32>} : memref<64x256xf32, #tpu.memory_space<vmem>>, vector<1x16xf32>,
      %get3A_127 = vector.shape_cast %get3A_126 : vector<1x16xf32> to vector<16xf32>
      %bitcast_convert_type3A_128 = tpu.bitcast %get3A_127 : vector<16xf32> -> vector<16xi32>
      %ge3A_129 = arith.constant -2147483648 : i32
      %ge3A_130 = vector.broadcast %ge3A_129 : i32 to vector<16xi32>
      %ge3A_131 = arith.cmpi uge, %bitcast_convert_type3A_128, %ge3A_130 : vector<16xi32>
      %xor3A_132 = arith.constant -65536 : i32
      %xor3A_133 = vector.broadcast %xor3A_132 : i32 to vector<16xi32>
      %xor3A_134 = arith.xori %bitcast_convert_type3A_128, %xor3A_133 : vector<16xi32>
      %or3A_135 = arith.constant -2147483648 : i32
      %or3A_136 = vector.broadcast %or3A_135 : i32 to vector<16xi32>
      %or3A_137 = arith.ori %bitcast_convert_type3A_128, %or3A_136 : vector<16xi32>
      %select_n3A_138 = arith.select %ge3A_131, %xor3A_134, %or3A_137 : vector<16xi1>, vector<16xi32>
      %add3A_139 = arith.constant 60 : i32
      %add3A_140 = vector.broadcast %add3A_139 : i32 to vector<16xi32>
      %add3A_141 = arith.addi %select_n3A_138, %add3A_140 : vector<16xi32>
      %max3A_142 = arith.maxui %max3A_107, %add3A_141 : vector<16xi32>
      %min3A_143 = arith.minui %max3A_107, %add3A_141 : vector<16xi32>
      %max3A_144 = arith.maxui %max3A_109, %min3A_143 : vector<16xi32>
      %min3A_145 = arith.minui %max3A_109, %min3A_143 : vector<16xi32>
      %max3A_146 = arith.maxui %max3A_111, %min3A_145 : vector<16xi32>
      %min3A_147 = arith.minui %max3A_111, %min3A_145 : vector<16xi32>
      %max3A_148 = arith.maxui %max3A_113, %min3A_147 : vector<16xi32>
      %min3A_149 = arith.minui %max3A_113, %min3A_147 : vector<16xi32>
      %max3A_150 = arith.maxui %max3A_115, %min3A_149 : vector<16xi32>
      %min3A_151 = arith.minui %max3A_115, %min3A_149 : vector<16xi32>
      %max3A_152 = arith.maxui %max3A_117, %min3A_151 : vector<16xi32>
      %min3A_153 = arith.minui %max3A_117, %min3A_151 : vector<16xi32>
      %max3A_154 = arith.maxui %max3A_119, %min3A_153 : vector<16xi32>
      %min3A_155 = arith.minui %max3A_119, %min3A_153 : vector<16xi32>
      %max3A_156 = arith.maxui %max3A_121, %min3A_155 : vector<16xi32>
      %min3A_157 = arith.minui %max3A_121, %min3A_155 : vector<16xi32>
      %get3A_158 = arith.constant 4 : i32
      %get3A_159 = arith.index_cast %get3A_158 : i32 to index
      %get3A_160 = arith.index_cast %mul3A_10 : i32 to index
      %get3A_161 = tpu.vector_load %arg5[%get3A_159, %get3A_160] {strides = array<i32>} : memref<64x256xf32, #tpu.memory_space<vmem>>, vector<1x16xf32>,
      %get3A_162 = vector.shape_cast %get3A_161 : vector<1x16xf32> to vector<16xf32>
      %bitcast_convert_type3A_163 = tpu.bitcast %get3A_162 : vector<16xf32> -> vector<16xi32>
      %ge3A_164 = arith.constant -2147483648 : i32
      %ge3A_165 = vector.broadcast %ge3A_164 : i32 to vector<16xi32>
      %ge3A_166 = arith.cmpi uge, %bitcast_convert_type3A_163, %ge3A_165 : vector<16xi32>
      %xor3A_167 = arith.constant -65536 : i32
      %xor3A_168 = vector.broadcast %xor3A_167 : i32 to vector<16xi32>
      %xor3A_169 = arith.xori %bitcast_convert_type3A_163, %xor3A_168 : vector<16xi32>
      %or3A_170 = arith.constant -2147483648 : i32
      %or3A_171 = vector.broadcast %or3A_170 : i32 to vector<16xi32>
      %or3A_172 = arith.ori %bitcast_convert_type3A_163, %or3A_171 : vector<16xi32>
      %select_n3A_173 = arith.select %ge3A_166, %xor3A_169, %or3A_172 : vector<16xi1>, vector<16xi32>
      %add3A_174 = arith.constant 59 : i32
      %add3A_175 = vector.broadcast %add3A_174 : i32 to vector<16xi32>
      %add3A_176 = arith.addi %select_n3A_173, %add3A_175 : vector<16xi32>
      %max3A_177 = arith.maxui %max3A_142, %add3A_176 : vector<16xi32>
      %min3A_178 = arith.minui %max3A_142, %add3A_176 : vector<16xi32>
      %max3A_179 = arith.maxui %max3A_144, %min3A_178 : vector<16xi32>
      %min3A_180 = arith.minui %max3A_144, %min3A_178 : vector<16xi32>
      %max3A_181 = arith.maxui %max3A_146, %min3A_180 : vector<16xi32>
      %min3A_182 = arith.minui %max3A_146, %min3A_180 : vector<16xi32>
      %max3A_183 = arith.maxui %max3A_148, %min3A_182 : vector<16xi32>
      %min3A_184 = arith.minui %max3A_148, %min3A_182 : vector<16xi32>
      %max3A_185 = arith.maxui %max3A_150, %min3A_184 : vector<16xi32>
      %min3A_186 = arith.minui %max3A_150, %min3A_184 : vector<16xi32>
      %max3A_187 = arith.maxui %max3A_152, %min3A_186 : vector<16xi32>
      %min3A_188 = arith.minui %max3A_152, %min3A_186 : vector<16xi32>
      %max3A_189 = arith.maxui %max3A_154, %min3A_188 : vector<16xi32>
      %min3A_190 = arith.minui %max3A_154, %min3A_188 : vector<16xi32>
      %max3A_191 = arith.maxui %max3A_156, %min3A_190 : vector<16xi32>
      %min3A_192 = arith.minui %max3A_156, %min3A_190 : vector<16xi32>
      %get3A_193 = arith.constant 5 : i32
      %get3A_194 = arith.index_cast %get3A_193 : i32 to index
      %get3A_195 = arith.index_cast %mul3A_10 : i32 to index
      %get3A_196 = tpu.vector_load %arg5[%get3A_194, %get3A_195] {strides = array<i32>} : memref<64x256xf32, #tpu.memory_space<vmem>>, vector<1x16xf32>,
      %get3A_197 = vector.shape_cast %get3A_196 : vector<1x16xf32> to vector<16xf32>
      %bitcast_convert_type3A_198 = tpu.bitcast %get3A_197 : vector<16xf32> -> vector<16xi32>
      %ge3A_199 = arith.constant -2147483648 : i32
      %ge3A_200 = vector.broadcast %ge3A_199 : i32 to vector<16xi32>
      %ge3A_201 = arith.cmpi uge, %bitcast_convert_type3A_198, %ge3A_200 : vector<16xi32>
      %xor3A_202 = arith.constant -65536 : i32
      %xor3A_203 = vector.broadcast %xor3A_202 : i32 to vector<16xi32>
      %xor3A_204 = arith.xori %bitcast_convert_type3A_198, %xor3A_203 : vector<16xi32>
      %or3A_205 = arith.constant -2147483648 : i32
      %or3A_206 = vector.broadcast %or3A_205 : i32 to vector<16xi32>
      %or3A_207 = arith.ori %bitcast_convert_type3A_198, %or3A_206 : vector<16xi32>
      %select_n3A_208 = arith.select %ge3A_201, %xor3A_204, %or3A_207 : vector<16xi1>, vector<16xi32>
      %add3A_209 = arith.constant 58 : i32
      %add3A_210 = vector.broadcast %add3A_209 : i32 to vector<16xi32>
      %add3A_211 = arith.addi %select_n3A_208, %add3A_210 : vector<16xi32>
      %max3A_212 = arith.maxui %max3A_177, %add3A_211 : vector<16xi32>
      %min3A_213 = arith.minui %max3A_177, %add3A_211 : vector<16xi32>
      %max3A_214 = arith.maxui %max3A_179, %min3A_213 : vector<16xi32>
      %min3A_215 = arith.minui %max3A_179, %min3A_213 : vector<16xi32>
      %max3A_216 = arith.maxui %max3A_181, %min3A_215 : vector<16xi32>
      %min3A_217 = arith.minui %max3A_181, %min3A_215 : vector<16xi32>
      %max3A_218 = arith.maxui %max3A_183, %min3A_217 : vector<16xi32>
      %min3A_219 = arith.minui %max3A_183, %min3A_217 : vector<16xi32>
      %max3A_220 = arith.maxui %max3A_185, %min3A_219 : vector<16xi32>
      %min3A_221 = arith.minui %max3A_185, %min3A_219 : vector<16xi32>
      %max3A_222 = arith.maxui %max3A_187, %min3A_221 : vector<16xi32>
      %min3A_223 = arith.minui %max3A_187, %min3A_221 : vector<16xi32>
      %max3A_224 = arith.maxui %max3A_189, %min3A_223 : vector<16xi32>
      %min3A_225 = arith.minui %max3A_189, %min3A_223 : vector<16xi32>
      %max3A_226 = arith.maxui %max3A_191, %min3A_225 : vector<16xi32>
      %min3A_227 = arith.minui %max3A_191, %min3A_225 : vector<16xi32>
      %get3A_228 = arith.constant 6 : i32
      %get3A_229 = arith.index_cast %get3A_228 : i32 to index
      %get3A_230 = arith.index_cast %mul3A_10 : i32 to index
      %get3A_231 = tpu.vector_load %arg5[%get3A_229, %get3A_230] {strides = array<i32>} : memref<64x256xf32, #tpu.memory_space<vmem>>, vector<1x16xf32>,
      %get3A_232 = vector.shape_cast %get3A_231 : vector<1x16xf32> to vector<16xf32>
      %bitcast_convert_type3A_233 = tpu.bitcast %get3A_232 : vector<16xf32> -> vector<16xi32>
      %ge3A_234 = arith.constant -2147483648 : i32
      %ge3A_235 = vector.broadcast %ge3A_234 : i32 to vector<16xi32>
      %ge3A_236 = arith.cmpi uge, %bitcast_convert_type3A_233, %ge3A_235 : vector<16xi32>
      %xor3A_237 = arith.constant -65536 : i32
      %xor3A_238 = vector.broadcast %xor3A_237 : i32 to vector<16xi32>
      %xor3A_239 = arith.xori %bitcast_convert_type3A_233, %xor3A_238 : vector<16xi32>
      %or3A_240 = arith.constant -2147483648 : i32
      %or3A_241 = vector.broadcast %or3A_240 : i32 to vector<16xi32>
      %or3A_242 = arith.ori %bitcast_convert_type3A_233, %or3A_241 : vector<16xi32>
      %select_n3A_243 = arith.select %ge3A_236, %xor3A_239, %or3A_242 : vector<16xi1>, vector<16xi32>
      %add3A_244 = arith.constant 57 : i32
      %add3A_245 = vector.broadcast %add3A_244 : i32 to vector<16xi32>
      %add3A_246 = arith.addi %select_n3A_243, %add3A_245 : vector<16xi32>
      %max3A_247 = arith.maxui %max3A_212, %add3A_246 : vector<16xi32>
      %min3A_248 = arith.minui %max3A_212, %add3A_246 : vector<16xi32>
      %max3A_249 = arith.maxui %max3A_214, %min3A_248 : vector<16xi32>
      %min3A_250 = arith.minui %max3A_214, %min3A_248 : vector<16xi32>
      %max3A_251 = arith.maxui %max3A_216, %min3A_250 : vector<16xi32>
      %min3A_252 = arith.minui %max3A_216, %min3A_250 : vector<16xi32>
      %max3A_253 = arith.maxui %max3A_218, %min3A_252 : vector<16xi32>
      %min3A_254 = arith.minui %max3A_218, %min3A_252 : vector<16xi32>
      %max3A_255 = arith.maxui %max3A_220, %min3A_254 : vector<16xi32>
      %min3A_256 = arith.minui %max3A_220, %min3A_254 : vector<16xi32>
      %max3A_257 = arith.maxui %max3A_222, %min3A_256 : vector<16xi32>
      %min3A_258 = arith.minui %max3A_222, %min3A_256 : vector<16xi32>
      %max3A_259 = arith.maxui %max3A_224, %min3A_258 : vector<16xi32>
      %min3A_260 = arith.minui %max3A_224, %min3A_258 : vector<16xi32>
      %max3A_261 = arith.maxui %max3A_226, %min3A_260 : vector<16xi32>
      %min3A_262 = arith.minui %max3A_226, %min3A_260 : vector<16xi32>
      %get3A_263 = arith.constant 7 : i32
      %get3A_264 = arith.index_cast %get3A_263 : i32 to index
      %get3A_265 = arith.index_cast %mul3A_10 : i32 to index
      %get3A_266 = tpu.vector_load %arg5[%get3A_264, %get3A_265] {strides = array<i32>} : memref<64x256xf32, #tpu.memory_space<vmem>>, vector<1x16xf32>,
      %get3A_267 = vector.shape_cast %get3A_266 : vector<1x16xf32> to vector<16xf32>
      %bitcast_convert_type3A_268 = tpu.bitcast %get3A_267 : vector<16xf32> -> vector<16xi32>
      %ge3A_269 = arith.constant -2147483648 : i32
      %ge3A_270 = vector.broadcast %ge3A_269 : i32 to vector<16xi32>
      %ge3A_271 = arith.cmpi uge, %bitcast_convert_type3A_268, %ge3A_270 : vector<16xi32>
      %xor3A_272 = arith.constant -65536 : i32
      %xor3A_273 = vector.broadcast %xor3A_272 : i32 to vector<16xi32>
      %xor3A_274 = arith.xori %bitcast_convert_type3A_268, %xor3A_273 : vector<16xi32>
      %or3A_275 = arith.constant -2147483648 : i32
      %or3A_276 = vector.broadcast %or3A_275 : i32 to vector<16xi32>
      %or3A_277 = arith.ori %bitcast_convert_type3A_268, %or3A_276 : vector<16xi32>
      %select_n3A_278 = arith.select %ge3A_271, %xor3A_274, %or3A_277 : vector<16xi1>, vector<16xi32>
      %add3A_279 = arith.constant 56 : i32
      %add3A_280 = vector.broadcast %add3A_279 : i32 to vector<16xi32>
      %add3A_281 = arith.addi %select_n3A_278, %add3A_280 : vector<16xi32>
      %max3A_282 = arith.maxui %max3A_247, %add3A_281 : vector<16xi32>
      %min3A_283 = arith.minui %max3A_247, %add3A_281 : vector<16xi32>
      %max3A_284 = arith.maxui %max3A_249, %min3A_283 : vector<16xi32>
      %min3A_285 = arith.minui %max3A_249, %min3A_283 : vector<16xi32>
      %max3A_286 = arith.maxui %max3A_251, %min3A_285 : vector<16xi32>
      %min3A_287 = arith.minui %max3A_251, %min3A_285 : vector<16xi32>
      %max3A_288 = arith.maxui %max3A_253, %min3A_287 : vector<16xi32>
      %min3A_289 = arith.minui %max3A_253, %min3A_287 : vector<16xi32>
      %max3A_290 = arith.maxui %max3A_255, %min3A_289 : vector<16xi32>
      %min3A_291 = arith.minui %max3A_255, %min3A_289 : vector<16xi32>
      %max3A_292 = arith.maxui %max3A_257, %min3A_291 : vector<16xi32>
      %min3A_293 = arith.minui %max3A_257, %min3A_291 : vector<16xi32>
      %max3A_294 = arith.maxui %max3A_259, %min3A_293 : vector<16xi32>
      %min3A_295 = arith.minui %max3A_259, %min3A_293 : vector<16xi32>
      %max3A_296 = arith.maxui %max3A_261, %min3A_295 : vector<16xi32>
      %min3A_297 = arith.minui %max3A_261, %min3A_295 : vector<16xi32>
      %get3A_298 = arith.constant 8 : i32
      %get3A_299 = arith.index_cast %get3A_298 : i32 to index
      %get3A_300 = arith.index_cast %mul3A_10 : i32 to index
      %get3A_301 = tpu.vector_load %arg5[%get3A_299, %get3A_300] {strides = array<i32>} : memref<64x256xf32, #tpu.memory_space<vmem>>, vector<1x16xf32>,
      %get3A_302 = vector.shape_cast %get3A_301 : vector<1x16xf32> to vector<16xf32>
      %bitcast_convert_type3A_303 = tpu.bitcast %get3A_302 : vector<16xf32> -> vector<16xi32>
      %ge3A_304 = arith.constant -2147483648 : i32
      %ge3A_305 = vector.broadcast %ge3A_304 : i32 to vector<16xi32>
      %ge3A_306 = arith.cmpi uge, %bitcast_convert_type3A_303, %ge3A_305 : vector<16xi32>
      %xor3A_307 = arith.constant -65536 : i32
      %xor3A_308 = vector.broadcast %xor3A_307 : i32 to vector<16xi32>
      %xor3A_309 = arith.xori %bitcast_convert_type3A_303, %xor3A_308 : vector<16xi32>
      %or3A_310 = arith.constant -2147483648 : i32
      %or3A_311 = vector.broadcast %or3A_310 : i32 to vector<16xi32>
      %or3A_312 = arith.ori %bitcast_convert_type3A_303, %or3A_311 : vector<16xi32>
      %select_n3A_313 = arith.select %ge3A_306, %xor3A_309, %or3A_312 : vector<16xi1>, vector<16xi32>
      %add3A_314 = arith.constant 55 : i32
      %add3A_315 = vector.broadcast %add3A_314 : i32 to vector<16xi32>
      %add3A_316 = arith.addi %select_n3A_313, %add3A_315 : vector<16xi32>
      %max3A_317 = arith.maxui %max3A_282, %add3A_316 : vector<16xi32>
      %min3A_318 = arith.minui %max3A_282, %add3A_316 : vector<16xi32>
      %max3A_319 = arith.maxui %max3A_284, %min3A_318 : vector<16xi32>
      %min3A_320 = arith.minui %max3A_284, %min3A_318 : vector<16xi32>
      %max3A_321 = arith.maxui %max3A_286, %min3A_320 : vector<16xi32>
      %min3A_322 = arith.minui %max3A_286, %min3A_320 : vector<16xi32>
      %max3A_323 = arith.maxui %max3A_288, %min3A_322 : vector<16xi32>
      %min3A_324 = arith.minui %max3A_288, %min3A_322 : vector<16xi32>
      %max3A_325 = arith.maxui %max3A_290, %min3A_324 : vector<16xi32>
      %min3A_326 = arith.minui %max3A_290, %min3A_324 : vector<16xi32>
      %max3A_327 = arith.maxui %max3A_292, %min3A_326 : vector<16xi32>
      %min3A_328 = arith.minui %max3A_292, %min3A_326 : vector<16xi32>
      %max3A_329 = arith.maxui %max3A_294, %min3A_328 : vector<16xi32>
      %min3A_330 = arith.minui %max3A_294, %min3A_328 : vector<16xi32>
      %max3A_331 = arith.maxui %max3A_296, %min3A_330 : vector<16xi32>
      %min3A_332 = arith.minui %max3A_296, %min3A_330 : vector<16xi32>
      %get3A_333 = arith.constant 9 : i32
      %get3A_334 = arith.index_cast %get3A_333 : i32 to index
      %get3A_335 = arith.index_cast %mul3A_10 : i32 to index
      %get3A_336 = tpu.vector_load %arg5[%get3A_334, %get3A_335] {strides = array<i32>} : memref<64x256xf32, #tpu.memory_space<vmem>>, vector<1x16xf32>,
      %get3A_337 = vector.shape_cast %get3A_336 : vector<1x16xf32> to vector<16xf32>
      %bitcast_convert_type3A_338 = tpu.bitcast %get3A_337 : vector<16xf32> -> vector<16xi32>
      %ge3A_339 = arith.constant -2147483648 : i32
      %ge3A_340 = vector.broadcast %ge3A_339 : i32 to vector<16xi32>
      %ge3A_341 = arith.cmpi uge, %bitcast_convert_type3A_338, %ge3A_340 : vector<16xi32>
      %xor3A_342 = arith.constant -65536 : i32
      %xor3A_343 = vector.broadcast %xor3A_342 : i32 to vector<16xi32>
      %xor3A_344 = arith.xori %bitcast_convert_type3A_338, %xor3A_343 : vector<16xi32>
      %or3A_345 = arith.constant -2147483648 : i32
      %or3A_346 = vector.broadcast %or3A_345 : i32 to vector<16xi32>
      %or3A_347 = arith.ori %bitcast_convert_type3A_338, %or3A_346 : vector<16xi32>
      %select_n3A_348 = arith.select %ge3A_341, %xor3A_344, %or3A_347 : vector<16xi1>, vector<16xi32>
      %add3A_349 = arith.constant 54 : i32
      %add3A_350 = vector.broadcast %add3A_349 : i32 to vector<16xi32>
      %add3A_351 = arith.addi %select_n3A_348, %add3A_350 : vector<16xi32>
      %max3A_352 = arith.maxui %max3A_317, %add3A_351 : vector<16xi32>
      %min3A_353 = arith.minui %max3A_317, %add3A_351 : vector<16xi32>
      %max3A_354 = arith.maxui %max3A_319, %min3A_353 : vector<16xi32>
      %min3A_355 = arith.minui %max3A_319, %min3A_353 : vector<16xi32>
      %max3A_356 = arith.maxui %max3A_321, %min3A_355 : vector<16xi32>
      %min3A_357 = arith.minui %max3A_321, %min3A_355 : vector<16xi32>
      %max3A_358 = arith.maxui %max3A_323, %min3A_357 : vector<16xi32>
      %min3A_359 = arith.minui %max3A_323, %min3A_357 : vector<16xi32>
      %max3A_360 = arith.maxui %max3A_325, %min3A_359 : vector<16xi32>
      %min3A_361 = arith.minui %max3A_325, %min3A_359 : vector<16xi32>
      %max3A_362 = arith.maxui %max3A_327, %min3A_361 : vector<16xi32>
      %min3A_363 = arith.minui %max3A_327, %min3A_361 : vector<16xi32>
      %max3A_364 = arith.maxui %max3A_329, %min3A_363 : vector<16xi32>
      %min3A_365 = arith.minui %max3A_329, %min3A_363 : vector<16xi32>
      %max3A_366 = arith.maxui %max3A_331, %min3A_365 : vector<16xi32>
      %min3A_367 = arith.minui %max3A_331, %min3A_365 : vector<16xi32>
      %get3A_368 = arith.constant 10 : i32
      %get3A_369 = arith.index_cast %get3A_368 : i32 to index
      %get3A_370 = arith.index_cast %mul3A_10 : i32 to index
      %get3A_371 = tpu.vector_load %arg5[%get3A_369, %get3A_370] {strides = array<i32>} : memref<64x256xf32, #tpu.memory_space<vmem>>, vector<1x16xf32>,
      %get3A_372 = vector.shape_cast %get3A_371 : vector<1x16xf32> to vector<16xf32>
      %bitcast_convert_type3A_373 = tpu.bitcast %get3A_372 : vector<16xf32> -> vector<16xi32>
      %ge3A_374 = arith.constant -2147483648 : i32
      %ge3A_375 = vector.broadcast %ge3A_374 : i32 to vector<16xi32>
      %ge3A_376 = arith.cmpi uge, %bitcast_convert_type3A_373, %ge3A_375 : vector<16xi32>
      %xor3A_377 = arith.constant -65536 : i32
      %xor3A_378 = vector.broadcast %xor3A_377 : i32 to vector<16xi32>
      %xor3A_379 = arith.xori %bitcast_convert_type3A_373, %xor3A_378 : vector<16xi32>
      %or3A_380 = arith.constant -2147483648 : i32
      %or3A_381 = vector.broadcast %or3A_380 : i32 to vector<16xi32>
      %or3A_382 = arith.ori %bitcast_convert_type3A_373, %or3A_381 : vector<16xi32>
      %select_n3A_383 = arith.select %ge3A_376, %xor3A_379, %or3A_382 : vector<16xi1>, vector<16xi32>
      %add3A_384 = arith.constant 53 : i32
      %add3A_385 = vector.broadcast %add3A_384 : i32 to vector<16xi32>
      %add3A_386 = arith.addi %select_n3A_383, %add3A_385 : vector<16xi32>
      %max3A_387 = arith.maxui %max3A_352, %add3A_386 : vector<16xi32>
      %min3A_388 = arith.minui %max3A_352, %add3A_386 : vector<16xi32>
      %max3A_389 = arith.maxui %max3A_354, %min3A_388 : vector<16xi32>
      %min3A_390 = arith.minui %max3A_354, %min3A_388 : vector<16xi32>
      %max3A_391 = arith.maxui %max3A_356, %min3A_390 : vector<16xi32>
      %min3A_392 = arith.minui %max3A_356, %min3A_390 : vector<16xi32>
      %max3A_393 = arith.maxui %max3A_358, %min3A_392 : vector<16xi32>
      %min3A_394 = arith.minui %max3A_358, %min3A_392 : vector<16xi32>
      %max3A_395 = arith.maxui %max3A_360, %min3A_394 : vector<16xi32>
      %min3A_396 = arith.minui %max3A_360, %min3A_394 : vector<16xi32>
      %max3A_397 = arith.maxui %max3A_362, %min3A_396 : vector<16xi32>
      %min3A_398 = arith.minui %max3A_362, %min3A_396 : vector<16xi32>
      %max3A_399 = arith.maxui %max3A_364, %min3A_398 : vector<16xi32>
      %min3A_400 = arith.minui %max3A_364, %min3A_398 : vector<16xi32>
      %max3A_401 = arith.maxui %max3A_366, %min3A_400 : vector<16xi32>
      %min3A_402 = arith.minui %max3A_366, %min3A_400 : vector<16xi32>
      %get3A_403 = arith.constant 11 : i32
      %get3A_404 = arith.index_cast %get3A_403 : i32 to index
      %get3A_405 = arith.index_cast %mul3A_10 : i32 to index
      %get3A_406 = tpu.vector_load %arg5[%get3A_404, %get3A_405] {strides = array<i32>} : memref<64x256xf32, #tpu.memory_space<vmem>>, vector<1x16xf32>,
      %get3A_407 = vector.shape_cast %get3A_406 : vector<1x16xf32> to vector<16xf32>
      %bitcast_convert_type3A_408 = tpu.bitcast %get3A_407 : vector<16xf32> -> vector<16xi32>
      %ge3A_409 = arith.constant -2147483648 : i32
      %ge3A_410 = vector.broadcast %ge3A_409 : i32 to vector<16xi32>
      %ge3A_411 = arith.cmpi uge, %bitcast_convert_type3A_408, %ge3A_410 : vector<16xi32>
      %xor3A_412 = arith.constant -65536 : i32
      %xor3A_413 = vector.broadcast %xor3A_412 : i32 to vector<16xi32>
      %xor3A_414 = arith.xori %bitcast_convert_type3A_408, %xor3A_413 : vector<16xi32>
      %or3A_415 = arith.constant -2147483648 : i32
      %or3A_416 = vector.broadcast %or3A_415 : i32 to vector<16xi32>
      %or3A_417 = arith.ori %bitcast_convert_type3A_408, %or3A_416 : vector<16xi32>
      %select_n3A_418 = arith.select %ge3A_411, %xor3A_414, %or3A_417 : vector<16xi1>, vector<16xi32>
      %add3A_419 = arith.constant 52 : i32
      %add3A_420 = vector.broadcast %add3A_419 : i32 to vector<16xi32>
      %add3A_421 = arith.addi %select_n3A_418, %add3A_420 : vector<16xi32>
      %max3A_422 = arith.maxui %max3A_387, %add3A_421 : vector<16xi32>
      %min3A_423 = arith.minui %max3A_387, %add3A_421 : vector<16xi32>
      %max3A_424 = arith.maxui %max3A_389, %min3A_423 : vector<16xi32>
      %min3A_425 = arith.minui %max3A_389, %min3A_423 : vector<16xi32>
      %max3A_426 = arith.maxui %max3A_391, %min3A_425 : vector<16xi32>
      %min3A_427 = arith.minui %max3A_391, %min3A_425 : vector<16xi32>
      %max3A_428 = arith.maxui %max3A_393, %min3A_427 : vector<16xi32>
      %min3A_429 = arith.minui %max3A_393, %min3A_427 : vector<16xi32>
      %max3A_430 = arith.maxui %max3A_395, %min3A_429 : vector<16xi32>
      %min3A_431 = arith.minui %max3A_395, %min3A_429 : vector<16xi32>
      %max3A_432 = arith.maxui %max3A_397, %min3A_431 : vector<16xi32>
      %min3A_433 = arith.minui %max3A_397, %min3A_431 : vector<16xi32>
      %max3A_434 = arith.maxui %max3A_399, %min3A_433 : vector<16xi32>
      %min3A_435 = arith.minui %max3A_399, %min3A_433 : vector<16xi32>
      %max3A_436 = arith.maxui %max3A_401, %min3A_435 : vector<16xi32>
      %min3A_437 = arith.minui %max3A_401, %min3A_435 : vector<16xi32>
      %get3A_438 = arith.constant 12 : i32
      %get3A_439 = arith.index_cast %get3A_438 : i32 to index
      %get3A_440 = arith.index_cast %mul3A_10 : i32 to index
      %get3A_441 = tpu.vector_load %arg5[%get3A_439, %get3A_440] {strides = array<i32>} : memref<64x256xf32, #tpu.memory_space<vmem>>, vector<1x16xf32>,
      %get3A_442 = vector.shape_cast %get3A_441 : vector<1x16xf32> to vector<16xf32>
      %bitcast_convert_type3A_443 = tpu.bitcast %get3A_442 : vector<16xf32> -> vector<16xi32>
      %ge3A_444 = arith.constant -2147483648 : i32
      %ge3A_445 = vector.broadcast %ge3A_444 : i32 to vector<16xi32>
      %ge3A_446 = arith.cmpi uge, %bitcast_convert_type3A_443, %ge3A_445 : vector<16xi32>
      %xor3A_447 = arith.constant -65536 : i32
      %xor3A_448 = vector.broadcast %xor3A_447 : i32 to vector<16xi32>
      %xor3A_449 = arith.xori %bitcast_convert_type3A_443, %xor3A_448 : vector<16xi32>
      %or3A_450 = arith.constant -2147483648 : i32
      %or3A_451 = vector.broadcast %or3A_450 : i32 to vector<16xi32>
      %or3A_452 = arith.ori %bitcast_convert_type3A_443, %or3A_451 : vector<16xi32>
      %select_n3A_453 = arith.select %ge3A_446, %xor3A_449, %or3A_452 : vector<16xi1>, vector<16xi32>
      %add3A_454 = arith.constant 51 : i32
      %add3A_455 = vector.broadcast %add3A_454 : i32 to vector<16xi32>
      %add3A_456 = arith.addi %select_n3A_453, %add3A_455 : vector<16xi32>
      %max3A_457 = arith.maxui %max3A_422, %add3A_456 : vector<16xi32>
      %min3A_458 = arith.minui %max3A_422, %add3A_456 : vector<16xi32>
      %max3A_459 = arith.maxui %max3A_424, %min3A_458 : vector<16xi32>
      %min3A_460 = arith.minui %max3A_424, %min3A_458 : vector<16xi32>
      %max3A_461 = arith.maxui %max3A_426, %min3A_460 : vector<16xi32>
      %min3A_462 = arith.minui %max3A_426, %min3A_460 : vector<16xi32>
      %max3A_463 = arith.maxui %max3A_428, %min3A_462 : vector<16xi32>
      %min3A_464 = arith.minui %max3A_428, %min3A_462 : vector<16xi32>
      %max3A_465 = arith.maxui %max3A_430, %min3A_464 : vector<16xi32>
      %min3A_466 = arith.minui %max3A_430, %min3A_464 : vector<16xi32>
      %max3A_467 = arith.maxui %max3A_432, %min3A_466 : vector<16xi32>
      %min3A_468 = arith.minui %max3A_432, %min3A_466 : vector<16xi32>
      %max3A_469 = arith.maxui %max3A_434, %min3A_468 : vector<16xi32>
      %min3A_470 = arith.minui %max3A_434, %min3A_468 : vector<16xi32>
      %max3A_471 = arith.maxui %max3A_436, %min3A_470 : vector<16xi32>
      %min3A_472 = arith.minui %max3A_436, %min3A_470 : vector<16xi32>
      %get3A_473 = arith.constant 13 : i32
      %get3A_474 = arith.index_cast %get3A_473 : i32 to index
      %get3A_475 = arith.index_cast %mul3A_10 : i32 to index
      %get3A_476 = tpu.vector_load %arg5[%get3A_474, %get3A_475] {strides = array<i32>} : memref<64x256xf32, #tpu.memory_space<vmem>>, vector<1x16xf32>,
      %get3A_477 = vector.shape_cast %get3A_476 : vector<1x16xf32> to vector<16xf32>
      %bitcast_convert_type3A_478 = tpu.bitcast %get3A_477 : vector<16xf32> -> vector<16xi32>
      %ge3A_479 = arith.constant -2147483648 : i32
      %ge3A_480 = vector.broadcast %ge3A_479 : i32 to vector<16xi32>
      %ge3A_481 = arith.cmpi uge, %bitcast_convert_type3A_478, %ge3A_480 : vector<16xi32>
      %xor3A_482 = arith.constant -65536 : i32
      %xor3A_483 = vector.broadcast %xor3A_482 : i32 to vector<16xi32>
      %xor3A_484 = arith.xori %bitcast_convert_type3A_478, %xor3A_483 : vector<16xi32>
      %or3A_485 = arith.constant -2147483648 : i32
      %or3A_486 = vector.broadcast %or3A_485 : i32 to vector<16xi32>
      %or3A_487 = arith.ori %bitcast_convert_type3A_478, %or3A_486 : vector<16xi32>
      %select_n3A_488 = arith.select %ge3A_481, %xor3A_484, %or3A_487 : vector<16xi1>, vector<16xi32>
      %add3A_489 = arith.constant 50 : i32
      %add3A_490 = vector.broadcast %add3A_489 : i32 to vector<16xi32>
      %add3A_491 = arith.addi %select_n3A_488, %add3A_490 : vector<16xi32>
      %max3A_492 = arith.maxui %max3A_457, %add3A_491 : vector<16xi32>
      %min3A_493 = arith.minui %max3A_457, %add3A_491 : vector<16xi32>
      %max3A_494 = arith.maxui %max3A_459, %min3A_493 : vector<16xi32>
      %min3A_495 = arith.minui %max3A_459, %min3A_493 : vector<16xi32>
      %max3A_496 = arith.maxui %max3A_461, %min3A_495 : vector<16xi32>
      %min3A_497 = arith.minui %max3A_461, %min3A_495 : vector<16xi32>
      %max3A_498 = arith.maxui %max3A_463, %min3A_497 : vector<16xi32>
      %min3A_499 = arith.minui %max3A_463, %min3A_497 : vector<16xi32>
      %max3A_500 = arith.maxui %max3A_465, %min3A_499 : vector<16xi32>
      %min3A_501 = arith.minui %max3A_465, %min3A_499 : vector<16xi32>
      %max3A_502 = arith.maxui %max3A_467, %min3A_501 : vector<16xi32>
      %min3A_503 = arith.minui %max3A_467, %min3A_501 : vector<16xi32>
      %max3A_504 = arith.maxui %max3A_469, %min3A_503 : vector<16xi32>
      %min3A_505 = arith.minui %max3A_469, %min3A_503 : vector<16xi32>
      %max3A_506 = arith.maxui %max3A_471, %min3A_505 : vector<16xi32>
      %min3A_507 = arith.minui %max3A_471, %min3A_505 : vector<16xi32>
      %get3A_508 = arith.constant 14 : i32
      %get3A_509 = arith.index_cast %get3A_508 : i32 to index
      %get3A_510 = arith.index_cast %mul3A_10 : i32 to index
      %get3A_511 = tpu.vector_load %arg5[%get3A_509, %get3A_510] {strides = array<i32>} : memref<64x256xf32, #tpu.memory_space<vmem>>, vector<1x16xf32>,
      %get3A_512 = vector.shape_cast %get3A_511 : vector<1x16xf32> to vector<16xf32>
      %bitcast_convert_type3A_513 = tpu.bitcast %get3A_512 : vector<16xf32> -> vector<16xi32>
      %ge3A_514 = arith.constant -2147483648 : i32
      %ge3A_515 = vector.broadcast %ge3A_514 : i32 to vector<16xi32>
      %ge3A_516 = arith.cmpi uge, %bitcast_convert_type3A_513, %ge3A_515 : vector<16xi32>
      %xor3A_517 = arith.constant -65536 : i32
      %xor3A_518 = vector.broadcast %xor3A_517 : i32 to vector<16xi32>
      %xor3A_519 = arith.xori %bitcast_convert_type3A_513, %xor3A_518 : vector<16xi32>
      %or3A_520 = arith.constant -2147483648 : i32
      %or3A_521 = vector.broadcast %or3A_520 : i32 to vector<16xi32>
      %or3A_522 = arith.ori %bitcast_convert_type3A_513, %or3A_521 : vector<16xi32>
      %select_n3A_523 = arith.select %ge3A_516, %xor3A_519, %or3A_522 : vector<16xi1>, vector<16xi32>
      %add3A_524 = arith.constant 49 : i32
      %add3A_525 = vector.broadcast %add3A_524 : i32 to vector<16xi32>
      %add3A_526 = arith.addi %select_n3A_523, %add3A_525 : vector<16xi32>
      %max3A_527 = arith.maxui %max3A_492, %add3A_526 : vector<16xi32>
      %min3A_528 = arith.minui %max3A_492, %add3A_526 : vector<16xi32>
      %max3A_529 = arith.maxui %max3A_494, %min3A_528 : vector<16xi32>
      %min3A_530 = arith.minui %max3A_494, %min3A_528 : vector<16xi32>
      %max3A_531 = arith.maxui %max3A_496, %min3A_530 : vector<16xi32>
      %min3A_532 = arith.minui %max3A_496, %min3A_530 : vector<16xi32>
      %max3A_533 = arith.maxui %max3A_498, %min3A_532 : vector<16xi32>
      %min3A_534 = arith.minui %max3A_498, %min3A_532 : vector<16xi32>
      %max3A_535 = arith.maxui %max3A_500, %min3A_534 : vector<16xi32>
      %min3A_536 = arith.minui %max3A_500, %min3A_534 : vector<16xi32>
      %max3A_537 = arith.maxui %max3A_502, %min3A_536 : vector<16xi32>
      %min3A_538 = arith.minui %max3A_502, %min3A_536 : vector<16xi32>
      %max3A_539 = arith.maxui %max3A_504, %min3A_538 : vector<16xi32>
      %min3A_540 = arith.minui %max3A_504, %min3A_538 : vector<16xi32>
      %max3A_541 = arith.maxui %max3A_506, %min3A_540 : vector<16xi32>
      %min3A_542 = arith.minui %max3A_506, %min3A_540 : vector<16xi32>
      %get3A_543 = arith.constant 15 : i32
      %get3A_544 = arith.index_cast %get3A_543 : i32 to index
      %get3A_545 = arith.index_cast %mul3A_10 : i32 to index
      %get3A_546 = tpu.vector_load %arg5[%get3A_544, %get3A_545] {strides = array<i32>} : memref<64x256xf32, #tpu.memory_space<vmem>>, vector<1x16xf32>,
      %get3A_547 = vector.shape_cast %get3A_546 : vector<1x16xf32> to vector<16xf32>
      %bitcast_convert_type3A_548 = tpu.bitcast %get3A_547 : vector<16xf32> -> vector<16xi32>
      %ge3A_549 = arith.constant -2147483648 : i32
      %ge3A_550 = vector.broadcast %ge3A_549 : i32 to vector<16xi32>
      %ge3A_551 = arith.cmpi uge, %bitcast_convert_type3A_548, %ge3A_550 : vector<16xi32>
      %xor3A_552 = arith.constant -65536 : i32
      %xor3A_553 = vector.broadcast %xor3A_552 : i32 to vector<16xi32>
      %xor3A_554 = arith.xori %bitcast_convert_type3A_548, %xor3A_553 : vector<16xi32>
      %or3A_555 = arith.constant -2147483648 : i32
      %or3A_556 = vector.broadcast %or3A_555 : i32 to vector<16xi32>
      %or3A_557 = arith.ori %bitcast_convert_type3A_548, %or3A_556 : vector<16xi32>
      %select_n3A_558 = arith.select %ge3A_551, %xor3A_554, %or3A_557 : vector<16xi1>, vector<16xi32>
      %add3A_559 = arith.constant 48 : i32
      %add3A_560 = vector.broadcast %add3A_559 : i32 to vector<16xi32>
      %add3A_561 = arith.addi %select_n3A_558, %add3A_560 : vector<16xi32>
      %max3A_562 = arith.maxui %max3A_527, %add3A_561 : vector<16xi32>
      %min3A_563 = arith.minui %max3A_527, %add3A_561 : vector<16xi32>
      %max3A_564 = arith.maxui %max3A_529, %min3A_563 : vector<16xi32>
      %min3A_565 = arith.minui %max3A_529, %min3A_563 : vector<16xi32>
      %max3A_566 = arith.maxui %max3A_531, %min3A_565 : vector<16xi32>
      %min3A_567 = arith.minui %max3A_531, %min3A_565 : vector<16xi32>
      %max3A_568 = arith.maxui %max3A_533, %min3A_567 : vector<16xi32>
      %min3A_569 = arith.minui %max3A_533, %min3A_567 : vector<16xi32>
      %max3A_570 = arith.maxui %max3A_535, %min3A_569 : vector<16xi32>
      %min3A_571 = arith.minui %max3A_535, %min3A_569 : vector<16xi32>
      %max3A_572 = arith.maxui %max3A_537, %min3A_571 : vector<16xi32>
      %min3A_573 = arith.minui %max3A_537, %min3A_571 : vector<16xi32>
      %max3A_574 = arith.maxui %max3A_539, %min3A_573 : vector<16xi32>
      %min3A_575 = arith.minui %max3A_539, %min3A_573 : vector<16xi32>
      %max3A_576 = arith.maxui %max3A_541, %min3A_575 : vector<16xi32>
      %min3A_577 = arith.minui %max3A_541, %min3A_575 : vector<16xi32>
      %get3A_578 = arith.constant 16 : i32
      %get3A_579 = arith.index_cast %get3A_578 : i32 to index
      %get3A_580 = arith.index_cast %mul3A_10 : i32 to index
      %get3A_581 = tpu.vector_load %arg5[%get3A_579, %get3A_580] {strides = array<i32>} : memref<64x256xf32, #tpu.memory_space<vmem>>, vector<1x16xf32>,
      %get3A_582 = vector.shape_cast %get3A_581 : vector<1x16xf32> to vector<16xf32>
      %bitcast_convert_type3A_583 = tpu.bitcast %get3A_582 : vector<16xf32> -> vector<16xi32>
      %ge3A_584 = arith.constant -2147483648 : i32
      %ge3A_585 = vector.broadcast %ge3A_584 : i32 to vector<16xi32>
      %ge3A_586 = arith.cmpi uge, %bitcast_convert_type3A_583, %ge3A_585 : vector<16xi32>
      %xor3A_587 = arith.constant -65536 : i32
      %xor3A_588 = vector.broadcast %xor3A_587 : i32 to vector<16xi32>
      %xor3A_589 = arith.xori %bitcast_convert_type3A_583, %xor3A_588 : vector<16xi32>
      %or3A_590 = arith.constant -2147483648 : i32
      %or3A_591 = vector.broadcast %or3A_590 : i32 to vector<16xi32>
      %or3A_592 = arith.ori %bitcast_convert_type3A_583, %or3A_591 : vector<16xi32>
      %select_n3A_593 = arith.select %ge3A_586, %xor3A_589, %or3A_592 : vector<16xi1>, vector<16xi32>
      %add3A_594 = arith.constant 47 : i32
      %add3A_595 = vector.broadcast %add3A_594 : i32 to vector<16xi32>
      %add3A_596 = arith.addi %select_n3A_593, %add3A_595 : vector<16xi32>
      %max3A_597 = arith.maxui %max3A_562, %add3A_596 : vector<16xi32>
      %min3A_598 = arith.minui %max3A_562, %add3A_596 : vector<16xi32>
      %max3A_599 = arith.maxui %max3A_564, %min3A_598 : vector<16xi32>
      %min3A_600 = arith.minui %max3A_564, %min3A_598 : vector<16xi32>
      %max3A_601 = arith.maxui %max3A_566, %min3A_600 : vector<16xi32>
      %min3A_602 = arith.minui %max3A_566, %min3A_600 : vector<16xi32>
      %max3A_603 = arith.maxui %max3A_568, %min3A_602 : vector<16xi32>
      %min3A_604 = arith.minui %max3A_568, %min3A_602 : vector<16xi32>
      %max3A_605 = arith.maxui %max3A_570, %min3A_604 : vector<16xi32>
      %min3A_606 = arith.minui %max3A_570, %min3A_604 : vector<16xi32>
      %max3A_607 = arith.maxui %max3A_572, %min3A_606 : vector<16xi32>
      %min3A_608 = arith.minui %max3A_572, %min3A_606 : vector<16xi32>
      %max3A_609 = arith.maxui %max3A_574, %min3A_608 : vector<16xi32>
      %min3A_610 = arith.minui %max3A_574, %min3A_608 : vector<16xi32>
      %max3A_611 = arith.maxui %max3A_576, %min3A_610 : vector<16xi32>
      %min3A_612 = arith.minui %max3A_576, %min3A_610 : vector<16xi32>
      %get3A_613 = arith.constant 17 : i32
      %get3A_614 = arith.index_cast %get3A_613 : i32 to index
      %get3A_615 = arith.index_cast %mul3A_10 : i32 to index
      %get3A_616 = tpu.vector_load %arg5[%get3A_614, %get3A_615] {strides = array<i32>} : memref<64x256xf32, #tpu.memory_space<vmem>>, vector<1x16xf32>,
      %get3A_617 = vector.shape_cast %get3A_616 : vector<1x16xf32> to vector<16xf32>
      %bitcast_convert_type3A_618 = tpu.bitcast %get3A_617 : vector<16xf32> -> vector<16xi32>
      %ge3A_619 = arith.constant -2147483648 : i32
      %ge3A_620 = vector.broadcast %ge3A_619 : i32 to vector<16xi32>
      %ge3A_621 = arith.cmpi uge, %bitcast_convert_type3A_618, %ge3A_620 : vector<16xi32>
      %xor3A_622 = arith.constant -65536 : i32
      %xor3A_623 = vector.broadcast %xor3A_622 : i32 to vector<16xi32>
      %xor3A_624 = arith.xori %bitcast_convert_type3A_618, %xor3A_623 : vector<16xi32>
      %or3A_625 = arith.constant -2147483648 : i32
      %or3A_626 = vector.broadcast %or3A_625 : i32 to vector<16xi32>
      %or3A_627 = arith.ori %bitcast_convert_type3A_618, %or3A_626 : vector<16xi32>
      %select_n3A_628 = arith.select %ge3A_621, %xor3A_624, %or3A_627 : vector<16xi1>, vector<16xi32>
      %add3A_629 = arith.constant 46 : i32
      %add3A_630 = vector.broadcast %add3A_629 : i32 to vector<16xi32>
      %add3A_631 = arith.addi %select_n3A_628, %add3A_630 : vector<16xi32>
      %max3A_632 = arith.maxui %max3A_597, %add3A_631 : vector<16xi32>
      %min3A_633 = arith.minui %max3A_597, %add3A_631 : vector<16xi32>
      %max3A_634 = arith.maxui %max3A_599, %min3A_633 : vector<16xi32>
      %min3A_635 = arith.minui %max3A_599, %min3A_633 : vector<16xi32>
      %max3A_636 = arith.maxui %max3A_601, %min3A_635 : vector<16xi32>
      %min3A_637 = arith.minui %max3A_601, %min3A_635 : vector<16xi32>
      %max3A_638 = arith.maxui %max3A_603, %min3A_637 : vector<16xi32>
      %min3A_639 = arith.minui %max3A_603, %min3A_637 : vector<16xi32>
      %max3A_640 = arith.maxui %max3A_605, %min3A_639 : vector<16xi32>
      %min3A_641 = arith.minui %max3A_605, %min3A_639 : vector<16xi32>
      %max3A_642 = arith.maxui %max3A_607, %min3A_641 : vector<16xi32>
      %min3A_643 = arith.minui %max3A_607, %min3A_641 : vector<16xi32>
      %max3A_644 = arith.maxui %max3A_609, %min3A_643 : vector<16xi32>
      %min3A_645 = arith.minui %max3A_609, %min3A_643 : vector<16xi32>
      %max3A_646 = arith.maxui %max3A_611, %min3A_645 : vector<16xi32>
      %min3A_647 = arith.minui %max3A_611, %min3A_645 : vector<16xi32>
      %get3A_648 = arith.constant 18 : i32
      %get3A_649 = arith.index_cast %get3A_648 : i32 to index
      %get3A_650 = arith.index_cast %mul3A_10 : i32 to index
      %get3A_651 = tpu.vector_load %arg5[%get3A_649, %get3A_650] {strides = array<i32>} : memref<64x256xf32, #tpu.memory_space<vmem>>, vector<1x16xf32>,
      %get3A_652 = vector.shape_cast %get3A_651 : vector<1x16xf32> to vector<16xf32>
      %bitcast_convert_type3A_653 = tpu.bitcast %get3A_652 : vector<16xf32> -> vector<16xi32>
      %ge3A_654 = arith.constant -2147483648 : i32
      %ge3A_655 = vector.broadcast %ge3A_654 : i32 to vector<16xi32>
      %ge3A_656 = arith.cmpi uge, %bitcast_convert_type3A_653, %ge3A_655 : vector<16xi32>
      %xor3A_657 = arith.constant -65536 : i32
      %xor3A_658 = vector.broadcast %xor3A_657 : i32 to vector<16xi32>
      %xor3A_659 = arith.xori %bitcast_convert_type3A_653, %xor3A_658 : vector<16xi32>
      %or3A_660 = arith.constant -2147483648 : i32
      %or3A_661 = vector.broadcast %or3A_660 : i32 to vector<16xi32>
      %or3A_662 = arith.ori %bitcast_convert_type3A_653, %or3A_661 : vector<16xi32>
      %select_n3A_663 = arith.select %ge3A_656, %xor3A_659, %or3A_662 : vector<16xi1>, vector<16xi32>
      %add3A_664 = arith.constant 45 : i32
      %add3A_665 = vector.broadcast %add3A_664 : i32 to vector<16xi32>
      %add3A_666 = arith.addi %select_n3A_663, %add3A_665 : vector<16xi32>
      %max3A_667 = arith.maxui %max3A_632, %add3A_666 : vector<16xi32>
      %min3A_668 = arith.minui %max3A_632, %add3A_666 : vector<16xi32>
      %max3A_669 = arith.maxui %max3A_634, %min3A_668 : vector<16xi32>
      %min3A_670 = arith.minui %max3A_634, %min3A_668 : vector<16xi32>
      %max3A_671 = arith.maxui %max3A_636, %min3A_670 : vector<16xi32>
      %min3A_672 = arith.minui %max3A_636, %min3A_670 : vector<16xi32>
      %max3A_673 = arith.maxui %max3A_638, %min3A_672 : vector<16xi32>
      %min3A_674 = arith.minui %max3A_638, %min3A_672 : vector<16xi32>
      %max3A_675 = arith.maxui %max3A_640, %min3A_674 : vector<16xi32>
      %min3A_676 = arith.minui %max3A_640, %min3A_674 : vector<16xi32>
      %max3A_677 = arith.maxui %max3A_642, %min3A_676 : vector<16xi32>
      %min3A_678 = arith.minui %max3A_642, %min3A_676 : vector<16xi32>
      %max3A_679 = arith.maxui %max3A_644, %min3A_678 : vector<16xi32>
      %min3A_680 = arith.minui %max3A_644, %min3A_678 : vector<16xi32>
      %max3A_681 = arith.maxui %max3A_646, %min3A_680 : vector<16xi32>
      %min3A_682 = arith.minui %max3A_646, %min3A_680 : vector<16xi32>
      %get3A_683 = arith.constant 19 : i32
      %get3A_684 = arith.index_cast %get3A_683 : i32 to index
      %get3A_685 = arith.index_cast %mul3A_10 : i32 to index
      %get3A_686 = tpu.vector_load %arg5[%get3A_684, %get3A_685] {strides = array<i32>} : memref<64x256xf32, #tpu.memory_space<vmem>>, vector<1x16xf32>,
      %get3A_687 = vector.shape_cast %get3A_686 : vector<1x16xf32> to vector<16xf32>
      %bitcast_convert_type3A_688 = tpu.bitcast %get3A_687 : vector<16xf32> -> vector<16xi32>
      %ge3A_689 = arith.constant -2147483648 : i32
      %ge3A_690 = vector.broadcast %ge3A_689 : i32 to vector<16xi32>
      %ge3A_691 = arith.cmpi uge, %bitcast_convert_type3A_688, %ge3A_690 : vector<16xi32>
      %xor3A_692 = arith.constant -65536 : i32
      %xor3A_693 = vector.broadcast %xor3A_692 : i32 to vector<16xi32>
      %xor3A_694 = arith.xori %bitcast_convert_type3A_688, %xor3A_693 : vector<16xi32>
      %or3A_695 = arith.constant -2147483648 : i32
      %or3A_696 = vector.broadcast %or3A_695 : i32 to vector<16xi32>
      %or3A_697 = arith.ori %bitcast_convert_type3A_688, %or3A_696 : vector<16xi32>
      %select_n3A_698 = arith.select %ge3A_691, %xor3A_694, %or3A_697 : vector<16xi1>, vector<16xi32>
      %add3A_699 = arith.constant 44 : i32
      %add3A_700 = vector.broadcast %add3A_699 : i32 to vector<16xi32>
      %add3A_701 = arith.addi %select_n3A_698, %add3A_700 : vector<16xi32>
      %max3A_702 = arith.maxui %max3A_667, %add3A_701 : vector<16xi32>
      %min3A_703 = arith.minui %max3A_667, %add3A_701 : vector<16xi32>
      %max3A_704 = arith.maxui %max3A_669, %min3A_703 : vector<16xi32>
      %min3A_705 = arith.minui %max3A_669, %min3A_703 : vector<16xi32>
      %max3A_706 = arith.maxui %max3A_671, %min3A_705 : vector<16xi32>
      %min3A_707 = arith.minui %max3A_671, %min3A_705 : vector<16xi32>
      %max3A_708 = arith.maxui %max3A_673, %min3A_707 : vector<16xi32>
      %min3A_709 = arith.minui %max3A_673, %min3A_707 : vector<16xi32>
      %max3A_710 = arith.maxui %max3A_675, %min3A_709 : vector<16xi32>
      %min3A_711 = arith.minui %max3A_675, %min3A_709 : vector<16xi32>
      %max3A_712 = arith.maxui %max3A_677, %min3A_711 : vector<16xi32>
      %min3A_713 = arith.minui %max3A_677, %min3A_711 : vector<16xi32>
      %max3A_714 = arith.maxui %max3A_679, %min3A_713 : vector<16xi32>
      %min3A_715 = arith.minui %max3A_679, %min3A_713 : vector<16xi32>
      %max3A_716 = arith.maxui %max3A_681, %min3A_715 : vector<16xi32>
      %min3A_717 = arith.minui %max3A_681, %min3A_715 : vector<16xi32>
      %get3A_718 = arith.constant 20 : i32
      %get3A_719 = arith.index_cast %get3A_718 : i32 to index
      %get3A_720 = arith.index_cast %mul3A_10 : i32 to index
      %get3A_721 = tpu.vector_load %arg5[%get3A_719, %get3A_720] {strides = array<i32>} : memref<64x256xf32, #tpu.memory_space<vmem>>, vector<1x16xf32>,
      %get3A_722 = vector.shape_cast %get3A_721 : vector<1x16xf32> to vector<16xf32>
      %bitcast_convert_type3A_723 = tpu.bitcast %get3A_722 : vector<16xf32> -> vector<16xi32>
      %ge3A_724 = arith.constant -2147483648 : i32
      %ge3A_725 = vector.broadcast %ge3A_724 : i32 to vector<16xi32>
      %ge3A_726 = arith.cmpi uge, %bitcast_convert_type3A_723, %ge3A_725 : vector<16xi32>
      %xor3A_727 = arith.constant -65536 : i32
      %xor3A_728 = vector.broadcast %xor3A_727 : i32 to vector<16xi32>
      %xor3A_729 = arith.xori %bitcast_convert_type3A_723, %xor3A_728 : vector<16xi32>
      %or3A_730 = arith.constant -2147483648 : i32
      %or3A_731 = vector.broadcast %or3A_730 : i32 to vector<16xi32>
      %or3A_732 = arith.ori %bitcast_convert_type3A_723, %or3A_731 : vector<16xi32>
      %select_n3A_733 = arith.select %ge3A_726, %xor3A_729, %or3A_732 : vector<16xi1>, vector<16xi32>
      %add3A_734 = arith.constant 43 : i32
      %add3A_735 = vector.broadcast %add3A_734 : i32 to vector<16xi32>
      %add3A_736 = arith.addi %select_n3A_733, %add3A_735 : vector<16xi32>
      %max3A_737 = arith.maxui %max3A_702, %add3A_736 : vector<16xi32>
      %min3A_738 = arith.minui %max3A_702, %add3A_736 : vector<16xi32>
      %max3A_739 = arith.maxui %max3A_704, %min3A_738 : vector<16xi32>
      %min3A_740 = arith.minui %max3A_704, %min3A_738 : vector<16xi32>
      %max3A_741 = arith.maxui %max3A_706, %min3A_740 : vector<16xi32>
      %min3A_742 = arith.minui %max3A_706, %min3A_740 : vector<16xi32>
      %max3A_743 = arith.maxui %max3A_708, %min3A_742 : vector<16xi32>
      %min3A_744 = arith.minui %max3A_708, %min3A_742 : vector<16xi32>
      %max3A_745 = arith.maxui %max3A_710, %min3A_744 : vector<16xi32>
      %min3A_746 = arith.minui %max3A_710, %min3A_744 : vector<16xi32>
      %max3A_747 = arith.maxui %max3A_712, %min3A_746 : vector<16xi32>
      %min3A_748 = arith.minui %max3A_712, %min3A_746 : vector<16xi32>
      %max3A_749 = arith.maxui %max3A_714, %min3A_748 : vector<16xi32>
      %min3A_750 = arith.minui %max3A_714, %min3A_748 : vector<16xi32>
      %max3A_751 = arith.maxui %max3A_716, %min3A_750 : vector<16xi32>
      %min3A_752 = arith.minui %max3A_716, %min3A_750 : vector<16xi32>
      %get3A_753 = arith.constant 21 : i32
      %get3A_754 = arith.index_cast %get3A_753 : i32 to index
      %get3A_755 = arith.index_cast %mul3A_10 : i32 to index
      %get3A_756 = tpu.vector_load %arg5[%get3A_754, %get3A_755] {strides = array<i32>} : memref<64x256xf32, #tpu.memory_space<vmem>>, vector<1x16xf32>,
      %get3A_757 = vector.shape_cast %get3A_756 : vector<1x16xf32> to vector<16xf32>
      %bitcast_convert_type3A_758 = tpu.bitcast %get3A_757 : vector<16xf32> -> vector<16xi32>
      %ge3A_759 = arith.constant -2147483648 : i32
      %ge3A_760 = vector.broadcast %ge3A_759 : i32 to vector<16xi32>
      %ge3A_761 = arith.cmpi uge, %bitcast_convert_type3A_758, %ge3A_760 : vector<16xi32>
      %xor3A_762 = arith.constant -65536 : i32
      %xor3A_763 = vector.broadcast %xor3A_762 : i32 to vector<16xi32>
      %xor3A_764 = arith.xori %bitcast_convert_type3A_758, %xor3A_763 : vector<16xi32>
      %or3A_765 = arith.constant -2147483648 : i32
      %or3A_766 = vector.broadcast %or3A_765 : i32 to vector<16xi32>
      %or3A_767 = arith.ori %bitcast_convert_type3A_758, %or3A_766 : vector<16xi32>
      %select_n3A_768 = arith.select %ge3A_761, %xor3A_764, %or3A_767 : vector<16xi1>, vector<16xi32>
      %add3A_769 = arith.constant 42 : i32
      %add3A_770 = vector.broadcast %add3A_769 : i32 to vector<16xi32>
      %add3A_771 = arith.addi %select_n3A_768, %add3A_770 : vector<16xi32>
      %max3A_772 = arith.maxui %max3A_737, %add3A_771 : vector<16xi32>
      %min3A_773 = arith.minui %max3A_737, %add3A_771 : vector<16xi32>
      %max3A_774 = arith.maxui %max3A_739, %min3A_773 : vector<16xi32>
      %min3A_775 = arith.minui %max3A_739, %min3A_773 : vector<16xi32>
      %max3A_776 = arith.maxui %max3A_741, %min3A_775 : vector<16xi32>
      %min3A_777 = arith.minui %max3A_741, %min3A_775 : vector<16xi32>
      %max3A_778 = arith.maxui %max3A_743, %min3A_777 : vector<16xi32>
      %min3A_779 = arith.minui %max3A_743, %min3A_777 : vector<16xi32>
      %max3A_780 = arith.maxui %max3A_745, %min3A_779 : vector<16xi32>
      %min3A_781 = arith.minui %max3A_745, %min3A_779 : vector<16xi32>
      %max3A_782 = arith.maxui %max3A_747, %min3A_781 : vector<16xi32>
      %min3A_783 = arith.minui %max3A_747, %min3A_781 : vector<16xi32>
      %max3A_784 = arith.maxui %max3A_749, %min3A_783 : vector<16xi32>
      %min3A_785 = arith.minui %max3A_749, %min3A_783 : vector<16xi32>
      %max3A_786 = arith.maxui %max3A_751, %min3A_785 : vector<16xi32>
      %min3A_787 = arith.minui %max3A_751, %min3A_785 : vector<16xi32>
      %get3A_788 = arith.constant 22 : i32
      %get3A_789 = arith.index_cast %get3A_788 : i32 to index
      %get3A_790 = arith.index_cast %mul3A_10 : i32 to index
      %get3A_791 = tpu.vector_load %arg5[%get3A_789, %get3A_790] {strides = array<i32>} : memref<64x256xf32, #tpu.memory_space<vmem>>, vector<1x16xf32>,
      %get3A_792 = vector.shape_cast %get3A_791 : vector<1x16xf32> to vector<16xf32>
      %bitcast_convert_type3A_793 = tpu.bitcast %get3A_792 : vector<16xf32> -> vector<16xi32>
      %ge3A_794 = arith.constant -2147483648 : i32
      %ge3A_795 = vector.broadcast %ge3A_794 : i32 to vector<16xi32>
      %ge3A_796 = arith.cmpi uge, %bitcast_convert_type3A_793, %ge3A_795 : vector<16xi32>
      %xor3A_797 = arith.constant -65536 : i32
      %xor3A_798 = vector.broadcast %xor3A_797 : i32 to vector<16xi32>
      %xor3A_799 = arith.xori %bitcast_convert_type3A_793, %xor3A_798 : vector<16xi32>
      %or3A_800 = arith.constant -2147483648 : i32
      %or3A_801 = vector.broadcast %or3A_800 : i32 to vector<16xi32>
      %or3A_802 = arith.ori %bitcast_convert_type3A_793, %or3A_801 : vector<16xi32>
      %select_n3A_803 = arith.select %ge3A_796, %xor3A_799, %or3A_802 : vector<16xi1>, vector<16xi32>
      %add3A_804 = arith.constant 41 : i32
      %add3A_805 = vector.broadcast %add3A_804 : i32 to vector<16xi32>
      %add3A_806 = arith.addi %select_n3A_803, %add3A_805 : vector<16xi32>
      %max3A_807 = arith.maxui %max3A_772, %add3A_806 : vector<16xi32>
      %min3A_808 = arith.minui %max3A_772, %add3A_806 : vector<16xi32>
      %max3A_809 = arith.maxui %max3A_774, %min3A_808 : vector<16xi32>
      %min3A_810 = arith.minui %max3A_774, %min3A_808 : vector<16xi32>
      %max3A_811 = arith.maxui %max3A_776, %min3A_810 : vector<16xi32>
      %min3A_812 = arith.minui %max3A_776, %min3A_810 : vector<16xi32>
      %max3A_813 = arith.maxui %max3A_778, %min3A_812 : vector<16xi32>
      %min3A_814 = arith.minui %max3A_778, %min3A_812 : vector<16xi32>
      %max3A_815 = arith.maxui %max3A_780, %min3A_814 : vector<16xi32>
      %min3A_816 = arith.minui %max3A_780, %min3A_814 : vector<16xi32>
      %max3A_817 = arith.maxui %max3A_782, %min3A_816 : vector<16xi32>
      %min3A_818 = arith.minui %max3A_782, %min3A_816 : vector<16xi32>
      %max3A_819 = arith.maxui %max3A_784, %min3A_818 : vector<16xi32>
      %min3A_820 = arith.minui %max3A_784, %min3A_818 : vector<16xi32>
      %max3A_821 = arith.maxui %max3A_786, %min3A_820 : vector<16xi32>
      %min3A_822 = arith.minui %max3A_786, %min3A_820 : vector<16xi32>
      %get3A_823 = arith.constant 23 : i32
      %get3A_824 = arith.index_cast %get3A_823 : i32 to index
      %get3A_825 = arith.index_cast %mul3A_10 : i32 to index
      %get3A_826 = tpu.vector_load %arg5[%get3A_824, %get3A_825] {strides = array<i32>} : memref<64x256xf32, #tpu.memory_space<vmem>>, vector<1x16xf32>,
      %get3A_827 = vector.shape_cast %get3A_826 : vector<1x16xf32> to vector<16xf32>
      %bitcast_convert_type3A_828 = tpu.bitcast %get3A_827 : vector<16xf32> -> vector<16xi32>
      %ge3A_829 = arith.constant -2147483648 : i32
      %ge3A_830 = vector.broadcast %ge3A_829 : i32 to vector<16xi32>
      %ge3A_831 = arith.cmpi uge, %bitcast_convert_type3A_828, %ge3A_830 : vector<16xi32>
      %xor3A_832 = arith.constant -65536 : i32
      %xor3A_833 = vector.broadcast %xor3A_832 : i32 to vector<16xi32>
      %xor3A_834 = arith.xori %bitcast_convert_type3A_828, %xor3A_833 : vector<16xi32>
      %or3A_835 = arith.constant -2147483648 : i32
      %or3A_836 = vector.broadcast %or3A_835 : i32 to vector<16xi32>
      %or3A_837 = arith.ori %bitcast_convert_type3A_828, %or3A_836 : vector<16xi32>
      %select_n3A_838 = arith.select %ge3A_831, %xor3A_834, %or3A_837 : vector<16xi1>, vector<16xi32>
      %add3A_839 = arith.constant 40 : i32
      %add3A_840 = vector.broadcast %add3A_839 : i32 to vector<16xi32>
      %add3A_841 = arith.addi %select_n3A_838, %add3A_840 : vector<16xi32>
      %max3A_842 = arith.maxui %max3A_807, %add3A_841 : vector<16xi32>
      %min3A_843 = arith.minui %max3A_807, %add3A_841 : vector<16xi32>
      %max3A_844 = arith.maxui %max3A_809, %min3A_843 : vector<16xi32>
      %min3A_845 = arith.minui %max3A_809, %min3A_843 : vector<16xi32>
      %max3A_846 = arith.maxui %max3A_811, %min3A_845 : vector<16xi32>
      %min3A_847 = arith.minui %max3A_811, %min3A_845 : vector<16xi32>
      %max3A_848 = arith.maxui %max3A_813, %min3A_847 : vector<16xi32>
      %min3A_849 = arith.minui %max3A_813, %min3A_847 : vector<16xi32>
      %max3A_850 = arith.maxui %max3A_815, %min3A_849 : vector<16xi32>
      %min3A_851 = arith.minui %max3A_815, %min3A_849 : vector<16xi32>
      %max3A_852 = arith.maxui %max3A_817, %min3A_851 : vector<16xi32>
      %min3A_853 = arith.minui %max3A_817, %min3A_851 : vector<16xi32>
      %max3A_854 = arith.maxui %max3A_819, %min3A_853 : vector<16xi32>
      %min3A_855 = arith.minui %max3A_819, %min3A_853 : vector<16xi32>
      %max3A_856 = arith.maxui %max3A_821, %min3A_855 : vector<16xi32>
      %min3A_857 = arith.minui %max3A_821, %min3A_855 : vector<16xi32>
      %get3A_858 = arith.constant 24 : i32
      %get3A_859 = arith.index_cast %get3A_858 : i32 to index
      %get3A_860 = arith.index_cast %mul3A_10 : i32 to index
      %get3A_861 = tpu.vector_load %arg5[%get3A_859, %get3A_860] {strides = array<i32>} : memref<64x256xf32, #tpu.memory_space<vmem>>, vector<1x16xf32>,
      %get3A_862 = vector.shape_cast %get3A_861 : vector<1x16xf32> to vector<16xf32>
      %bitcast_convert_type3A_863 = tpu.bitcast %get3A_862 : vector<16xf32> -> vector<16xi32>
      %ge3A_864 = arith.constant -2147483648 : i32
      %ge3A_865 = vector.broadcast %ge3A_864 : i32 to vector<16xi32>
      %ge3A_866 = arith.cmpi uge, %bitcast_convert_type3A_863, %ge3A_865 : vector<16xi32>
      %xor3A_867 = arith.constant -65536 : i32
      %xor3A_868 = vector.broadcast %xor3A_867 : i32 to vector<16xi32>
      %xor3A_869 = arith.xori %bitcast_convert_type3A_863, %xor3A_868 : vector<16xi32>
      %or3A_870 = arith.constant -2147483648 : i32
      %or3A_871 = vector.broadcast %or3A_870 : i32 to vector<16xi32>
      %or3A_872 = arith.ori %bitcast_convert_type3A_863, %or3A_871 : vector<16xi32>
      %select_n3A_873 = arith.select %ge3A_866, %xor3A_869, %or3A_872 : vector<16xi1>, vector<16xi32>
      %add3A_874 = arith.constant 39 : i32
      %add3A_875 = vector.broadcast %add3A_874 : i32 to vector<16xi32>
      %add3A_876 = arith.addi %select_n3A_873, %add3A_875 : vector<16xi32>
      %max3A_877 = arith.maxui %max3A_842, %add3A_876 : vector<16xi32>
      %min3A_878 = arith.minui %max3A_842, %add3A_876 : vector<16xi32>
      %max3A_879 = arith.maxui %max3A_844, %min3A_878 : vector<16xi32>
      %min3A_880 = arith.minui %max3A_844, %min3A_878 : vector<16xi32>
      %max3A_881 = arith.maxui %max3A_846, %min3A_880 : vector<16xi32>
      %min3A_882 = arith.minui %max3A_846, %min3A_880 : vector<16xi32>
      %max3A_883 = arith.maxui %max3A_848, %min3A_882 : vector<16xi32>
      %min3A_884 = arith.minui %max3A_848, %min3A_882 : vector<16xi32>
      %max3A_885 = arith.maxui %max3A_850, %min3A_884 : vector<16xi32>
      %min3A_886 = arith.minui %max3A_850, %min3A_884 : vector<16xi32>
      %max3A_887 = arith.maxui %max3A_852, %min3A_886 : vector<16xi32>
      %min3A_888 = arith.minui %max3A_852, %min3A_886 : vector<16xi32>
      %max3A_889 = arith.maxui %max3A_854, %min3A_888 : vector<16xi32>
      %min3A_890 = arith.minui %max3A_854, %min3A_888 : vector<16xi32>
      %max3A_891 = arith.maxui %max3A_856, %min3A_890 : vector<16xi32>
      %min3A_892 = arith.minui %max3A_856, %min3A_890 : vector<16xi32>
      %get3A_893 = arith.constant 25 : i32
      %get3A_894 = arith.index_cast %get3A_893 : i32 to index
      %get3A_895 = arith.index_cast %mul3A_10 : i32 to index
      %get3A_896 = tpu.vector_load %arg5[%get3A_894, %get3A_895] {strides = array<i32>} : memref<64x256xf32, #tpu.memory_space<vmem>>, vector<1x16xf32>,
      %get3A_897 = vector.shape_cast %get3A_896 : vector<1x16xf32> to vector<16xf32>
      %bitcast_convert_type3A_898 = tpu.bitcast %get3A_897 : vector<16xf32> -> vector<16xi32>
      %ge3A_899 = arith.constant -2147483648 : i32
      %ge3A_900 = vector.broadcast %ge3A_899 : i32 to vector<16xi32>
      %ge3A_901 = arith.cmpi uge, %bitcast_convert_type3A_898, %ge3A_900 : vector<16xi32>
      %xor3A_902 = arith.constant -65536 : i32
      %xor3A_903 = vector.broadcast %xor3A_902 : i32 to vector<16xi32>
      %xor3A_904 = arith.xori %bitcast_convert_type3A_898, %xor3A_903 : vector<16xi32>
      %or3A_905 = arith.constant -2147483648 : i32
      %or3A_906 = vector.broadcast %or3A_905 : i32 to vector<16xi32>
      %or3A_907 = arith.ori %bitcast_convert_type3A_898, %or3A_906 : vector<16xi32>
      %select_n3A_908 = arith.select %ge3A_901, %xor3A_904, %or3A_907 : vector<16xi1>, vector<16xi32>
      %add3A_909 = arith.constant 38 : i32
      %add3A_910 = vector.broadcast %add3A_909 : i32 to vector<16xi32>
      %add3A_911 = arith.addi %select_n3A_908, %add3A_910 : vector<16xi32>
      %max3A_912 = arith.maxui %max3A_877, %add3A_911 : vector<16xi32>
      %min3A_913 = arith.minui %max3A_877, %add3A_911 : vector<16xi32>
      %max3A_914 = arith.maxui %max3A_879, %min3A_913 : vector<16xi32>
      %min3A_915 = arith.minui %max3A_879, %min3A_913 : vector<16xi32>
      %max3A_916 = arith.maxui %max3A_881, %min3A_915 : vector<16xi32>
      %min3A_917 = arith.minui %max3A_881, %min3A_915 : vector<16xi32>
      %max3A_918 = arith.maxui %max3A_883, %min3A_917 : vector<16xi32>
      %min3A_919 = arith.minui %max3A_883, %min3A_917 : vector<16xi32>
      %max3A_920 = arith.maxui %max3A_885, %min3A_919 : vector<16xi32>
      %min3A_921 = arith.minui %max3A_885, %min3A_919 : vector<16xi32>
      %max3A_922 = arith.maxui %max3A_887, %min3A_921 : vector<16xi32>
      %min3A_923 = arith.minui %max3A_887, %min3A_921 : vector<16xi32>
      %max3A_924 = arith.maxui %max3A_889, %min3A_923 : vector<16xi32>
      %min3A_925 = arith.minui %max3A_889, %min3A_923 : vector<16xi32>
      %max3A_926 = arith.maxui %max3A_891, %min3A_925 : vector<16xi32>
      %min3A_927 = arith.minui %max3A_891, %min3A_925 : vector<16xi32>
      %get3A_928 = arith.constant 26 : i32
      %get3A_929 = arith.index_cast %get3A_928 : i32 to index
      %get3A_930 = arith.index_cast %mul3A_10 : i32 to index
      %get3A_931 = tpu.vector_load %arg5[%get3A_929, %get3A_930] {strides = array<i32>} : memref<64x256xf32, #tpu.memory_space<vmem>>, vector<1x16xf32>,
      %get3A_932 = vector.shape_cast %get3A_931 : vector<1x16xf32> to vector<16xf32>
      %bitcast_convert_type3A_933 = tpu.bitcast %get3A_932 : vector<16xf32> -> vector<16xi32>
      %ge3A_934 = arith.constant -2147483648 : i32
      %ge3A_935 = vector.broadcast %ge3A_934 : i32 to vector<16xi32>
      %ge3A_936 = arith.cmpi uge, %bitcast_convert_type3A_933, %ge3A_935 : vector<16xi32>
      %xor3A_937 = arith.constant -65536 : i32
      %xor3A_938 = vector.broadcast %xor3A_937 : i32 to vector<16xi32>
      %xor3A_939 = arith.xori %bitcast_convert_type3A_933, %xor3A_938 : vector<16xi32>
      %or3A_940 = arith.constant -2147483648 : i32
      %or3A_941 = vector.broadcast %or3A_940 : i32 to vector<16xi32>
      %or3A_942 = arith.ori %bitcast_convert_type3A_933, %or3A_941 : vector<16xi32>
      %select_n3A_943 = arith.select %ge3A_936, %xor3A_939, %or3A_942 : vector<16xi1>, vector<16xi32>
      %add3A_944 = arith.constant 37 : i32
      %add3A_945 = vector.broadcast %add3A_944 : i32 to vector<16xi32>
      %add3A_946 = arith.addi %select_n3A_943, %add3A_945 : vector<16xi32>
      %max3A_947 = arith.maxui %max3A_912, %add3A_946 : vector<16xi32>
      %min3A_948 = arith.minui %max3A_912, %add3A_946 : vector<16xi32>
      %max3A_949 = arith.maxui %max3A_914, %min3A_948 : vector<16xi32>
      %min3A_950 = arith.minui %max3A_914, %min3A_948 : vector<16xi32>
      %max3A_951 = arith.maxui %max3A_916, %min3A_950 : vector<16xi32>
      %min3A_952 = arith.minui %max3A_916, %min3A_950 : vector<16xi32>
      %max3A_953 = arith.maxui %max3A_918, %min3A_952 : vector<16xi32>
      %min3A_954 = arith.minui %max3A_918, %min3A_952 : vector<16xi32>
      %max3A_955 = arith.maxui %max3A_920, %min3A_954 : vector<16xi32>
      %min3A_956 = arith.minui %max3A_920, %min3A_954 : vector<16xi32>
      %max3A_957 = arith.maxui %max3A_922, %min3A_956 : vector<16xi32>
      %min3A_958 = arith.minui %max3A_922, %min3A_956 : vector<16xi32>
      %max3A_959 = arith.maxui %max3A_924, %min3A_958 : vector<16xi32>
      %min3A_960 = arith.minui %max3A_924, %min3A_958 : vector<16xi32>
      %max3A_961 = arith.maxui %max3A_926, %min3A_960 : vector<16xi32>
      %min3A_962 = arith.minui %max3A_926, %min3A_960 : vector<16xi32>
      %get3A_963 = arith.constant 27 : i32
      %get3A_964 = arith.index_cast %get3A_963 : i32 to index
      %get3A_965 = arith.index_cast %mul3A_10 : i32 to index
      %get3A_966 = tpu.vector_load %arg5[%get3A_964, %get3A_965] {strides = array<i32>} : memref<64x256xf32, #tpu.memory_space<vmem>>, vector<1x16xf32>,
      %get3A_967 = vector.shape_cast %get3A_966 : vector<1x16xf32> to vector<16xf32>
      %bitcast_convert_type3A_968 = tpu.bitcast %get3A_967 : vector<16xf32> -> vector<16xi32>
      %ge3A_969 = arith.constant -2147483648 : i32
      %ge3A_970 = vector.broadcast %ge3A_969 : i32 to vector<16xi32>
      %ge3A_971 = arith.cmpi uge, %bitcast_convert_type3A_968, %ge3A_970 : vector<16xi32>
      %xor3A_972 = arith.constant -65536 : i32
      %xor3A_973 = vector.broadcast %xor3A_972 : i32 to vector<16xi32>
      %xor3A_974 = arith.xori %bitcast_convert_type3A_968, %xor3A_973 : vector<16xi32>
      %or3A_975 = arith.constant -2147483648 : i32
      %or3A_976 = vector.broadcast %or3A_975 : i32 to vector<16xi32>
      %or3A_977 = arith.ori %bitcast_convert_type3A_968, %or3A_976 : vector<16xi32>
      %select_n3A_978 = arith.select %ge3A_971, %xor3A_974, %or3A_977 : vector<16xi1>, vector<16xi32>
      %add3A_979 = arith.constant 36 : i32
      %add3A_980 = vector.broadcast %add3A_979 : i32 to vector<16xi32>
      %add3A_981 = arith.addi %select_n3A_978, %add3A_980 : vector<16xi32>
      %max3A_982 = arith.maxui %max3A_947, %add3A_981 : vector<16xi32>
      %min3A_983 = arith.minui %max3A_947, %add3A_981 : vector<16xi32>
      %max3A_984 = arith.maxui %max3A_949, %min3A_983 : vector<16xi32>
      %min3A_985 = arith.minui %max3A_949, %min3A_983 : vector<16xi32>
      %max3A_986 = arith.maxui %max3A_951, %min3A_985 : vector<16xi32>
      %min3A_987 = arith.minui %max3A_951, %min3A_985 : vector<16xi32>
      %max3A_988 = arith.maxui %max3A_953, %min3A_987 : vector<16xi32>
      %min3A_989 = arith.minui %max3A_953, %min3A_987 : vector<16xi32>
      %max3A_990 = arith.maxui %max3A_955, %min3A_989 : vector<16xi32>
      %min3A_991 = arith.minui %max3A_955, %min3A_989 : vector<16xi32>
      %max3A_992 = arith.maxui %max3A_957, %min3A_991 : vector<16xi32>
      %min3A_993 = arith.minui %max3A_957, %min3A_991 : vector<16xi32>
      %max3A_994 = arith.maxui %max3A_959, %min3A_993 : vector<16xi32>
      %min3A_995 = arith.minui %max3A_959, %min3A_993 : vector<16xi32>
      %max3A_996 = arith.maxui %max3A_961, %min3A_995 : vector<16xi32>
      %min3A_997 = arith.minui %max3A_961, %min3A_995 : vector<16xi32>
      %get3A_998 = arith.constant 28 : i32
      %get3A_999 = arith.index_cast %get3A_998 : i32 to index
      %get3A_1000 = arith.index_cast %mul3A_10 : i32 to index
      %get3A_1001 = tpu.vector_load %arg5[%get3A_999, %get3A_1000] {strides = array<i32>} : memref<64x256xf32, #tpu.memory_space<vmem>>, vector<1x16xf32>,
      %get3A_1002 = vector.shape_cast %get3A_1001 : vector<1x16xf32> to vector<16xf32>
      %bitcast_convert_type3A_1003 = tpu.bitcast %get3A_1002 : vector<16xf32> -> vector<16xi32>
      %ge3A_1004 = arith.constant -2147483648 : i32
      %ge3A_1005 = vector.broadcast %ge3A_1004 : i32 to vector<16xi32>
      %ge3A_1006 = arith.cmpi uge, %bitcast_convert_type3A_1003, %ge3A_1005 : vector<16xi32>
      %xor3A_1007 = arith.constant -65536 : i32
      %xor3A_1008 = vector.broadcast %xor3A_1007 : i32 to vector<16xi32>
      %xor3A_1009 = arith.xori %bitcast_convert_type3A_1003, %xor3A_1008 : vector<16xi32>
      %or3A_1010 = arith.constant -2147483648 : i32
      %or3A_1011 = vector.broadcast %or3A_1010 : i32 to vector<16xi32>
      %or3A_1012 = arith.ori %bitcast_convert_type3A_1003, %or3A_1011 : vector<16xi32>
      %select_n3A_1013 = arith.select %ge3A_1006, %xor3A_1009, %or3A_1012 : vector<16xi1>, vector<16xi32>
      %add3A_1014 = arith.constant 35 : i32
      %add3A_1015 = vector.broadcast %add3A_1014 : i32 to vector<16xi32>
      %add3A_1016 = arith.addi %select_n3A_1013, %add3A_1015 : vector<16xi32>
      %max3A_1017 = arith.maxui %max3A_982, %add3A_1016 : vector<16xi32>
      %min3A_1018 = arith.minui %max3A_982, %add3A_1016 : vector<16xi32>
      %max3A_1019 = arith.maxui %max3A_984, %min3A_1018 : vector<16xi32>
      %min3A_1020 = arith.minui %max3A_984, %min3A_1018 : vector<16xi32>
      %max3A_1021 = arith.maxui %max3A_986, %min3A_1020 : vector<16xi32>
      %min3A_1022 = arith.minui %max3A_986, %min3A_1020 : vector<16xi32>
      %max3A_1023 = arith.maxui %max3A_988, %min3A_1022 : vector<16xi32>
      %min3A_1024 = arith.minui %max3A_988, %min3A_1022 : vector<16xi32>
      %max3A_1025 = arith.maxui %max3A_990, %min3A_1024 : vector<16xi32>
      %min3A_1026 = arith.minui %max3A_990, %min3A_1024 : vector<16xi32>
      %max3A_1027 = arith.maxui %max3A_992, %min3A_1026 : vector<16xi32>
      %min3A_1028 = arith.minui %max3A_992, %min3A_1026 : vector<16xi32>
      %max3A_1029 = arith.maxui %max3A_994, %min3A_1028 : vector<16xi32>
      %min3A_1030 = arith.minui %max3A_994, %min3A_1028 : vector<16xi32>
      %max3A_1031 = arith.maxui %max3A_996, %min3A_1030 : vector<16xi32>
      %min3A_1032 = arith.minui %max3A_996, %min3A_1030 : vector<16xi32>
      %get3A_1033 = arith.constant 29 : i32
      %get3A_1034 = arith.index_cast %get3A_1033 : i32 to index
      %get3A_1035 = arith.index_cast %mul3A_10 : i32 to index
      %get3A_1036 = tpu.vector_load %arg5[%get3A_1034, %get3A_1035] {strides = array<i32>} : memref<64x256xf32, #tpu.memory_space<vmem>>, vector<1x16xf32>,
      %get3A_1037 = vector.shape_cast %get3A_1036 : vector<1x16xf32> to vector<16xf32>
      %bitcast_convert_type3A_1038 = tpu.bitcast %get3A_1037 : vector<16xf32> -> vector<16xi32>
      %ge3A_1039 = arith.constant -2147483648 : i32
      %ge3A_1040 = vector.broadcast %ge3A_1039 : i32 to vector<16xi32>
      %ge3A_1041 = arith.cmpi uge, %bitcast_convert_type3A_1038, %ge3A_1040 : vector<16xi32>
      %xor3A_1042 = arith.constant -65536 : i32
      %xor3A_1043 = vector.broadcast %xor3A_1042 : i32 to vector<16xi32>
      %xor3A_1044 = arith.xori %bitcast_convert_type3A_1038, %xor3A_1043 : vector<16xi32>
      %or3A_1045 = arith.constant -2147483648 : i32
      %or3A_1046 = vector.broadcast %or3A_1045 : i32 to vector<16xi32>
      %or3A_1047 = arith.ori %bitcast_convert_type3A_1038, %or3A_1046 : vector<16xi32>
      %select_n3A_1048 = arith.select %ge3A_1041, %xor3A_1044, %or3A_1047 : vector<16xi1>, vector<16xi32>
      %add3A_1049 = arith.constant 34 : i32
      %add3A_1050 = vector.broadcast %add3A_1049 : i32 to vector<16xi32>
      %add3A_1051 = arith.addi %select_n3A_1048, %add3A_1050 : vector<16xi32>
      %max3A_1052 = arith.maxui %max3A_1017, %add3A_1051 : vector<16xi32>
      %min3A_1053 = arith.minui %max3A_1017, %add3A_1051 : vector<16xi32>
      %max3A_1054 = arith.maxui %max3A_1019, %min3A_1053 : vector<16xi32>
      %min3A_1055 = arith.minui %max3A_1019, %min3A_1053 : vector<16xi32>
      %max3A_1056 = arith.maxui %max3A_1021, %min3A_1055 : vector<16xi32>
      %min3A_1057 = arith.minui %max3A_1021, %min3A_1055 : vector<16xi32>
      %max3A_1058 = arith.maxui %max3A_1023, %min3A_1057 : vector<16xi32>
      %min3A_1059 = arith.minui %max3A_1023, %min3A_1057 : vector<16xi32>
      %max3A_1060 = arith.maxui %max3A_1025, %min3A_1059 : vector<16xi32>
      %min3A_1061 = arith.minui %max3A_1025, %min3A_1059 : vector<16xi32>
      %max3A_1062 = arith.maxui %max3A_1027, %min3A_1061 : vector<16xi32>
      %min3A_1063 = arith.minui %max3A_1027, %min3A_1061 : vector<16xi32>
      %max3A_1064 = arith.maxui %max3A_1029, %min3A_1063 : vector<16xi32>
      %min3A_1065 = arith.minui %max3A_1029, %min3A_1063 : vector<16xi32>
      %max3A_1066 = arith.maxui %max3A_1031, %min3A_1065 : vector<16xi32>
      %min3A_1067 = arith.minui %max3A_1031, %min3A_1065 : vector<16xi32>
      %get3A_1068 = arith.constant 30 : i32
      %get3A_1069 = arith.index_cast %get3A_1068 : i32 to index
      %get3A_1070 = arith.index_cast %mul3A_10 : i32 to index
      %get3A_1071 = tpu.vector_load %arg5[%get3A_1069, %get3A_1070] {strides = array<i32>} : memref<64x256xf32, #tpu.memory_space<vmem>>, vector<1x16xf32>,
      %get3A_1072 = vector.shape_cast %get3A_1071 : vector<1x16xf32> to vector<16xf32>
      %bitcast_convert_type3A_1073 = tpu.bitcast %get3A_1072 : vector<16xf32> -> vector<16xi32>
      %ge3A_1074 = arith.constant -2147483648 : i32
      %ge3A_1075 = vector.broadcast %ge3A_1074 : i32 to vector<16xi32>
      %ge3A_1076 = arith.cmpi uge, %bitcast_convert_type3A_1073, %ge3A_1075 : vector<16xi32>
      %xor3A_1077 = arith.constant -65536 : i32
      %xor3A_1078 = vector.broadcast %xor3A_1077 : i32 to vector<16xi32>
      %xor3A_1079 = arith.xori %bitcast_convert_type3A_1073, %xor3A_1078 : vector<16xi32>
      %or3A_1080 = arith.constant -2147483648 : i32
      %or3A_1081 = vector.broadcast %or3A_1080 : i32 to vector<16xi32>
      %or3A_1082 = arith.ori %bitcast_convert_type3A_1073, %or3A_1081 : vector<16xi32>
      %select_n3A_1083 = arith.select %ge3A_1076, %xor3A_1079, %or3A_1082 : vector<16xi1>, vector<16xi32>
      %add3A_1084 = arith.constant 33 : i32
      %add3A_1085 = vector.broadcast %add3A_1084 : i32 to vector<16xi32>
      %add3A_1086 = arith.addi %select_n3A_1083, %add3A_1085 : vector<16xi32>
      %max3A_1087 = arith.maxui %max3A_1052, %add3A_1086 : vector<16xi32>
      %min3A_1088 = arith.minui %max3A_1052, %add3A_1086 : vector<16xi32>
      %max3A_1089 = arith.maxui %max3A_1054, %min3A_1088 : vector<16xi32>
      %min3A_1090 = arith.minui %max3A_1054, %min3A_1088 : vector<16xi32>
      %max3A_1091 = arith.maxui %max3A_1056, %min3A_1090 : vector<16xi32>
      %min3A_1092 = arith.minui %max3A_1056, %min3A_1090 : vector<16xi32>
      %max3A_1093 = arith.maxui %max3A_1058, %min3A_1092 : vector<16xi32>
      %min3A_1094 = arith.minui %max3A_1058, %min3A_1092 : vector<16xi32>
      %max3A_1095 = arith.maxui %max3A_1060, %min3A_1094 : vector<16xi32>
      %min3A_1096 = arith.minui %max3A_1060, %min3A_1094 : vector<16xi32>
      %max3A_1097 = arith.maxui %max3A_1062, %min3A_1096 : vector<16xi32>
      %min3A_1098 = arith.minui %max3A_1062, %min3A_1096 : vector<16xi32>
      %max3A_1099 = arith.maxui %max3A_1064, %min3A_1098 : vector<16xi32>
      %min3A_1100 = arith.minui %max3A_1064, %min3A_1098 : vector<16xi32>
      %max3A_1101 = arith.maxui %max3A_1066, %min3A_1100 : vector<16xi32>
      %min3A_1102 = arith.minui %max3A_1066, %min3A_1100 : vector<16xi32>
      %get3A_1103 = arith.constant 31 : i32
      %get3A_1104 = arith.index_cast %get3A_1103 : i32 to index
      %get3A_1105 = arith.index_cast %mul3A_10 : i32 to index
      %get3A_1106 = tpu.vector_load %arg5[%get3A_1104, %get3A_1105] {strides = array<i32>} : memref<64x256xf32, #tpu.memory_space<vmem>>, vector<1x16xf32>,
      %get3A_1107 = vector.shape_cast %get3A_1106 : vector<1x16xf32> to vector<16xf32>
      %bitcast_convert_type3A_1108 = tpu.bitcast %get3A_1107 : vector<16xf32> -> vector<16xi32>
      %ge3A_1109 = arith.constant -2147483648 : i32
      %ge3A_1110 = vector.broadcast %ge3A_1109 : i32 to vector<16xi32>
      %ge3A_1111 = arith.cmpi uge, %bitcast_convert_type3A_1108, %ge3A_1110 : vector<16xi32>
      %xor3A_1112 = arith.constant -65536 : i32
      %xor3A_1113 = vector.broadcast %xor3A_1112 : i32 to vector<16xi32>
      %xor3A_1114 = arith.xori %bitcast_convert_type3A_1108, %xor3A_1113 : vector<16xi32>
      %or3A_1115 = arith.constant -2147483648 : i32
      %or3A_1116 = vector.broadcast %or3A_1115 : i32 to vector<16xi32>
      %or3A_1117 = arith.ori %bitcast_convert_type3A_1108, %or3A_1116 : vector<16xi32>
      %select_n3A_1118 = arith.select %ge3A_1111, %xor3A_1114, %or3A_1117 : vector<16xi1>, vector<16xi32>
      %add3A_1119 = arith.constant 32 : i32
      %add3A_1120 = vector.broadcast %add3A_1119 : i32 to vector<16xi32>
      %add3A_1121 = arith.addi %select_n3A_1118, %add3A_1120 : vector<16xi32>
      %max3A_1122 = arith.maxui %max3A_1087, %add3A_1121 : vector<16xi32>
      %min3A_1123 = arith.minui %max3A_1087, %add3A_1121 : vector<16xi32>
      %max3A_1124 = arith.maxui %max3A_1089, %min3A_1123 : vector<16xi32>
      %min3A_1125 = arith.minui %max3A_1089, %min3A_1123 : vector<16xi32>
      %max3A_1126 = arith.maxui %max3A_1091, %min3A_1125 : vector<16xi32>
      %min3A_1127 = arith.minui %max3A_1091, %min3A_1125 : vector<16xi32>
      %max3A_1128 = arith.maxui %max3A_1093, %min3A_1127 : vector<16xi32>
      %min3A_1129 = arith.minui %max3A_1093, %min3A_1127 : vector<16xi32>
      %max3A_1130 = arith.maxui %max3A_1095, %min3A_1129 : vector<16xi32>
      %min3A_1131 = arith.minui %max3A_1095, %min3A_1129 : vector<16xi32>
      %max3A_1132 = arith.maxui %max3A_1097, %min3A_1131 : vector<16xi32>
      %min3A_1133 = arith.minui %max3A_1097, %min3A_1131 : vector<16xi32>
      %max3A_1134 = arith.maxui %max3A_1099, %min3A_1133 : vector<16xi32>
      %min3A_1135 = arith.minui %max3A_1099, %min3A_1133 : vector<16xi32>
      %max3A_1136 = arith.maxui %max3A_1101, %min3A_1135 : vector<16xi32>
      %min3A_1137 = arith.minui %max3A_1101, %min3A_1135 : vector<16xi32>
      %get3A_1138 = arith.constant 32 : i32
      %get3A_1139 = arith.index_cast %get3A_1138 : i32 to index
      %get3A_1140 = arith.index_cast %mul3A_10 : i32 to index
      %get3A_1141 = tpu.vector_load %arg5[%get3A_1139, %get3A_1140] {strides = array<i32>} : memref<64x256xf32, #tpu.memory_space<vmem>>, vector<1x16xf32>,
      %get3A_1142 = vector.shape_cast %get3A_1141 : vector<1x16xf32> to vector<16xf32>
      %bitcast_convert_type3A_1143 = tpu.bitcast %get3A_1142 : vector<16xf32> -> vector<16xi32>
      %ge3A_1144 = arith.constant -2147483648 : i32
      %ge3A_1145 = vector.broadcast %ge3A_1144 : i32 to vector<16xi32>
      %ge3A_1146 = arith.cmpi uge, %bitcast_convert_type3A_1143, %ge3A_1145 : vector<16xi32>
      %xor3A_1147 = arith.constant -65536 : i32
      %xor3A_1148 = vector.broadcast %xor3A_1147 : i32 to vector<16xi32>
      %xor3A_1149 = arith.xori %bitcast_convert_type3A_1143, %xor3A_1148 : vector<16xi32>
      %or3A_1150 = arith.constant -2147483648 : i32
      %or3A_1151 = vector.broadcast %or3A_1150 : i32 to vector<16xi32>
      %or3A_1152 = arith.ori %bitcast_convert_type3A_1143, %or3A_1151 : vector<16xi32>
      %select_n3A_1153 = arith.select %ge3A_1146, %xor3A_1149, %or3A_1152 : vector<16xi1>, vector<16xi32>
      %add3A_1154 = arith.constant 31 : i32
      %add3A_1155 = vector.broadcast %add3A_1154 : i32 to vector<16xi32>
      %add3A_1156 = arith.addi %select_n3A_1153, %add3A_1155 : vector<16xi32>
      %max3A_1157 = arith.maxui %max3A_1122, %add3A_1156 : vector<16xi32>
      %min3A_1158 = arith.minui %max3A_1122, %add3A_1156 : vector<16xi32>
      %max3A_1159 = arith.maxui %max3A_1124, %min3A_1158 : vector<16xi32>
      %min3A_1160 = arith.minui %max3A_1124, %min3A_1158 : vector<16xi32>
      %max3A_1161 = arith.maxui %max3A_1126, %min3A_1160 : vector<16xi32>
      %min3A_1162 = arith.minui %max3A_1126, %min3A_1160 : vector<16xi32>
      %max3A_1163 = arith.maxui %max3A_1128, %min3A_1162 : vector<16xi32>
      %min3A_1164 = arith.minui %max3A_1128, %min3A_1162 : vector<16xi32>
      %max3A_1165 = arith.maxui %max3A_1130, %min3A_1164 : vector<16xi32>
      %min3A_1166 = arith.minui %max3A_1130, %min3A_1164 : vector<16xi32>
      %max3A_1167 = arith.maxui %max3A_1132, %min3A_1166 : vector<16xi32>
      %min3A_1168 = arith.minui %max3A_1132, %min3A_1166 : vector<16xi32>
      %max3A_1169 = arith.maxui %max3A_1134, %min3A_1168 : vector<16xi32>
      %min3A_1170 = arith.minui %max3A_1134, %min3A_1168 : vector<16xi32>
      %max3A_1171 = arith.maxui %max3A_1136, %min3A_1170 : vector<16xi32>
      %min3A_1172 = arith.minui %max3A_1136, %min3A_1170 : vector<16xi32>
      %get3A_1173 = arith.constant 33 : i32
      %get3A_1174 = arith.index_cast %get3A_1173 : i32 to index
      %get3A_1175 = arith.index_cast %mul3A_10 : i32 to index
      %get3A_1176 = tpu.vector_load %arg5[%get3A_1174, %get3A_1175] {strides = array<i32>} : memref<64x256xf32, #tpu.memory_space<vmem>>, vector<1x16xf32>,
      %get3A_1177 = vector.shape_cast %get3A_1176 : vector<1x16xf32> to vector<16xf32>
      %bitcast_convert_type3A_1178 = tpu.bitcast %get3A_1177 : vector<16xf32> -> vector<16xi32>
      %ge3A_1179 = arith.constant -2147483648 : i32
      %ge3A_1180 = vector.broadcast %ge3A_1179 : i32 to vector<16xi32>
      %ge3A_1181 = arith.cmpi uge, %bitcast_convert_type3A_1178, %ge3A_1180 : vector<16xi32>
      %xor3A_1182 = arith.constant -65536 : i32
      %xor3A_1183 = vector.broadcast %xor3A_1182 : i32 to vector<16xi32>
      %xor3A_1184 = arith.xori %bitcast_convert_type3A_1178, %xor3A_1183 : vector<16xi32>
      %or3A_1185 = arith.constant -2147483648 : i32
      %or3A_1186 = vector.broadcast %or3A_1185 : i32 to vector<16xi32>
      %or3A_1187 = arith.ori %bitcast_convert_type3A_1178, %or3A_1186 : vector<16xi32>
      %select_n3A_1188 = arith.select %ge3A_1181, %xor3A_1184, %or3A_1187 : vector<16xi1>, vector<16xi32>
      %add3A_1189 = arith.constant 30 : i32
      %add3A_1190 = vector.broadcast %add3A_1189 : i32 to vector<16xi32>
      %add3A_1191 = arith.addi %select_n3A_1188, %add3A_1190 : vector<16xi32>
      %max3A_1192 = arith.maxui %max3A_1157, %add3A_1191 : vector<16xi32>
      %min3A_1193 = arith.minui %max3A_1157, %add3A_1191 : vector<16xi32>
      %max3A_1194 = arith.maxui %max3A_1159, %min3A_1193 : vector<16xi32>
      %min3A_1195 = arith.minui %max3A_1159, %min3A_1193 : vector<16xi32>
      %max3A_1196 = arith.maxui %max3A_1161, %min3A_1195 : vector<16xi32>
      %min3A_1197 = arith.minui %max3A_1161, %min3A_1195 : vector<16xi32>
      %max3A_1198 = arith.maxui %max3A_1163, %min3A_1197 : vector<16xi32>
      %min3A_1199 = arith.minui %max3A_1163, %min3A_1197 : vector<16xi32>
      %max3A_1200 = arith.maxui %max3A_1165, %min3A_1199 : vector<16xi32>
      %min3A_1201 = arith.minui %max3A_1165, %min3A_1199 : vector<16xi32>
      %max3A_1202 = arith.maxui %max3A_1167, %min3A_1201 : vector<16xi32>
      %min3A_1203 = arith.minui %max3A_1167, %min3A_1201 : vector<16xi32>
      %max3A_1204 = arith.maxui %max3A_1169, %min3A_1203 : vector<16xi32>
      %min3A_1205 = arith.minui %max3A_1169, %min3A_1203 : vector<16xi32>
      %max3A_1206 = arith.maxui %max3A_1171, %min3A_1205 : vector<16xi32>
      %min3A_1207 = arith.minui %max3A_1171, %min3A_1205 : vector<16xi32>
      %get3A_1208 = arith.constant 34 : i32
      %get3A_1209 = arith.index_cast %get3A_1208 : i32 to index
      %get3A_1210 = arith.index_cast %mul3A_10 : i32 to index
      %get3A_1211 = tpu.vector_load %arg5[%get3A_1209, %get3A_1210] {strides = array<i32>} : memref<64x256xf32, #tpu.memory_space<vmem>>, vector<1x16xf32>,
      %get3A_1212 = vector.shape_cast %get3A_1211 : vector<1x16xf32> to vector<16xf32>
      %bitcast_convert_type3A_1213 = tpu.bitcast %get3A_1212 : vector<16xf32> -> vector<16xi32>
      %ge3A_1214 = arith.constant -2147483648 : i32
      %ge3A_1215 = vector.broadcast %ge3A_1214 : i32 to vector<16xi32>
      %ge3A_1216 = arith.cmpi uge, %bitcast_convert_type3A_1213, %ge3A_1215 : vector<16xi32>
      %xor3A_1217 = arith.constant -65536 : i32
      %xor3A_1218 = vector.broadcast %xor3A_1217 : i32 to vector<16xi32>
      %xor3A_1219 = arith.xori %bitcast_convert_type3A_1213, %xor3A_1218 : vector<16xi32>
      %or3A_1220 = arith.constant -2147483648 : i32
      %or3A_1221 = vector.broadcast %or3A_1220 : i32 to vector<16xi32>
      %or3A_1222 = arith.ori %bitcast_convert_type3A_1213, %or3A_1221 : vector<16xi32>
      %select_n3A_1223 = arith.select %ge3A_1216, %xor3A_1219, %or3A_1222 : vector<16xi1>, vector<16xi32>
      %add3A_1224 = arith.constant 29 : i32
      %add3A_1225 = vector.broadcast %add3A_1224 : i32 to vector<16xi32>
      %add3A_1226 = arith.addi %select_n3A_1223, %add3A_1225 : vector<16xi32>
      %max3A_1227 = arith.maxui %max3A_1192, %add3A_1226 : vector<16xi32>
      %min3A_1228 = arith.minui %max3A_1192, %add3A_1226 : vector<16xi32>
      %max3A_1229 = arith.maxui %max3A_1194, %min3A_1228 : vector<16xi32>
      %min3A_1230 = arith.minui %max3A_1194, %min3A_1228 : vector<16xi32>
      %max3A_1231 = arith.maxui %max3A_1196, %min3A_1230 : vector<16xi32>
      %min3A_1232 = arith.minui %max3A_1196, %min3A_1230 : vector<16xi32>
      %max3A_1233 = arith.maxui %max3A_1198, %min3A_1232 : vector<16xi32>
      %min3A_1234 = arith.minui %max3A_1198, %min3A_1232 : vector<16xi32>
      %max3A_1235 = arith.maxui %max3A_1200, %min3A_1234 : vector<16xi32>
      %min3A_1236 = arith.minui %max3A_1200, %min3A_1234 : vector<16xi32>
      %max3A_1237 = arith.maxui %max3A_1202, %min3A_1236 : vector<16xi32>
      %min3A_1238 = arith.minui %max3A_1202, %min3A_1236 : vector<16xi32>
      %max3A_1239 = arith.maxui %max3A_1204, %min3A_1238 : vector<16xi32>
      %min3A_1240 = arith.minui %max3A_1204, %min3A_1238 : vector<16xi32>
      %max3A_1241 = arith.maxui %max3A_1206, %min3A_1240 : vector<16xi32>
      %min3A_1242 = arith.minui %max3A_1206, %min3A_1240 : vector<16xi32>
      %get3A_1243 = arith.constant 35 : i32
      %get3A_1244 = arith.index_cast %get3A_1243 : i32 to index
      %get3A_1245 = arith.index_cast %mul3A_10 : i32 to index
      %get3A_1246 = tpu.vector_load %arg5[%get3A_1244, %get3A_1245] {strides = array<i32>} : memref<64x256xf32, #tpu.memory_space<vmem>>, vector<1x16xf32>,
      %get3A_1247 = vector.shape_cast %get3A_1246 : vector<1x16xf32> to vector<16xf32>
      %bitcast_convert_type3A_1248 = tpu.bitcast %get3A_1247 : vector<16xf32> -> vector<16xi32>
      %ge3A_1249 = arith.constant -2147483648 : i32
      %ge3A_1250 = vector.broadcast %ge3A_1249 : i32 to vector<16xi32>
      %ge3A_1251 = arith.cmpi uge, %bitcast_convert_type3A_1248, %ge3A_1250 : vector<16xi32>
      %xor3A_1252 = arith.constant -65536 : i32
      %xor3A_1253 = vector.broadcast %xor3A_1252 : i32 to vector<16xi32>
      %xor3A_1254 = arith.xori %bitcast_convert_type3A_1248, %xor3A_1253 : vector<16xi32>
      %or3A_1255 = arith.constant -2147483648 : i32
      %or3A_1256 = vector.broadcast %or3A_1255 : i32 to vector<16xi32>
      %or3A_1257 = arith.ori %bitcast_convert_type3A_1248, %or3A_1256 : vector<16xi32>
      %select_n3A_1258 = arith.select %ge3A_1251, %xor3A_1254, %or3A_1257 : vector<16xi1>, vector<16xi32>
      %add3A_1259 = arith.constant 28 : i32
      %add3A_1260 = vector.broadcast %add3A_1259 : i32 to vector<16xi32>
      %add3A_1261 = arith.addi %select_n3A_1258, %add3A_1260 : vector<16xi32>
      %max3A_1262 = arith.maxui %max3A_1227, %add3A_1261 : vector<16xi32>
      %min3A_1263 = arith.minui %max3A_1227, %add3A_1261 : vector<16xi32>
      %max3A_1264 = arith.maxui %max3A_1229, %min3A_1263 : vector<16xi32>
      %min3A_1265 = arith.minui %max3A_1229, %min3A_1263 : vector<16xi32>
      %max3A_1266 = arith.maxui %max3A_1231, %min3A_1265 : vector<16xi32>
      %min3A_1267 = arith.minui %max3A_1231, %min3A_1265 : vector<16xi32>
      %max3A_1268 = arith.maxui %max3A_1233, %min3A_1267 : vector<16xi32>
      %min3A_1269 = arith.minui %max3A_1233, %min3A_1267 : vector<16xi32>
      %max3A_1270 = arith.maxui %max3A_1235, %min3A_1269 : vector<16xi32>
      %min3A_1271 = arith.minui %max3A_1235, %min3A_1269 : vector<16xi32>
      %max3A_1272 = arith.maxui %max3A_1237, %min3A_1271 : vector<16xi32>
      %min3A_1273 = arith.minui %max3A_1237, %min3A_1271 : vector<16xi32>
      %max3A_1274 = arith.maxui %max3A_1239, %min3A_1273 : vector<16xi32>
      %min3A_1275 = arith.minui %max3A_1239, %min3A_1273 : vector<16xi32>
      %max3A_1276 = arith.maxui %max3A_1241, %min3A_1275 : vector<16xi32>
      %min3A_1277 = arith.minui %max3A_1241, %min3A_1275 : vector<16xi32>
      %get3A_1278 = arith.constant 36 : i32
      %get3A_1279 = arith.index_cast %get3A_1278 : i32 to index
      %get3A_1280 = arith.index_cast %mul3A_10 : i32 to index
      %get3A_1281 = tpu.vector_load %arg5[%get3A_1279, %get3A_1280] {strides = array<i32>} : memref<64x256xf32, #tpu.memory_space<vmem>>, vector<1x16xf32>,
      %get3A_1282 = vector.shape_cast %get3A_1281 : vector<1x16xf32> to vector<16xf32>
      %bitcast_convert_type3A_1283 = tpu.bitcast %get3A_1282 : vector<16xf32> -> vector<16xi32>
      %ge3A_1284 = arith.constant -2147483648 : i32
      %ge3A_1285 = vector.broadcast %ge3A_1284 : i32 to vector<16xi32>
      %ge3A_1286 = arith.cmpi uge, %bitcast_convert_type3A_1283, %ge3A_1285 : vector<16xi32>
      %xor3A_1287 = arith.constant -65536 : i32
      %xor3A_1288 = vector.broadcast %xor3A_1287 : i32 to vector<16xi32>
      %xor3A_1289 = arith.xori %bitcast_convert_type3A_1283, %xor3A_1288 : vector<16xi32>
      %or3A_1290 = arith.constant -2147483648 : i32
      %or3A_1291 = vector.broadcast %or3A_1290 : i32 to vector<16xi32>
      %or3A_1292 = arith.ori %bitcast_convert_type3A_1283, %or3A_1291 : vector<16xi32>
      %select_n3A_1293 = arith.select %ge3A_1286, %xor3A_1289, %or3A_1292 : vector<16xi1>, vector<16xi32>
      %add3A_1294 = arith.constant 27 : i32
      %add3A_1295 = vector.broadcast %add3A_1294 : i32 to vector<16xi32>
      %add3A_1296 = arith.addi %select_n3A_1293, %add3A_1295 : vector<16xi32>
      %max3A_1297 = arith.maxui %max3A_1262, %add3A_1296 : vector<16xi32>
      %min3A_1298 = arith.minui %max3A_1262, %add3A_1296 : vector<16xi32>
      %max3A_1299 = arith.maxui %max3A_1264, %min3A_1298 : vector<16xi32>
      %min3A_1300 = arith.minui %max3A_1264, %min3A_1298 : vector<16xi32>
      %max3A_1301 = arith.maxui %max3A_1266, %min3A_1300 : vector<16xi32>
      %min3A_1302 = arith.minui %max3A_1266, %min3A_1300 : vector<16xi32>
      %max3A_1303 = arith.maxui %max3A_1268, %min3A_1302 : vector<16xi32>
      %min3A_1304 = arith.minui %max3A_1268, %min3A_1302 : vector<16xi32>
      %max3A_1305 = arith.maxui %max3A_1270, %min3A_1304 : vector<16xi32>
      %min3A_1306 = arith.minui %max3A_1270, %min3A_1304 : vector<16xi32>
      %max3A_1307 = arith.maxui %max3A_1272, %min3A_1306 : vector<16xi32>
      %min3A_1308 = arith.minui %max3A_1272, %min3A_1306 : vector<16xi32>
      %max3A_1309 = arith.maxui %max3A_1274, %min3A_1308 : vector<16xi32>
      %min3A_1310 = arith.minui %max3A_1274, %min3A_1308 : vector<16xi32>
      %max3A_1311 = arith.maxui %max3A_1276, %min3A_1310 : vector<16xi32>
      %min3A_1312 = arith.minui %max3A_1276, %min3A_1310 : vector<16xi32>
      %get3A_1313 = arith.constant 37 : i32
      %get3A_1314 = arith.index_cast %get3A_1313 : i32 to index
      %get3A_1315 = arith.index_cast %mul3A_10 : i32 to index
      %get3A_1316 = tpu.vector_load %arg5[%get3A_1314, %get3A_1315] {strides = array<i32>} : memref<64x256xf32, #tpu.memory_space<vmem>>, vector<1x16xf32>,
      %get3A_1317 = vector.shape_cast %get3A_1316 : vector<1x16xf32> to vector<16xf32>
      %bitcast_convert_type3A_1318 = tpu.bitcast %get3A_1317 : vector<16xf32> -> vector<16xi32>
      %ge3A_1319 = arith.constant -2147483648 : i32
      %ge3A_1320 = vector.broadcast %ge3A_1319 : i32 to vector<16xi32>
      %ge3A_1321 = arith.cmpi uge, %bitcast_convert_type3A_1318, %ge3A_1320 : vector<16xi32>
      %xor3A_1322 = arith.constant -65536 : i32
      %xor3A_1323 = vector.broadcast %xor3A_1322 : i32 to vector<16xi32>
      %xor3A_1324 = arith.xori %bitcast_convert_type3A_1318, %xor3A_1323 : vector<16xi32>
      %or3A_1325 = arith.constant -2147483648 : i32
      %or3A_1326 = vector.broadcast %or3A_1325 : i32 to vector<16xi32>
      %or3A_1327 = arith.ori %bitcast_convert_type3A_1318, %or3A_1326 : vector<16xi32>
      %select_n3A_1328 = arith.select %ge3A_1321, %xor3A_1324, %or3A_1327 : vector<16xi1>, vector<16xi32>
      %add3A_1329 = arith.constant 26 : i32
      %add3A_1330 = vector.broadcast %add3A_1329 : i32 to vector<16xi32>
      %add3A_1331 = arith.addi %select_n3A_1328, %add3A_1330 : vector<16xi32>
      %max3A_1332 = arith.maxui %max3A_1297, %add3A_1331 : vector<16xi32>
      %min3A_1333 = arith.minui %max3A_1297, %add3A_1331 : vector<16xi32>
      %max3A_1334 = arith.maxui %max3A_1299, %min3A_1333 : vector<16xi32>
      %min3A_1335 = arith.minui %max3A_1299, %min3A_1333 : vector<16xi32>
      %max3A_1336 = arith.maxui %max3A_1301, %min3A_1335 : vector<16xi32>
      %min3A_1337 = arith.minui %max3A_1301, %min3A_1335 : vector<16xi32>
      %max3A_1338 = arith.maxui %max3A_1303, %min3A_1337 : vector<16xi32>
      %min3A_1339 = arith.minui %max3A_1303, %min3A_1337 : vector<16xi32>
      %max3A_1340 = arith.maxui %max3A_1305, %min3A_1339 : vector<16xi32>
      %min3A_1341 = arith.minui %max3A_1305, %min3A_1339 : vector<16xi32>
      %max3A_1342 = arith.maxui %max3A_1307, %min3A_1341 : vector<16xi32>
      %min3A_1343 = arith.minui %max3A_1307, %min3A_1341 : vector<16xi32>
      %max3A_1344 = arith.maxui %max3A_1309, %min3A_1343 : vector<16xi32>
      %min3A_1345 = arith.minui %max3A_1309, %min3A_1343 : vector<16xi32>
      %max3A_1346 = arith.maxui %max3A_1311, %min3A_1345 : vector<16xi32>
      %min3A_1347 = arith.minui %max3A_1311, %min3A_1345 : vector<16xi32>
      %get3A_1348 = arith.constant 38 : i32
      %get3A_1349 = arith.index_cast %get3A_1348 : i32 to index
      %get3A_1350 = arith.index_cast %mul3A_10 : i32 to index
      %get3A_1351 = tpu.vector_load %arg5[%get3A_1349, %get3A_1350] {strides = array<i32>} : memref<64x256xf32, #tpu.memory_space<vmem>>, vector<1x16xf32>,
      %get3A_1352 = vector.shape_cast %get3A_1351 : vector<1x16xf32> to vector<16xf32>
      %bitcast_convert_type3A_1353 = tpu.bitcast %get3A_1352 : vector<16xf32> -> vector<16xi32>
      %ge3A_1354 = arith.constant -2147483648 : i32
      %ge3A_1355 = vector.broadcast %ge3A_1354 : i32 to vector<16xi32>
      %ge3A_1356 = arith.cmpi uge, %bitcast_convert_type3A_1353, %ge3A_1355 : vector<16xi32>
      %xor3A_1357 = arith.constant -65536 : i32
      %xor3A_1358 = vector.broadcast %xor3A_1357 : i32 to vector<16xi32>
      %xor3A_1359 = arith.xori %bitcast_convert_type3A_1353, %xor3A_1358 : vector<16xi32>
      %or3A_1360 = arith.constant -2147483648 : i32
      %or3A_1361 = vector.broadcast %or3A_1360 : i32 to vector<16xi32>
      %or3A_1362 = arith.ori %bitcast_convert_type3A_1353, %or3A_1361 : vector<16xi32>
      %select_n3A_1363 = arith.select %ge3A_1356, %xor3A_1359, %or3A_1362 : vector<16xi1>, vector<16xi32>
      %add3A_1364 = arith.constant 25 : i32
      %add3A_1365 = vector.broadcast %add3A_1364 : i32 to vector<16xi32>
      %add3A_1366 = arith.addi %select_n3A_1363, %add3A_1365 : vector<16xi32>
      %max3A_1367 = arith.maxui %max3A_1332, %add3A_1366 : vector<16xi32>
      %min3A_1368 = arith.minui %max3A_1332, %add3A_1366 : vector<16xi32>
      %max3A_1369 = arith.maxui %max3A_1334, %min3A_1368 : vector<16xi32>
      %min3A_1370 = arith.minui %max3A_1334, %min3A_1368 : vector<16xi32>
      %max3A_1371 = arith.maxui %max3A_1336, %min3A_1370 : vector<16xi32>
      %min3A_1372 = arith.minui %max3A_1336, %min3A_1370 : vector<16xi32>
      %max3A_1373 = arith.maxui %max3A_1338, %min3A_1372 : vector<16xi32>
      %min3A_1374 = arith.minui %max3A_1338, %min3A_1372 : vector<16xi32>
      %max3A_1375 = arith.maxui %max3A_1340, %min3A_1374 : vector<16xi32>
      %min3A_1376 = arith.minui %max3A_1340, %min3A_1374 : vector<16xi32>
      %max3A_1377 = arith.maxui %max3A_1342, %min3A_1376 : vector<16xi32>
      %min3A_1378 = arith.minui %max3A_1342, %min3A_1376 : vector<16xi32>
      %max3A_1379 = arith.maxui %max3A_1344, %min3A_1378 : vector<16xi32>
      %min3A_1380 = arith.minui %max3A_1344, %min3A_1378 : vector<16xi32>
      %max3A_1381 = arith.maxui %max3A_1346, %min3A_1380 : vector<16xi32>
      %min3A_1382 = arith.minui %max3A_1346, %min3A_1380 : vector<16xi32>
      %get3A_1383 = arith.constant 39 : i32
      %get3A_1384 = arith.index_cast %get3A_1383 : i32 to index
      %get3A_1385 = arith.index_cast %mul3A_10 : i32 to index
      %get3A_1386 = tpu.vector_load %arg5[%get3A_1384, %get3A_1385] {strides = array<i32>} : memref<64x256xf32, #tpu.memory_space<vmem>>, vector<1x16xf32>,
      %get3A_1387 = vector.shape_cast %get3A_1386 : vector<1x16xf32> to vector<16xf32>
      %bitcast_convert_type3A_1388 = tpu.bitcast %get3A_1387 : vector<16xf32> -> vector<16xi32>
      %ge3A_1389 = arith.constant -2147483648 : i32
      %ge3A_1390 = vector.broadcast %ge3A_1389 : i32 to vector<16xi32>
      %ge3A_1391 = arith.cmpi uge, %bitcast_convert_type3A_1388, %ge3A_1390 : vector<16xi32>
      %xor3A_1392 = arith.constant -65536 : i32
      %xor3A_1393 = vector.broadcast %xor3A_1392 : i32 to vector<16xi32>
      %xor3A_1394 = arith.xori %bitcast_convert_type3A_1388, %xor3A_1393 : vector<16xi32>
      %or3A_1395 = arith.constant -2147483648 : i32
      %or3A_1396 = vector.broadcast %or3A_1395 : i32 to vector<16xi32>
      %or3A_1397 = arith.ori %bitcast_convert_type3A_1388, %or3A_1396 : vector<16xi32>
      %select_n3A_1398 = arith.select %ge3A_1391, %xor3A_1394, %or3A_1397 : vector<16xi1>, vector<16xi32>
      %add3A_1399 = arith.constant 24 : i32
      %add3A_1400 = vector.broadcast %add3A_1399 : i32 to vector<16xi32>
      %add3A_1401 = arith.addi %select_n3A_1398, %add3A_1400 : vector<16xi32>
      %max3A_1402 = arith.maxui %max3A_1367, %add3A_1401 : vector<16xi32>
      %min3A_1403 = arith.minui %max3A_1367, %add3A_1401 : vector<16xi32>
      %max3A_1404 = arith.maxui %max3A_1369, %min3A_1403 : vector<16xi32>
      %min3A_1405 = arith.minui %max3A_1369, %min3A_1403 : vector<16xi32>
      %max3A_1406 = arith.maxui %max3A_1371, %min3A_1405 : vector<16xi32>
      %min3A_1407 = arith.minui %max3A_1371, %min3A_1405 : vector<16xi32>
      %max3A_1408 = arith.maxui %max3A_1373, %min3A_1407 : vector<16xi32>
      %min3A_1409 = arith.minui %max3A_1373, %min3A_1407 : vector<16xi32>
      %max3A_1410 = arith.maxui %max3A_1375, %min3A_1409 : vector<16xi32>
      %min3A_1411 = arith.minui %max3A_1375, %min3A_1409 : vector<16xi32>
      %max3A_1412 = arith.maxui %max3A_1377, %min3A_1411 : vector<16xi32>
      %min3A_1413 = arith.minui %max3A_1377, %min3A_1411 : vector<16xi32>
      %max3A_1414 = arith.maxui %max3A_1379, %min3A_1413 : vector<16xi32>
      %min3A_1415 = arith.minui %max3A_1379, %min3A_1413 : vector<16xi32>
      %max3A_1416 = arith.maxui %max3A_1381, %min3A_1415 : vector<16xi32>
      %min3A_1417 = arith.minui %max3A_1381, %min3A_1415 : vector<16xi32>
      %get3A_1418 = arith.constant 40 : i32
      %get3A_1419 = arith.index_cast %get3A_1418 : i32 to index
      %get3A_1420 = arith.index_cast %mul3A_10 : i32 to index
      %get3A_1421 = tpu.vector_load %arg5[%get3A_1419, %get3A_1420] {strides = array<i32>} : memref<64x256xf32, #tpu.memory_space<vmem>>, vector<1x16xf32>,
      %get3A_1422 = vector.shape_cast %get3A_1421 : vector<1x16xf32> to vector<16xf32>
      %bitcast_convert_type3A_1423 = tpu.bitcast %get3A_1422 : vector<16xf32> -> vector<16xi32>
      %ge3A_1424 = arith.constant -2147483648 : i32
      %ge3A_1425 = vector.broadcast %ge3A_1424 : i32 to vector<16xi32>
      %ge3A_1426 = arith.cmpi uge, %bitcast_convert_type3A_1423, %ge3A_1425 : vector<16xi32>
      %xor3A_1427 = arith.constant -65536 : i32
      %xor3A_1428 = vector.broadcast %xor3A_1427 : i32 to vector<16xi32>
      %xor3A_1429 = arith.xori %bitcast_convert_type3A_1423, %xor3A_1428 : vector<16xi32>
      %or3A_1430 = arith.constant -2147483648 : i32
      %or3A_1431 = vector.broadcast %or3A_1430 : i32 to vector<16xi32>
      %or3A_1432 = arith.ori %bitcast_convert_type3A_1423, %or3A_1431 : vector<16xi32>
      %select_n3A_1433 = arith.select %ge3A_1426, %xor3A_1429, %or3A_1432 : vector<16xi1>, vector<16xi32>
      %add3A_1434 = arith.constant 23 : i32
      %add3A_1435 = vector.broadcast %add3A_1434 : i32 to vector<16xi32>
      %add3A_1436 = arith.addi %select_n3A_1433, %add3A_1435 : vector<16xi32>
      %max3A_1437 = arith.maxui %max3A_1402, %add3A_1436 : vector<16xi32>
      %min3A_1438 = arith.minui %max3A_1402, %add3A_1436 : vector<16xi32>
      %max3A_1439 = arith.maxui %max3A_1404, %min3A_1438 : vector<16xi32>
      %min3A_1440 = arith.minui %max3A_1404, %min3A_1438 : vector<16xi32>
      %max3A_1441 = arith.maxui %max3A_1406, %min3A_1440 : vector<16xi32>
      %min3A_1442 = arith.minui %max3A_1406, %min3A_1440 : vector<16xi32>
      %max3A_1443 = arith.maxui %max3A_1408, %min3A_1442 : vector<16xi32>
      %min3A_1444 = arith.minui %max3A_1408, %min3A_1442 : vector<16xi32>
      %max3A_1445 = arith.maxui %max3A_1410, %min3A_1444 : vector<16xi32>
      %min3A_1446 = arith.minui %max3A_1410, %min3A_1444 : vector<16xi32>
      %max3A_1447 = arith.maxui %max3A_1412, %min3A_1446 : vector<16xi32>
      %min3A_1448 = arith.minui %max3A_1412, %min3A_1446 : vector<16xi32>
      %max3A_1449 = arith.maxui %max3A_1414, %min3A_1448 : vector<16xi32>
      %min3A_1450 = arith.minui %max3A_1414, %min3A_1448 : vector<16xi32>
      %max3A_1451 = arith.maxui %max3A_1416, %min3A_1450 : vector<16xi32>
      %min3A_1452 = arith.minui %max3A_1416, %min3A_1450 : vector<16xi32>
      %get3A_1453 = arith.constant 41 : i32
      %get3A_1454 = arith.index_cast %get3A_1453 : i32 to index
      %get3A_1455 = arith.index_cast %mul3A_10 : i32 to index
      %get3A_1456 = tpu.vector_load %arg5[%get3A_1454, %get3A_1455] {strides = array<i32>} : memref<64x256xf32, #tpu.memory_space<vmem>>, vector<1x16xf32>,
      %get3A_1457 = vector.shape_cast %get3A_1456 : vector<1x16xf32> to vector<16xf32>
      %bitcast_convert_type3A_1458 = tpu.bitcast %get3A_1457 : vector<16xf32> -> vector<16xi32>
      %ge3A_1459 = arith.constant -2147483648 : i32
      %ge3A_1460 = vector.broadcast %ge3A_1459 : i32 to vector<16xi32>
      %ge3A_1461 = arith.cmpi uge, %bitcast_convert_type3A_1458, %ge3A_1460 : vector<16xi32>
      %xor3A_1462 = arith.constant -65536 : i32
      %xor3A_1463 = vector.broadcast %xor3A_1462 : i32 to vector<16xi32>
      %xor3A_1464 = arith.xori %bitcast_convert_type3A_1458, %xor3A_1463 : vector<16xi32>
      %or3A_1465 = arith.constant -2147483648 : i32
      %or3A_1466 = vector.broadcast %or3A_1465 : i32 to vector<16xi32>
      %or3A_1467 = arith.ori %bitcast_convert_type3A_1458, %or3A_1466 : vector<16xi32>
      %select_n3A_1468 = arith.select %ge3A_1461, %xor3A_1464, %or3A_1467 : vector<16xi1>, vector<16xi32>
      %add3A_1469 = arith.constant 22 : i32
      %add3A_1470 = vector.broadcast %add3A_1469 : i32 to vector<16xi32>
      %add3A_1471 = arith.addi %select_n3A_1468, %add3A_1470 : vector<16xi32>
      %max3A_1472 = arith.maxui %max3A_1437, %add3A_1471 : vector<16xi32>
      %min3A_1473 = arith.minui %max3A_1437, %add3A_1471 : vector<16xi32>
      %max3A_1474 = arith.maxui %max3A_1439, %min3A_1473 : vector<16xi32>
      %min3A_1475 = arith.minui %max3A_1439, %min3A_1473 : vector<16xi32>
      %max3A_1476 = arith.maxui %max3A_1441, %min3A_1475 : vector<16xi32>
      %min3A_1477 = arith.minui %max3A_1441, %min3A_1475 : vector<16xi32>
      %max3A_1478 = arith.maxui %max3A_1443, %min3A_1477 : vector<16xi32>
      %min3A_1479 = arith.minui %max3A_1443, %min3A_1477 : vector<16xi32>
      %max3A_1480 = arith.maxui %max3A_1445, %min3A_1479 : vector<16xi32>
      %min3A_1481 = arith.minui %max3A_1445, %min3A_1479 : vector<16xi32>
      %max3A_1482 = arith.maxui %max3A_1447, %min3A_1481 : vector<16xi32>
      %min3A_1483 = arith.minui %max3A_1447, %min3A_1481 : vector<16xi32>
      %max3A_1484 = arith.maxui %max3A_1449, %min3A_1483 : vector<16xi32>
      %min3A_1485 = arith.minui %max3A_1449, %min3A_1483 : vector<16xi32>
      %max3A_1486 = arith.maxui %max3A_1451, %min3A_1485 : vector<16xi32>
      %min3A_1487 = arith.minui %max3A_1451, %min3A_1485 : vector<16xi32>
      %get3A_1488 = arith.constant 42 : i32
      %get3A_1489 = arith.index_cast %get3A_1488 : i32 to index
      %get3A_1490 = arith.index_cast %mul3A_10 : i32 to index
      %get3A_1491 = tpu.vector_load %arg5[%get3A_1489, %get3A_1490] {strides = array<i32>} : memref<64x256xf32, #tpu.memory_space<vmem>>, vector<1x16xf32>,
      %get3A_1492 = vector.shape_cast %get3A_1491 : vector<1x16xf32> to vector<16xf32>
      %bitcast_convert_type3A_1493 = tpu.bitcast %get3A_1492 : vector<16xf32> -> vector<16xi32>
      %ge3A_1494 = arith.constant -2147483648 : i32
      %ge3A_1495 = vector.broadcast %ge3A_1494 : i32 to vector<16xi32>
      %ge3A_1496 = arith.cmpi uge, %bitcast_convert_type3A_1493, %ge3A_1495 : vector<16xi32>
      %xor3A_1497 = arith.constant -65536 : i32
      %xor3A_1498 = vector.broadcast %xor3A_1497 : i32 to vector<16xi32>
      %xor3A_1499 = arith.xori %bitcast_convert_type3A_1493, %xor3A_1498 : vector<16xi32>
      %or3A_1500 = arith.constant -2147483648 : i32
      %or3A_1501 = vector.broadcast %or3A_1500 : i32 to vector<16xi32>
      %or3A_1502 = arith.ori %bitcast_convert_type3A_1493, %or3A_1501 : vector<16xi32>
      %select_n3A_1503 = arith.select %ge3A_1496, %xor3A_1499, %or3A_1502 : vector<16xi1>, vector<16xi32>
      %add3A_1504 = arith.constant 21 : i32
      %add3A_1505 = vector.broadcast %add3A_1504 : i32 to vector<16xi32>
      %add3A_1506 = arith.addi %select_n3A_1503, %add3A_1505 : vector<16xi32>
      %max3A_1507 = arith.maxui %max3A_1472, %add3A_1506 : vector<16xi32>
      %min3A_1508 = arith.minui %max3A_1472, %add3A_1506 : vector<16xi32>
      %max3A_1509 = arith.maxui %max3A_1474, %min3A_1508 : vector<16xi32>
      %min3A_1510 = arith.minui %max3A_1474, %min3A_1508 : vector<16xi32>
      %max3A_1511 = arith.maxui %max3A_1476, %min3A_1510 : vector<16xi32>
      %min3A_1512 = arith.minui %max3A_1476, %min3A_1510 : vector<16xi32>
      %max3A_1513 = arith.maxui %max3A_1478, %min3A_1512 : vector<16xi32>
      %min3A_1514 = arith.minui %max3A_1478, %min3A_1512 : vector<16xi32>
      %max3A_1515 = arith.maxui %max3A_1480, %min3A_1514 : vector<16xi32>
      %min3A_1516 = arith.minui %max3A_1480, %min3A_1514 : vector<16xi32>
      %max3A_1517 = arith.maxui %max3A_1482, %min3A_1516 : vector<16xi32>
      %min3A_1518 = arith.minui %max3A_1482, %min3A_1516 : vector<16xi32>
      %max3A_1519 = arith.maxui %max3A_1484, %min3A_1518 : vector<16xi32>
      %min3A_1520 = arith.minui %max3A_1484, %min3A_1518 : vector<16xi32>
      %max3A_1521 = arith.maxui %max3A_1486, %min3A_1520 : vector<16xi32>
      %min3A_1522 = arith.minui %max3A_1486, %min3A_1520 : vector<16xi32>
      %get3A_1523 = arith.constant 43 : i32
      %get3A_1524 = arith.index_cast %get3A_1523 : i32 to index
      %get3A_1525 = arith.index_cast %mul3A_10 : i32 to index
      %get3A_1526 = tpu.vector_load %arg5[%get3A_1524, %get3A_1525] {strides = array<i32>} : memref<64x256xf32, #tpu.memory_space<vmem>>, vector<1x16xf32>,
      %get3A_1527 = vector.shape_cast %get3A_1526 : vector<1x16xf32> to vector<16xf32>
      %bitcast_convert_type3A_1528 = tpu.bitcast %get3A_1527 : vector<16xf32> -> vector<16xi32>
      %ge3A_1529 = arith.constant -2147483648 : i32
      %ge3A_1530 = vector.broadcast %ge3A_1529 : i32 to vector<16xi32>
      %ge3A_1531 = arith.cmpi uge, %bitcast_convert_type3A_1528, %ge3A_1530 : vector<16xi32>
      %xor3A_1532 = arith.constant -65536 : i32
      %xor3A_1533 = vector.broadcast %xor3A_1532 : i32 to vector<16xi32>
      %xor3A_1534 = arith.xori %bitcast_convert_type3A_1528, %xor3A_1533 : vector<16xi32>
      %or3A_1535 = arith.constant -2147483648 : i32
      %or3A_1536 = vector.broadcast %or3A_1535 : i32 to vector<16xi32>
      %or3A_1537 = arith.ori %bitcast_convert_type3A_1528, %or3A_1536 : vector<16xi32>
      %select_n3A_1538 = arith.select %ge3A_1531, %xor3A_1534, %or3A_1537 : vector<16xi1>, vector<16xi32>
      %add3A_1539 = arith.constant 20 : i32
      %add3A_1540 = vector.broadcast %add3A_1539 : i32 to vector<16xi32>
      %add3A_1541 = arith.addi %select_n3A_1538, %add3A_1540 : vector<16xi32>
      %max3A_1542 = arith.maxui %max3A_1507, %add3A_1541 : vector<16xi32>
      %min3A_1543 = arith.minui %max3A_1507, %add3A_1541 : vector<16xi32>
      %max3A_1544 = arith.maxui %max3A_1509, %min3A_1543 : vector<16xi32>
      %min3A_1545 = arith.minui %max3A_1509, %min3A_1543 : vector<16xi32>
      %max3A_1546 = arith.maxui %max3A_1511, %min3A_1545 : vector<16xi32>
      %min3A_1547 = arith.minui %max3A_1511, %min3A_1545 : vector<16xi32>
      %max3A_1548 = arith.maxui %max3A_1513, %min3A_1547 : vector<16xi32>
      %min3A_1549 = arith.minui %max3A_1513, %min3A_1547 : vector<16xi32>
      %max3A_1550 = arith.maxui %max3A_1515, %min3A_1549 : vector<16xi32>
      %min3A_1551 = arith.minui %max3A_1515, %min3A_1549 : vector<16xi32>
      %max3A_1552 = arith.maxui %max3A_1517, %min3A_1551 : vector<16xi32>
      %min3A_1553 = arith.minui %max3A_1517, %min3A_1551 : vector<16xi32>
      %max3A_1554 = arith.maxui %max3A_1519, %min3A_1553 : vector<16xi32>
      %min3A_1555 = arith.minui %max3A_1519, %min3A_1553 : vector<16xi32>
      %max3A_1556 = arith.maxui %max3A_1521, %min3A_1555 : vector<16xi32>
      %min3A_1557 = arith.minui %max3A_1521, %min3A_1555 : vector<16xi32>
      %get3A_1558 = arith.constant 44 : i32
      %get3A_1559 = arith.index_cast %get3A_1558 : i32 to index
      %get3A_1560 = arith.index_cast %mul3A_10 : i32 to index
      %get3A_1561 = tpu.vector_load %arg5[%get3A_1559, %get3A_1560] {strides = array<i32>} : memref<64x256xf32, #tpu.memory_space<vmem>>, vector<1x16xf32>,
      %get3A_1562 = vector.shape_cast %get3A_1561 : vector<1x16xf32> to vector<16xf32>
      %bitcast_convert_type3A_1563 = tpu.bitcast %get3A_1562 : vector<16xf32> -> vector<16xi32>
      %ge3A_1564 = arith.constant -2147483648 : i32
      %ge3A_1565 = vector.broadcast %ge3A_1564 : i32 to vector<16xi32>
      %ge3A_1566 = arith.cmpi uge, %bitcast_convert_type3A_1563, %ge3A_1565 : vector<16xi32>
      %xor3A_1567 = arith.constant -65536 : i32
      %xor3A_1568 = vector.broadcast %xor3A_1567 : i32 to vector<16xi32>
      %xor3A_1569 = arith.xori %bitcast_convert_type3A_1563, %xor3A_1568 : vector<16xi32>
      %or3A_1570 = arith.constant -2147483648 : i32
      %or3A_1571 = vector.broadcast %or3A_1570 : i32 to vector<16xi32>
      %or3A_1572 = arith.ori %bitcast_convert_type3A_1563, %or3A_1571 : vector<16xi32>
      %select_n3A_1573 = arith.select %ge3A_1566, %xor3A_1569, %or3A_1572 : vector<16xi1>, vector<16xi32>
      %add3A_1574 = arith.constant 19 : i32
      %add3A_1575 = vector.broadcast %add3A_1574 : i32 to vector<16xi32>
      %add3A_1576 = arith.addi %select_n3A_1573, %add3A_1575 : vector<16xi32>
      %max3A_1577 = arith.maxui %max3A_1542, %add3A_1576 : vector<16xi32>
      %min3A_1578 = arith.minui %max3A_1542, %add3A_1576 : vector<16xi32>
      %max3A_1579 = arith.maxui %max3A_1544, %min3A_1578 : vector<16xi32>
      %min3A_1580 = arith.minui %max3A_1544, %min3A_1578 : vector<16xi32>
      %max3A_1581 = arith.maxui %max3A_1546, %min3A_1580 : vector<16xi32>
      %min3A_1582 = arith.minui %max3A_1546, %min3A_1580 : vector<16xi32>
      %max3A_1583 = arith.maxui %max3A_1548, %min3A_1582 : vector<16xi32>
      %min3A_1584 = arith.minui %max3A_1548, %min3A_1582 : vector<16xi32>
      %max3A_1585 = arith.maxui %max3A_1550, %min3A_1584 : vector<16xi32>
      %min3A_1586 = arith.minui %max3A_1550, %min3A_1584 : vector<16xi32>
      %max3A_1587 = arith.maxui %max3A_1552, %min3A_1586 : vector<16xi32>
      %min3A_1588 = arith.minui %max3A_1552, %min3A_1586 : vector<16xi32>
      %max3A_1589 = arith.maxui %max3A_1554, %min3A_1588 : vector<16xi32>
      %min3A_1590 = arith.minui %max3A_1554, %min3A_1588 : vector<16xi32>
      %max3A_1591 = arith.maxui %max3A_1556, %min3A_1590 : vector<16xi32>
      %min3A_1592 = arith.minui %max3A_1556, %min3A_1590 : vector<16xi32>
      %get3A_1593 = arith.constant 45 : i32
      %get3A_1594 = arith.index_cast %get3A_1593 : i32 to index
      %get3A_1595 = arith.index_cast %mul3A_10 : i32 to index
      %get3A_1596 = tpu.vector_load %arg5[%get3A_1594, %get3A_1595] {strides = array<i32>} : memref<64x256xf32, #tpu.memory_space<vmem>>, vector<1x16xf32>,
      %get3A_1597 = vector.shape_cast %get3A_1596 : vector<1x16xf32> to vector<16xf32>
      %bitcast_convert_type3A_1598 = tpu.bitcast %get3A_1597 : vector<16xf32> -> vector<16xi32>
      %ge3A_1599 = arith.constant -2147483648 : i32
      %ge3A_1600 = vector.broadcast %ge3A_1599 : i32 to vector<16xi32>
      %ge3A_1601 = arith.cmpi uge, %bitcast_convert_type3A_1598, %ge3A_1600 : vector<16xi32>
      %xor3A_1602 = arith.constant -65536 : i32
      %xor3A_1603 = vector.broadcast %xor3A_1602 : i32 to vector<16xi32>
      %xor3A_1604 = arith.xori %bitcast_convert_type3A_1598, %xor3A_1603 : vector<16xi32>
      %or3A_1605 = arith.constant -2147483648 : i32
      %or3A_1606 = vector.broadcast %or3A_1605 : i32 to vector<16xi32>
      %or3A_1607 = arith.ori %bitcast_convert_type3A_1598, %or3A_1606 : vector<16xi32>
      %select_n3A_1608 = arith.select %ge3A_1601, %xor3A_1604, %or3A_1607 : vector<16xi1>, vector<16xi32>
      %add3A_1609 = arith.constant 18 : i32
      %add3A_1610 = vector.broadcast %add3A_1609 : i32 to vector<16xi32>
      %add3A_1611 = arith.addi %select_n3A_1608, %add3A_1610 : vector<16xi32>
      %max3A_1612 = arith.maxui %max3A_1577, %add3A_1611 : vector<16xi32>
      %min3A_1613 = arith.minui %max3A_1577, %add3A_1611 : vector<16xi32>
      %max3A_1614 = arith.maxui %max3A_1579, %min3A_1613 : vector<16xi32>
      %min3A_1615 = arith.minui %max3A_1579, %min3A_1613 : vector<16xi32>
      %max3A_1616 = arith.maxui %max3A_1581, %min3A_1615 : vector<16xi32>
      %min3A_1617 = arith.minui %max3A_1581, %min3A_1615 : vector<16xi32>
      %max3A_1618 = arith.maxui %max3A_1583, %min3A_1617 : vector<16xi32>
      %min3A_1619 = arith.minui %max3A_1583, %min3A_1617 : vector<16xi32>
      %max3A_1620 = arith.maxui %max3A_1585, %min3A_1619 : vector<16xi32>
      %min3A_1621 = arith.minui %max3A_1585, %min3A_1619 : vector<16xi32>
      %max3A_1622 = arith.maxui %max3A_1587, %min3A_1621 : vector<16xi32>
      %min3A_1623 = arith.minui %max3A_1587, %min3A_1621 : vector<16xi32>
      %max3A_1624 = arith.maxui %max3A_1589, %min3A_1623 : vector<16xi32>
      %min3A_1625 = arith.minui %max3A_1589, %min3A_1623 : vector<16xi32>
      %max3A_1626 = arith.maxui %max3A_1591, %min3A_1625 : vector<16xi32>
      %min3A_1627 = arith.minui %max3A_1591, %min3A_1625 : vector<16xi32>
      %get3A_1628 = arith.constant 46 : i32
      %get3A_1629 = arith.index_cast %get3A_1628 : i32 to index
      %get3A_1630 = arith.index_cast %mul3A_10 : i32 to index
      %get3A_1631 = tpu.vector_load %arg5[%get3A_1629, %get3A_1630] {strides = array<i32>} : memref<64x256xf32, #tpu.memory_space<vmem>>, vector<1x16xf32>,
      %get3A_1632 = vector.shape_cast %get3A_1631 : vector<1x16xf32> to vector<16xf32>
      %bitcast_convert_type3A_1633 = tpu.bitcast %get3A_1632 : vector<16xf32> -> vector<16xi32>
      %ge3A_1634 = arith.constant -2147483648 : i32
      %ge3A_1635 = vector.broadcast %ge3A_1634 : i32 to vector<16xi32>
      %ge3A_1636 = arith.cmpi uge, %bitcast_convert_type3A_1633, %ge3A_1635 : vector<16xi32>
      %xor3A_1637 = arith.constant -65536 : i32
      %xor3A_1638 = vector.broadcast %xor3A_1637 : i32 to vector<16xi32>
      %xor3A_1639 = arith.xori %bitcast_convert_type3A_1633, %xor3A_1638 : vector<16xi32>
      %or3A_1640 = arith.constant -2147483648 : i32
      %or3A_1641 = vector.broadcast %or3A_1640 : i32 to vector<16xi32>
      %or3A_1642 = arith.ori %bitcast_convert_type3A_1633, %or3A_1641 : vector<16xi32>
      %select_n3A_1643 = arith.select %ge3A_1636, %xor3A_1639, %or3A_1642 : vector<16xi1>, vector<16xi32>
      %add3A_1644 = arith.constant 17 : i32
      %add3A_1645 = vector.broadcast %add3A_1644 : i32 to vector<16xi32>
      %add3A_1646 = arith.addi %select_n3A_1643, %add3A_1645 : vector<16xi32>
      %max3A_1647 = arith.maxui %max3A_1612, %add3A_1646 : vector<16xi32>
      %min3A_1648 = arith.minui %max3A_1612, %add3A_1646 : vector<16xi32>
      %max3A_1649 = arith.maxui %max3A_1614, %min3A_1648 : vector<16xi32>
      %min3A_1650 = arith.minui %max3A_1614, %min3A_1648 : vector<16xi32>
      %max3A_1651 = arith.maxui %max3A_1616, %min3A_1650 : vector<16xi32>
      %min3A_1652 = arith.minui %max3A_1616, %min3A_1650 : vector<16xi32>
      %max3A_1653 = arith.maxui %max3A_1618, %min3A_1652 : vector<16xi32>
      %min3A_1654 = arith.minui %max3A_1618, %min3A_1652 : vector<16xi32>
      %max3A_1655 = arith.maxui %max3A_1620, %min3A_1654 : vector<16xi32>
      %min3A_1656 = arith.minui %max3A_1620, %min3A_1654 : vector<16xi32>
      %max3A_1657 = arith.maxui %max3A_1622, %min3A_1656 : vector<16xi32>
      %min3A_1658 = arith.minui %max3A_1622, %min3A_1656 : vector<16xi32>
      %max3A_1659 = arith.maxui %max3A_1624, %min3A_1658 : vector<16xi32>
      %min3A_1660 = arith.minui %max3A_1624, %min3A_1658 : vector<16xi32>
      %max3A_1661 = arith.maxui %max3A_1626, %min3A_1660 : vector<16xi32>
      %min3A_1662 = arith.minui %max3A_1626, %min3A_1660 : vector<16xi32>
      %get3A_1663 = arith.constant 47 : i32
      %get3A_1664 = arith.index_cast %get3A_1663 : i32 to index
      %get3A_1665 = arith.index_cast %mul3A_10 : i32 to index
      %get3A_1666 = tpu.vector_load %arg5[%get3A_1664, %get3A_1665] {strides = array<i32>} : memref<64x256xf32, #tpu.memory_space<vmem>>, vector<1x16xf32>,
      %get3A_1667 = vector.shape_cast %get3A_1666 : vector<1x16xf32> to vector<16xf32>
      %bitcast_convert_type3A_1668 = tpu.bitcast %get3A_1667 : vector<16xf32> -> vector<16xi32>
      %ge3A_1669 = arith.constant -2147483648 : i32
      %ge3A_1670 = vector.broadcast %ge3A_1669 : i32 to vector<16xi32>
      %ge3A_1671 = arith.cmpi uge, %bitcast_convert_type3A_1668, %ge3A_1670 : vector<16xi32>
      %xor3A_1672 = arith.constant -65536 : i32
      %xor3A_1673 = vector.broadcast %xor3A_1672 : i32 to vector<16xi32>
      %xor3A_1674 = arith.xori %bitcast_convert_type3A_1668, %xor3A_1673 : vector<16xi32>
      %or3A_1675 = arith.constant -2147483648 : i32
      %or3A_1676 = vector.broadcast %or3A_1675 : i32 to vector<16xi32>
      %or3A_1677 = arith.ori %bitcast_convert_type3A_1668, %or3A_1676 : vector<16xi32>
      %select_n3A_1678 = arith.select %ge3A_1671, %xor3A_1674, %or3A_1677 : vector<16xi1>, vector<16xi32>
      %add3A_1679 = arith.constant 16 : i32
      %add3A_1680 = vector.broadcast %add3A_1679 : i32 to vector<16xi32>
      %add3A_1681 = arith.addi %select_n3A_1678, %add3A_1680 : vector<16xi32>
      %max3A_1682 = arith.maxui %max3A_1647, %add3A_1681 : vector<16xi32>
      %min3A_1683 = arith.minui %max3A_1647, %add3A_1681 : vector<16xi32>
      %max3A_1684 = arith.maxui %max3A_1649, %min3A_1683 : vector<16xi32>
      %min3A_1685 = arith.minui %max3A_1649, %min3A_1683 : vector<16xi32>
      %max3A_1686 = arith.maxui %max3A_1651, %min3A_1685 : vector<16xi32>
      %min3A_1687 = arith.minui %max3A_1651, %min3A_1685 : vector<16xi32>
      %max3A_1688 = arith.maxui %max3A_1653, %min3A_1687 : vector<16xi32>
      %min3A_1689 = arith.minui %max3A_1653, %min3A_1687 : vector<16xi32>
      %max3A_1690 = arith.maxui %max3A_1655, %min3A_1689 : vector<16xi32>
      %min3A_1691 = arith.minui %max3A_1655, %min3A_1689 : vector<16xi32>
      %max3A_1692 = arith.maxui %max3A_1657, %min3A_1691 : vector<16xi32>
      %min3A_1693 = arith.minui %max3A_1657, %min3A_1691 : vector<16xi32>
      %max3A_1694 = arith.maxui %max3A_1659, %min3A_1693 : vector<16xi32>
      %min3A_1695 = arith.minui %max3A_1659, %min3A_1693 : vector<16xi32>
      %max3A_1696 = arith.maxui %max3A_1661, %min3A_1695 : vector<16xi32>
      %min3A_1697 = arith.minui %max3A_1661, %min3A_1695 : vector<16xi32>
      %get3A_1698 = arith.constant 48 : i32
      %get3A_1699 = arith.index_cast %get3A_1698 : i32 to index
      %get3A_1700 = arith.index_cast %mul3A_10 : i32 to index
      %get3A_1701 = tpu.vector_load %arg5[%get3A_1699, %get3A_1700] {strides = array<i32>} : memref<64x256xf32, #tpu.memory_space<vmem>>, vector<1x16xf32>,
      %get3A_1702 = vector.shape_cast %get3A_1701 : vector<1x16xf32> to vector<16xf32>
      %bitcast_convert_type3A_1703 = tpu.bitcast %get3A_1702 : vector<16xf32> -> vector<16xi32>
      %ge3A_1704 = arith.constant -2147483648 : i32
      %ge3A_1705 = vector.broadcast %ge3A_1704 : i32 to vector<16xi32>
      %ge3A_1706 = arith.cmpi uge, %bitcast_convert_type3A_1703, %ge3A_1705 : vector<16xi32>
      %xor3A_1707 = arith.constant -65536 : i32
      %xor3A_1708 = vector.broadcast %xor3A_1707 : i32 to vector<16xi32>
      %xor3A_1709 = arith.xori %bitcast_convert_type3A_1703, %xor3A_1708 : vector<16xi32>
      %or3A_1710 = arith.constant -2147483648 : i32
      %or3A_1711 = vector.broadcast %or3A_1710 : i32 to vector<16xi32>
      %or3A_1712 = arith.ori %bitcast_convert_type3A_1703, %or3A_1711 : vector<16xi32>
      %select_n3A_1713 = arith.select %ge3A_1706, %xor3A_1709, %or3A_1712 : vector<16xi1>, vector<16xi32>
      %add3A_1714 = arith.constant 15 : i32
      %add3A_1715 = vector.broadcast %add3A_1714 : i32 to vector<16xi32>
      %add3A_1716 = arith.addi %select_n3A_1713, %add3A_1715 : vector<16xi32>
      %max3A_1717 = arith.maxui %max3A_1682, %add3A_1716 : vector<16xi32>
      %min3A_1718 = arith.minui %max3A_1682, %add3A_1716 : vector<16xi32>
      %max3A_1719 = arith.maxui %max3A_1684, %min3A_1718 : vector<16xi32>
      %min3A_1720 = arith.minui %max3A_1684, %min3A_1718 : vector<16xi32>
      %max3A_1721 = arith.maxui %max3A_1686, %min3A_1720 : vector<16xi32>
      %min3A_1722 = arith.minui %max3A_1686, %min3A_1720 : vector<16xi32>
      %max3A_1723 = arith.maxui %max3A_1688, %min3A_1722 : vector<16xi32>
      %min3A_1724 = arith.minui %max3A_1688, %min3A_1722 : vector<16xi32>
      %max3A_1725 = arith.maxui %max3A_1690, %min3A_1724 : vector<16xi32>
      %min3A_1726 = arith.minui %max3A_1690, %min3A_1724 : vector<16xi32>
      %max3A_1727 = arith.maxui %max3A_1692, %min3A_1726 : vector<16xi32>
      %min3A_1728 = arith.minui %max3A_1692, %min3A_1726 : vector<16xi32>
      %max3A_1729 = arith.maxui %max3A_1694, %min3A_1728 : vector<16xi32>
      %min3A_1730 = arith.minui %max3A_1694, %min3A_1728 : vector<16xi32>
      %max3A_1731 = arith.maxui %max3A_1696, %min3A_1730 : vector<16xi32>
      %min3A_1732 = arith.minui %max3A_1696, %min3A_1730 : vector<16xi32>
      %get3A_1733 = arith.constant 49 : i32
      %get3A_1734 = arith.index_cast %get3A_1733 : i32 to index
      %get3A_1735 = arith.index_cast %mul3A_10 : i32 to index
      %get3A_1736 = tpu.vector_load %arg5[%get3A_1734, %get3A_1735] {strides = array<i32>} : memref<64x256xf32, #tpu.memory_space<vmem>>, vector<1x16xf32>,
      %get3A_1737 = vector.shape_cast %get3A_1736 : vector<1x16xf32> to vector<16xf32>
      %bitcast_convert_type3A_1738 = tpu.bitcast %get3A_1737 : vector<16xf32> -> vector<16xi32>
      %ge3A_1739 = arith.constant -2147483648 : i32
      %ge3A_1740 = vector.broadcast %ge3A_1739 : i32 to vector<16xi32>
      %ge3A_1741 = arith.cmpi uge, %bitcast_convert_type3A_1738, %ge3A_1740 : vector<16xi32>
      %xor3A_1742 = arith.constant -65536 : i32
      %xor3A_1743 = vector.broadcast %xor3A_1742 : i32 to vector<16xi32>
      %xor3A_1744 = arith.xori %bitcast_convert_type3A_1738, %xor3A_1743 : vector<16xi32>
      %or3A_1745 = arith.constant -2147483648 : i32
      %or3A_1746 = vector.broadcast %or3A_1745 : i32 to vector<16xi32>
      %or3A_1747 = arith.ori %bitcast_convert_type3A_1738, %or3A_1746 : vector<16xi32>
      %select_n3A_1748 = arith.select %ge3A_1741, %xor3A_1744, %or3A_1747 : vector<16xi1>, vector<16xi32>
      %add3A_1749 = arith.constant 14 : i32
      %add3A_1750 = vector.broadcast %add3A_1749 : i32 to vector<16xi32>
      %add3A_1751 = arith.addi %select_n3A_1748, %add3A_1750 : vector<16xi32>
      %max3A_1752 = arith.maxui %max3A_1717, %add3A_1751 : vector<16xi32>
      %min3A_1753 = arith.minui %max3A_1717, %add3A_1751 : vector<16xi32>
      %max3A_1754 = arith.maxui %max3A_1719, %min3A_1753 : vector<16xi32>
      %min3A_1755 = arith.minui %max3A_1719, %min3A_1753 : vector<16xi32>
      %max3A_1756 = arith.maxui %max3A_1721, %min3A_1755 : vector<16xi32>
      %min3A_1757 = arith.minui %max3A_1721, %min3A_1755 : vector<16xi32>
      %max3A_1758 = arith.maxui %max3A_1723, %min3A_1757 : vector<16xi32>
      %min3A_1759 = arith.minui %max3A_1723, %min3A_1757 : vector<16xi32>
      %max3A_1760 = arith.maxui %max3A_1725, %min3A_1759 : vector<16xi32>
      %min3A_1761 = arith.minui %max3A_1725, %min3A_1759 : vector<16xi32>
      %max3A_1762 = arith.maxui %max3A_1727, %min3A_1761 : vector<16xi32>
      %min3A_1763 = arith.minui %max3A_1727, %min3A_1761 : vector<16xi32>
      %max3A_1764 = arith.maxui %max3A_1729, %min3A_1763 : vector<16xi32>
      %min3A_1765 = arith.minui %max3A_1729, %min3A_1763 : vector<16xi32>
      %max3A_1766 = arith.maxui %max3A_1731, %min3A_1765 : vector<16xi32>
      %min3A_1767 = arith.minui %max3A_1731, %min3A_1765 : vector<16xi32>
      %get3A_1768 = arith.constant 50 : i32
      %get3A_1769 = arith.index_cast %get3A_1768 : i32 to index
      %get3A_1770 = arith.index_cast %mul3A_10 : i32 to index
      %get3A_1771 = tpu.vector_load %arg5[%get3A_1769, %get3A_1770] {strides = array<i32>} : memref<64x256xf32, #tpu.memory_space<vmem>>, vector<1x16xf32>,
      %get3A_1772 = vector.shape_cast %get3A_1771 : vector<1x16xf32> to vector<16xf32>
      %bitcast_convert_type3A_1773 = tpu.bitcast %get3A_1772 : vector<16xf32> -> vector<16xi32>
      %ge3A_1774 = arith.constant -2147483648 : i32
      %ge3A_1775 = vector.broadcast %ge3A_1774 : i32 to vector<16xi32>
      %ge3A_1776 = arith.cmpi uge, %bitcast_convert_type3A_1773, %ge3A_1775 : vector<16xi32>
      %xor3A_1777 = arith.constant -65536 : i32
      %xor3A_1778 = vector.broadcast %xor3A_1777 : i32 to vector<16xi32>
      %xor3A_1779 = arith.xori %bitcast_convert_type3A_1773, %xor3A_1778 : vector<16xi32>
      %or3A_1780 = arith.constant -2147483648 : i32
      %or3A_1781 = vector.broadcast %or3A_1780 : i32 to vector<16xi32>
      %or3A_1782 = arith.ori %bitcast_convert_type3A_1773, %or3A_1781 : vector<16xi32>
      %select_n3A_1783 = arith.select %ge3A_1776, %xor3A_1779, %or3A_1782 : vector<16xi1>, vector<16xi32>
      %add3A_1784 = arith.constant 13 : i32
      %add3A_1785 = vector.broadcast %add3A_1784 : i32 to vector<16xi32>
      %add3A_1786 = arith.addi %select_n3A_1783, %add3A_1785 : vector<16xi32>
      %max3A_1787 = arith.maxui %max3A_1752, %add3A_1786 : vector<16xi32>
      %min3A_1788 = arith.minui %max3A_1752, %add3A_1786 : vector<16xi32>
      %max3A_1789 = arith.maxui %max3A_1754, %min3A_1788 : vector<16xi32>
      %min3A_1790 = arith.minui %max3A_1754, %min3A_1788 : vector<16xi32>
      %max3A_1791 = arith.maxui %max3A_1756, %min3A_1790 : vector<16xi32>
      %min3A_1792 = arith.minui %max3A_1756, %min3A_1790 : vector<16xi32>
      %max3A_1793 = arith.maxui %max3A_1758, %min3A_1792 : vector<16xi32>
      %min3A_1794 = arith.minui %max3A_1758, %min3A_1792 : vector<16xi32>
      %max3A_1795 = arith.maxui %max3A_1760, %min3A_1794 : vector<16xi32>
      %min3A_1796 = arith.minui %max3A_1760, %min3A_1794 : vector<16xi32>
      %max3A_1797 = arith.maxui %max3A_1762, %min3A_1796 : vector<16xi32>
      %min3A_1798 = arith.minui %max3A_1762, %min3A_1796 : vector<16xi32>
      %max3A_1799 = arith.maxui %max3A_1764, %min3A_1798 : vector<16xi32>
      %min3A_1800 = arith.minui %max3A_1764, %min3A_1798 : vector<16xi32>
      %max3A_1801 = arith.maxui %max3A_1766, %min3A_1800 : vector<16xi32>
      %min3A_1802 = arith.minui %max3A_1766, %min3A_1800 : vector<16xi32>
      %get3A_1803 = arith.constant 51 : i32
      %get3A_1804 = arith.index_cast %get3A_1803 : i32 to index
      %get3A_1805 = arith.index_cast %mul3A_10 : i32 to index
      %get3A_1806 = tpu.vector_load %arg5[%get3A_1804, %get3A_1805] {strides = array<i32>} : memref<64x256xf32, #tpu.memory_space<vmem>>, vector<1x16xf32>,
      %get3A_1807 = vector.shape_cast %get3A_1806 : vector<1x16xf32> to vector<16xf32>
      %bitcast_convert_type3A_1808 = tpu.bitcast %get3A_1807 : vector<16xf32> -> vector<16xi32>
      %ge3A_1809 = arith.constant -2147483648 : i32
      %ge3A_1810 = vector.broadcast %ge3A_1809 : i32 to vector<16xi32>
      %ge3A_1811 = arith.cmpi uge, %bitcast_convert_type3A_1808, %ge3A_1810 : vector<16xi32>
      %xor3A_1812 = arith.constant -65536 : i32
      %xor3A_1813 = vector.broadcast %xor3A_1812 : i32 to vector<16xi32>
      %xor3A_1814 = arith.xori %bitcast_convert_type3A_1808, %xor3A_1813 : vector<16xi32>
      %or3A_1815 = arith.constant -2147483648 : i32
      %or3A_1816 = vector.broadcast %or3A_1815 : i32 to vector<16xi32>
      %or3A_1817 = arith.ori %bitcast_convert_type3A_1808, %or3A_1816 : vector<16xi32>
      %select_n3A_1818 = arith.select %ge3A_1811, %xor3A_1814, %or3A_1817 : vector<16xi1>, vector<16xi32>
      %add3A_1819 = arith.constant 12 : i32
      %add3A_1820 = vector.broadcast %add3A_1819 : i32 to vector<16xi32>
      %add3A_1821 = arith.addi %select_n3A_1818, %add3A_1820 : vector<16xi32>
      %max3A_1822 = arith.maxui %max3A_1787, %add3A_1821 : vector<16xi32>
      %min3A_1823 = arith.minui %max3A_1787, %add3A_1821 : vector<16xi32>
      %max3A_1824 = arith.maxui %max3A_1789, %min3A_1823 : vector<16xi32>
      %min3A_1825 = arith.minui %max3A_1789, %min3A_1823 : vector<16xi32>
      %max3A_1826 = arith.maxui %max3A_1791, %min3A_1825 : vector<16xi32>
      %min3A_1827 = arith.minui %max3A_1791, %min3A_1825 : vector<16xi32>
      %max3A_1828 = arith.maxui %max3A_1793, %min3A_1827 : vector<16xi32>
      %min3A_1829 = arith.minui %max3A_1793, %min3A_1827 : vector<16xi32>
      %max3A_1830 = arith.maxui %max3A_1795, %min3A_1829 : vector<16xi32>
      %min3A_1831 = arith.minui %max3A_1795, %min3A_1829 : vector<16xi32>
      %max3A_1832 = arith.maxui %max3A_1797, %min3A_1831 : vector<16xi32>
      %min3A_1833 = arith.minui %max3A_1797, %min3A_1831 : vector<16xi32>
      %max3A_1834 = arith.maxui %max3A_1799, %min3A_1833 : vector<16xi32>
      %min3A_1835 = arith.minui %max3A_1799, %min3A_1833 : vector<16xi32>
      %max3A_1836 = arith.maxui %max3A_1801, %min3A_1835 : vector<16xi32>
      %min3A_1837 = arith.minui %max3A_1801, %min3A_1835 : vector<16xi32>
      %get3A_1838 = arith.constant 52 : i32
      %get3A_1839 = arith.index_cast %get3A_1838 : i32 to index
      %get3A_1840 = arith.index_cast %mul3A_10 : i32 to index
      %get3A_1841 = tpu.vector_load %arg5[%get3A_1839, %get3A_1840] {strides = array<i32>} : memref<64x256xf32, #tpu.memory_space<vmem>>, vector<1x16xf32>,
      %get3A_1842 = vector.shape_cast %get3A_1841 : vector<1x16xf32> to vector<16xf32>
      %bitcast_convert_type3A_1843 = tpu.bitcast %get3A_1842 : vector<16xf32> -> vector<16xi32>
      %ge3A_1844 = arith.constant -2147483648 : i32
      %ge3A_1845 = vector.broadcast %ge3A_1844 : i32 to vector<16xi32>
      %ge3A_1846 = arith.cmpi uge, %bitcast_convert_type3A_1843, %ge3A_1845 : vector<16xi32>
      %xor3A_1847 = arith.constant -65536 : i32
      %xor3A_1848 = vector.broadcast %xor3A_1847 : i32 to vector<16xi32>
      %xor3A_1849 = arith.xori %bitcast_convert_type3A_1843, %xor3A_1848 : vector<16xi32>
      %or3A_1850 = arith.constant -2147483648 : i32
      %or3A_1851 = vector.broadcast %or3A_1850 : i32 to vector<16xi32>
      %or3A_1852 = arith.ori %bitcast_convert_type3A_1843, %or3A_1851 : vector<16xi32>
      %select_n3A_1853 = arith.select %ge3A_1846, %xor3A_1849, %or3A_1852 : vector<16xi1>, vector<16xi32>
      %add3A_1854 = arith.constant 11 : i32
      %add3A_1855 = vector.broadcast %add3A_1854 : i32 to vector<16xi32>
      %add3A_1856 = arith.addi %select_n3A_1853, %add3A_1855 : vector<16xi32>
      %max3A_1857 = arith.maxui %max3A_1822, %add3A_1856 : vector<16xi32>
      %min3A_1858 = arith.minui %max3A_1822, %add3A_1856 : vector<16xi32>
      %max3A_1859 = arith.maxui %max3A_1824, %min3A_1858 : vector<16xi32>
      %min3A_1860 = arith.minui %max3A_1824, %min3A_1858 : vector<16xi32>
      %max3A_1861 = arith.maxui %max3A_1826, %min3A_1860 : vector<16xi32>
      %min3A_1862 = arith.minui %max3A_1826, %min3A_1860 : vector<16xi32>
      %max3A_1863 = arith.maxui %max3A_1828, %min3A_1862 : vector<16xi32>
      %min3A_1864 = arith.minui %max3A_1828, %min3A_1862 : vector<16xi32>
      %max3A_1865 = arith.maxui %max3A_1830, %min3A_1864 : vector<16xi32>
      %min3A_1866 = arith.minui %max3A_1830, %min3A_1864 : vector<16xi32>
      %max3A_1867 = arith.maxui %max3A_1832, %min3A_1866 : vector<16xi32>
      %min3A_1868 = arith.minui %max3A_1832, %min3A_1866 : vector<16xi32>
      %max3A_1869 = arith.maxui %max3A_1834, %min3A_1868 : vector<16xi32>
      %min3A_1870 = arith.minui %max3A_1834, %min3A_1868 : vector<16xi32>
      %max3A_1871 = arith.maxui %max3A_1836, %min3A_1870 : vector<16xi32>
      %min3A_1872 = arith.minui %max3A_1836, %min3A_1870 : vector<16xi32>
      %get3A_1873 = arith.constant 53 : i32
      %get3A_1874 = arith.index_cast %get3A_1873 : i32 to index
      %get3A_1875 = arith.index_cast %mul3A_10 : i32 to index
      %get3A_1876 = tpu.vector_load %arg5[%get3A_1874, %get3A_1875] {strides = array<i32>} : memref<64x256xf32, #tpu.memory_space<vmem>>, vector<1x16xf32>,
      %get3A_1877 = vector.shape_cast %get3A_1876 : vector<1x16xf32> to vector<16xf32>
      %bitcast_convert_type3A_1878 = tpu.bitcast %get3A_1877 : vector<16xf32> -> vector<16xi32>
      %ge3A_1879 = arith.constant -2147483648 : i32
      %ge3A_1880 = vector.broadcast %ge3A_1879 : i32 to vector<16xi32>
      %ge3A_1881 = arith.cmpi uge, %bitcast_convert_type3A_1878, %ge3A_1880 : vector<16xi32>
      %xor3A_1882 = arith.constant -65536 : i32
      %xor3A_1883 = vector.broadcast %xor3A_1882 : i32 to vector<16xi32>
      %xor3A_1884 = arith.xori %bitcast_convert_type3A_1878, %xor3A_1883 : vector<16xi32>
      %or3A_1885 = arith.constant -2147483648 : i32
      %or3A_1886 = vector.broadcast %or3A_1885 : i32 to vector<16xi32>
      %or3A_1887 = arith.ori %bitcast_convert_type3A_1878, %or3A_1886 : vector<16xi32>
      %select_n3A_1888 = arith.select %ge3A_1881, %xor3A_1884, %or3A_1887 : vector<16xi1>, vector<16xi32>
      %add3A_1889 = arith.constant 10 : i32
      %add3A_1890 = vector.broadcast %add3A_1889 : i32 to vector<16xi32>
      %add3A_1891 = arith.addi %select_n3A_1888, %add3A_1890 : vector<16xi32>
      %max3A_1892 = arith.maxui %max3A_1857, %add3A_1891 : vector<16xi32>
      %min3A_1893 = arith.minui %max3A_1857, %add3A_1891 : vector<16xi32>
      %max3A_1894 = arith.maxui %max3A_1859, %min3A_1893 : vector<16xi32>
      %min3A_1895 = arith.minui %max3A_1859, %min3A_1893 : vector<16xi32>
      %max3A_1896 = arith.maxui %max3A_1861, %min3A_1895 : vector<16xi32>
      %min3A_1897 = arith.minui %max3A_1861, %min3A_1895 : vector<16xi32>
      %max3A_1898 = arith.maxui %max3A_1863, %min3A_1897 : vector<16xi32>
      %min3A_1899 = arith.minui %max3A_1863, %min3A_1897 : vector<16xi32>
      %max3A_1900 = arith.maxui %max3A_1865, %min3A_1899 : vector<16xi32>
      %min3A_1901 = arith.minui %max3A_1865, %min3A_1899 : vector<16xi32>
      %max3A_1902 = arith.maxui %max3A_1867, %min3A_1901 : vector<16xi32>
      %min3A_1903 = arith.minui %max3A_1867, %min3A_1901 : vector<16xi32>
      %max3A_1904 = arith.maxui %max3A_1869, %min3A_1903 : vector<16xi32>
      %min3A_1905 = arith.minui %max3A_1869, %min3A_1903 : vector<16xi32>
      %max3A_1906 = arith.maxui %max3A_1871, %min3A_1905 : vector<16xi32>
      %min3A_1907 = arith.minui %max3A_1871, %min3A_1905 : vector<16xi32>
      %get3A_1908 = arith.constant 54 : i32
      %get3A_1909 = arith.index_cast %get3A_1908 : i32 to index
      %get3A_1910 = arith.index_cast %mul3A_10 : i32 to index
      %get3A_1911 = tpu.vector_load %arg5[%get3A_1909, %get3A_1910] {strides = array<i32>} : memref<64x256xf32, #tpu.memory_space<vmem>>, vector<1x16xf32>,
      %get3A_1912 = vector.shape_cast %get3A_1911 : vector<1x16xf32> to vector<16xf32>
      %bitcast_convert_type3A_1913 = tpu.bitcast %get3A_1912 : vector<16xf32> -> vector<16xi32>
      %ge3A_1914 = arith.constant -2147483648 : i32
      %ge3A_1915 = vector.broadcast %ge3A_1914 : i32 to vector<16xi32>
      %ge3A_1916 = arith.cmpi uge, %bitcast_convert_type3A_1913, %ge3A_1915 : vector<16xi32>
      %xor3A_1917 = arith.constant -65536 : i32
      %xor3A_1918 = vector.broadcast %xor3A_1917 : i32 to vector<16xi32>
      %xor3A_1919 = arith.xori %bitcast_convert_type3A_1913, %xor3A_1918 : vector<16xi32>
      %or3A_1920 = arith.constant -2147483648 : i32
      %or3A_1921 = vector.broadcast %or3A_1920 : i32 to vector<16xi32>
      %or3A_1922 = arith.ori %bitcast_convert_type3A_1913, %or3A_1921 : vector<16xi32>
      %select_n3A_1923 = arith.select %ge3A_1916, %xor3A_1919, %or3A_1922 : vector<16xi1>, vector<16xi32>
      %add3A_1924 = arith.constant 9 : i32
      %add3A_1925 = vector.broadcast %add3A_1924 : i32 to vector<16xi32>
      %add3A_1926 = arith.addi %select_n3A_1923, %add3A_1925 : vector<16xi32>
      %max3A_1927 = arith.maxui %max3A_1892, %add3A_1926 : vector<16xi32>
      %min3A_1928 = arith.minui %max3A_1892, %add3A_1926 : vector<16xi32>
      %max3A_1929 = arith.maxui %max3A_1894, %min3A_1928 : vector<16xi32>
      %min3A_1930 = arith.minui %max3A_1894, %min3A_1928 : vector<16xi32>
      %max3A_1931 = arith.maxui %max3A_1896, %min3A_1930 : vector<16xi32>
      %min3A_1932 = arith.minui %max3A_1896, %min3A_1930 : vector<16xi32>
      %max3A_1933 = arith.maxui %max3A_1898, %min3A_1932 : vector<16xi32>
      %min3A_1934 = arith.minui %max3A_1898, %min3A_1932 : vector<16xi32>
      %max3A_1935 = arith.maxui %max3A_1900, %min3A_1934 : vector<16xi32>
      %min3A_1936 = arith.minui %max3A_1900, %min3A_1934 : vector<16xi32>
      %max3A_1937 = arith.maxui %max3A_1902, %min3A_1936 : vector<16xi32>
      %min3A_1938 = arith.minui %max3A_1902, %min3A_1936 : vector<16xi32>
      %max3A_1939 = arith.maxui %max3A_1904, %min3A_1938 : vector<16xi32>
      %min3A_1940 = arith.minui %max3A_1904, %min3A_1938 : vector<16xi32>
      %max3A_1941 = arith.maxui %max3A_1906, %min3A_1940 : vector<16xi32>
      %min3A_1942 = arith.minui %max3A_1906, %min3A_1940 : vector<16xi32>
      %get3A_1943 = arith.constant 55 : i32
      %get3A_1944 = arith.index_cast %get3A_1943 : i32 to index
      %get3A_1945 = arith.index_cast %mul3A_10 : i32 to index
      %get3A_1946 = tpu.vector_load %arg5[%get3A_1944, %get3A_1945] {strides = array<i32>} : memref<64x256xf32, #tpu.memory_space<vmem>>, vector<1x16xf32>,
      %get3A_1947 = vector.shape_cast %get3A_1946 : vector<1x16xf32> to vector<16xf32>
      %bitcast_convert_type3A_1948 = tpu.bitcast %get3A_1947 : vector<16xf32> -> vector<16xi32>
      %ge3A_1949 = arith.constant -2147483648 : i32
      %ge3A_1950 = vector.broadcast %ge3A_1949 : i32 to vector<16xi32>
      %ge3A_1951 = arith.cmpi uge, %bitcast_convert_type3A_1948, %ge3A_1950 : vector<16xi32>
      %xor3A_1952 = arith.constant -65536 : i32
      %xor3A_1953 = vector.broadcast %xor3A_1952 : i32 to vector<16xi32>
      %xor3A_1954 = arith.xori %bitcast_convert_type3A_1948, %xor3A_1953 : vector<16xi32>
      %or3A_1955 = arith.constant -2147483648 : i32
      %or3A_1956 = vector.broadcast %or3A_1955 : i32 to vector<16xi32>
      %or3A_1957 = arith.ori %bitcast_convert_type3A_1948, %or3A_1956 : vector<16xi32>
      %select_n3A_1958 = arith.select %ge3A_1951, %xor3A_1954, %or3A_1957 : vector<16xi1>, vector<16xi32>
      %add3A_1959 = arith.constant 8 : i32
      %add3A_1960 = vector.broadcast %add3A_1959 : i32 to vector<16xi32>
      %add3A_1961 = arith.addi %select_n3A_1958, %add3A_1960 : vector<16xi32>
      %max3A_1962 = arith.maxui %max3A_1927, %add3A_1961 : vector<16xi32>
      %min3A_1963 = arith.minui %max3A_1927, %add3A_1961 : vector<16xi32>
      %max3A_1964 = arith.maxui %max3A_1929, %min3A_1963 : vector<16xi32>
      %min3A_1965 = arith.minui %max3A_1929, %min3A_1963 : vector<16xi32>
      %max3A_1966 = arith.maxui %max3A_1931, %min3A_1965 : vector<16xi32>
      %min3A_1967 = arith.minui %max3A_1931, %min3A_1965 : vector<16xi32>
      %max3A_1968 = arith.maxui %max3A_1933, %min3A_1967 : vector<16xi32>
      %min3A_1969 = arith.minui %max3A_1933, %min3A_1967 : vector<16xi32>
      %max3A_1970 = arith.maxui %max3A_1935, %min3A_1969 : vector<16xi32>
      %min3A_1971 = arith.minui %max3A_1935, %min3A_1969 : vector<16xi32>
      %max3A_1972 = arith.maxui %max3A_1937, %min3A_1971 : vector<16xi32>
      %min3A_1973 = arith.minui %max3A_1937, %min3A_1971 : vector<16xi32>
      %max3A_1974 = arith.maxui %max3A_1939, %min3A_1973 : vector<16xi32>
      %min3A_1975 = arith.minui %max3A_1939, %min3A_1973 : vector<16xi32>
      %max3A_1976 = arith.maxui %max3A_1941, %min3A_1975 : vector<16xi32>
      %min3A_1977 = arith.minui %max3A_1941, %min3A_1975 : vector<16xi32>
      %get3A_1978 = arith.constant 56 : i32
      %get3A_1979 = arith.index_cast %get3A_1978 : i32 to index
      %get3A_1980 = arith.index_cast %mul3A_10 : i32 to index
      %get3A_1981 = tpu.vector_load %arg5[%get3A_1979, %get3A_1980] {strides = array<i32>} : memref<64x256xf32, #tpu.memory_space<vmem>>, vector<1x16xf32>,
      %get3A_1982 = vector.shape_cast %get3A_1981 : vector<1x16xf32> to vector<16xf32>
      %bitcast_convert_type3A_1983 = tpu.bitcast %get3A_1982 : vector<16xf32> -> vector<16xi32>
      %ge3A_1984 = arith.constant -2147483648 : i32
      %ge3A_1985 = vector.broadcast %ge3A_1984 : i32 to vector<16xi32>
      %ge3A_1986 = arith.cmpi uge, %bitcast_convert_type3A_1983, %ge3A_1985 : vector<16xi32>
      %xor3A_1987 = arith.constant -65536 : i32
      %xor3A_1988 = vector.broadcast %xor3A_1987 : i32 to vector<16xi32>
      %xor3A_1989 = arith.xori %bitcast_convert_type3A_1983, %xor3A_1988 : vector<16xi32>
      %or3A_1990 = arith.constant -2147483648 : i32
      %or3A_1991 = vector.broadcast %or3A_1990 : i32 to vector<16xi32>
      %or3A_1992 = arith.ori %bitcast_convert_type3A_1983, %or3A_1991 : vector<16xi32>
      %select_n3A_1993 = arith.select %ge3A_1986, %xor3A_1989, %or3A_1992 : vector<16xi1>, vector<16xi32>
      %add3A_1994 = arith.constant 7 : i32
      %add3A_1995 = vector.broadcast %add3A_1994 : i32 to vector<16xi32>
      %add3A_1996 = arith.addi %select_n3A_1993, %add3A_1995 : vector<16xi32>
      %max3A_1997 = arith.maxui %max3A_1962, %add3A_1996 : vector<16xi32>
      %min3A_1998 = arith.minui %max3A_1962, %add3A_1996 : vector<16xi32>
      %max3A_1999 = arith.maxui %max3A_1964, %min3A_1998 : vector<16xi32>
      %min3A_2000 = arith.minui %max3A_1964, %min3A_1998 : vector<16xi32>
      %max3A_2001 = arith.maxui %max3A_1966, %min3A_2000 : vector<16xi32>
      %min3A_2002 = arith.minui %max3A_1966, %min3A_2000 : vector<16xi32>
      %max3A_2003 = arith.maxui %max3A_1968, %min3A_2002 : vector<16xi32>
      %min3A_2004 = arith.minui %max3A_1968, %min3A_2002 : vector<16xi32>
      %max3A_2005 = arith.maxui %max3A_1970, %min3A_2004 : vector<16xi32>
      %min3A_2006 = arith.minui %max3A_1970, %min3A_2004 : vector<16xi32>
      %max3A_2007 = arith.maxui %max3A_1972, %min3A_2006 : vector<16xi32>
      %min3A_2008 = arith.minui %max3A_1972, %min3A_2006 : vector<16xi32>
      %max3A_2009 = arith.maxui %max3A_1974, %min3A_2008 : vector<16xi32>
      %min3A_2010 = arith.minui %max3A_1974, %min3A_2008 : vector<16xi32>
      %max3A_2011 = arith.maxui %max3A_1976, %min3A_2010 : vector<16xi32>
      %min3A_2012 = arith.minui %max3A_1976, %min3A_2010 : vector<16xi32>
      %get3A_2013 = arith.constant 57 : i32
      %get3A_2014 = arith.index_cast %get3A_2013 : i32 to index
      %get3A_2015 = arith.index_cast %mul3A_10 : i32 to index
      %get3A_2016 = tpu.vector_load %arg5[%get3A_2014, %get3A_2015] {strides = array<i32>} : memref<64x256xf32, #tpu.memory_space<vmem>>, vector<1x16xf32>,
      %get3A_2017 = vector.shape_cast %get3A_2016 : vector<1x16xf32> to vector<16xf32>
      %bitcast_convert_type3A_2018 = tpu.bitcast %get3A_2017 : vector<16xf32> -> vector<16xi32>
      %ge3A_2019 = arith.constant -2147483648 : i32
      %ge3A_2020 = vector.broadcast %ge3A_2019 : i32 to vector<16xi32>
      %ge3A_2021 = arith.cmpi uge, %bitcast_convert_type3A_2018, %ge3A_2020 : vector<16xi32>
      %xor3A_2022 = arith.constant -65536 : i32
      %xor3A_2023 = vector.broadcast %xor3A_2022 : i32 to vector<16xi32>
      %xor3A_2024 = arith.xori %bitcast_convert_type3A_2018, %xor3A_2023 : vector<16xi32>
      %or3A_2025 = arith.constant -2147483648 : i32
      %or3A_2026 = vector.broadcast %or3A_2025 : i32 to vector<16xi32>
      %or3A_2027 = arith.ori %bitcast_convert_type3A_2018, %or3A_2026 : vector<16xi32>
      %select_n3A_2028 = arith.select %ge3A_2021, %xor3A_2024, %or3A_2027 : vector<16xi1>, vector<16xi32>
      %add3A_2029 = arith.constant 6 : i32
      %add3A_2030 = vector.broadcast %add3A_2029 : i32 to vector<16xi32>
      %add3A_2031 = arith.addi %select_n3A_2028, %add3A_2030 : vector<16xi32>
      %max3A_2032 = arith.maxui %max3A_1997, %add3A_2031 : vector<16xi32>
      %min3A_2033 = arith.minui %max3A_1997, %add3A_2031 : vector<16xi32>
      %max3A_2034 = arith.maxui %max3A_1999, %min3A_2033 : vector<16xi32>
      %min3A_2035 = arith.minui %max3A_1999, %min3A_2033 : vector<16xi32>
      %max3A_2036 = arith.maxui %max3A_2001, %min3A_2035 : vector<16xi32>
      %min3A_2037 = arith.minui %max3A_2001, %min3A_2035 : vector<16xi32>
      %max3A_2038 = arith.maxui %max3A_2003, %min3A_2037 : vector<16xi32>
      %min3A_2039 = arith.minui %max3A_2003, %min3A_2037 : vector<16xi32>
      %max3A_2040 = arith.maxui %max3A_2005, %min3A_2039 : vector<16xi32>
      %min3A_2041 = arith.minui %max3A_2005, %min3A_2039 : vector<16xi32>
      %max3A_2042 = arith.maxui %max3A_2007, %min3A_2041 : vector<16xi32>
      %min3A_2043 = arith.minui %max3A_2007, %min3A_2041 : vector<16xi32>
      %max3A_2044 = arith.maxui %max3A_2009, %min3A_2043 : vector<16xi32>
      %min3A_2045 = arith.minui %max3A_2009, %min3A_2043 : vector<16xi32>
      %max3A_2046 = arith.maxui %max3A_2011, %min3A_2045 : vector<16xi32>
      %min3A_2047 = arith.minui %max3A_2011, %min3A_2045 : vector<16xi32>
      %get3A_2048 = arith.constant 58 : i32
      %get3A_2049 = arith.index_cast %get3A_2048 : i32 to index
      %get3A_2050 = arith.index_cast %mul3A_10 : i32 to index
      %get3A_2051 = tpu.vector_load %arg5[%get3A_2049, %get3A_2050] {strides = array<i32>} : memref<64x256xf32, #tpu.memory_space<vmem>>, vector<1x16xf32>,
      %get3A_2052 = vector.shape_cast %get3A_2051 : vector<1x16xf32> to vector<16xf32>
      %bitcast_convert_type3A_2053 = tpu.bitcast %get3A_2052 : vector<16xf32> -> vector<16xi32>
      %ge3A_2054 = arith.constant -2147483648 : i32
      %ge3A_2055 = vector.broadcast %ge3A_2054 : i32 to vector<16xi32>
      %ge3A_2056 = arith.cmpi uge, %bitcast_convert_type3A_2053, %ge3A_2055 : vector<16xi32>
      %xor3A_2057 = arith.constant -65536 : i32
      %xor3A_2058 = vector.broadcast %xor3A_2057 : i32 to vector<16xi32>
      %xor3A_2059 = arith.xori %bitcast_convert_type3A_2053, %xor3A_2058 : vector<16xi32>
      %or3A_2060 = arith.constant -2147483648 : i32
      %or3A_2061 = vector.broadcast %or3A_2060 : i32 to vector<16xi32>
      %or3A_2062 = arith.ori %bitcast_convert_type3A_2053, %or3A_2061 : vector<16xi32>
      %select_n3A_2063 = arith.select %ge3A_2056, %xor3A_2059, %or3A_2062 : vector<16xi1>, vector<16xi32>
      %add3A_2064 = arith.constant 5 : i32
      %add3A_2065 = vector.broadcast %add3A_2064 : i32 to vector<16xi32>
      %add3A_2066 = arith.addi %select_n3A_2063, %add3A_2065 : vector<16xi32>
      %max3A_2067 = arith.maxui %max3A_2032, %add3A_2066 : vector<16xi32>
      %min3A_2068 = arith.minui %max3A_2032, %add3A_2066 : vector<16xi32>
      %max3A_2069 = arith.maxui %max3A_2034, %min3A_2068 : vector<16xi32>
      %min3A_2070 = arith.minui %max3A_2034, %min3A_2068 : vector<16xi32>
      %max3A_2071 = arith.maxui %max3A_2036, %min3A_2070 : vector<16xi32>
      %min3A_2072 = arith.minui %max3A_2036, %min3A_2070 : vector<16xi32>
      %max3A_2073 = arith.maxui %max3A_2038, %min3A_2072 : vector<16xi32>
      %min3A_2074 = arith.minui %max3A_2038, %min3A_2072 : vector<16xi32>
      %max3A_2075 = arith.maxui %max3A_2040, %min3A_2074 : vector<16xi32>
      %min3A_2076 = arith.minui %max3A_2040, %min3A_2074 : vector<16xi32>
      %max3A_2077 = arith.maxui %max3A_2042, %min3A_2076 : vector<16xi32>
      %min3A_2078 = arith.minui %max3A_2042, %min3A_2076 : vector<16xi32>
      %max3A_2079 = arith.maxui %max3A_2044, %min3A_2078 : vector<16xi32>
      %min3A_2080 = arith.minui %max3A_2044, %min3A_2078 : vector<16xi32>
      %max3A_2081 = arith.maxui %max3A_2046, %min3A_2080 : vector<16xi32>
      %min3A_2082 = arith.minui %max3A_2046, %min3A_2080 : vector<16xi32>
      %get3A_2083 = arith.constant 59 : i32
      %get3A_2084 = arith.index_cast %get3A_2083 : i32 to index
      %get3A_2085 = arith.index_cast %mul3A_10 : i32 to index
      %get3A_2086 = tpu.vector_load %arg5[%get3A_2084, %get3A_2085] {strides = array<i32>} : memref<64x256xf32, #tpu.memory_space<vmem>>, vector<1x16xf32>,
      %get3A_2087 = vector.shape_cast %get3A_2086 : vector<1x16xf32> to vector<16xf32>
      %bitcast_convert_type3A_2088 = tpu.bitcast %get3A_2087 : vector<16xf32> -> vector<16xi32>
      %ge3A_2089 = arith.constant -2147483648 : i32
      %ge3A_2090 = vector.broadcast %ge3A_2089 : i32 to vector<16xi32>
      %ge3A_2091 = arith.cmpi uge, %bitcast_convert_type3A_2088, %ge3A_2090 : vector<16xi32>
      %xor3A_2092 = arith.constant -65536 : i32
      %xor3A_2093 = vector.broadcast %xor3A_2092 : i32 to vector<16xi32>
      %xor3A_2094 = arith.xori %bitcast_convert_type3A_2088, %xor3A_2093 : vector<16xi32>
      %or3A_2095 = arith.constant -2147483648 : i32
      %or3A_2096 = vector.broadcast %or3A_2095 : i32 to vector<16xi32>
      %or3A_2097 = arith.ori %bitcast_convert_type3A_2088, %or3A_2096 : vector<16xi32>
      %select_n3A_2098 = arith.select %ge3A_2091, %xor3A_2094, %or3A_2097 : vector<16xi1>, vector<16xi32>
      %add3A_2099 = arith.constant 4 : i32
      %add3A_2100 = vector.broadcast %add3A_2099 : i32 to vector<16xi32>
      %add3A_2101 = arith.addi %select_n3A_2098, %add3A_2100 : vector<16xi32>
      %max3A_2102 = arith.maxui %max3A_2067, %add3A_2101 : vector<16xi32>
      %min3A_2103 = arith.minui %max3A_2067, %add3A_2101 : vector<16xi32>
      %max3A_2104 = arith.maxui %max3A_2069, %min3A_2103 : vector<16xi32>
      %min3A_2105 = arith.minui %max3A_2069, %min3A_2103 : vector<16xi32>
      %max3A_2106 = arith.maxui %max3A_2071, %min3A_2105 : vector<16xi32>
      %min3A_2107 = arith.minui %max3A_2071, %min3A_2105 : vector<16xi32>
      %max3A_2108 = arith.maxui %max3A_2073, %min3A_2107 : vector<16xi32>
      %min3A_2109 = arith.minui %max3A_2073, %min3A_2107 : vector<16xi32>
      %max3A_2110 = arith.maxui %max3A_2075, %min3A_2109 : vector<16xi32>
      %min3A_2111 = arith.minui %max3A_2075, %min3A_2109 : vector<16xi32>
      %max3A_2112 = arith.maxui %max3A_2077, %min3A_2111 : vector<16xi32>
      %min3A_2113 = arith.minui %max3A_2077, %min3A_2111 : vector<16xi32>
      %max3A_2114 = arith.maxui %max3A_2079, %min3A_2113 : vector<16xi32>
      %min3A_2115 = arith.minui %max3A_2079, %min3A_2113 : vector<16xi32>
      %max3A_2116 = arith.maxui %max3A_2081, %min3A_2115 : vector<16xi32>
      %min3A_2117 = arith.minui %max3A_2081, %min3A_2115 : vector<16xi32>
      %get3A_2118 = arith.constant 60 : i32
      %get3A_2119 = arith.index_cast %get3A_2118 : i32 to index
      %get3A_2120 = arith.index_cast %mul3A_10 : i32 to index
      %get3A_2121 = tpu.vector_load %arg5[%get3A_2119, %get3A_2120] {strides = array<i32>} : memref<64x256xf32, #tpu.memory_space<vmem>>, vector<1x16xf32>,
      %get3A_2122 = vector.shape_cast %get3A_2121 : vector<1x16xf32> to vector<16xf32>
      %bitcast_convert_type3A_2123 = tpu.bitcast %get3A_2122 : vector<16xf32> -> vector<16xi32>
      %ge3A_2124 = arith.constant -2147483648 : i32
      %ge3A_2125 = vector.broadcast %ge3A_2124 : i32 to vector<16xi32>
      %ge3A_2126 = arith.cmpi uge, %bitcast_convert_type3A_2123, %ge3A_2125 : vector<16xi32>
      %xor3A_2127 = arith.constant -65536 : i32
      %xor3A_2128 = vector.broadcast %xor3A_2127 : i32 to vector<16xi32>
      %xor3A_2129 = arith.xori %bitcast_convert_type3A_2123, %xor3A_2128 : vector<16xi32>
      %or3A_2130 = arith.constant -2147483648 : i32
      %or3A_2131 = vector.broadcast %or3A_2130 : i32 to vector<16xi32>
      %or3A_2132 = arith.ori %bitcast_convert_type3A_2123, %or3A_2131 : vector<16xi32>
      %select_n3A_2133 = arith.select %ge3A_2126, %xor3A_2129, %or3A_2132 : vector<16xi1>, vector<16xi32>
      %add3A_2134 = arith.constant 3 : i32
      %add3A_2135 = vector.broadcast %add3A_2134 : i32 to vector<16xi32>
      %add3A_2136 = arith.addi %select_n3A_2133, %add3A_2135 : vector<16xi32>
      %max3A_2137 = arith.maxui %max3A_2102, %add3A_2136 : vector<16xi32>
      %min3A_2138 = arith.minui %max3A_2102, %add3A_2136 : vector<16xi32>
      %max3A_2139 = arith.maxui %max3A_2104, %min3A_2138 : vector<16xi32>
      %min3A_2140 = arith.minui %max3A_2104, %min3A_2138 : vector<16xi32>
      %max3A_2141 = arith.maxui %max3A_2106, %min3A_2140 : vector<16xi32>
      %min3A_2142 = arith.minui %max3A_2106, %min3A_2140 : vector<16xi32>
      %max3A_2143 = arith.maxui %max3A_2108, %min3A_2142 : vector<16xi32>
      %min3A_2144 = arith.minui %max3A_2108, %min3A_2142 : vector<16xi32>
      %max3A_2145 = arith.maxui %max3A_2110, %min3A_2144 : vector<16xi32>
      %min3A_2146 = arith.minui %max3A_2110, %min3A_2144 : vector<16xi32>
      %max3A_2147 = arith.maxui %max3A_2112, %min3A_2146 : vector<16xi32>
      %min3A_2148 = arith.minui %max3A_2112, %min3A_2146 : vector<16xi32>
      %max3A_2149 = arith.maxui %max3A_2114, %min3A_2148 : vector<16xi32>
      %min3A_2150 = arith.minui %max3A_2114, %min3A_2148 : vector<16xi32>
      %max3A_2151 = arith.maxui %max3A_2116, %min3A_2150 : vector<16xi32>
      %min3A_2152 = arith.minui %max3A_2116, %min3A_2150 : vector<16xi32>
      %get3A_2153 = arith.constant 61 : i32
      %get3A_2154 = arith.index_cast %get3A_2153 : i32 to index
      %get3A_2155 = arith.index_cast %mul3A_10 : i32 to index
      %get3A_2156 = tpu.vector_load %arg5[%get3A_2154, %get3A_2155] {strides = array<i32>} : memref<64x256xf32, #tpu.memory_space<vmem>>, vector<1x16xf32>,
      %get3A_2157 = vector.shape_cast %get3A_2156 : vector<1x16xf32> to vector<16xf32>
      %bitcast_convert_type3A_2158 = tpu.bitcast %get3A_2157 : vector<16xf32> -> vector<16xi32>
      %ge3A_2159 = arith.constant -2147483648 : i32
      %ge3A_2160 = vector.broadcast %ge3A_2159 : i32 to vector<16xi32>
      %ge3A_2161 = arith.cmpi uge, %bitcast_convert_type3A_2158, %ge3A_2160 : vector<16xi32>
      %xor3A_2162 = arith.constant -65536 : i32
      %xor3A_2163 = vector.broadcast %xor3A_2162 : i32 to vector<16xi32>
      %xor3A_2164 = arith.xori %bitcast_convert_type3A_2158, %xor3A_2163 : vector<16xi32>
      %or3A_2165 = arith.constant -2147483648 : i32
      %or3A_2166 = vector.broadcast %or3A_2165 : i32 to vector<16xi32>
      %or3A_2167 = arith.ori %bitcast_convert_type3A_2158, %or3A_2166 : vector<16xi32>
      %select_n3A_2168 = arith.select %ge3A_2161, %xor3A_2164, %or3A_2167 : vector<16xi1>, vector<16xi32>
      %add3A_2169 = arith.constant 2 : i32
      %add3A_2170 = vector.broadcast %add3A_2169 : i32 to vector<16xi32>
      %add3A_2171 = arith.addi %select_n3A_2168, %add3A_2170 : vector<16xi32>
      %max3A_2172 = arith.maxui %max3A_2137, %add3A_2171 : vector<16xi32>
      %min3A_2173 = arith.minui %max3A_2137, %add3A_2171 : vector<16xi32>
      %max3A_2174 = arith.maxui %max3A_2139, %min3A_2173 : vector<16xi32>
      %min3A_2175 = arith.minui %max3A_2139, %min3A_2173 : vector<16xi32>
      %max3A_2176 = arith.maxui %max3A_2141, %min3A_2175 : vector<16xi32>
      %min3A_2177 = arith.minui %max3A_2141, %min3A_2175 : vector<16xi32>
      %max3A_2178 = arith.maxui %max3A_2143, %min3A_2177 : vector<16xi32>
      %min3A_2179 = arith.minui %max3A_2143, %min3A_2177 : vector<16xi32>
      %max3A_2180 = arith.maxui %max3A_2145, %min3A_2179 : vector<16xi32>
      %min3A_2181 = arith.minui %max3A_2145, %min3A_2179 : vector<16xi32>
      %max3A_2182 = arith.maxui %max3A_2147, %min3A_2181 : vector<16xi32>
      %min3A_2183 = arith.minui %max3A_2147, %min3A_2181 : vector<16xi32>
      %max3A_2184 = arith.maxui %max3A_2149, %min3A_2183 : vector<16xi32>
      %min3A_2185 = arith.minui %max3A_2149, %min3A_2183 : vector<16xi32>
      %max3A_2186 = arith.maxui %max3A_2151, %min3A_2185 : vector<16xi32>
      %min3A_2187 = arith.minui %max3A_2151, %min3A_2185 : vector<16xi32>
      %get3A_2188 = arith.constant 62 : i32
      %get3A_2189 = arith.index_cast %get3A_2188 : i32 to index
      %get3A_2190 = arith.index_cast %mul3A_10 : i32 to index
      %get3A_2191 = tpu.vector_load %arg5[%get3A_2189, %get3A_2190] {strides = array<i32>} : memref<64x256xf32, #tpu.memory_space<vmem>>, vector<1x16xf32>,
      %get3A_2192 = vector.shape_cast %get3A_2191 : vector<1x16xf32> to vector<16xf32>
      %bitcast_convert_type3A_2193 = tpu.bitcast %get3A_2192 : vector<16xf32> -> vector<16xi32>
      %ge3A_2194 = arith.constant -2147483648 : i32
      %ge3A_2195 = vector.broadcast %ge3A_2194 : i32 to vector<16xi32>
      %ge3A_2196 = arith.cmpi uge, %bitcast_convert_type3A_2193, %ge3A_2195 : vector<16xi32>
      %xor3A_2197 = arith.constant -65536 : i32
      %xor3A_2198 = vector.broadcast %xor3A_2197 : i32 to vector<16xi32>
      %xor3A_2199 = arith.xori %bitcast_convert_type3A_2193, %xor3A_2198 : vector<16xi32>
      %or3A_2200 = arith.constant -2147483648 : i32
      %or3A_2201 = vector.broadcast %or3A_2200 : i32 to vector<16xi32>
      %or3A_2202 = arith.ori %bitcast_convert_type3A_2193, %or3A_2201 : vector<16xi32>
      %select_n3A_2203 = arith.select %ge3A_2196, %xor3A_2199, %or3A_2202 : vector<16xi1>, vector<16xi32>
      %add3A_2204 = arith.constant 1 : i32
      %add3A_2205 = vector.broadcast %add3A_2204 : i32 to vector<16xi32>
      %add3A_2206 = arith.addi %select_n3A_2203, %add3A_2205 : vector<16xi32>
      %max3A_2207 = arith.maxui %max3A_2172, %add3A_2206 : vector<16xi32>
      %min3A_2208 = arith.minui %max3A_2172, %add3A_2206 : vector<16xi32>
      %max3A_2209 = arith.maxui %max3A_2174, %min3A_2208 : vector<16xi32>
      %min3A_2210 = arith.minui %max3A_2174, %min3A_2208 : vector<16xi32>
      %max3A_2211 = arith.maxui %max3A_2176, %min3A_2210 : vector<16xi32>
      %min3A_2212 = arith.minui %max3A_2176, %min3A_2210 : vector<16xi32>
      %max3A_2213 = arith.maxui %max3A_2178, %min3A_2212 : vector<16xi32>
      %min3A_2214 = arith.minui %max3A_2178, %min3A_2212 : vector<16xi32>
      %max3A_2215 = arith.maxui %max3A_2180, %min3A_2214 : vector<16xi32>
      %min3A_2216 = arith.minui %max3A_2180, %min3A_2214 : vector<16xi32>
      %max3A_2217 = arith.maxui %max3A_2182, %min3A_2216 : vector<16xi32>
      %min3A_2218 = arith.minui %max3A_2182, %min3A_2216 : vector<16xi32>
      %max3A_2219 = arith.maxui %max3A_2184, %min3A_2218 : vector<16xi32>
      %min3A_2220 = arith.minui %max3A_2184, %min3A_2218 : vector<16xi32>
      %max3A_2221 = arith.maxui %max3A_2186, %min3A_2220 : vector<16xi32>
      %min3A_2222 = arith.minui %max3A_2186, %min3A_2220 : vector<16xi32>
      %get3A_2223 = arith.constant 63 : i32
      %get3A_2224 = arith.index_cast %get3A_2223 : i32 to index
      %get3A_2225 = arith.index_cast %mul3A_10 : i32 to index
      %get3A_2226 = tpu.vector_load %arg5[%get3A_2224, %get3A_2225] {strides = array<i32>} : memref<64x256xf32, #tpu.memory_space<vmem>>, vector<1x16xf32>,
      %get3A_2227 = vector.shape_cast %get3A_2226 : vector<1x16xf32> to vector<16xf32>
      %bitcast_convert_type3A_2228 = tpu.bitcast %get3A_2227 : vector<16xf32> -> vector<16xi32>
      %ge3A_2229 = arith.constant -2147483648 : i32
      %ge3A_2230 = vector.broadcast %ge3A_2229 : i32 to vector<16xi32>
      %ge3A_2231 = arith.cmpi uge, %bitcast_convert_type3A_2228, %ge3A_2230 : vector<16xi32>
      %xor3A_2232 = arith.constant -65536 : i32
      %xor3A_2233 = vector.broadcast %xor3A_2232 : i32 to vector<16xi32>
      %xor3A_2234 = arith.xori %bitcast_convert_type3A_2228, %xor3A_2233 : vector<16xi32>
      %or3A_2235 = arith.constant -2147483648 : i32
      %or3A_2236 = vector.broadcast %or3A_2235 : i32 to vector<16xi32>
      %or3A_2237 = arith.ori %bitcast_convert_type3A_2228, %or3A_2236 : vector<16xi32>
      %select_n3A_2238 = arith.select %ge3A_2231, %xor3A_2234, %or3A_2237 : vector<16xi1>, vector<16xi32>
      %add3A_2239 = arith.constant 0 : i32
      %add3A_2240 = vector.broadcast %add3A_2239 : i32 to vector<16xi32>
      %add3A_2241 = arith.addi %select_n3A_2238, %add3A_2240 : vector<16xi32>
      %max3A_2242 = arith.maxui %max3A_2207, %add3A_2241 : vector<16xi32>
      %min3A_2243 = arith.minui %max3A_2207, %add3A_2241 : vector<16xi32>
      %max3A_2244 = arith.maxui %max3A_2209, %min3A_2243 : vector<16xi32>
      %min3A_2245 = arith.minui %max3A_2209, %min3A_2243 : vector<16xi32>
      %max3A_2246 = arith.maxui %max3A_2211, %min3A_2245 : vector<16xi32>
      %min3A_2247 = arith.minui %max3A_2211, %min3A_2245 : vector<16xi32>
      %max3A_2248 = arith.maxui %max3A_2213, %min3A_2247 : vector<16xi32>
      %min3A_2249 = arith.minui %max3A_2213, %min3A_2247 : vector<16xi32>
      %max3A_2250 = arith.maxui %max3A_2215, %min3A_2249 : vector<16xi32>
      %min3A_2251 = arith.minui %max3A_2215, %min3A_2249 : vector<16xi32>
      %max3A_2252 = arith.maxui %max3A_2217, %min3A_2251 : vector<16xi32>
      %min3A_2253 = arith.minui %max3A_2217, %min3A_2251 : vector<16xi32>
      %max3A_2254 = arith.maxui %max3A_2219, %min3A_2253 : vector<16xi32>
      %min3A_2255 = arith.minui %max3A_2219, %min3A_2253 : vector<16xi32>
      %max3A_2256 = arith.maxui %max3A_2221, %min3A_2255 : vector<16xi32>
      %min3A_2257 = arith.minui %max3A_2221, %min3A_2255 : vector<16xi32>
      %and3A = arith.constant 63 : i32
      %and3A_2258 = vector.broadcast %and3A : i32 to vector<16xi32>
      %and3A_2259 = arith.andi %max3A_2242, %and3A_2258 : vector<16xi32>
      %sub3A = arith.constant 63 : i32
      %sub3A_2260 = vector.broadcast %sub3A : i32 to vector<16xi32>
      %sub3A_2261 = arith.subi %sub3A_2260, %and3A_2259 : vector<16xi32>
      %and3A_2262 = arith.constant -65536 : i32
      %and3A_2263 = vector.broadcast %and3A_2262 : i32 to vector<16xi32>
      %and3A_2264 = arith.andi %max3A_2242, %and3A_2263 : vector<16xi32>
      %ge3A_2265 = arith.constant -2147483648 : i32
      %ge3A_2266 = vector.broadcast %ge3A_2265 : i32 to vector<16xi32>
      %ge3A_2267 = arith.cmpi uge, %and3A_2264, %ge3A_2266 : vector<16xi32>
      %xor3A_2268 = arith.constant -2147483648 : i32
      %xor3A_2269 = vector.broadcast %xor3A_2268 : i32 to vector<16xi32>
      %xor3A_2270 = arith.xori %and3A_2264, %xor3A_2269 : vector<16xi32>
      %xor3A_2271 = arith.constant -65536 : i32
      %xor3A_2272 = vector.broadcast %xor3A_2271 : i32 to vector<16xi32>
      %xor3A_2273 = arith.xori %and3A_2264, %xor3A_2272 : vector<16xi32>
      %select_n3A_2274 = arith.select %ge3A_2267, %xor3A_2270, %xor3A_2273 : vector<16xi1>, vector<16xi32>
      %bitcast_convert_type3A_2275 = tpu.bitcast %select_n3A_2274 : vector<16xi32> -> vector<16xf32>
      %and3A_2276 = arith.constant 63 : i32
      %and3A_2277 = vector.broadcast %and3A_2276 : i32 to vector<16xi32>
      %and3A_2278 = arith.andi %max3A_2244, %and3A_2277 : vector<16xi32>
      %sub3A_2279 = arith.constant 63 : i32
      %sub3A_2280 = vector.broadcast %sub3A_2279 : i32 to vector<16xi32>
      %sub3A_2281 = arith.subi %sub3A_2280, %and3A_2278 : vector<16xi32>
      %and3A_2282 = arith.constant -65536 : i32
      %and3A_2283 = vector.broadcast %and3A_2282 : i32 to vector<16xi32>
      %and3A_2284 = arith.andi %max3A_2244, %and3A_2283 : vector<16xi32>
      %ge3A_2285 = arith.constant -2147483648 : i32
      %ge3A_2286 = vector.broadcast %ge3A_2285 : i32 to vector<16xi32>
      %ge3A_2287 = arith.cmpi uge, %and3A_2284, %ge3A_2286 : vector<16xi32>
      %xor3A_2288 = arith.constant -2147483648 : i32
      %xor3A_2289 = vector.broadcast %xor3A_2288 : i32 to vector<16xi32>
      %xor3A_2290 = arith.xori %and3A_2284, %xor3A_2289 : vector<16xi32>
      %xor3A_2291 = arith.constant -65536 : i32
      %xor3A_2292 = vector.broadcast %xor3A_2291 : i32 to vector<16xi32>
      %xor3A_2293 = arith.xori %and3A_2284, %xor3A_2292 : vector<16xi32>
      %select_n3A_2294 = arith.select %ge3A_2287, %xor3A_2290, %xor3A_2293 : vector<16xi1>, vector<16xi32>
      %bitcast_convert_type3A_2295 = tpu.bitcast %select_n3A_2294 : vector<16xi32> -> vector<16xf32>
      %and3A_2296 = arith.constant 63 : i32
      %and3A_2297 = vector.broadcast %and3A_2296 : i32 to vector<16xi32>
      %and3A_2298 = arith.andi %max3A_2246, %and3A_2297 : vector<16xi32>
      %sub3A_2299 = arith.constant 63 : i32
      %sub3A_2300 = vector.broadcast %sub3A_2299 : i32 to vector<16xi32>
      %sub3A_2301 = arith.subi %sub3A_2300, %and3A_2298 : vector<16xi32>
      %and3A_2302 = arith.constant -65536 : i32
      %and3A_2303 = vector.broadcast %and3A_2302 : i32 to vector<16xi32>
      %and3A_2304 = arith.andi %max3A_2246, %and3A_2303 : vector<16xi32>
      %ge3A_2305 = arith.constant -2147483648 : i32
      %ge3A_2306 = vector.broadcast %ge3A_2305 : i32 to vector<16xi32>
      %ge3A_2307 = arith.cmpi uge, %and3A_2304, %ge3A_2306 : vector<16xi32>
      %xor3A_2308 = arith.constant -2147483648 : i32
      %xor3A_2309 = vector.broadcast %xor3A_2308 : i32 to vector<16xi32>
      %xor3A_2310 = arith.xori %and3A_2304, %xor3A_2309 : vector<16xi32>
      %xor3A_2311 = arith.constant -65536 : i32
      %xor3A_2312 = vector.broadcast %xor3A_2311 : i32 to vector<16xi32>
      %xor3A_2313 = arith.xori %and3A_2304, %xor3A_2312 : vector<16xi32>
      %select_n3A_2314 = arith.select %ge3A_2307, %xor3A_2310, %xor3A_2313 : vector<16xi1>, vector<16xi32>
      %bitcast_convert_type3A_2315 = tpu.bitcast %select_n3A_2314 : vector<16xi32> -> vector<16xf32>
      %and3A_2316 = arith.constant 63 : i32
      %and3A_2317 = vector.broadcast %and3A_2316 : i32 to vector<16xi32>
      %and3A_2318 = arith.andi %max3A_2248, %and3A_2317 : vector<16xi32>
      %sub3A_2319 = arith.constant 63 : i32
      %sub3A_2320 = vector.broadcast %sub3A_2319 : i32 to vector<16xi32>
      %sub3A_2321 = arith.subi %sub3A_2320, %and3A_2318 : vector<16xi32>
      %and3A_2322 = arith.constant -65536 : i32
      %and3A_2323 = vector.broadcast %and3A_2322 : i32 to vector<16xi32>
      %and3A_2324 = arith.andi %max3A_2248, %and3A_2323 : vector<16xi32>
      %ge3A_2325 = arith.constant -2147483648 : i32
      %ge3A_2326 = vector.broadcast %ge3A_2325 : i32 to vector<16xi32>
      %ge3A_2327 = arith.cmpi uge, %and3A_2324, %ge3A_2326 : vector<16xi32>
      %xor3A_2328 = arith.constant -2147483648 : i32
      %xor3A_2329 = vector.broadcast %xor3A_2328 : i32 to vector<16xi32>
      %xor3A_2330 = arith.xori %and3A_2324, %xor3A_2329 : vector<16xi32>
      %xor3A_2331 = arith.constant -65536 : i32
      %xor3A_2332 = vector.broadcast %xor3A_2331 : i32 to vector<16xi32>
      %xor3A_2333 = arith.xori %and3A_2324, %xor3A_2332 : vector<16xi32>
      %select_n3A_2334 = arith.select %ge3A_2327, %xor3A_2330, %xor3A_2333 : vector<16xi1>, vector<16xi32>
      %bitcast_convert_type3A_2335 = tpu.bitcast %select_n3A_2334 : vector<16xi32> -> vector<16xf32>
      %and3A_2336 = arith.constant 63 : i32
      %and3A_2337 = vector.broadcast %and3A_2336 : i32 to vector<16xi32>
      %and3A_2338 = arith.andi %max3A_2250, %and3A_2337 : vector<16xi32>
      %sub3A_2339 = arith.constant 63 : i32
      %sub3A_2340 = vector.broadcast %sub3A_2339 : i32 to vector<16xi32>
      %sub3A_2341 = arith.subi %sub3A_2340, %and3A_2338 : vector<16xi32>
      %and3A_2342 = arith.constant -65536 : i32
      %and3A_2343 = vector.broadcast %and3A_2342 : i32 to vector<16xi32>
      %and3A_2344 = arith.andi %max3A_2250, %and3A_2343 : vector<16xi32>
      %ge3A_2345 = arith.constant -2147483648 : i32
      %ge3A_2346 = vector.broadcast %ge3A_2345 : i32 to vector<16xi32>
      %ge3A_2347 = arith.cmpi uge, %and3A_2344, %ge3A_2346 : vector<16xi32>
      %xor3A_2348 = arith.constant -2147483648 : i32
      %xor3A_2349 = vector.broadcast %xor3A_2348 : i32 to vector<16xi32>
      %xor3A_2350 = arith.xori %and3A_2344, %xor3A_2349 : vector<16xi32>
      %xor3A_2351 = arith.constant -65536 : i32
      %xor3A_2352 = vector.broadcast %xor3A_2351 : i32 to vector<16xi32>
      %xor3A_2353 = arith.xori %and3A_2344, %xor3A_2352 : vector<16xi32>
      %select_n3A_2354 = arith.select %ge3A_2347, %xor3A_2350, %xor3A_2353 : vector<16xi1>, vector<16xi32>
      %bitcast_convert_type3A_2355 = tpu.bitcast %select_n3A_2354 : vector<16xi32> -> vector<16xf32>
      %and3A_2356 = arith.constant 63 : i32
      %and3A_2357 = vector.broadcast %and3A_2356 : i32 to vector<16xi32>
      %and3A_2358 = arith.andi %max3A_2252, %and3A_2357 : vector<16xi32>
      %sub3A_2359 = arith.constant 63 : i32
      %sub3A_2360 = vector.broadcast %sub3A_2359 : i32 to vector<16xi32>
      %sub3A_2361 = arith.subi %sub3A_2360, %and3A_2358 : vector<16xi32>
      %and3A_2362 = arith.constant -65536 : i32
      %and3A_2363 = vector.broadcast %and3A_2362 : i32 to vector<16xi32>
      %and3A_2364 = arith.andi %max3A_2252, %and3A_2363 : vector<16xi32>
      %ge3A_2365 = arith.constant -2147483648 : i32
      %ge3A_2366 = vector.broadcast %ge3A_2365 : i32 to vector<16xi32>
      %ge3A_2367 = arith.cmpi uge, %and3A_2364, %ge3A_2366 : vector<16xi32>
      %xor3A_2368 = arith.constant -2147483648 : i32
      %xor3A_2369 = vector.broadcast %xor3A_2368 : i32 to vector<16xi32>
      %xor3A_2370 = arith.xori %and3A_2364, %xor3A_2369 : vector<16xi32>
      %xor3A_2371 = arith.constant -65536 : i32
      %xor3A_2372 = vector.broadcast %xor3A_2371 : i32 to vector<16xi32>
      %xor3A_2373 = arith.xori %and3A_2364, %xor3A_2372 : vector<16xi32>
      %select_n3A_2374 = arith.select %ge3A_2367, %xor3A_2370, %xor3A_2373 : vector<16xi1>, vector<16xi32>
      %bitcast_convert_type3A_2375 = tpu.bitcast %select_n3A_2374 : vector<16xi32> -> vector<16xf32>
      %and3A_2376 = arith.constant 63 : i32
      %and3A_2377 = vector.broadcast %and3A_2376 : i32 to vector<16xi32>
      %and3A_2378 = arith.andi %max3A_2254, %and3A_2377 : vector<16xi32>
      %sub3A_2379 = arith.constant 63 : i32
      %sub3A_2380 = vector.broadcast %sub3A_2379 : i32 to vector<16xi32>
      %sub3A_2381 = arith.subi %sub3A_2380, %and3A_2378 : vector<16xi32>
      %and3A_2382 = arith.constant -65536 : i32
      %and3A_2383 = vector.broadcast %and3A_2382 : i32 to vector<16xi32>
      %and3A_2384 = arith.andi %max3A_2254, %and3A_2383 : vector<16xi32>
      %ge3A_2385 = arith.constant -2147483648 : i32
      %ge3A_2386 = vector.broadcast %ge3A_2385 : i32 to vector<16xi32>
      %ge3A_2387 = arith.cmpi uge, %and3A_2384, %ge3A_2386 : vector<16xi32>
      %xor3A_2388 = arith.constant -2147483648 : i32
      %xor3A_2389 = vector.broadcast %xor3A_2388 : i32 to vector<16xi32>
      %xor3A_2390 = arith.xori %and3A_2384, %xor3A_2389 : vector<16xi32>
      %xor3A_2391 = arith.constant -65536 : i32
      %xor3A_2392 = vector.broadcast %xor3A_2391 : i32 to vector<16xi32>
      %xor3A_2393 = arith.xori %and3A_2384, %xor3A_2392 : vector<16xi32>
      %select_n3A_2394 = arith.select %ge3A_2387, %xor3A_2390, %xor3A_2393 : vector<16xi1>, vector<16xi32>
      %bitcast_convert_type3A_2395 = tpu.bitcast %select_n3A_2394 : vector<16xi32> -> vector<16xf32>
      %and3A_2396 = arith.constant 63 : i32
      %and3A_2397 = vector.broadcast %and3A_2396 : i32 to vector<16xi32>
      %and3A_2398 = arith.andi %max3A_2256, %and3A_2397 : vector<16xi32>
      %sub3A_2399 = arith.constant 63 : i32
      %sub3A_2400 = vector.broadcast %sub3A_2399 : i32 to vector<16xi32>
      %sub3A_2401 = arith.subi %sub3A_2400, %and3A_2398 : vector<16xi32>
      %and3A_2402 = arith.constant -65536 : i32
      %and3A_2403 = vector.broadcast %and3A_2402 : i32 to vector<16xi32>
      %and3A_2404 = arith.andi %max3A_2256, %and3A_2403 : vector<16xi32>
      %ge3A_2405 = arith.constant -2147483648 : i32
      %ge3A_2406 = vector.broadcast %ge3A_2405 : i32 to vector<16xi32>
      %ge3A_2407 = arith.cmpi uge, %and3A_2404, %ge3A_2406 : vector<16xi32>
      %xor3A_2408 = arith.constant -2147483648 : i32
      %xor3A_2409 = vector.broadcast %xor3A_2408 : i32 to vector<16xi32>
      %xor3A_2410 = arith.xori %and3A_2404, %xor3A_2409 : vector<16xi32>
      %xor3A_2411 = arith.constant -65536 : i32
      %xor3A_2412 = vector.broadcast %xor3A_2411 : i32 to vector<16xi32>
      %xor3A_2413 = arith.xori %and3A_2404, %xor3A_2412 : vector<16xi32>
      %select_n3A_2414 = arith.select %ge3A_2407, %xor3A_2410, %xor3A_2413 : vector<16xi1>, vector<16xi32>
      %bitcast_convert_type3A_2415 = tpu.bitcast %select_n3A_2414 : vector<16xi32> -> vector<16xf32>
      %broadcast_in_dim3A_2416 = arith.constant 0.000000e+00 : f32
      %broadcast_in_dim3A_2417 = vector.broadcast %broadcast_in_dim3A_2416 : f32 to vector<16xf32>
      %get3A_2418 = arith.constant 0 : i32
      %get3A_2419 = arith.index_cast %get3A_2418 : i32 to index
      %get3A_2420 = arith.index_cast %mul3A_10 : i32 to index
      %get3A_2421 = tpu.vector_load %arg5[%get3A_2419, %get3A_2420] {strides = array<i32>} : memref<64x256xf32, #tpu.memory_space<vmem>>, vector<1x16xf32>,
      %get3A_2422 = vector.shape_cast %get3A_2421 : vector<1x16xf32> to vector<16xf32>
      %sub3A_2423 = arith.subf %get3A_2422, %bitcast_convert_type3A_2275 : vector<16xf32>
      %exp3A = math.exp %sub3A_2423 : vector<16xf32>
      %add3A_2424 = arith.addf %broadcast_in_dim3A_2417, %exp3A : vector<16xf32>
      %get3A_2425 = arith.constant 1 : i32
      %get3A_2426 = arith.index_cast %get3A_2425 : i32 to index
      %get3A_2427 = arith.index_cast %mul3A_10 : i32 to index
      %get3A_2428 = tpu.vector_load %arg5[%get3A_2426, %get3A_2427] {strides = array<i32>} : memref<64x256xf32, #tpu.memory_space<vmem>>, vector<1x16xf32>,
      %get3A_2429 = vector.shape_cast %get3A_2428 : vector<1x16xf32> to vector<16xf32>
      %sub3A_2430 = arith.subf %get3A_2429, %bitcast_convert_type3A_2275 : vector<16xf32>
      %exp3A_2431 = math.exp %sub3A_2430 : vector<16xf32>
      %add3A_2432 = arith.addf %add3A_2424, %exp3A_2431 : vector<16xf32>
      %get3A_2433 = arith.constant 2 : i32
      %get3A_2434 = arith.index_cast %get3A_2433 : i32 to index
      %get3A_2435 = arith.index_cast %mul3A_10 : i32 to index
      %get3A_2436 = tpu.vector_load %arg5[%get3A_2434, %get3A_2435] {strides = array<i32>} : memref<64x256xf32, #tpu.memory_space<vmem>>, vector<1x16xf32>,
      %get3A_2437 = vector.shape_cast %get3A_2436 : vector<1x16xf32> to vector<16xf32>
      %sub3A_2438 = arith.subf %get3A_2437, %bitcast_convert_type3A_2275 : vector<16xf32>
      %exp3A_2439 = math.exp %sub3A_2438 : vector<16xf32>
      %add3A_2440 = arith.addf %add3A_2432, %exp3A_2439 : vector<16xf32>
      %get3A_2441 = arith.constant 3 : i32
      %get3A_2442 = arith.index_cast %get3A_2441 : i32 to index
      %get3A_2443 = arith.index_cast %mul3A_10 : i32 to index
      %get3A_2444 = tpu.vector_load %arg5[%get3A_2442, %get3A_2443] {strides = array<i32>} : memref<64x256xf32, #tpu.memory_space<vmem>>, vector<1x16xf32>,
      %get3A_2445 = vector.shape_cast %get3A_2444 : vector<1x16xf32> to vector<16xf32>
      %sub3A_2446 = arith.subf %get3A_2445, %bitcast_convert_type3A_2275 : vector<16xf32>
      %exp3A_2447 = math.exp %sub3A_2446 : vector<16xf32>
      %add3A_2448 = arith.addf %add3A_2440, %exp3A_2447 : vector<16xf32>
      %get3A_2449 = arith.constant 4 : i32
      %get3A_2450 = arith.index_cast %get3A_2449 : i32 to index
      %get3A_2451 = arith.index_cast %mul3A_10 : i32 to index
      %get3A_2452 = tpu.vector_load %arg5[%get3A_2450, %get3A_2451] {strides = array<i32>} : memref<64x256xf32, #tpu.memory_space<vmem>>, vector<1x16xf32>,
      %get3A_2453 = vector.shape_cast %get3A_2452 : vector<1x16xf32> to vector<16xf32>
      %sub3A_2454 = arith.subf %get3A_2453, %bitcast_convert_type3A_2275 : vector<16xf32>
      %exp3A_2455 = math.exp %sub3A_2454 : vector<16xf32>
      %add3A_2456 = arith.addf %add3A_2448, %exp3A_2455 : vector<16xf32>
      %get3A_2457 = arith.constant 5 : i32
      %get3A_2458 = arith.index_cast %get3A_2457 : i32 to index
      %get3A_2459 = arith.index_cast %mul3A_10 : i32 to index
      %get3A_2460 = tpu.vector_load %arg5[%get3A_2458, %get3A_2459] {strides = array<i32>} : memref<64x256xf32, #tpu.memory_space<vmem>>, vector<1x16xf32>,
      %get3A_2461 = vector.shape_cast %get3A_2460 : vector<1x16xf32> to vector<16xf32>
      %sub3A_2462 = arith.subf %get3A_2461, %bitcast_convert_type3A_2275 : vector<16xf32>
      %exp3A_2463 = math.exp %sub3A_2462 : vector<16xf32>
      %add3A_2464 = arith.addf %add3A_2456, %exp3A_2463 : vector<16xf32>
      %get3A_2465 = arith.constant 6 : i32
      %get3A_2466 = arith.index_cast %get3A_2465 : i32 to index
      %get3A_2467 = arith.index_cast %mul3A_10 : i32 to index
      %get3A_2468 = tpu.vector_load %arg5[%get3A_2466, %get3A_2467] {strides = array<i32>} : memref<64x256xf32, #tpu.memory_space<vmem>>, vector<1x16xf32>,
      %get3A_2469 = vector.shape_cast %get3A_2468 : vector<1x16xf32> to vector<16xf32>
      %sub3A_2470 = arith.subf %get3A_2469, %bitcast_convert_type3A_2275 : vector<16xf32>
      %exp3A_2471 = math.exp %sub3A_2470 : vector<16xf32>
      %add3A_2472 = arith.addf %add3A_2464, %exp3A_2471 : vector<16xf32>
      %get3A_2473 = arith.constant 7 : i32
      %get3A_2474 = arith.index_cast %get3A_2473 : i32 to index
      %get3A_2475 = arith.index_cast %mul3A_10 : i32 to index
      %get3A_2476 = tpu.vector_load %arg5[%get3A_2474, %get3A_2475] {strides = array<i32>} : memref<64x256xf32, #tpu.memory_space<vmem>>, vector<1x16xf32>,
      %get3A_2477 = vector.shape_cast %get3A_2476 : vector<1x16xf32> to vector<16xf32>
      %sub3A_2478 = arith.subf %get3A_2477, %bitcast_convert_type3A_2275 : vector<16xf32>
      %exp3A_2479 = math.exp %sub3A_2478 : vector<16xf32>
      %add3A_2480 = arith.addf %add3A_2472, %exp3A_2479 : vector<16xf32>
      %get3A_2481 = arith.constant 8 : i32
      %get3A_2482 = arith.index_cast %get3A_2481 : i32 to index
      %get3A_2483 = arith.index_cast %mul3A_10 : i32 to index
      %get3A_2484 = tpu.vector_load %arg5[%get3A_2482, %get3A_2483] {strides = array<i32>} : memref<64x256xf32, #tpu.memory_space<vmem>>, vector<1x16xf32>,
      %get3A_2485 = vector.shape_cast %get3A_2484 : vector<1x16xf32> to vector<16xf32>
      %sub3A_2486 = arith.subf %get3A_2485, %bitcast_convert_type3A_2275 : vector<16xf32>
      %exp3A_2487 = math.exp %sub3A_2486 : vector<16xf32>
      %add3A_2488 = arith.addf %add3A_2480, %exp3A_2487 : vector<16xf32>
      %get3A_2489 = arith.constant 9 : i32
      %get3A_2490 = arith.index_cast %get3A_2489 : i32 to index
      %get3A_2491 = arith.index_cast %mul3A_10 : i32 to index
      %get3A_2492 = tpu.vector_load %arg5[%get3A_2490, %get3A_2491] {strides = array<i32>} : memref<64x256xf32, #tpu.memory_space<vmem>>, vector<1x16xf32>,
      %get3A_2493 = vector.shape_cast %get3A_2492 : vector<1x16xf32> to vector<16xf32>
      %sub3A_2494 = arith.subf %get3A_2493, %bitcast_convert_type3A_2275 : vector<16xf32>
      %exp3A_2495 = math.exp %sub3A_2494 : vector<16xf32>
      %add3A_2496 = arith.addf %add3A_2488, %exp3A_2495 : vector<16xf32>
      %get3A_2497 = arith.constant 10 : i32
      %get3A_2498 = arith.index_cast %get3A_2497 : i32 to index
      %get3A_2499 = arith.index_cast %mul3A_10 : i32 to index
      %get3A_2500 = tpu.vector_load %arg5[%get3A_2498, %get3A_2499] {strides = array<i32>} : memref<64x256xf32, #tpu.memory_space<vmem>>, vector<1x16xf32>,
      %get3A_2501 = vector.shape_cast %get3A_2500 : vector<1x16xf32> to vector<16xf32>
      %sub3A_2502 = arith.subf %get3A_2501, %bitcast_convert_type3A_2275 : vector<16xf32>
      %exp3A_2503 = math.exp %sub3A_2502 : vector<16xf32>
      %add3A_2504 = arith.addf %add3A_2496, %exp3A_2503 : vector<16xf32>
      %get3A_2505 = arith.constant 11 : i32
      %get3A_2506 = arith.index_cast %get3A_2505 : i32 to index
      %get3A_2507 = arith.index_cast %mul3A_10 : i32 to index
      %get3A_2508 = tpu.vector_load %arg5[%get3A_2506, %get3A_2507] {strides = array<i32>} : memref<64x256xf32, #tpu.memory_space<vmem>>, vector<1x16xf32>,
      %get3A_2509 = vector.shape_cast %get3A_2508 : vector<1x16xf32> to vector<16xf32>
      %sub3A_2510 = arith.subf %get3A_2509, %bitcast_convert_type3A_2275 : vector<16xf32>
      %exp3A_2511 = math.exp %sub3A_2510 : vector<16xf32>
      %add3A_2512 = arith.addf %add3A_2504, %exp3A_2511 : vector<16xf32>
      %get3A_2513 = arith.constant 12 : i32
      %get3A_2514 = arith.index_cast %get3A_2513 : i32 to index
      %get3A_2515 = arith.index_cast %mul3A_10 : i32 to index
      %get3A_2516 = tpu.vector_load %arg5[%get3A_2514, %get3A_2515] {strides = array<i32>} : memref<64x256xf32, #tpu.memory_space<vmem>>, vector<1x16xf32>,
      %get3A_2517 = vector.shape_cast %get3A_2516 : vector<1x16xf32> to vector<16xf32>
      %sub3A_2518 = arith.subf %get3A_2517, %bitcast_convert_type3A_2275 : vector<16xf32>
      %exp3A_2519 = math.exp %sub3A_2518 : vector<16xf32>
      %add3A_2520 = arith.addf %add3A_2512, %exp3A_2519 : vector<16xf32>
      %get3A_2521 = arith.constant 13 : i32
      %get3A_2522 = arith.index_cast %get3A_2521 : i32 to index
      %get3A_2523 = arith.index_cast %mul3A_10 : i32 to index
      %get3A_2524 = tpu.vector_load %arg5[%get3A_2522, %get3A_2523] {strides = array<i32>} : memref<64x256xf32, #tpu.memory_space<vmem>>, vector<1x16xf32>,
      %get3A_2525 = vector.shape_cast %get3A_2524 : vector<1x16xf32> to vector<16xf32>
      %sub3A_2526 = arith.subf %get3A_2525, %bitcast_convert_type3A_2275 : vector<16xf32>
      %exp3A_2527 = math.exp %sub3A_2526 : vector<16xf32>
      %add3A_2528 = arith.addf %add3A_2520, %exp3A_2527 : vector<16xf32>
      %get3A_2529 = arith.constant 14 : i32
      %get3A_2530 = arith.index_cast %get3A_2529 : i32 to index
      %get3A_2531 = arith.index_cast %mul3A_10 : i32 to index
      %get3A_2532 = tpu.vector_load %arg5[%get3A_2530, %get3A_2531] {strides = array<i32>} : memref<64x256xf32, #tpu.memory_space<vmem>>, vector<1x16xf32>,
      %get3A_2533 = vector.shape_cast %get3A_2532 : vector<1x16xf32> to vector<16xf32>
      %sub3A_2534 = arith.subf %get3A_2533, %bitcast_convert_type3A_2275 : vector<16xf32>
      %exp3A_2535 = math.exp %sub3A_2534 : vector<16xf32>
      %add3A_2536 = arith.addf %add3A_2528, %exp3A_2535 : vector<16xf32>
      %get3A_2537 = arith.constant 15 : i32
      %get3A_2538 = arith.index_cast %get3A_2537 : i32 to index
      %get3A_2539 = arith.index_cast %mul3A_10 : i32 to index
      %get3A_2540 = tpu.vector_load %arg5[%get3A_2538, %get3A_2539] {strides = array<i32>} : memref<64x256xf32, #tpu.memory_space<vmem>>, vector<1x16xf32>,
      %get3A_2541 = vector.shape_cast %get3A_2540 : vector<1x16xf32> to vector<16xf32>
      %sub3A_2542 = arith.subf %get3A_2541, %bitcast_convert_type3A_2275 : vector<16xf32>
      %exp3A_2543 = math.exp %sub3A_2542 : vector<16xf32>
      %add3A_2544 = arith.addf %add3A_2536, %exp3A_2543 : vector<16xf32>
      %get3A_2545 = arith.constant 16 : i32
      %get3A_2546 = arith.index_cast %get3A_2545 : i32 to index
      %get3A_2547 = arith.index_cast %mul3A_10 : i32 to index
      %get3A_2548 = tpu.vector_load %arg5[%get3A_2546, %get3A_2547] {strides = array<i32>} : memref<64x256xf32, #tpu.memory_space<vmem>>, vector<1x16xf32>,
      %get3A_2549 = vector.shape_cast %get3A_2548 : vector<1x16xf32> to vector<16xf32>
      %sub3A_2550 = arith.subf %get3A_2549, %bitcast_convert_type3A_2275 : vector<16xf32>
      %exp3A_2551 = math.exp %sub3A_2550 : vector<16xf32>
      %add3A_2552 = arith.addf %add3A_2544, %exp3A_2551 : vector<16xf32>
      %get3A_2553 = arith.constant 17 : i32
      %get3A_2554 = arith.index_cast %get3A_2553 : i32 to index
      %get3A_2555 = arith.index_cast %mul3A_10 : i32 to index
      %get3A_2556 = tpu.vector_load %arg5[%get3A_2554, %get3A_2555] {strides = array<i32>} : memref<64x256xf32, #tpu.memory_space<vmem>>, vector<1x16xf32>,
      %get3A_2557 = vector.shape_cast %get3A_2556 : vector<1x16xf32> to vector<16xf32>
      %sub3A_2558 = arith.subf %get3A_2557, %bitcast_convert_type3A_2275 : vector<16xf32>
      %exp3A_2559 = math.exp %sub3A_2558 : vector<16xf32>
      %add3A_2560 = arith.addf %add3A_2552, %exp3A_2559 : vector<16xf32>
      %get3A_2561 = arith.constant 18 : i32
      %get3A_2562 = arith.index_cast %get3A_2561 : i32 to index
      %get3A_2563 = arith.index_cast %mul3A_10 : i32 to index
      %get3A_2564 = tpu.vector_load %arg5[%get3A_2562, %get3A_2563] {strides = array<i32>} : memref<64x256xf32, #tpu.memory_space<vmem>>, vector<1x16xf32>,
      %get3A_2565 = vector.shape_cast %get3A_2564 : vector<1x16xf32> to vector<16xf32>
      %sub3A_2566 = arith.subf %get3A_2565, %bitcast_convert_type3A_2275 : vector<16xf32>
      %exp3A_2567 = math.exp %sub3A_2566 : vector<16xf32>
      %add3A_2568 = arith.addf %add3A_2560, %exp3A_2567 : vector<16xf32>
      %get3A_2569 = arith.constant 19 : i32
      %get3A_2570 = arith.index_cast %get3A_2569 : i32 to index
      %get3A_2571 = arith.index_cast %mul3A_10 : i32 to index
      %get3A_2572 = tpu.vector_load %arg5[%get3A_2570, %get3A_2571] {strides = array<i32>} : memref<64x256xf32, #tpu.memory_space<vmem>>, vector<1x16xf32>,
      %get3A_2573 = vector.shape_cast %get3A_2572 : vector<1x16xf32> to vector<16xf32>
      %sub3A_2574 = arith.subf %get3A_2573, %bitcast_convert_type3A_2275 : vector<16xf32>
      %exp3A_2575 = math.exp %sub3A_2574 : vector<16xf32>
      %add3A_2576 = arith.addf %add3A_2568, %exp3A_2575 : vector<16xf32>
      %get3A_2577 = arith.constant 20 : i32
      %get3A_2578 = arith.index_cast %get3A_2577 : i32 to index
      %get3A_2579 = arith.index_cast %mul3A_10 : i32 to index
      %get3A_2580 = tpu.vector_load %arg5[%get3A_2578, %get3A_2579] {strides = array<i32>} : memref<64x256xf32, #tpu.memory_space<vmem>>, vector<1x16xf32>,
      %get3A_2581 = vector.shape_cast %get3A_2580 : vector<1x16xf32> to vector<16xf32>
      %sub3A_2582 = arith.subf %get3A_2581, %bitcast_convert_type3A_2275 : vector<16xf32>
      %exp3A_2583 = math.exp %sub3A_2582 : vector<16xf32>
      %add3A_2584 = arith.addf %add3A_2576, %exp3A_2583 : vector<16xf32>
      %get3A_2585 = arith.constant 21 : i32
      %get3A_2586 = arith.index_cast %get3A_2585 : i32 to index
      %get3A_2587 = arith.index_cast %mul3A_10 : i32 to index
      %get3A_2588 = tpu.vector_load %arg5[%get3A_2586, %get3A_2587] {strides = array<i32>} : memref<64x256xf32, #tpu.memory_space<vmem>>, vector<1x16xf32>,
      %get3A_2589 = vector.shape_cast %get3A_2588 : vector<1x16xf32> to vector<16xf32>
      %sub3A_2590 = arith.subf %get3A_2589, %bitcast_convert_type3A_2275 : vector<16xf32>
      %exp3A_2591 = math.exp %sub3A_2590 : vector<16xf32>
      %add3A_2592 = arith.addf %add3A_2584, %exp3A_2591 : vector<16xf32>
      %get3A_2593 = arith.constant 22 : i32
      %get3A_2594 = arith.index_cast %get3A_2593 : i32 to index
      %get3A_2595 = arith.index_cast %mul3A_10 : i32 to index
      %get3A_2596 = tpu.vector_load %arg5[%get3A_2594, %get3A_2595] {strides = array<i32>} : memref<64x256xf32, #tpu.memory_space<vmem>>, vector<1x16xf32>,
      %get3A_2597 = vector.shape_cast %get3A_2596 : vector<1x16xf32> to vector<16xf32>
      %sub3A_2598 = arith.subf %get3A_2597, %bitcast_convert_type3A_2275 : vector<16xf32>
      %exp3A_2599 = math.exp %sub3A_2598 : vector<16xf32>
      %add3A_2600 = arith.addf %add3A_2592, %exp3A_2599 : vector<16xf32>
      %get3A_2601 = arith.constant 23 : i32
      %get3A_2602 = arith.index_cast %get3A_2601 : i32 to index
      %get3A_2603 = arith.index_cast %mul3A_10 : i32 to index
      %get3A_2604 = tpu.vector_load %arg5[%get3A_2602, %get3A_2603] {strides = array<i32>} : memref<64x256xf32, #tpu.memory_space<vmem>>, vector<1x16xf32>,
      %get3A_2605 = vector.shape_cast %get3A_2604 : vector<1x16xf32> to vector<16xf32>
      %sub3A_2606 = arith.subf %get3A_2605, %bitcast_convert_type3A_2275 : vector<16xf32>
      %exp3A_2607 = math.exp %sub3A_2606 : vector<16xf32>
      %add3A_2608 = arith.addf %add3A_2600, %exp3A_2607 : vector<16xf32>
      %get3A_2609 = arith.constant 24 : i32
      %get3A_2610 = arith.index_cast %get3A_2609 : i32 to index
      %get3A_2611 = arith.index_cast %mul3A_10 : i32 to index
      %get3A_2612 = tpu.vector_load %arg5[%get3A_2610, %get3A_2611] {strides = array<i32>} : memref<64x256xf32, #tpu.memory_space<vmem>>, vector<1x16xf32>,
      %get3A_2613 = vector.shape_cast %get3A_2612 : vector<1x16xf32> to vector<16xf32>
      %sub3A_2614 = arith.subf %get3A_2613, %bitcast_convert_type3A_2275 : vector<16xf32>
      %exp3A_2615 = math.exp %sub3A_2614 : vector<16xf32>
      %add3A_2616 = arith.addf %add3A_2608, %exp3A_2615 : vector<16xf32>
      %get3A_2617 = arith.constant 25 : i32
      %get3A_2618 = arith.index_cast %get3A_2617 : i32 to index
      %get3A_2619 = arith.index_cast %mul3A_10 : i32 to index
      %get3A_2620 = tpu.vector_load %arg5[%get3A_2618, %get3A_2619] {strides = array<i32>} : memref<64x256xf32, #tpu.memory_space<vmem>>, vector<1x16xf32>,
      %get3A_2621 = vector.shape_cast %get3A_2620 : vector<1x16xf32> to vector<16xf32>
      %sub3A_2622 = arith.subf %get3A_2621, %bitcast_convert_type3A_2275 : vector<16xf32>
      %exp3A_2623 = math.exp %sub3A_2622 : vector<16xf32>
      %add3A_2624 = arith.addf %add3A_2616, %exp3A_2623 : vector<16xf32>
      %get3A_2625 = arith.constant 26 : i32
      %get3A_2626 = arith.index_cast %get3A_2625 : i32 to index
      %get3A_2627 = arith.index_cast %mul3A_10 : i32 to index
      %get3A_2628 = tpu.vector_load %arg5[%get3A_2626, %get3A_2627] {strides = array<i32>} : memref<64x256xf32, #tpu.memory_space<vmem>>, vector<1x16xf32>,
      %get3A_2629 = vector.shape_cast %get3A_2628 : vector<1x16xf32> to vector<16xf32>
      %sub3A_2630 = arith.subf %get3A_2629, %bitcast_convert_type3A_2275 : vector<16xf32>
      %exp3A_2631 = math.exp %sub3A_2630 : vector<16xf32>
      %add3A_2632 = arith.addf %add3A_2624, %exp3A_2631 : vector<16xf32>
      %get3A_2633 = arith.constant 27 : i32
      %get3A_2634 = arith.index_cast %get3A_2633 : i32 to index
      %get3A_2635 = arith.index_cast %mul3A_10 : i32 to index
      %get3A_2636 = tpu.vector_load %arg5[%get3A_2634, %get3A_2635] {strides = array<i32>} : memref<64x256xf32, #tpu.memory_space<vmem>>, vector<1x16xf32>,
      %get3A_2637 = vector.shape_cast %get3A_2636 : vector<1x16xf32> to vector<16xf32>
      %sub3A_2638 = arith.subf %get3A_2637, %bitcast_convert_type3A_2275 : vector<16xf32>
      %exp3A_2639 = math.exp %sub3A_2638 : vector<16xf32>
      %add3A_2640 = arith.addf %add3A_2632, %exp3A_2639 : vector<16xf32>
      %get3A_2641 = arith.constant 28 : i32
      %get3A_2642 = arith.index_cast %get3A_2641 : i32 to index
      %get3A_2643 = arith.index_cast %mul3A_10 : i32 to index
      %get3A_2644 = tpu.vector_load %arg5[%get3A_2642, %get3A_2643] {strides = array<i32>} : memref<64x256xf32, #tpu.memory_space<vmem>>, vector<1x16xf32>,
      %get3A_2645 = vector.shape_cast %get3A_2644 : vector<1x16xf32> to vector<16xf32>
      %sub3A_2646 = arith.subf %get3A_2645, %bitcast_convert_type3A_2275 : vector<16xf32>
      %exp3A_2647 = math.exp %sub3A_2646 : vector<16xf32>
      %add3A_2648 = arith.addf %add3A_2640, %exp3A_2647 : vector<16xf32>
      %get3A_2649 = arith.constant 29 : i32
      %get3A_2650 = arith.index_cast %get3A_2649 : i32 to index
      %get3A_2651 = arith.index_cast %mul3A_10 : i32 to index
      %get3A_2652 = tpu.vector_load %arg5[%get3A_2650, %get3A_2651] {strides = array<i32>} : memref<64x256xf32, #tpu.memory_space<vmem>>, vector<1x16xf32>,
      %get3A_2653 = vector.shape_cast %get3A_2652 : vector<1x16xf32> to vector<16xf32>
      %sub3A_2654 = arith.subf %get3A_2653, %bitcast_convert_type3A_2275 : vector<16xf32>
      %exp3A_2655 = math.exp %sub3A_2654 : vector<16xf32>
      %add3A_2656 = arith.addf %add3A_2648, %exp3A_2655 : vector<16xf32>
      %get3A_2657 = arith.constant 30 : i32
      %get3A_2658 = arith.index_cast %get3A_2657 : i32 to index
      %get3A_2659 = arith.index_cast %mul3A_10 : i32 to index
      %get3A_2660 = tpu.vector_load %arg5[%get3A_2658, %get3A_2659] {strides = array<i32>} : memref<64x256xf32, #tpu.memory_space<vmem>>, vector<1x16xf32>,
      %get3A_2661 = vector.shape_cast %get3A_2660 : vector<1x16xf32> to vector<16xf32>
      %sub3A_2662 = arith.subf %get3A_2661, %bitcast_convert_type3A_2275 : vector<16xf32>
      %exp3A_2663 = math.exp %sub3A_2662 : vector<16xf32>
      %add3A_2664 = arith.addf %add3A_2656, %exp3A_2663 : vector<16xf32>
      %get3A_2665 = arith.constant 31 : i32
      %get3A_2666 = arith.index_cast %get3A_2665 : i32 to index
      %get3A_2667 = arith.index_cast %mul3A_10 : i32 to index
      %get3A_2668 = tpu.vector_load %arg5[%get3A_2666, %get3A_2667] {strides = array<i32>} : memref<64x256xf32, #tpu.memory_space<vmem>>, vector<1x16xf32>,
      %get3A_2669 = vector.shape_cast %get3A_2668 : vector<1x16xf32> to vector<16xf32>
      %sub3A_2670 = arith.subf %get3A_2669, %bitcast_convert_type3A_2275 : vector<16xf32>
      %exp3A_2671 = math.exp %sub3A_2670 : vector<16xf32>
      %add3A_2672 = arith.addf %add3A_2664, %exp3A_2671 : vector<16xf32>
      %get3A_2673 = arith.constant 32 : i32
      %get3A_2674 = arith.index_cast %get3A_2673 : i32 to index
      %get3A_2675 = arith.index_cast %mul3A_10 : i32 to index
      %get3A_2676 = tpu.vector_load %arg5[%get3A_2674, %get3A_2675] {strides = array<i32>} : memref<64x256xf32, #tpu.memory_space<vmem>>, vector<1x16xf32>,
      %get3A_2677 = vector.shape_cast %get3A_2676 : vector<1x16xf32> to vector<16xf32>
      %sub3A_2678 = arith.subf %get3A_2677, %bitcast_convert_type3A_2275 : vector<16xf32>
      %exp3A_2679 = math.exp %sub3A_2678 : vector<16xf32>
      %add3A_2680 = arith.addf %add3A_2672, %exp3A_2679 : vector<16xf32>
      %get3A_2681 = arith.constant 33 : i32
      %get3A_2682 = arith.index_cast %get3A_2681 : i32 to index
      %get3A_2683 = arith.index_cast %mul3A_10 : i32 to index
      %get3A_2684 = tpu.vector_load %arg5[%get3A_2682, %get3A_2683] {strides = array<i32>} : memref<64x256xf32, #tpu.memory_space<vmem>>, vector<1x16xf32>,
      %get3A_2685 = vector.shape_cast %get3A_2684 : vector<1x16xf32> to vector<16xf32>
      %sub3A_2686 = arith.subf %get3A_2685, %bitcast_convert_type3A_2275 : vector<16xf32>
      %exp3A_2687 = math.exp %sub3A_2686 : vector<16xf32>
      %add3A_2688 = arith.addf %add3A_2680, %exp3A_2687 : vector<16xf32>
      %get3A_2689 = arith.constant 34 : i32
      %get3A_2690 = arith.index_cast %get3A_2689 : i32 to index
      %get3A_2691 = arith.index_cast %mul3A_10 : i32 to index
      %get3A_2692 = tpu.vector_load %arg5[%get3A_2690, %get3A_2691] {strides = array<i32>} : memref<64x256xf32, #tpu.memory_space<vmem>>, vector<1x16xf32>,
      %get3A_2693 = vector.shape_cast %get3A_2692 : vector<1x16xf32> to vector<16xf32>
      %sub3A_2694 = arith.subf %get3A_2693, %bitcast_convert_type3A_2275 : vector<16xf32>
      %exp3A_2695 = math.exp %sub3A_2694 : vector<16xf32>
      %add3A_2696 = arith.addf %add3A_2688, %exp3A_2695 : vector<16xf32>
      %get3A_2697 = arith.constant 35 : i32
      %get3A_2698 = arith.index_cast %get3A_2697 : i32 to index
      %get3A_2699 = arith.index_cast %mul3A_10 : i32 to index
      %get3A_2700 = tpu.vector_load %arg5[%get3A_2698, %get3A_2699] {strides = array<i32>} : memref<64x256xf32, #tpu.memory_space<vmem>>, vector<1x16xf32>,
      %get3A_2701 = vector.shape_cast %get3A_2700 : vector<1x16xf32> to vector<16xf32>
      %sub3A_2702 = arith.subf %get3A_2701, %bitcast_convert_type3A_2275 : vector<16xf32>
      %exp3A_2703 = math.exp %sub3A_2702 : vector<16xf32>
      %add3A_2704 = arith.addf %add3A_2696, %exp3A_2703 : vector<16xf32>
      %get3A_2705 = arith.constant 36 : i32
      %get3A_2706 = arith.index_cast %get3A_2705 : i32 to index
      %get3A_2707 = arith.index_cast %mul3A_10 : i32 to index
      %get3A_2708 = tpu.vector_load %arg5[%get3A_2706, %get3A_2707] {strides = array<i32>} : memref<64x256xf32, #tpu.memory_space<vmem>>, vector<1x16xf32>,
      %get3A_2709 = vector.shape_cast %get3A_2708 : vector<1x16xf32> to vector<16xf32>
      %sub3A_2710 = arith.subf %get3A_2709, %bitcast_convert_type3A_2275 : vector<16xf32>
      %exp3A_2711 = math.exp %sub3A_2710 : vector<16xf32>
      %add3A_2712 = arith.addf %add3A_2704, %exp3A_2711 : vector<16xf32>
      %get3A_2713 = arith.constant 37 : i32
      %get3A_2714 = arith.index_cast %get3A_2713 : i32 to index
      %get3A_2715 = arith.index_cast %mul3A_10 : i32 to index
      %get3A_2716 = tpu.vector_load %arg5[%get3A_2714, %get3A_2715] {strides = array<i32>} : memref<64x256xf32, #tpu.memory_space<vmem>>, vector<1x16xf32>,
      %get3A_2717 = vector.shape_cast %get3A_2716 : vector<1x16xf32> to vector<16xf32>
      %sub3A_2718 = arith.subf %get3A_2717, %bitcast_convert_type3A_2275 : vector<16xf32>
      %exp3A_2719 = math.exp %sub3A_2718 : vector<16xf32>
      %add3A_2720 = arith.addf %add3A_2712, %exp3A_2719 : vector<16xf32>
      %get3A_2721 = arith.constant 38 : i32
      %get3A_2722 = arith.index_cast %get3A_2721 : i32 to index
      %get3A_2723 = arith.index_cast %mul3A_10 : i32 to index
      %get3A_2724 = tpu.vector_load %arg5[%get3A_2722, %get3A_2723] {strides = array<i32>} : memref<64x256xf32, #tpu.memory_space<vmem>>, vector<1x16xf32>,
      %get3A_2725 = vector.shape_cast %get3A_2724 : vector<1x16xf32> to vector<16xf32>
      %sub3A_2726 = arith.subf %get3A_2725, %bitcast_convert_type3A_2275 : vector<16xf32>
      %exp3A_2727 = math.exp %sub3A_2726 : vector<16xf32>
      %add3A_2728 = arith.addf %add3A_2720, %exp3A_2727 : vector<16xf32>
      %get3A_2729 = arith.constant 39 : i32
      %get3A_2730 = arith.index_cast %get3A_2729 : i32 to index
      %get3A_2731 = arith.index_cast %mul3A_10 : i32 to index
      %get3A_2732 = tpu.vector_load %arg5[%get3A_2730, %get3A_2731] {strides = array<i32>} : memref<64x256xf32, #tpu.memory_space<vmem>>, vector<1x16xf32>,
      %get3A_2733 = vector.shape_cast %get3A_2732 : vector<1x16xf32> to vector<16xf32>
      %sub3A_2734 = arith.subf %get3A_2733, %bitcast_convert_type3A_2275 : vector<16xf32>
      %exp3A_2735 = math.exp %sub3A_2734 : vector<16xf32>
      %add3A_2736 = arith.addf %add3A_2728, %exp3A_2735 : vector<16xf32>
      %get3A_2737 = arith.constant 40 : i32
      %get3A_2738 = arith.index_cast %get3A_2737 : i32 to index
      %get3A_2739 = arith.index_cast %mul3A_10 : i32 to index
      %get3A_2740 = tpu.vector_load %arg5[%get3A_2738, %get3A_2739] {strides = array<i32>} : memref<64x256xf32, #tpu.memory_space<vmem>>, vector<1x16xf32>,
      %get3A_2741 = vector.shape_cast %get3A_2740 : vector<1x16xf32> to vector<16xf32>
      %sub3A_2742 = arith.subf %get3A_2741, %bitcast_convert_type3A_2275 : vector<16xf32>
      %exp3A_2743 = math.exp %sub3A_2742 : vector<16xf32>
      %add3A_2744 = arith.addf %add3A_2736, %exp3A_2743 : vector<16xf32>
      %get3A_2745 = arith.constant 41 : i32
      %get3A_2746 = arith.index_cast %get3A_2745 : i32 to index
      %get3A_2747 = arith.index_cast %mul3A_10 : i32 to index
      %get3A_2748 = tpu.vector_load %arg5[%get3A_2746, %get3A_2747] {strides = array<i32>} : memref<64x256xf32, #tpu.memory_space<vmem>>, vector<1x16xf32>,
      %get3A_2749 = vector.shape_cast %get3A_2748 : vector<1x16xf32> to vector<16xf32>
      %sub3A_2750 = arith.subf %get3A_2749, %bitcast_convert_type3A_2275 : vector<16xf32>
      %exp3A_2751 = math.exp %sub3A_2750 : vector<16xf32>
      %add3A_2752 = arith.addf %add3A_2744, %exp3A_2751 : vector<16xf32>
      %get3A_2753 = arith.constant 42 : i32
      %get3A_2754 = arith.index_cast %get3A_2753 : i32 to index
      %get3A_2755 = arith.index_cast %mul3A_10 : i32 to index
      %get3A_2756 = tpu.vector_load %arg5[%get3A_2754, %get3A_2755] {strides = array<i32>} : memref<64x256xf32, #tpu.memory_space<vmem>>, vector<1x16xf32>,
      %get3A_2757 = vector.shape_cast %get3A_2756 : vector<1x16xf32> to vector<16xf32>
      %sub3A_2758 = arith.subf %get3A_2757, %bitcast_convert_type3A_2275 : vector<16xf32>
      %exp3A_2759 = math.exp %sub3A_2758 : vector<16xf32>
      %add3A_2760 = arith.addf %add3A_2752, %exp3A_2759 : vector<16xf32>
      %get3A_2761 = arith.constant 43 : i32
      %get3A_2762 = arith.index_cast %get3A_2761 : i32 to index
      %get3A_2763 = arith.index_cast %mul3A_10 : i32 to index
      %get3A_2764 = tpu.vector_load %arg5[%get3A_2762, %get3A_2763] {strides = array<i32>} : memref<64x256xf32, #tpu.memory_space<vmem>>, vector<1x16xf32>,
      %get3A_2765 = vector.shape_cast %get3A_2764 : vector<1x16xf32> to vector<16xf32>
      %sub3A_2766 = arith.subf %get3A_2765, %bitcast_convert_type3A_2275 : vector<16xf32>
      %exp3A_2767 = math.exp %sub3A_2766 : vector<16xf32>
      %add3A_2768 = arith.addf %add3A_2760, %exp3A_2767 : vector<16xf32>
      %get3A_2769 = arith.constant 44 : i32
      %get3A_2770 = arith.index_cast %get3A_2769 : i32 to index
      %get3A_2771 = arith.index_cast %mul3A_10 : i32 to index
      %get3A_2772 = tpu.vector_load %arg5[%get3A_2770, %get3A_2771] {strides = array<i32>} : memref<64x256xf32, #tpu.memory_space<vmem>>, vector<1x16xf32>,
      %get3A_2773 = vector.shape_cast %get3A_2772 : vector<1x16xf32> to vector<16xf32>
      %sub3A_2774 = arith.subf %get3A_2773, %bitcast_convert_type3A_2275 : vector<16xf32>
      %exp3A_2775 = math.exp %sub3A_2774 : vector<16xf32>
      %add3A_2776 = arith.addf %add3A_2768, %exp3A_2775 : vector<16xf32>
      %get3A_2777 = arith.constant 45 : i32
      %get3A_2778 = arith.index_cast %get3A_2777 : i32 to index
      %get3A_2779 = arith.index_cast %mul3A_10 : i32 to index
      %get3A_2780 = tpu.vector_load %arg5[%get3A_2778, %get3A_2779] {strides = array<i32>} : memref<64x256xf32, #tpu.memory_space<vmem>>, vector<1x16xf32>,
      %get3A_2781 = vector.shape_cast %get3A_2780 : vector<1x16xf32> to vector<16xf32>
      %sub3A_2782 = arith.subf %get3A_2781, %bitcast_convert_type3A_2275 : vector<16xf32>
      %exp3A_2783 = math.exp %sub3A_2782 : vector<16xf32>
      %add3A_2784 = arith.addf %add3A_2776, %exp3A_2783 : vector<16xf32>
      %get3A_2785 = arith.constant 46 : i32
      %get3A_2786 = arith.index_cast %get3A_2785 : i32 to index
      %get3A_2787 = arith.index_cast %mul3A_10 : i32 to index
      %get3A_2788 = tpu.vector_load %arg5[%get3A_2786, %get3A_2787] {strides = array<i32>} : memref<64x256xf32, #tpu.memory_space<vmem>>, vector<1x16xf32>,
      %get3A_2789 = vector.shape_cast %get3A_2788 : vector<1x16xf32> to vector<16xf32>
      %sub3A_2790 = arith.subf %get3A_2789, %bitcast_convert_type3A_2275 : vector<16xf32>
      %exp3A_2791 = math.exp %sub3A_2790 : vector<16xf32>
      %add3A_2792 = arith.addf %add3A_2784, %exp3A_2791 : vector<16xf32>
      %get3A_2793 = arith.constant 47 : i32
      %get3A_2794 = arith.index_cast %get3A_2793 : i32 to index
      %get3A_2795 = arith.index_cast %mul3A_10 : i32 to index
      %get3A_2796 = tpu.vector_load %arg5[%get3A_2794, %get3A_2795] {strides = array<i32>} : memref<64x256xf32, #tpu.memory_space<vmem>>, vector<1x16xf32>,
      %get3A_2797 = vector.shape_cast %get3A_2796 : vector<1x16xf32> to vector<16xf32>
      %sub3A_2798 = arith.subf %get3A_2797, %bitcast_convert_type3A_2275 : vector<16xf32>
      %exp3A_2799 = math.exp %sub3A_2798 : vector<16xf32>
      %add3A_2800 = arith.addf %add3A_2792, %exp3A_2799 : vector<16xf32>
      %get3A_2801 = arith.constant 48 : i32
      %get3A_2802 = arith.index_cast %get3A_2801 : i32 to index
      %get3A_2803 = arith.index_cast %mul3A_10 : i32 to index
      %get3A_2804 = tpu.vector_load %arg5[%get3A_2802, %get3A_2803] {strides = array<i32>} : memref<64x256xf32, #tpu.memory_space<vmem>>, vector<1x16xf32>,
      %get3A_2805 = vector.shape_cast %get3A_2804 : vector<1x16xf32> to vector<16xf32>
      %sub3A_2806 = arith.subf %get3A_2805, %bitcast_convert_type3A_2275 : vector<16xf32>
      %exp3A_2807 = math.exp %sub3A_2806 : vector<16xf32>
      %add3A_2808 = arith.addf %add3A_2800, %exp3A_2807 : vector<16xf32>
      %get3A_2809 = arith.constant 49 : i32
      %get3A_2810 = arith.index_cast %get3A_2809 : i32 to index
      %get3A_2811 = arith.index_cast %mul3A_10 : i32 to index
      %get3A_2812 = tpu.vector_load %arg5[%get3A_2810, %get3A_2811] {strides = array<i32>} : memref<64x256xf32, #tpu.memory_space<vmem>>, vector<1x16xf32>,
      %get3A_2813 = vector.shape_cast %get3A_2812 : vector<1x16xf32> to vector<16xf32>
      %sub3A_2814 = arith.subf %get3A_2813, %bitcast_convert_type3A_2275 : vector<16xf32>
      %exp3A_2815 = math.exp %sub3A_2814 : vector<16xf32>
      %add3A_2816 = arith.addf %add3A_2808, %exp3A_2815 : vector<16xf32>
      %get3A_2817 = arith.constant 50 : i32
      %get3A_2818 = arith.index_cast %get3A_2817 : i32 to index
      %get3A_2819 = arith.index_cast %mul3A_10 : i32 to index
      %get3A_2820 = tpu.vector_load %arg5[%get3A_2818, %get3A_2819] {strides = array<i32>} : memref<64x256xf32, #tpu.memory_space<vmem>>, vector<1x16xf32>,
      %get3A_2821 = vector.shape_cast %get3A_2820 : vector<1x16xf32> to vector<16xf32>
      %sub3A_2822 = arith.subf %get3A_2821, %bitcast_convert_type3A_2275 : vector<16xf32>
      %exp3A_2823 = math.exp %sub3A_2822 : vector<16xf32>
      %add3A_2824 = arith.addf %add3A_2816, %exp3A_2823 : vector<16xf32>
      %get3A_2825 = arith.constant 51 : i32
      %get3A_2826 = arith.index_cast %get3A_2825 : i32 to index
      %get3A_2827 = arith.index_cast %mul3A_10 : i32 to index
      %get3A_2828 = tpu.vector_load %arg5[%get3A_2826, %get3A_2827] {strides = array<i32>} : memref<64x256xf32, #tpu.memory_space<vmem>>, vector<1x16xf32>,
      %get3A_2829 = vector.shape_cast %get3A_2828 : vector<1x16xf32> to vector<16xf32>
      %sub3A_2830 = arith.subf %get3A_2829, %bitcast_convert_type3A_2275 : vector<16xf32>
      %exp3A_2831 = math.exp %sub3A_2830 : vector<16xf32>
      %add3A_2832 = arith.addf %add3A_2824, %exp3A_2831 : vector<16xf32>
      %get3A_2833 = arith.constant 52 : i32
      %get3A_2834 = arith.index_cast %get3A_2833 : i32 to index
      %get3A_2835 = arith.index_cast %mul3A_10 : i32 to index
      %get3A_2836 = tpu.vector_load %arg5[%get3A_2834, %get3A_2835] {strides = array<i32>} : memref<64x256xf32, #tpu.memory_space<vmem>>, vector<1x16xf32>,
      %get3A_2837 = vector.shape_cast %get3A_2836 : vector<1x16xf32> to vector<16xf32>
      %sub3A_2838 = arith.subf %get3A_2837, %bitcast_convert_type3A_2275 : vector<16xf32>
      %exp3A_2839 = math.exp %sub3A_2838 : vector<16xf32>
      %add3A_2840 = arith.addf %add3A_2832, %exp3A_2839 : vector<16xf32>
      %get3A_2841 = arith.constant 53 : i32
      %get3A_2842 = arith.index_cast %get3A_2841 : i32 to index
      %get3A_2843 = arith.index_cast %mul3A_10 : i32 to index
      %get3A_2844 = tpu.vector_load %arg5[%get3A_2842, %get3A_2843] {strides = array<i32>} : memref<64x256xf32, #tpu.memory_space<vmem>>, vector<1x16xf32>,
      %get3A_2845 = vector.shape_cast %get3A_2844 : vector<1x16xf32> to vector<16xf32>
      %sub3A_2846 = arith.subf %get3A_2845, %bitcast_convert_type3A_2275 : vector<16xf32>
      %exp3A_2847 = math.exp %sub3A_2846 : vector<16xf32>
      %add3A_2848 = arith.addf %add3A_2840, %exp3A_2847 : vector<16xf32>
      %get3A_2849 = arith.constant 54 : i32
      %get3A_2850 = arith.index_cast %get3A_2849 : i32 to index
      %get3A_2851 = arith.index_cast %mul3A_10 : i32 to index
      %get3A_2852 = tpu.vector_load %arg5[%get3A_2850, %get3A_2851] {strides = array<i32>} : memref<64x256xf32, #tpu.memory_space<vmem>>, vector<1x16xf32>,
      %get3A_2853 = vector.shape_cast %get3A_2852 : vector<1x16xf32> to vector<16xf32>
      %sub3A_2854 = arith.subf %get3A_2853, %bitcast_convert_type3A_2275 : vector<16xf32>
      %exp3A_2855 = math.exp %sub3A_2854 : vector<16xf32>
      %add3A_2856 = arith.addf %add3A_2848, %exp3A_2855 : vector<16xf32>
      %get3A_2857 = arith.constant 55 : i32
      %get3A_2858 = arith.index_cast %get3A_2857 : i32 to index
      %get3A_2859 = arith.index_cast %mul3A_10 : i32 to index
      %get3A_2860 = tpu.vector_load %arg5[%get3A_2858, %get3A_2859] {strides = array<i32>} : memref<64x256xf32, #tpu.memory_space<vmem>>, vector<1x16xf32>,
      %get3A_2861 = vector.shape_cast %get3A_2860 : vector<1x16xf32> to vector<16xf32>
      %sub3A_2862 = arith.subf %get3A_2861, %bitcast_convert_type3A_2275 : vector<16xf32>
      %exp3A_2863 = math.exp %sub3A_2862 : vector<16xf32>
      %add3A_2864 = arith.addf %add3A_2856, %exp3A_2863 : vector<16xf32>
      %get3A_2865 = arith.constant 56 : i32
      %get3A_2866 = arith.index_cast %get3A_2865 : i32 to index
      %get3A_2867 = arith.index_cast %mul3A_10 : i32 to index
      %get3A_2868 = tpu.vector_load %arg5[%get3A_2866, %get3A_2867] {strides = array<i32>} : memref<64x256xf32, #tpu.memory_space<vmem>>, vector<1x16xf32>,
      %get3A_2869 = vector.shape_cast %get3A_2868 : vector<1x16xf32> to vector<16xf32>
      %sub3A_2870 = arith.subf %get3A_2869, %bitcast_convert_type3A_2275 : vector<16xf32>
      %exp3A_2871 = math.exp %sub3A_2870 : vector<16xf32>
      %add3A_2872 = arith.addf %add3A_2864, %exp3A_2871 : vector<16xf32>
      %get3A_2873 = arith.constant 57 : i32
      %get3A_2874 = arith.index_cast %get3A_2873 : i32 to index
      %get3A_2875 = arith.index_cast %mul3A_10 : i32 to index
      %get3A_2876 = tpu.vector_load %arg5[%get3A_2874, %get3A_2875] {strides = array<i32>} : memref<64x256xf32, #tpu.memory_space<vmem>>, vector<1x16xf32>,
      %get3A_2877 = vector.shape_cast %get3A_2876 : vector<1x16xf32> to vector<16xf32>
      %sub3A_2878 = arith.subf %get3A_2877, %bitcast_convert_type3A_2275 : vector<16xf32>
      %exp3A_2879 = math.exp %sub3A_2878 : vector<16xf32>
      %add3A_2880 = arith.addf %add3A_2872, %exp3A_2879 : vector<16xf32>
      %get3A_2881 = arith.constant 58 : i32
      %get3A_2882 = arith.index_cast %get3A_2881 : i32 to index
      %get3A_2883 = arith.index_cast %mul3A_10 : i32 to index
      %get3A_2884 = tpu.vector_load %arg5[%get3A_2882, %get3A_2883] {strides = array<i32>} : memref<64x256xf32, #tpu.memory_space<vmem>>, vector<1x16xf32>,
      %get3A_2885 = vector.shape_cast %get3A_2884 : vector<1x16xf32> to vector<16xf32>
      %sub3A_2886 = arith.subf %get3A_2885, %bitcast_convert_type3A_2275 : vector<16xf32>
      %exp3A_2887 = math.exp %sub3A_2886 : vector<16xf32>
      %add3A_2888 = arith.addf %add3A_2880, %exp3A_2887 : vector<16xf32>
      %get3A_2889 = arith.constant 59 : i32
      %get3A_2890 = arith.index_cast %get3A_2889 : i32 to index
      %get3A_2891 = arith.index_cast %mul3A_10 : i32 to index
      %get3A_2892 = tpu.vector_load %arg5[%get3A_2890, %get3A_2891] {strides = array<i32>} : memref<64x256xf32, #tpu.memory_space<vmem>>, vector<1x16xf32>,
      %get3A_2893 = vector.shape_cast %get3A_2892 : vector<1x16xf32> to vector<16xf32>
      %sub3A_2894 = arith.subf %get3A_2893, %bitcast_convert_type3A_2275 : vector<16xf32>
      %exp3A_2895 = math.exp %sub3A_2894 : vector<16xf32>
      %add3A_2896 = arith.addf %add3A_2888, %exp3A_2895 : vector<16xf32>
      %get3A_2897 = arith.constant 60 : i32
      %get3A_2898 = arith.index_cast %get3A_2897 : i32 to index
      %get3A_2899 = arith.index_cast %mul3A_10 : i32 to index
      %get3A_2900 = tpu.vector_load %arg5[%get3A_2898, %get3A_2899] {strides = array<i32>} : memref<64x256xf32, #tpu.memory_space<vmem>>, vector<1x16xf32>,
      %get3A_2901 = vector.shape_cast %get3A_2900 : vector<1x16xf32> to vector<16xf32>
      %sub3A_2902 = arith.subf %get3A_2901, %bitcast_convert_type3A_2275 : vector<16xf32>
      %exp3A_2903 = math.exp %sub3A_2902 : vector<16xf32>
      %add3A_2904 = arith.addf %add3A_2896, %exp3A_2903 : vector<16xf32>
      %get3A_2905 = arith.constant 61 : i32
      %get3A_2906 = arith.index_cast %get3A_2905 : i32 to index
      %get3A_2907 = arith.index_cast %mul3A_10 : i32 to index
      %get3A_2908 = tpu.vector_load %arg5[%get3A_2906, %get3A_2907] {strides = array<i32>} : memref<64x256xf32, #tpu.memory_space<vmem>>, vector<1x16xf32>,
      %get3A_2909 = vector.shape_cast %get3A_2908 : vector<1x16xf32> to vector<16xf32>
      %sub3A_2910 = arith.subf %get3A_2909, %bitcast_convert_type3A_2275 : vector<16xf32>
      %exp3A_2911 = math.exp %sub3A_2910 : vector<16xf32>
      %add3A_2912 = arith.addf %add3A_2904, %exp3A_2911 : vector<16xf32>
      %get3A_2913 = arith.constant 62 : i32
      %get3A_2914 = arith.index_cast %get3A_2913 : i32 to index
      %get3A_2915 = arith.index_cast %mul3A_10 : i32 to index
      %get3A_2916 = tpu.vector_load %arg5[%get3A_2914, %get3A_2915] {strides = array<i32>} : memref<64x256xf32, #tpu.memory_space<vmem>>, vector<1x16xf32>,
      %get3A_2917 = vector.shape_cast %get3A_2916 : vector<1x16xf32> to vector<16xf32>
      %sub3A_2918 = arith.subf %get3A_2917, %bitcast_convert_type3A_2275 : vector<16xf32>
      %exp3A_2919 = math.exp %sub3A_2918 : vector<16xf32>
      %add3A_2920 = arith.addf %add3A_2912, %exp3A_2919 : vector<16xf32>
      %get3A_2921 = arith.constant 63 : i32
      %get3A_2922 = arith.index_cast %get3A_2921 : i32 to index
      %get3A_2923 = arith.index_cast %mul3A_10 : i32 to index
      %get3A_2924 = tpu.vector_load %arg5[%get3A_2922, %get3A_2923] {strides = array<i32>} : memref<64x256xf32, #tpu.memory_space<vmem>>, vector<1x16xf32>,
      %get3A_2925 = vector.shape_cast %get3A_2924 : vector<1x16xf32> to vector<16xf32>
      %sub3A_2926 = arith.subf %get3A_2925, %bitcast_convert_type3A_2275 : vector<16xf32>
      %exp3A_2927 = math.exp %sub3A_2926 : vector<16xf32>
      %add3A_2928 = arith.addf %add3A_2920, %exp3A_2927 : vector<16xf32>
      %swap3A = arith.constant 0 : i32
      %swap3A_2929 = arith.index_cast %swap3A : i32 to index
      %swap3A_2930 = arith.index_cast %mul3A_10 : i32 to index
      %swap3A_2931 = tpu.vector_load %arg6[%swap3A_2929, %swap3A_2930] {strides = array<i32>} : memref<8x256xi32, #tpu.memory_space<vmem>>, vector<1x16xi32>,
      %swap3A_2932 = vector.shape_cast %swap3A_2931 : vector<1x16xi32> to vector<16xi32>
      %swap3A_2933 = vector.shape_cast %sub3A_2261 : vector<16xi32> to vector<1x16xi32>
      tpu.vector_store %arg6[%swap3A_2929, %swap3A_2930], %swap3A_2933 {strides = array<i32>} : memref<8x256xi32, #tpu.memory_space<vmem>>, vector<1x16xi32>,
      %sub3A_2934 = arith.subf %bitcast_convert_type3A_2275, %bitcast_convert_type3A_2275 : vector<16xf32>
      %exp3A_2935 = math.exp %sub3A_2934 : vector<16xf32>
      %div3A = arith.divf %exp3A_2935, %add3A_2928 : vector<16xf32>
      %swap3A_2936 = arith.constant 0 : i32
      %swap3A_2937 = arith.index_cast %swap3A_2936 : i32 to index
      %swap3A_2938 = arith.index_cast %mul3A_10 : i32 to index
      %swap3A_2939 = tpu.vector_load %arg7[%swap3A_2937, %swap3A_2938] {strides = array<i32>} : memref<8x256xf32, #tpu.memory_space<vmem>>, vector<1x16xf32>,
      %swap3A_2940 = vector.shape_cast %swap3A_2939 : vector<1x16xf32> to vector<16xf32>
      %swap3A_2941 = vector.shape_cast %div3A : vector<16xf32> to vector<1x16xf32>
      tpu.vector_store %arg7[%swap3A_2937, %swap3A_2938], %swap3A_2941 {strides = array<i32>} : memref<8x256xf32, #tpu.memory_space<vmem>>, vector<1x16xf32>,
      %swap3A_2942 = arith.constant 1 : i32
      %swap3A_2943 = arith.index_cast %swap3A_2942 : i32 to index
      %swap3A_2944 = arith.index_cast %mul3A_10 : i32 to index
      %swap3A_2945 = tpu.vector_load %arg6[%swap3A_2943, %swap3A_2944] {strides = array<i32>} : memref<8x256xi32, #tpu.memory_space<vmem>>, vector<1x16xi32>,
      %swap3A_2946 = vector.shape_cast %swap3A_2945 : vector<1x16xi32> to vector<16xi32>
      %swap3A_2947 = vector.shape_cast %sub3A_2281 : vector<16xi32> to vector<1x16xi32>
      tpu.vector_store %arg6[%swap3A_2943, %swap3A_2944], %swap3A_2947 {strides = array<i32>} : memref<8x256xi32, #tpu.memory_space<vmem>>, vector<1x16xi32>,
      %sub3A_2948 = arith.subf %bitcast_convert_type3A_2295, %bitcast_convert_type3A_2275 : vector<16xf32>
      %exp3A_2949 = math.exp %sub3A_2948 : vector<16xf32>
      %div3A_2950 = arith.divf %exp3A_2949, %add3A_2928 : vector<16xf32>
      %swap3A_2951 = arith.constant 1 : i32
      %swap3A_2952 = arith.index_cast %swap3A_2951 : i32 to index
      %swap3A_2953 = arith.index_cast %mul3A_10 : i32 to index
      %swap3A_2954 = tpu.vector_load %arg7[%swap3A_2952, %swap3A_2953] {strides = array<i32>} : memref<8x256xf32, #tpu.memory_space<vmem>>, vector<1x16xf32>,
      %swap3A_2955 = vector.shape_cast %swap3A_2954 : vector<1x16xf32> to vector<16xf32>
      %swap3A_2956 = vector.shape_cast %div3A_2950 : vector<16xf32> to vector<1x16xf32>
      tpu.vector_store %arg7[%swap3A_2952, %swap3A_2953], %swap3A_2956 {strides = array<i32>} : memref<8x256xf32, #tpu.memory_space<vmem>>, vector<1x16xf32>,
      %swap3A_2957 = arith.constant 2 : i32
      %swap3A_2958 = arith.index_cast %swap3A_2957 : i32 to index
      %swap3A_2959 = arith.index_cast %mul3A_10 : i32 to index
      %swap3A_2960 = tpu.vector_load %arg6[%swap3A_2958, %swap3A_2959] {strides = array<i32>} : memref<8x256xi32, #tpu.memory_space<vmem>>, vector<1x16xi32>,
      %swap3A_2961 = vector.shape_cast %swap3A_2960 : vector<1x16xi32> to vector<16xi32>
      %swap3A_2962 = vector.shape_cast %sub3A_2301 : vector<16xi32> to vector<1x16xi32>
      tpu.vector_store %arg6[%swap3A_2958, %swap3A_2959], %swap3A_2962 {strides = array<i32>} : memref<8x256xi32, #tpu.memory_space<vmem>>, vector<1x16xi32>,
      %sub3A_2963 = arith.subf %bitcast_convert_type3A_2315, %bitcast_convert_type3A_2275 : vector<16xf32>
      %exp3A_2964 = math.exp %sub3A_2963 : vector<16xf32>
      %div3A_2965 = arith.divf %exp3A_2964, %add3A_2928 : vector<16xf32>
      %swap3A_2966 = arith.constant 2 : i32
      %swap3A_2967 = arith.index_cast %swap3A_2966 : i32 to index
      %swap3A_2968 = arith.index_cast %mul3A_10 : i32 to index
      %swap3A_2969 = tpu.vector_load %arg7[%swap3A_2967, %swap3A_2968] {strides = array<i32>} : memref<8x256xf32, #tpu.memory_space<vmem>>, vector<1x16xf32>,
      %swap3A_2970 = vector.shape_cast %swap3A_2969 : vector<1x16xf32> to vector<16xf32>
      %swap3A_2971 = vector.shape_cast %div3A_2965 : vector<16xf32> to vector<1x16xf32>
      tpu.vector_store %arg7[%swap3A_2967, %swap3A_2968], %swap3A_2971 {strides = array<i32>} : memref<8x256xf32, #tpu.memory_space<vmem>>, vector<1x16xf32>,
      %swap3A_2972 = arith.constant 3 : i32
      %swap3A_2973 = arith.index_cast %swap3A_2972 : i32 to index
      %swap3A_2974 = arith.index_cast %mul3A_10 : i32 to index
      %swap3A_2975 = tpu.vector_load %arg6[%swap3A_2973, %swap3A_2974] {strides = array<i32>} : memref<8x256xi32, #tpu.memory_space<vmem>>, vector<1x16xi32>,
      %swap3A_2976 = vector.shape_cast %swap3A_2975 : vector<1x16xi32> to vector<16xi32>
      %swap3A_2977 = vector.shape_cast %sub3A_2321 : vector<16xi32> to vector<1x16xi32>
      tpu.vector_store %arg6[%swap3A_2973, %swap3A_2974], %swap3A_2977 {strides = array<i32>} : memref<8x256xi32, #tpu.memory_space<vmem>>, vector<1x16xi32>,
      %sub3A_2978 = arith.subf %bitcast_convert_type3A_2335, %bitcast_convert_type3A_2275 : vector<16xf32>
      %exp3A_2979 = math.exp %sub3A_2978 : vector<16xf32>
      %div3A_2980 = arith.divf %exp3A_2979, %add3A_2928 : vector<16xf32>
      %swap3A_2981 = arith.constant 3 : i32
      %swap3A_2982 = arith.index_cast %swap3A_2981 : i32 to index
      %swap3A_2983 = arith.index_cast %mul3A_10 : i32 to index
      %swap3A_2984 = tpu.vector_load %arg7[%swap3A_2982, %swap3A_2983] {strides = array<i32>} : memref<8x256xf32, #tpu.memory_space<vmem>>, vector<1x16xf32>,
      %swap3A_2985 = vector.shape_cast %swap3A_2984 : vector<1x16xf32> to vector<16xf32>
      %swap3A_2986 = vector.shape_cast %div3A_2980 : vector<16xf32> to vector<1x16xf32>
      tpu.vector_store %arg7[%swap3A_2982, %swap3A_2983], %swap3A_2986 {strides = array<i32>} : memref<8x256xf32, #tpu.memory_space<vmem>>, vector<1x16xf32>,
      %swap3A_2987 = arith.constant 4 : i32
      %swap3A_2988 = arith.index_cast %swap3A_2987 : i32 to index
      %swap3A_2989 = arith.index_cast %mul3A_10 : i32 to index
      %swap3A_2990 = tpu.vector_load %arg6[%swap3A_2988, %swap3A_2989] {strides = array<i32>} : memref<8x256xi32, #tpu.memory_space<vmem>>, vector<1x16xi32>,
      %swap3A_2991 = vector.shape_cast %swap3A_2990 : vector<1x16xi32> to vector<16xi32>
      %swap3A_2992 = vector.shape_cast %sub3A_2341 : vector<16xi32> to vector<1x16xi32>
      tpu.vector_store %arg6[%swap3A_2988, %swap3A_2989], %swap3A_2992 {strides = array<i32>} : memref<8x256xi32, #tpu.memory_space<vmem>>, vector<1x16xi32>,
      %sub3A_2993 = arith.subf %bitcast_convert_type3A_2355, %bitcast_convert_type3A_2275 : vector<16xf32>
      %exp3A_2994 = math.exp %sub3A_2993 : vector<16xf32>
      %div3A_2995 = arith.divf %exp3A_2994, %add3A_2928 : vector<16xf32>
      %swap3A_2996 = arith.constant 4 : i32
      %swap3A_2997 = arith.index_cast %swap3A_2996 : i32 to index
      %swap3A_2998 = arith.index_cast %mul3A_10 : i32 to index
      %swap3A_2999 = tpu.vector_load %arg7[%swap3A_2997, %swap3A_2998] {strides = array<i32>} : memref<8x256xf32, #tpu.memory_space<vmem>>, vector<1x16xf32>,
      %swap3A_3000 = vector.shape_cast %swap3A_2999 : vector<1x16xf32> to vector<16xf32>
      %swap3A_3001 = vector.shape_cast %div3A_2995 : vector<16xf32> to vector<1x16xf32>
      tpu.vector_store %arg7[%swap3A_2997, %swap3A_2998], %swap3A_3001 {strides = array<i32>} : memref<8x256xf32, #tpu.memory_space<vmem>>, vector<1x16xf32>,
      %swap3A_3002 = arith.constant 5 : i32
      %swap3A_3003 = arith.index_cast %swap3A_3002 : i32 to index
      %swap3A_3004 = arith.index_cast %mul3A_10 : i32 to index
      %swap3A_3005 = tpu.vector_load %arg6[%swap3A_3003, %swap3A_3004] {strides = array<i32>} : memref<8x256xi32, #tpu.memory_space<vmem>>, vector<1x16xi32>,
      %swap3A_3006 = vector.shape_cast %swap3A_3005 : vector<1x16xi32> to vector<16xi32>
      %swap3A_3007 = vector.shape_cast %sub3A_2361 : vector<16xi32> to vector<1x16xi32>
      tpu.vector_store %arg6[%swap3A_3003, %swap3A_3004], %swap3A_3007 {strides = array<i32>} : memref<8x256xi32, #tpu.memory_space<vmem>>, vector<1x16xi32>,
      %sub3A_3008 = arith.subf %bitcast_convert_type3A_2375, %bitcast_convert_type3A_2275 : vector<16xf32>
      %exp3A_3009 = math.exp %sub3A_3008 : vector<16xf32>
      %div3A_3010 = arith.divf %exp3A_3009, %add3A_2928 : vector<16xf32>
      %swap3A_3011 = arith.constant 5 : i32
      %swap3A_3012 = arith.index_cast %swap3A_3011 : i32 to index
      %swap3A_3013 = arith.index_cast %mul3A_10 : i32 to index
      %swap3A_3014 = tpu.vector_load %arg7[%swap3A_3012, %swap3A_3013] {strides = array<i32>} : memref<8x256xf32, #tpu.memory_space<vmem>>, vector<1x16xf32>,
      %swap3A_3015 = vector.shape_cast %swap3A_3014 : vector<1x16xf32> to vector<16xf32>
      %swap3A_3016 = vector.shape_cast %div3A_3010 : vector<16xf32> to vector<1x16xf32>
      tpu.vector_store %arg7[%swap3A_3012, %swap3A_3013], %swap3A_3016 {strides = array<i32>} : memref<8x256xf32, #tpu.memory_space<vmem>>, vector<1x16xf32>,
      %swap3A_3017 = arith.constant 6 : i32
      %swap3A_3018 = arith.index_cast %swap3A_3017 : i32 to index
      %swap3A_3019 = arith.index_cast %mul3A_10 : i32 to index
      %swap3A_3020 = tpu.vector_load %arg6[%swap3A_3018, %swap3A_3019] {strides = array<i32>} : memref<8x256xi32, #tpu.memory_space<vmem>>, vector<1x16xi32>,
      %swap3A_3021 = vector.shape_cast %swap3A_3020 : vector<1x16xi32> to vector<16xi32>
      %swap3A_3022 = vector.shape_cast %sub3A_2381 : vector<16xi32> to vector<1x16xi32>
      tpu.vector_store %arg6[%swap3A_3018, %swap3A_3019], %swap3A_3022 {strides = array<i32>} : memref<8x256xi32, #tpu.memory_space<vmem>>, vector<1x16xi32>,
      %sub3A_3023 = arith.subf %bitcast_convert_type3A_2395, %bitcast_convert_type3A_2275 : vector<16xf32>
      %exp3A_3024 = math.exp %sub3A_3023 : vector<16xf32>
      %div3A_3025 = arith.divf %exp3A_3024, %add3A_2928 : vector<16xf32>
      %swap3A_3026 = arith.constant 6 : i32
      %swap3A_3027 = arith.index_cast %swap3A_3026 : i32 to index
      %swap3A_3028 = arith.index_cast %mul3A_10 : i32 to index
      %swap3A_3029 = tpu.vector_load %arg7[%swap3A_3027, %swap3A_3028] {strides = array<i32>} : memref<8x256xf32, #tpu.memory_space<vmem>>, vector<1x16xf32>,
      %swap3A_3030 = vector.shape_cast %swap3A_3029 : vector<1x16xf32> to vector<16xf32>
      %swap3A_3031 = vector.shape_cast %div3A_3025 : vector<16xf32> to vector<1x16xf32>
      tpu.vector_store %arg7[%swap3A_3027, %swap3A_3028], %swap3A_3031 {strides = array<i32>} : memref<8x256xf32, #tpu.memory_space<vmem>>, vector<1x16xf32>,
      %swap3A_3032 = arith.constant 7 : i32
      %swap3A_3033 = arith.index_cast %swap3A_3032 : i32 to index
      %swap3A_3034 = arith.index_cast %mul3A_10 : i32 to index
      %swap3A_3035 = tpu.vector_load %arg6[%swap3A_3033, %swap3A_3034] {strides = array<i32>} : memref<8x256xi32, #tpu.memory_space<vmem>>, vector<1x16xi32>,
      %swap3A_3036 = vector.shape_cast %swap3A_3035 : vector<1x16xi32> to vector<16xi32>
      %swap3A_3037 = vector.shape_cast %sub3A_2401 : vector<16xi32> to vector<1x16xi32>
      tpu.vector_store %arg6[%swap3A_3033, %swap3A_3034], %swap3A_3037 {strides = array<i32>} : memref<8x256xi32, #tpu.memory_space<vmem>>, vector<1x16xi32>,
      %sub3A_3038 = arith.subf %bitcast_convert_type3A_2415, %bitcast_convert_type3A_2275 : vector<16xf32>
      %exp3A_3039 = math.exp %sub3A_3038 : vector<16xf32>
      %div3A_3040 = arith.divf %exp3A_3039, %add3A_2928 : vector<16xf32>
      %swap3A_3041 = arith.constant 7 : i32
      %swap3A_3042 = arith.index_cast %swap3A_3041 : i32 to index
      %swap3A_3043 = arith.index_cast %mul3A_10 : i32 to index
      %swap3A_3044 = tpu.vector_load %arg7[%swap3A_3042, %swap3A_3043] {strides = array<i32>} : memref<8x256xf32, #tpu.memory_space<vmem>>, vector<1x16xf32>,
      %swap3A_3045 = vector.shape_cast %swap3A_3044 : vector<1x16xf32> to vector<16xf32>
      %swap3A_3046 = vector.shape_cast %div3A_3040 : vector<16xf32> to vector<1x16xf32>
      tpu.vector_store %arg7[%swap3A_3042, %swap3A_3043], %swap3A_3046 {strides = array<i32>} : memref<8x256xf32, #tpu.memory_space<vmem>>, vector<1x16xf32>,
    }
    %scan3A_7 = arith.constant 16 : i32
    "tpu.region"() ({
      %run_scoped3A = tpu.sem_alloc : memref<!tpu.dma_semaphore, #tpu.memory_space<semaphore_mem>>
      %dma_start3A = arith.constant 0 : i32
      %dma_start3A_8 = tpu.memref_slice %arg3[%dma_start3A, %mul3A_2] : memref<8x8192xi32, #tpu.memory_space<hbm>> -> memref<8x256xi32, #tpu.memory_space<hbm>>
      %dma_start3A_9 = arith.constant 0 : i32
      %dma_start3A_10 = tpu.memref_slice %arg3[%dma_start3A_9, %mul3A_2] : memref<8x8192xi32, #tpu.memory_space<hbm>> -> memref<8x256xi32, #tpu.memory_space<hbm>>
      tpu.enqueue_dma source(%arg6 : memref<8x256xi32, #tpu.memory_space<vmem>>) target(%dma_start3A_10 : memref<8x256xi32, #tpu.memory_space<hbm>>) target_semaphore(%run_scoped3A : memref<!tpu.dma_semaphore, #tpu.memory_space<semaphore_mem>>)
      %dma_wait3A = arith.constant 0 : i32
      %dma_wait3A_11 = tpu.memref_slice %arg3[%dma_wait3A, %mul3A_2] : memref<8x8192xi32, #tpu.memory_space<hbm>> -> memref<8x256xi32, #tpu.memory_space<hbm>>
      %dma_wait3A_12 = arith.constant 0 : i32
      %dma_wait3A_13 = tpu.memref_slice %arg3[%dma_wait3A_12, %mul3A_2] : memref<8x8192xi32, #tpu.memory_space<hbm>> -> memref<8x256xi32, #tpu.memory_space<hbm>>
      tpu.wait_dma2 semaphore(%run_scoped3A : memref<!tpu.dma_semaphore, #tpu.memory_space<semaphore_mem>>) src(%arg6 : memref<8x256xi32, #tpu.memory_space<vmem>>) dst(%dma_wait3A_13 : memref<8x256xi32, #tpu.memory_space<hbm>>)
      tpu.yield
    }) : () -> ()
    "tpu.region"() ({
      %run_scoped3A = tpu.sem_alloc : memref<!tpu.dma_semaphore, #tpu.memory_space<semaphore_mem>>
      %dma_start3A = arith.constant 0 : i32
      %dma_start3A_8 = tpu.memref_slice %arg4[%dma_start3A, %mul3A_2] : memref<8x8192xf32, #tpu.memory_space<hbm>> -> memref<8x256xf32, #tpu.memory_space<hbm>>
      %dma_start3A_9 = arith.constant 0 : i32
      %dma_start3A_10 = tpu.memref_slice %arg4[%dma_start3A_9, %mul3A_2] : memref<8x8192xf32, #tpu.memory_space<hbm>> -> memref<8x256xf32, #tpu.memory_space<hbm>>
      tpu.enqueue_dma source(%arg7 : memref<8x256xf32, #tpu.memory_space<vmem>>) target(%dma_start3A_10 : memref<8x256xf32, #tpu.memory_space<hbm>>) target_semaphore(%run_scoped3A : memref<!tpu.dma_semaphore, #tpu.memory_space<semaphore_mem>>)
      %dma_wait3A = arith.constant 0 : i32
      %dma_wait3A_11 = tpu.memref_slice %arg4[%dma_wait3A, %mul3A_2] : memref<8x8192xf32, #tpu.memory_space<hbm>> -> memref<8x256xf32, #tpu.memory_space<hbm>>
      %dma_wait3A_12 = arith.constant 0 : i32
      %dma_wait3A_13 = tpu.memref_slice %arg4[%dma_wait3A_12, %mul3A_2] : memref<8x8192xf32, #tpu.memory_space<hbm>> -> memref<8x256xf32, #tpu.memory_space<hbm>>
      tpu.wait_dma2 semaphore(%run_scoped3A : memref<!tpu.dma_semaphore, #tpu.memory_space<semaphore_mem>>) src(%arg7 : memref<8x256xf32, #tpu.memory_space<vmem>>) dst(%dma_wait3A_13 : memref<8x256xf32, #tpu.memory_space<hbm>>)
      tpu.yield
    }) : () -> ()
    return
  }
}

module attributes {stable_mosaic.version = 14 : i64} {
  func.func @_tc_body(%arg0: i32, %arg1: memref<64x2048xbf16, #tpu.memory_space<vmem>>, %arg2: memref<8x2048xi32, #tpu.memory_space<vmem>>, %arg3: memref<8x2048xf32, #tpu.memory_space<vmem>>) attributes {dimension_semantics = [#tpu.dimension_semantics<arbitrary>], iteration_bounds = array<i64: 12>, scalar_prefetch = 0 : i64, scratch_operands = 0 : i64, tpu.core_type = #tpu.core_type<tc>, window_params = [{transform_indices = @transform_0, window_bounds = array<i64: 64, 2048>}, {transform_indices = @transform_1, window_bounds = array<i64: 8, 2048>}, {transform_indices = @transform_2, window_bounds = array<i64: 8, 2048>}]} {
    %get3A = arith.constant 0 : index
    %get3A_0 = arith.constant 0 : index
    %get3A_1 = vector.load %arg1[%get3A, %get3A_0] : memref<64x2048xbf16, #tpu.memory_space<vmem>>, vector<64x2048xbf16>
    %convert_element_type3A = arith.extf %get3A_1 : vector<64x2048xbf16> to vector<64x2048xf32>
    %bitcast_convert_type3A = tpu.bitcast %convert_element_type3A : vector<64x2048xf32> -> vector<64x2048xi32>
    %ge3A = arith.constant 0 : i32
    %ge3A_2 = vector.broadcast %ge3A : i32 to vector<64x2048xi32>
    %ge3A_3 = arith.cmpi sge, %bitcast_convert_type3A, %ge3A_2 : vector<64x2048xi32>
    %xor3A = arith.constant 2147418112 : i32
    %xor3A_4 = vector.broadcast %xor3A : i32 to vector<64x2048xi32>
    %xor3A_5 = arith.xori %bitcast_convert_type3A, %xor3A_4 : vector<64x2048xi32>
    %select_n3A = arith.select %ge3A_3, %bitcast_convert_type3A, %xor3A_5 : vector<64x2048xi1>, vector<64x2048xi32>
    %iota3A = tpu.iota {dimensions = array<i32: 0>} : vector<64x2048xi32>
    %sub3A = arith.constant 63 : i32
    %sub3A_6 = vector.broadcast %sub3A : i32 to vector<64x2048xi32>
    %sub3A_7 = arith.subi %sub3A_6, %iota3A : vector<64x2048xi32>
    %add3A = arith.addi %select_n3A, %sub3A_7 : vector<64x2048xi32>
    %iota3A_8 = tpu.iota {dimensions = array<i32: 0>} : vector<8x2048xi32>
    %broadcast_in_dim3A = arith.constant 0 : i32
    %broadcast_in_dim3A_9 = vector.broadcast %broadcast_in_dim3A : i32 to vector<8x2048xi32>
    %reduce_max3A = arith.constant dense<-2147483648> : vector<2048xi32>
    %reduce_max3A_10 = vector.multi_reduction <maxsi>, %add3A, %reduce_max3A [0] : vector<64x2048xi32> to vector<2048xi32>
    %broadcast_in_dim3A_11 = vector.shape_cast %reduce_max3A_10 : vector<2048xi32> to vector<1x2048xi32>
    %eq3A = vector.broadcast %broadcast_in_dim3A_11 : vector<1x2048xi32> to vector<64x2048xi32>
    %eq3A_12 = arith.cmpi eq, %add3A, %eq3A : vector<64x2048xi32>
    %jit3A = arith.constant -2147483648 : i32
    %broadcast_in_dim3A_13 = vector.broadcast %jit3A : i32 to vector<64x2048xi32>
    %select_n3A_14 = arith.select %eq3A_12, %broadcast_in_dim3A_13, %add3A : vector<64x2048xi1>, vector<64x2048xi32>
    %eq3A_15 = arith.constant 0 : i32
    %eq3A_16 = vector.broadcast %eq3A_15 : i32 to vector<8x2048xi32>
    %eq3A_17 = arith.cmpi eq, %iota3A_8, %eq3A_16 : vector<8x2048xi32>
    %broadcast_in_dim3A_18 = vector.shape_cast %broadcast_in_dim3A_11 : vector<1x2048xi32> to vector<1x2048xi32>
    %broadcast_in_dim3A_19 = vector.broadcast %broadcast_in_dim3A_18 : vector<1x2048xi32> to vector<8x2048xi32>
    %select_n3A_20 = arith.select %eq3A_17, %broadcast_in_dim3A_19, %broadcast_in_dim3A_9 : vector<8x2048xi1>, vector<8x2048xi32>
    %reduce_max3A_21 = arith.constant dense<-2147483648> : vector<2048xi32>
    %reduce_max3A_22 = vector.multi_reduction <maxsi>, %select_n3A_14, %reduce_max3A_21 [0] : vector<64x2048xi32> to vector<2048xi32>
    %broadcast_in_dim3A_23 = vector.shape_cast %reduce_max3A_22 : vector<2048xi32> to vector<1x2048xi32>
    %eq3A_24 = vector.broadcast %broadcast_in_dim3A_23 : vector<1x2048xi32> to vector<64x2048xi32>
    %eq3A_25 = arith.cmpi eq, %select_n3A_14, %eq3A_24 : vector<64x2048xi32>
    %jit3A_26 = arith.constant -2147483648 : i32
    %broadcast_in_dim3A_27 = vector.broadcast %jit3A_26 : i32 to vector<64x2048xi32>
    %select_n3A_28 = arith.select %eq3A_25, %broadcast_in_dim3A_27, %select_n3A_14 : vector<64x2048xi1>, vector<64x2048xi32>
    %eq3A_29 = arith.constant 1 : i32
    %eq3A_30 = vector.broadcast %eq3A_29 : i32 to vector<8x2048xi32>
    %eq3A_31 = arith.cmpi eq, %iota3A_8, %eq3A_30 : vector<8x2048xi32>
    %broadcast_in_dim3A_32 = vector.shape_cast %broadcast_in_dim3A_23 : vector<1x2048xi32> to vector<1x2048xi32>
    %broadcast_in_dim3A_33 = vector.broadcast %broadcast_in_dim3A_32 : vector<1x2048xi32> to vector<8x2048xi32>
    %select_n3A_34 = arith.select %eq3A_31, %broadcast_in_dim3A_33, %select_n3A_20 : vector<8x2048xi1>, vector<8x2048xi32>
    %reduce_max3A_35 = arith.constant dense<-2147483648> : vector<2048xi32>
    %reduce_max3A_36 = vector.multi_reduction <maxsi>, %select_n3A_28, %reduce_max3A_35 [0] : vector<64x2048xi32> to vector<2048xi32>
    %broadcast_in_dim3A_37 = vector.shape_cast %reduce_max3A_36 : vector<2048xi32> to vector<1x2048xi32>
    %eq3A_38 = vector.broadcast %broadcast_in_dim3A_37 : vector<1x2048xi32> to vector<64x2048xi32>
    %eq3A_39 = arith.cmpi eq, %select_n3A_28, %eq3A_38 : vector<64x2048xi32>
    %jit3A_40 = arith.constant -2147483648 : i32
    %broadcast_in_dim3A_41 = vector.broadcast %jit3A_40 : i32 to vector<64x2048xi32>
    %select_n3A_42 = arith.select %eq3A_39, %broadcast_in_dim3A_41, %select_n3A_28 : vector<64x2048xi1>, vector<64x2048xi32>
    %eq3A_43 = arith.constant 2 : i32
    %eq3A_44 = vector.broadcast %eq3A_43 : i32 to vector<8x2048xi32>
    %eq3A_45 = arith.cmpi eq, %iota3A_8, %eq3A_44 : vector<8x2048xi32>
    %broadcast_in_dim3A_46 = vector.shape_cast %broadcast_in_dim3A_37 : vector<1x2048xi32> to vector<1x2048xi32>
    %broadcast_in_dim3A_47 = vector.broadcast %broadcast_in_dim3A_46 : vector<1x2048xi32> to vector<8x2048xi32>
    %select_n3A_48 = arith.select %eq3A_45, %broadcast_in_dim3A_47, %select_n3A_34 : vector<8x2048xi1>, vector<8x2048xi32>
    %reduce_max3A_49 = arith.constant dense<-2147483648> : vector<2048xi32>
    %reduce_max3A_50 = vector.multi_reduction <maxsi>, %select_n3A_42, %reduce_max3A_49 [0] : vector<64x2048xi32> to vector<2048xi32>
    %broadcast_in_dim3A_51 = vector.shape_cast %reduce_max3A_50 : vector<2048xi32> to vector<1x2048xi32>
    %eq3A_52 = vector.broadcast %broadcast_in_dim3A_51 : vector<1x2048xi32> to vector<64x2048xi32>
    %eq3A_53 = arith.cmpi eq, %select_n3A_42, %eq3A_52 : vector<64x2048xi32>
    %jit3A_54 = arith.constant -2147483648 : i32
    %broadcast_in_dim3A_55 = vector.broadcast %jit3A_54 : i32 to vector<64x2048xi32>
    %select_n3A_56 = arith.select %eq3A_53, %broadcast_in_dim3A_55, %select_n3A_42 : vector<64x2048xi1>, vector<64x2048xi32>
    %eq3A_57 = arith.constant 3 : i32
    %eq3A_58 = vector.broadcast %eq3A_57 : i32 to vector<8x2048xi32>
    %eq3A_59 = arith.cmpi eq, %iota3A_8, %eq3A_58 : vector<8x2048xi32>
    %broadcast_in_dim3A_60 = vector.shape_cast %broadcast_in_dim3A_51 : vector<1x2048xi32> to vector<1x2048xi32>
    %broadcast_in_dim3A_61 = vector.broadcast %broadcast_in_dim3A_60 : vector<1x2048xi32> to vector<8x2048xi32>
    %select_n3A_62 = arith.select %eq3A_59, %broadcast_in_dim3A_61, %select_n3A_48 : vector<8x2048xi1>, vector<8x2048xi32>
    %reduce_max3A_63 = arith.constant dense<-2147483648> : vector<2048xi32>
    %reduce_max3A_64 = vector.multi_reduction <maxsi>, %select_n3A_56, %reduce_max3A_63 [0] : vector<64x2048xi32> to vector<2048xi32>
    %broadcast_in_dim3A_65 = vector.shape_cast %reduce_max3A_64 : vector<2048xi32> to vector<1x2048xi32>
    %eq3A_66 = vector.broadcast %broadcast_in_dim3A_65 : vector<1x2048xi32> to vector<64x2048xi32>
    %eq3A_67 = arith.cmpi eq, %select_n3A_56, %eq3A_66 : vector<64x2048xi32>
    %jit3A_68 = arith.constant -2147483648 : i32
    %broadcast_in_dim3A_69 = vector.broadcast %jit3A_68 : i32 to vector<64x2048xi32>
    %select_n3A_70 = arith.select %eq3A_67, %broadcast_in_dim3A_69, %select_n3A_56 : vector<64x2048xi1>, vector<64x2048xi32>
    %eq3A_71 = arith.constant 4 : i32
    %eq3A_72 = vector.broadcast %eq3A_71 : i32 to vector<8x2048xi32>
    %eq3A_73 = arith.cmpi eq, %iota3A_8, %eq3A_72 : vector<8x2048xi32>
    %broadcast_in_dim3A_74 = vector.shape_cast %broadcast_in_dim3A_65 : vector<1x2048xi32> to vector<1x2048xi32>
    %broadcast_in_dim3A_75 = vector.broadcast %broadcast_in_dim3A_74 : vector<1x2048xi32> to vector<8x2048xi32>
    %select_n3A_76 = arith.select %eq3A_73, %broadcast_in_dim3A_75, %select_n3A_62 : vector<8x2048xi1>, vector<8x2048xi32>
    %reduce_max3A_77 = arith.constant dense<-2147483648> : vector<2048xi32>
    %reduce_max3A_78 = vector.multi_reduction <maxsi>, %select_n3A_70, %reduce_max3A_77 [0] : vector<64x2048xi32> to vector<2048xi32>
    %broadcast_in_dim3A_79 = vector.shape_cast %reduce_max3A_78 : vector<2048xi32> to vector<1x2048xi32>
    %eq3A_80 = vector.broadcast %broadcast_in_dim3A_79 : vector<1x2048xi32> to vector<64x2048xi32>
    %eq3A_81 = arith.cmpi eq, %select_n3A_70, %eq3A_80 : vector<64x2048xi32>
    %jit3A_82 = arith.constant -2147483648 : i32
    %broadcast_in_dim3A_83 = vector.broadcast %jit3A_82 : i32 to vector<64x2048xi32>
    %select_n3A_84 = arith.select %eq3A_81, %broadcast_in_dim3A_83, %select_n3A_70 : vector<64x2048xi1>, vector<64x2048xi32>
    %eq3A_85 = arith.constant 5 : i32
    %eq3A_86 = vector.broadcast %eq3A_85 : i32 to vector<8x2048xi32>
    %eq3A_87 = arith.cmpi eq, %iota3A_8, %eq3A_86 : vector<8x2048xi32>
    %broadcast_in_dim3A_88 = vector.shape_cast %broadcast_in_dim3A_79 : vector<1x2048xi32> to vector<1x2048xi32>
    %broadcast_in_dim3A_89 = vector.broadcast %broadcast_in_dim3A_88 : vector<1x2048xi32> to vector<8x2048xi32>
    %select_n3A_90 = arith.select %eq3A_87, %broadcast_in_dim3A_89, %select_n3A_76 : vector<8x2048xi1>, vector<8x2048xi32>
    %reduce_max3A_91 = arith.constant dense<-2147483648> : vector<2048xi32>
    %reduce_max3A_92 = vector.multi_reduction <maxsi>, %select_n3A_84, %reduce_max3A_91 [0] : vector<64x2048xi32> to vector<2048xi32>
    %broadcast_in_dim3A_93 = vector.shape_cast %reduce_max3A_92 : vector<2048xi32> to vector<1x2048xi32>
    %eq3A_94 = vector.broadcast %broadcast_in_dim3A_93 : vector<1x2048xi32> to vector<64x2048xi32>
    %eq3A_95 = arith.cmpi eq, %select_n3A_84, %eq3A_94 : vector<64x2048xi32>
    %jit3A_96 = arith.constant -2147483648 : i32
    %broadcast_in_dim3A_97 = vector.broadcast %jit3A_96 : i32 to vector<64x2048xi32>
    %select_n3A_98 = arith.select %eq3A_95, %broadcast_in_dim3A_97, %select_n3A_84 : vector<64x2048xi1>, vector<64x2048xi32>
    %eq3A_99 = arith.constant 6 : i32
    %eq3A_100 = vector.broadcast %eq3A_99 : i32 to vector<8x2048xi32>
    %eq3A_101 = arith.cmpi eq, %iota3A_8, %eq3A_100 : vector<8x2048xi32>
    %broadcast_in_dim3A_102 = vector.shape_cast %broadcast_in_dim3A_93 : vector<1x2048xi32> to vector<1x2048xi32>
    %broadcast_in_dim3A_103 = vector.broadcast %broadcast_in_dim3A_102 : vector<1x2048xi32> to vector<8x2048xi32>
    %select_n3A_104 = arith.select %eq3A_101, %broadcast_in_dim3A_103, %select_n3A_90 : vector<8x2048xi1>, vector<8x2048xi32>
    %reduce_max3A_105 = arith.constant dense<-2147483648> : vector<2048xi32>
    %reduce_max3A_106 = vector.multi_reduction <maxsi>, %select_n3A_98, %reduce_max3A_105 [0] : vector<64x2048xi32> to vector<2048xi32>
    %broadcast_in_dim3A_107 = vector.shape_cast %reduce_max3A_106 : vector<2048xi32> to vector<1x2048xi32>
    %eq3A_108 = arith.constant 7 : i32
    %eq3A_109 = vector.broadcast %eq3A_108 : i32 to vector<8x2048xi32>
    %eq3A_110 = arith.cmpi eq, %iota3A_8, %eq3A_109 : vector<8x2048xi32>
    %broadcast_in_dim3A_111 = vector.shape_cast %broadcast_in_dim3A_107 : vector<1x2048xi32> to vector<1x2048xi32>
    %broadcast_in_dim3A_112 = vector.broadcast %broadcast_in_dim3A_111 : vector<1x2048xi32> to vector<8x2048xi32>
    %select_n3A_113 = arith.select %eq3A_110, %broadcast_in_dim3A_112, %select_n3A_104 : vector<8x2048xi1>, vector<8x2048xi32>
    %and3A = arith.constant 63 : i32
    %and3A_114 = vector.broadcast %and3A : i32 to vector<8x2048xi32>
    %and3A_115 = arith.andi %select_n3A_113, %and3A_114 : vector<8x2048xi32>
    %sub3A_116 = arith.constant 63 : i32
    %sub3A_117 = vector.broadcast %sub3A_116 : i32 to vector<8x2048xi32>
    %sub3A_118 = arith.subi %sub3A_117, %and3A_115 : vector<8x2048xi32>
    %and3A_119 = arith.constant -65536 : i32
    %and3A_120 = vector.broadcast %and3A_119 : i32 to vector<8x2048xi32>
    %and3A_121 = arith.andi %select_n3A_113, %and3A_120 : vector<8x2048xi32>
    %ge3A_122 = arith.constant 0 : i32
    %ge3A_123 = vector.broadcast %ge3A_122 : i32 to vector<8x2048xi32>
    %ge3A_124 = arith.cmpi sge, %and3A_121, %ge3A_123 : vector<8x2048xi32>
    %xor3A_125 = arith.constant 2147418112 : i32
    %xor3A_126 = vector.broadcast %xor3A_125 : i32 to vector<8x2048xi32>
    %xor3A_127 = arith.xori %and3A_121, %xor3A_126 : vector<8x2048xi32>
    %select_n3A_128 = arith.select %ge3A_124, %and3A_121, %xor3A_127 : vector<8x2048xi1>, vector<8x2048xi32>
    %bitcast_convert_type3A_129 = tpu.bitcast %select_n3A_128 : vector<8x2048xi32> -> vector<8x2048xf32>
    %slice3A = vector.extract_strided_slice %bitcast_convert_type3A_129 {offsets = [0, 0], sizes = [1, 2048], strides = [1, 1]} : vector<8x2048xf32> to vector<1x2048xf32>
    %sub3A_130 = vector.broadcast %slice3A : vector<1x2048xf32> to vector<64x2048xf32>
    %sub3A_131 = arith.subf %convert_element_type3A, %sub3A_130 : vector<64x2048xf32>
    %exp3A = math.exp %sub3A_131 : vector<64x2048xf32>
    %reduce_sum3A = arith.constant dense<0.000000e+00> : vector<2048xf32>
    %reduce_sum3A_132 = vector.multi_reduction <add>, %exp3A, %reduce_sum3A [0] : vector<64x2048xf32> to vector<2048xf32>
    %broadcast_in_dim3A_133 = vector.shape_cast %reduce_sum3A_132 : vector<2048xf32> to vector<1x2048xf32>
    %sub3A_134 = vector.broadcast %slice3A : vector<1x2048xf32> to vector<8x2048xf32>
    %sub3A_135 = arith.subf %bitcast_convert_type3A_129, %sub3A_134 : vector<8x2048xf32>
    %exp3A_136 = math.exp %sub3A_135 : vector<8x2048xf32>
    %div3A = vector.broadcast %broadcast_in_dim3A_133 : vector<1x2048xf32> to vector<8x2048xf32>
    %div3A_137 = arith.divf %exp3A_136, %div3A : vector<8x2048xf32>
    %swap3A = arith.constant 0 : index
    %swap3A_138 = arith.constant 0 : index
    %swap3A_139 = vector.load %arg2[%swap3A, %swap3A_138] : memref<8x2048xi32, #tpu.memory_space<vmem>>, vector<8x2048xi32>
    tpu.vector_store %arg2[%swap3A, %swap3A_138], %sub3A_118 {strides = array<i32>} : memref<8x2048xi32, #tpu.memory_space<vmem>>, vector<8x2048xi32>,
    %swap3A_140 = arith.constant 0 : index
    %swap3A_141 = arith.constant 0 : index
    %swap3A_142 = vector.load %arg3[%swap3A_140, %swap3A_141] : memref<8x2048xf32, #tpu.memory_space<vmem>>, vector<8x2048xf32>
    tpu.vector_store %arg3[%swap3A_140, %swap3A_141], %div3A_137 {strides = array<i32>} : memref<8x2048xf32, #tpu.memory_space<vmem>>, vector<8x2048xf32>,
    return
  }
  func.func @transform_0(%arg0: i32) -> (i32, i32) {
    %c0_i32 = arith.constant 0 : i32
    %c0_i32_0 = arith.constant 0 : i32
    return %c0_i32, %arg0 : i32, i32
  }
  func.func @transform_1(%arg0: i32) -> (i32, i32) {
    %c0_i32 = arith.constant 0 : i32
    %c0_i32_0 = arith.constant 0 : i32
    return %c0_i32, %arg0 : i32, i32
  }
  func.func @transform_2(%arg0: i32) -> (i32, i32) {
    %c0_i32 = arith.constant 0 : i32
    %c0_i32_0 = arith.constant 0 : i32
    return %c0_i32, %arg0 : i32, i32
  }
}

</mosaic_0001>

<sc_bundles>
// kernel: kernel.4.cloned.1.call-start
scs
__scs_entry_jumppad:
0x0: {  	(pc) =	sbr.rel $0x88, $3  }
0x1: {  	(tag) =	ssettag $0x0;
	lr =	simm.s32 $0x1  }
0x2: {  	[smem:$0x3FA0] =	sst lr;
	_ =	strace $0xD0000000  }
0x3: {  	_ = 	snop  }
0x4: {  	_ = 	snop  }
0x5: {  	_ = 	snop  }
0x6: {  	_ = 	snop  }
0x7: {  	_ = 	snop  }
__scs_overlays_trampoline_lowered:
0x8: {  	[smem:$0x3FAF] =	sst s0  }
0x9: {  	[smem:$0x3FB0] =	sst s1  }
0xa: {  	[smem:$0x3FB1] =	sst s2  }
0xb: {  	[smem:$0x3FB2] =	sst s3  }
0xc: {  	[smem:$0x3FB3] =	sst s4  }
0xd: {  	[smem:$0x3FB4] =	sst s5  }
0xe: {  	[smem:$0x3FB5] =	sst s6  }
0xf: {  	[smem:$0x3FB6] =	sst s7  }
0x10: {  	[smem:$0x3FB7] =	sst s8  }
0x11: {  	[smem:$0x3FB8] =	sst s9;
	s0 =	simm.s32 @!p0 $0x0  }
0x12: {  	s1 =	sld [smem:$0x3F9E];
	s0 =	simm.s32 @p0 $0x1  }
0x13: {  	[smem:$0x3FB9] =	sst s0;
	s0 =	simm.s32 @!p1 $0x0  }
0x14: {  	s2 =	sld [smem:$0x3F9D];
	s0 =	simm.s32 @p1 $0x1  }
0x15: {  	[smem:$0x3FBA] =	sst s0;
	s0 =	simm.s32 @!p2 $0x0  }
0x16: {  	s3 =	sld [smem:$0x3FDB];
	s0 =	simm.s32 @p2 $0x1  }
0x17: {  	s4 =	simm.s32 $0x1BF5;
	[smem:$0x3FBC] =	sst s0  }
0x18: {  	s0 =	sld [smem:$0x3F9F];
	_ =	swait.ge [sflag:s4], $0x0  }
0x19: {  	s7 =	sld [smem:$0x3FA0]  }
0x1a: {  	s8 =	sadd.s32 $0xFFFFE003, lr  }
0x1b: {  	s9 =	sadd.s32 $0xFFFFFEF7, lr;
	s5 =	simm.s32 $0xFFFFFFFF;
	p2 =	slt.u32 s8, $0xFFFFF086  }
0x1c: {  	p1 =	slt.u32 s9, $0xF7A;
	s5 =	simm.s32 @!p2 $0x0  }
0x1d: {  	s5 =	simm.s32 @p1 $0x1;
	p0 =	seq.s32 s7, s2  }
0x1e: {  	s7 =	smul.u32 @!p0 $0xF7A, s2;
	p2 =	seq.s32 @!p0 s5, $0x0  }
0x1f: {  	s9 =	smul.u32 $0xF7A, s1;
	s8 =	simm.s32 @!p0 $0x1BF5;
	p2 =	por !p2, p0  }
0x20: {  	[sflag:s8] =	ssyncset.s32 @!p0 $0xFFFFF086;
	s6 =	sadd.s32 @!p0 s3, s7;
	s7 =	simm.s32 @!p0 $0x108  }
0x21: {  	s3 =	sadd.s32 s3, s9;
	s6 =	sadd.s32 @!p0 $0x88, s6;
	s7 =	simm.s32 @p2 $0x1082  }
0x22: {  	[simem:s7], [sflag:s8] =	dma.local @!p0 [hbm:s6], $0xF7A  }
0x23: {  	s9 =	sor.u32 $0xD0000000, s2;
	s6 =	simm.s32 $0x108;
	_ =	swait.ge @!p0 [sflag:s8], $0x0  }
0x24: {  	s3 =	sadd.s32 $0x88, s3;
	s6 =	simm.s32 @!p1 $0x1082;
	[sflag:s4] =	ssyncset.s32 $0xFFFFF086  }
0x25: {  	[simem:s6], [sflag:s4] =	dma.local [hbm:s3], $0xF7A  }
0x26: {  	[smem:$0x3FA0] =	sst s1;
	(tag) =	ssettag s2;
	_ =	strace s9  }
0x27: {  	s1 =	sld [smem:$0x3FB0]  }
0x28: {  	s2 =	sld [smem:$0x3FB1]  }
0x29: {  	s4 =	sld [smem:$0x3FB3]  }
0x2a: {  	p0 =	seq.s32 s5, $0x0;
	s5 =	sld [smem:$0x3FB4]  }
0x2b: {  	s6 =	sld [smem:$0x3FB5]  }
0x2c: {  	s7 =	sld [smem:$0x3FB6]  }
0x2d: {  	s3 =	simm.s32 $0x108;
	s8 =	sld [smem:$0x3FB7]  }
0x2e: {  	s3 =	simm.s32 @!p0 $0x1082;
	s9 =	sld [smem:$0x3FB8]  }
0x2f: {  	lr =	sadd.s32 s0, s3;
	s0 =	sld [smem:$0x3FAF]  }
0x30: {  	s3 =	sld [smem:$0x3FB2]  }
0x31: {  	[smem:$0x3FBB] =	sst s10  }
0x32: {  	s10 =	sld [smem:$0x3FB9];
	_ =	sdelay $0x3  }
0x33: {  	p0 =	seq.s32 s10, $0x1;
	s10 =	sld [smem:$0x3FBB];
	_ =	sdelay $0x3  }
0x34: {  	[smem:$0x3FBB] =	sst s10  }
0x35: {  	s10 =	sld [smem:$0x3FBA];
	_ =	sdelay $0x3  }
0x36: {  	p1 =	seq.s32 s10, $0x1;
	s10 =	sld [smem:$0x3FBB];
	_ =	sdelay $0x3  }
0x37: {  	[smem:$0x3FBB] =	sst s10  }
0x38: {  	s10 =	sld [smem:$0x3FBC]  }
0x39: {  	_ = 	snop;
	(pc) =	sbr.ind lr, $3  }
0x3a: {  	_ = 	snop  }
0x3b: {  	_ = 	snop  }
0x3c: {  	p2 =	seq.s32 s10, $0x1;
	s10 =	sld [smem:$0x3FBB]  }
0x3d: {  	_ =	shalt  }
0x3e: {  	_ =	shalt  }
0x3f: {  	_ =	shalt  }
0x40: {  	_ =	shalt  }
0x41: {  	_ =	shalt  }
0x42: {  	_ =	shalt  }
0x43: {  	_ =	shalt  }
0x44: {  	_ =	shalt  }
0x45: {  	_ =	shalt  }
0x46: {  	_ =	shalt  }
0x47: {  	_ =	shalt  }
0x48: {  	_ =	shalt  }
0x49: {  	_ =	shalt  }
0x4a: {  	_ =	shalt  }
0x4b: {  	_ =	shalt  }
0x4c: {  	_ =	shalt  }
0x4d: {  	_ =	shalt  }
0x4e: {  	_ =	shalt  }
0x4f: {  	_ =	shalt  }
0x50: {  	_ =	shalt  }
0x51: {  	_ =	shalt  }
0x52: {  	_ =	shalt  }
0x53: {  	_ =	shalt  }
0x54: {  	_ =	shalt  }
0x55: {  	_ =	shalt  }
0x56: {  	_ =	shalt  }
0x57: {  	_ =	shalt  }
0x58: {  	_ =	shalt  }
0x59: {  	_ =	shalt  }
0x5a: {  	_ =	shalt  }
0x5b: {  	_ =	shalt  }
0x5c: {  	_ =	shalt  }
0x5d: {  	_ =	shalt  }
0x5e: {  	_ =	shalt  }
0x5f: {  	_ =	shalt  }
0x60: {  	_ =	shalt  }
0x61: {  	_ =	shalt  }
0x62: {  	_ =	shalt  }
0x63: {  	_ =	shalt  }
0x64: {  	_ =	shalt  }
0x65: {  	_ =	shalt  }
0x66: {  	_ =	shalt  }
0x67: {  	_ =	shalt  }
0x68: {  	_ =	shalt  }
0x69: {  	_ =	shalt  }
0x6a: {  	_ =	shalt  }
0x6b: {  	_ =	shalt  }
0x6c: {  	_ =	shalt  }
0x6d: {  	_ =	shalt  }
0x6e: {  	_ =	shalt  }
0x6f: {  	_ =	shalt  }
0x70: {  	_ =	shalt  }
0x71: {  	_ =	shalt  }
0x72: {  	_ =	shalt  }
0x73: {  	_ =	shalt  }
0x74: {  	_ =	shalt  }
0x75: {  	_ =	shalt  }
0x76: {  	_ =	shalt  }
0x77: {  	_ =	shalt  }
0x78: {  	_ =	shalt  }
0x79: {  	_ =	shalt  }
0x7a: {  	_ =	shalt  }
0x7b: {  	_ =	shalt  }
0x7c: {  	_ =	shalt  }
0x7d: {  	_ =	shalt  }
0x7e: {  	_ =	shalt  }
0x7f: {  	_ =	shalt  }
0x80: {  	_ =	shalt  }
0x81: {  	_ =	shalt  }
0x82: {  	_ =	shalt  }
0x83: {  	_ =	shalt  }
0x84: {  	_ =	shalt  }
0x85: {  	_ =	shalt  }
0x86: {  	_ =	shalt  }
0x87: {  	_ =	shalt  }
.Lfunc_end0:
.L_simem_size_0:
called_computation_lowered:
.L_overlay_start_0:
0x88: {  	s2 =	sld [smem:$0x3FD9]  }
0x89: {  	s3 =	sld [smem:$0x3FFE];
	_ =	sdelay $0x1  }
0x8a: {  	s1 =	srdreg.scid  }
0x8b: {  	s0 =	sand.u32 $0x1, s1  }
0x8c: {  	s14 =	sshll.u32 s0, $0xA;
	s2 =	sadd.s32 s3, s2  }
0x8d: {  	s2 =	sadd.s32 s2, s14  }
0x8e: {  	[smem:$0x3FC7] =	sst s2  }
0x8f: {  	_ = 	snop  }
0x90: {  	s2 =	sld [smem:$0x3FD0];
	_ =	sdelay $0x2  }
0x91: {  	s15 =	simm.s32 $0xA;
	s4 =	simm.s32 $0x10  }
0x92: {  	[smem:s4], [sflag:s15] =	dma.local [hbm:s2], $0x1  }
0x93: {  	_ =	swait.eq [sflag:s15], $0x1  }
0x94: {  	[sflag:s15] =	ssyncset.done $0x0  }
0x95: {  	s16 =	sld [smem:$0x10];
	[sflag:s15] =	ssyncadd.s32 $0xFFFFFFFF  }
0x96: {  	s17 =	sld [smem:$0x11];
	(tm) =	ssettm $0x1  }
0x97: {  	s18 =	sld [smem:$0x3FFB];
	_ =	sdelay $0x3  }
0x98: {  	_ =	strace s18  }
0x99: {  	s4 =	sld [smem:$0x3FFC];
	_ =	sdelay $0x3  }
0x9a: {  	_ =	strace s4  }
0x9b: {  	s4 =	sld [smem:$0x3FFD];
	_ =	sdelay $0x3  }
0x9c: {  	_ =	strace s4  }
0x9d: {  	_ =	strace $0x8FFFFFFF  }
0x9e: {  	s19 =	sld [smem:$0x3FDB];
	_ =	sdelay $0x1  }
0x9f: {  	s5 =	simm.s32 $_scs_section_size  }
0xa0: {  	s6 =	simm.s32 $_size__tile_overlayer_lowered;
	s7 =	simm.s32 $_tile_overlayer_lowered  }
0xa1: {  	s22 =	simm.s32 $0x1BFF;
	s21 =	sshll.u32 s7, $0x1;
	s4 =	sadd.s32 s5, s19  }
0xa2: {  	s8 =	simm.s32 $0x0;
	s20 =	sshll.u32 s6, $0x1;
	s6 =	sadd.s32 s21, s4  }
0xa3: {  	[timem:s8], [sflag:s22] =	dma.local [hbm:s6], s20  }
0xa4: {  	_ =	swait.ge [sflag:s22], s20  }
0xa5: {  	s5 =	ssub.s32 $0x0, s20;
	[sflag:s22] =	ssyncset.done $0x0  }
0xa6: {  	[sflag:s22] =	ssyncadd.s32 s5;
	_ =	sdelay $0x1  }
0xa7: {  	s23 =	simm.s32 $0x1B8B  }
0xa8: {  	_ =	swait.ge [sflag:s23], $0x1  }
0xa9: {  	[sflag:s23] =	ssyncset.done $0x0  }
0xaa: {  	s25 =	simm.s32 $0x1B8E;
	s24 =	sld [smem:$0x3FFE];
	[sflag:s23] =	ssyncadd.s32 $0xFFFFFFFF  }
0xab: {  	s26 =	simm.s32 $execute0_lowered;
	[smem:$0x3FD2] =	sst s25  }
0xac: {  	s6 =	sshll.u32 s26, $0x1;
	_ =	strace $0x80000046;
	[dreg:$0x1] =	wrdreg $0xFFFFFFFF  }
0xad: {  	s28 =	simm.s32 $_size_execute0_lowered;
	s4 =	sadd.s32 s4, s6;
	[dreg:$0x0] =	wrdreg $0x0  }
0xae: {  	s6 =	sshll.u32 s28, $0x1;
	[dreg:$0x2] =	wrdreg s4  }
0xaf: {  	[dreg:$0x3] =	wrdreg s6  }
0xb0: {  	[dreg:$0x4] =	wrdreg $0xC0  }
0xb1: {  	_ =	task [dreg:s8], $0x5FFFF  }
0xb2: {  	[dreg:$0x1] =	wrdreg $0xFFFFFFFF  }
0xb3: {  	[dreg:$0x0] =	wrdreg $0x60  }
0xb4: {  	[dreg:$0x2] =	wrdreg s24  }
0xb5: {  	[dreg:$0x3] =	wrdreg s17  }
0xb6: {  	[dreg:$0x4] =	wrdreg s16  }
0xb7: {  	[dreg:$0x5] =	wrdreg $0x9  }
0xb8: {  	_ =	task.clear_ibuf [dreg:s8], $0x6FFFF;
	_ =	strace $0x90000046  }
0xb9: {  	s29 =	simm.s32 $0x9;
	_ =	strace $0x80000048  }
0xba: {  	_ =	swait.ge [sflag:s29], $0x1  }
0xbb: {  	[sflag:s29] =	ssyncadd.s32 $0xFFFFFFFF  }
0xbc: {  	_ =	strace $0x90000048  }
0xbd: {  	_ =	sfence  }
0xbe: {  	s30 =	sld [smem:$0x0];
	_ =	sdelay $0x2  }
0xbf: {  	s31 =	sshll.u32 s1, $0xD;
	s1 =	sshrl.u32 s1, $0x2  }
0xc0: {  	s3 =	sand.u32 $0x4000, s31;
	s1 =	sadd.s32 s1, s30  }
0xc1: {  	s0 =	sor.u32 s3, s0;
	s1 =	sshll.u32 s1, $0x11  }
0xc2: {  	s0 =	sor.u32 s1, s0  }
0xc3: {  	s0 =	sadd.s32 $0x8F2B, s0  }
0xc4: {  	[sflag:s0] =	ssyncadd.remote.s32 $0x1  }
0xc5: {  	_ =	sfence.sel $0xFFFF  }
0xc6: {  	[dreg:$0x0] =	wrdreg $0xFFFFFFFF;
	(pc) =	sbr.abs _section_cstart, $3  }
0xc7: {  	[dreg:$0x1] =	wrdreg $0xFFFFFFFF  }
0xc8: {  	_ =	task.clear_ibuf [dreg:s8], $0x2FFFF;
	_ =	strace $0x9FFFFFFF  }
0xc9: {  	(tm) =	ssettm $0x7FFFFFFF  }
tec
execute0_lowered:
.L_overlay_start_1:
0x0: {  	(tag) =	ssettag $0x1  }
0x1: {  	s3 =	rddreg [dreg:$0x0]  }
0x2: {  	s4 =	rddreg [dreg:$0x1];
	s0 =	srdreg.scid  }
0x3: {  	s5 =	rddreg [dreg:$0x2];
	s1 =	stileid.u32;
	s2 =	simm.s32 $0x0  }
0x4: {  	s9 =	simm.s32 $0x1;
	s10 =	simm.s32 $0x4000;
	s11 =	simm.s32 $0x4800  }
0x5: {  	s12 =	simm.s32 $0x0;
	s6 =	sand.u32 $0x1, s0;
	s0 =	rddreg [dreg:$0x3]  }
0x6: {  	s7 =	sshll.u32 s1, $0x9;
	[smem:$0x7FF] =	sst s2;
	s8 =	sshll.u32 s6, $0x8  }
0x7: {  	s6 =	ssub.s32 $0x2, s6;
	_ =	strace $0x80000047;
	s7 =	sor.u32 s8, s7  }
0x8: {  	s31 =	sshrl.u32 s6, $0x1;
	s8 =	simm.s32 $0x10000;
	s3 =	sadd.s32 s7, s3  }
0x9: {  	s6 =	ssub.s32 s6, s31;
	s4 =	sadd.s32 s4, s7;
	s5 =	sadd.s32 s5, s7  }
0xa: {  	s7 =	simm.s32 $0x800;
	s3 =	sadd.s32 $0xC00, s3;
	s6 =	smax.u32 s6, $0x1  }
.LBB2_1:
0xb: {  	[tilespmem:s2], [sflag:$0x1] =	stream.strided.gather [hbm4b:s3+s7], $0x4000, s8, s7, $0x38;
	[tilespmem:$0x5000] =	vst v63  }
0xc: {  	_ =	swait.ge [sflag:s9], $0x4000  }
0xd: {  	[sflag:s9] =	ssyncset.done $0x0  }
0xe: {  	s13 =	simm.s32 $0x0;
	s14 =	simm.s32 $0x0;
	[sflag:s9] =	ssyncadd.s32 $0xFFFFC000  }
.LBB2_2:
0xf: {  	s15 =	sand.u32 $0x70, s14;
	s17 =	sand.u32 $0x400, s13  }
0x10: {  	s15 =	sor.u32 s15, s17  }
0x11: {  	v1 =	vld [tilespmem:s15+$0x0]  }
0x12: {  	v4 =	vld [tilespmem:s15+$0x100]  }
0x13: {  	s19 =	sor.u32 s13, s14;
	v7 =	vld [tilespmem:s15+$0x200]  }
0x14: {  	s19 =	sor.u32 $0x380, s19;
	v9 =	vld [tilespmem:s15+$0x300]  }
0x15: {  	s16 =	sand.u32 $0xFFFFFC00, s13;
	v12 =	vld [tilespmem:s19+$0x0]  }
0x16: {  	s18 =	sadd.s32 s16, s14;
	v10 =	vld [tilespmem:s15+$0x800];
	vm0 =	vlt.s32 v1, $0x0;
	v0 =	vand.u32 $0x7FFFFFFF, v1  }
0x17: {  	s31 =	sor.u32 $0x80, s18;
	v11 =	vld [tilespmem:s15+$0x880];
	[tilespmem:$0x1FDB0] =	vst v1;
	v1 =	vxor.u32 $0xFFFF0000, v1;
	v44 =	vand.u32 $0x7FFFFFFF, v4;
	vm6 =	vlt.s32 v4, $0x0  }
0x18: {  	s16 =	sor.u32 $0x180, s18;
	v3 =	vld [tilespmem:s31+$0x0];
	v45 =	vxor.u32 $0xFFFF0000, v4;
	v51 =	vand.u32 $0x7FFFFFFF, v7;
	vm8 =	vlt.s32 v7, $0x0  }
0x19: {  	s18 =	sor.u32 $0x280, s18;
	v5 =	vld [tilespmem:s16+$0x0];
	v52 =	vxor.u32 $0xFFFF0000, v7;
	v62 =	vand.u32 $0x7FFFFFFF, v9;
	vm10 =	vlt.s32 v9, $0x0  }
0x1a: {  	v8 =	vld [tilespmem:s18+$0x0];
	v63 =	vxor.u32 $0xFFFF0000, v9;
	v16 =	vand.u32 $0x7FFFFFFF, v12;
	vm11 =	vlt.s32 v12, $0x0  }
0x1b: {  	v17 =	vxor.u32 $0xFFFF0000, v12;
	v23 =	vand.u32 $0x7FFFFFFF, v10;
	vm12 =	vlt.s32 v10, $0x0  }
0x1c: {  	[tilespmem:$0x1FDD0] =	vst v4;
	v24 =	vxor.u32 $0xFFFF0000, v10;
	v32 =	vand.u32 $0x7FFFFFFF, v11;
	vm13 =	vlt.s32 v11, $0x0  }
0x1d: {  	[tilespmem:$0x1FE40] =	vst v11;
	v11 =	vxor.u32 $0xFFFF0000, v11;
	v0 =	vxor.u32 $0x80000000, v0;
	v2 =	vand.u32 $0x7FFFFFFF, v3  }
0x1e: {  	[tilespmem:$0x1FDC0] =	vst v3;
	vm1 =	vlt.s32 v3, $0x0;
	v3 =	vxor.u32 $0xFFFF0000, v3;
	v48 =	vand.u32 $0x7FFFFFFF, v5  }
0x1f: {  	[tilespmem:$0x1FDE0] =	vst v5;
	vm7 =	vlt.s32 v5, $0x0;
	v5 =	vxor.u32 $0xFFFF0000, v5;
	v57 =	vand.u32 $0x7FFFFFFF, v8  }
0x20: {  	[tilespmem:$0x1FDF0] =	vst v7;
	vm9 =	vlt.s32 v8, $0x0;
	v58 =	vxor.u32 $0xFFFF0000, v8;
	v7 =	vxor.u32 $0x80000000, v16  }
0x21: {  	[tilespmem:$0x1FE20] =	vst v12;
	v12 =	vld [tilespmem:s15+$0x900];
	v2 =	vxor.u32 $0x80000000, v2;
	v0 =	vsel vm0, v1, v0;
	v4 =	vxor.u32 $0x80000000, v48  }
0x22: {  	v19 =	vsel vm11, v17, v7;
	v43 =	vsel vm1, v3, v2;
	v2 =	vxor.u32 $0x80000000, v44  }
0x23: {  	v0 =	vadd.s32 $0x3F, v0;
	v4 =	vsel vm7, v5, v4;
	v1 =	vadd.s32 $0x3E, v43  }
0x24: {  	v2 =	vsel vm6, v45, v2;
	v50 =	vadd.s32 $0x3C, v4;
	v4 =	vxor.u32 $0x80000000, v51  }
0x25: {  	v46 =	vmax.u32 v0, v1;
	v2 =	vadd.s32 $0x3D, v2;
	v0 =	vmin.u32 v0, v1  }
0x26: {  	v53 =	vsel vm8, v52, v4;
	v40 =	vand.u32 $0x7FFFFFFF, v12;
	vm14 =	vlt.s32 v12, $0x0  }
0x27: {  	v41 =	vxor.u32 $0xFFFF0000, v12;
	v47 =	vmin.u32 v46, v2;
	v2 =	vmax.u32 v46, v2  }
0x28: {  	[tilespmem:$0x1FE30] =	vst v10;
	v10 =	vxor.u32 $0x80000000, v40;
	v49 =	vmax.u32 v0, v47;
	v0 =	vmin.u32 v0, v47  }
0x29: {  	v43 =	vld [tilespmem:s15+$0x980];
	v6 =	vmax.u32 v2, v50;
	v1 =	vmin.u32 v2, v50;
	v2 =	vadd.s32 $0x3B, v53  }
0x2a: {  	v10 =	vsel vm14, v41, v10;
	v54 =	vmax.u32 v49, v1;
	v1 =	vmin.u32 v49, v1  }
0x2b: {  	v55 =	vmin.u32 v6, v2;
	v2 =	vmax.u32 v6, v2;
	v6 =	vxor.u32 $0x80000000, v57  }
0x2c: {  	v10 =	vadd.s32 $0x35, v10;
	v3 =	vmax.u32 v0, v1;
	v0 =	vmin.u32 v0, v1  }
0x2d: {  	v56 =	vmin.u32 v54, v55;
	v1 =	vmax.u32 v54, v55;
	v6 =	vsel vm9, v58, v6  }
0x2e: {  	v53 =	vld [tilespmem:s15+$0xA00];
	v50 =	vand.u32 $0x7FFFFFFF, v43;
	vm15 =	vlt.s32 v43, $0x0;
	v51 =	vxor.u32 $0xFFFF0000, v43  }
0x2f: {  	v59 =	vmin.u32 v3, v56;
	v3 =	vmax.u32 v3, v56;
	v6 =	vadd.s32 $0x3A, v6  }
0x30: {  	v60 =	vmax.u32 v0, v59;
	v61 =	vmax.u32 v2, v6;
	v2 =	vmin.u32 v2, v6  }
0x31: {  	v0 =	vmin.u32 v0, v59;
	v6 =	vmax.u32 v1, v2;
	v1 =	vmin.u32 v1, v2  }
0x32: {  	v2 =	vxor.u32 $0x80000000, v62;
	v13 =	vmax.u32 v3, v1;
	v1 =	vmin.u32 v3, v1  }
0x33: {  	[tilespmem:$0x1FE60] =	vst v43;
	v43 =	vld [tilespmem:s15+$0x1000];
	vm4 =	vlt.s32 v53, $0x0;
	v2 =	vsel vm10, v63, v2;
	v3 =	vmax.u32 v60, v1  }
0x34: {  	v63 =	vld [tilespmem:s15+$0xA80];
	v1 =	vmin.u32 v60, v1;
	v2 =	vadd.s32 $0x39, v2;
	v60 =	vand.u32 $0x7FFFFFFF, v53  }
0x35: {  	v5 =	vmax.u32 v0, v1;
	v0 =	vmin.u32 v0, v1;
	v14 =	vmin.u32 v61, v2  }
0x36: {  	v2 =	vmax.u32 v61, v2;
	v61 =	vxor.u32 $0xFFFF0000, v53;
	v1 =	vmin.u32 v6, v14  }
0x37: {  	[tilespmem:$0x1FE70] =	vst v53;
	v53 =	vld [tilespmem:s15+$0x1080];
	v15 =	vmax.u32 v6, v14;
	v6 =	vmax.u32 v13, v1;
	v1 =	vmin.u32 v13, v1  }
0x38: {  	vm8 =	vlt.s32 v43, $0x0;
	v18 =	vmax.u32 v3, v1;
	v1 =	vmin.u32 v3, v1  }
0x39: {  	v3 =	vadd.s32 $0x38, v19;
	vm5 =	vlt.s32 v63, $0x0;
	v20 =	vmax.u32 v5, v1  }
0x3a: {  	v1 =	vmin.u32 v5, v1;
	v21 =	vmin.u32 v2, v3;
	v2 =	vmax.u32 v2, v3  }
0x3b: {  	v5 =	vmax.u32 v0, v1;
	v0 =	vmin.u32 v0, v1;
	v22 =	vmax.u32 v15, v21  }
0x3c: {  	v1 =	vmin.u32 v15, v21;
	v21 =	vxor.u32 $0xFFFF0000, v63;
	vm9 =	vlt.s32 v53, $0x0  }
0x3d: {  	v4 =	vmax.u32 v6, v1;
	v1 =	vmin.u32 v6, v1;
	v6 =	vxor.u32 $0x80000000, v23  }
0x3e: {  	v25 =	vmax.u32 v18, v1;
	v1 =	vmin.u32 v18, v1;
	v6 =	vsel vm12, v24, v6  }
0x3f: {  	v23 =	vld [tilespmem:s15+$0xB00];
	v26 =	vmax.u32 v20, v1;
	v1 =	vmin.u32 v20, v1;
	v6 =	vadd.s32 $0x37, v6  }
0x40: {  	v20 =	vand.u32 $0x7FFFFFFF, v63;
	v7 =	vmax.u32 v5, v1;
	v1 =	vmin.u32 v5, v1  }
0x41: {  	v27 =	vmin.u32 v2, v6;
	v2 =	vmax.u32 v2, v6;
	v6 =	vxor.u32 $0x80000000, v32  }
0x42: {  	v28 =	vmax.u32 v0, v1;
	v0 =	vmin.u32 v0, v1;
	v29 =	vmin.u32 v22, v27  }
0x43: {  	v3 =	vmax.u32 v22, v27;
	v6 =	vsel vm13, v11, v6;
	v30 =	vmin.u32 v4, v29  }
0x44: {  	[tilespmem:$0x1FE80] =	vst v63;
	v63 =	vld [tilespmem:s15+$0x1100];
	v1 =	vmax.u32 v4, v29;
	v6 =	vadd.s32 $0x36, v6;
	vm6 =	vlt.s32 v23, $0x0  }
0x45: {  	v31 =	vmin.u32 v25, v30;
	v5 =	vmax.u32 v25, v30;
	v36 =	vmin.u32 v2, v6  }
0x46: {  	v2 =	vmax.u32 v2, v6;
	v30 =	vand.u32 $0x7FFFFFFF, v23;
	v33 =	vmin.u32 v26, v31  }
0x47: {  	v4 =	vmax.u32 v26, v31;
	v37 =	vmin.u32 v3, v36;
	v3 =	vmax.u32 v3, v36  }
0x48: {  	v46 =	vmin.u32 v2, v10;
	v2 =	vmax.u32 v2, v10;
	v10 =	vxor.u32 $0x80000000, v50  }
0x49: {  	v31 =	vxor.u32 $0xFFFF0000, v23;
	v50 =	vand.u32 $0x7FFFFFFF, v43;
	vm10 =	vlt.s32 v63, $0x0  }
0x4a: {  	v34 =	vmin.u32 v7, v33;
	v7 =	vmax.u32 v7, v33;
	v38 =	vmin.u32 v1, v37  }
0x4b: {  	v1 =	vmax.u32 v1, v37;
	v47 =	vmin.u32 v3, v46;
	v3 =	vmax.u32 v3, v46  }
0x4c: {  	v10 =	vsel vm15, v51, v10;
	v51 =	vxor.u32 $0xFFFF0000, v43;
	v35 =	vmin.u32 v28, v34  }
0x4d: {  	[tilespmem:$0x1FE00] =	vst v8;
	v8 =	vmax.u32 v28, v34;
	v39 =	vmin.u32 v5, v38;
	v5 =	vmax.u32 v5, v38  }
0x4e: {  	v48 =	vmin.u32 v1, v47;
	v1 =	vmax.u32 v1, v47;
	v10 =	vadd.s32 $0x34, v10  }
0x4f: {  	v0 =	vmax.u32 v0, v35;
	v42 =	vmin.u32 v4, v39;
	v4 =	vmax.u32 v4, v39  }
0x50: {  	v49 =	vmin.u32 v5, v48;
	v5 =	vmax.u32 v5, v48;
	v56 =	vmin.u32 v2, v10  }
0x51: {  	v2 =	vmax.u32 v2, v10;
	v10 =	vxor.u32 $0x80000000, v60;
	v60 =	vand.u32 $0x7FFFFFFF, v53  }
0x52: {  	[tilespmem:$0x1FE90] =	vst v23;
	v23 =	vld [tilespmem:s15+$0x1180];
	v44 =	vmin.u32 v7, v42;
	v6 =	vmax.u32 v7, v42;
	v52 =	vmin.u32 v4, v49  }
0x53: {  	v4 =	vmax.u32 v4, v49;
	v57 =	vmin.u32 v3, v56;
	v3 =	vmax.u32 v3, v56  }
0x54: {  	v10 =	vsel vm4, v61, v10;
	v61 =	vxor.u32 $0xFFFF0000, v53;
	v45 =	vmin.u32 v8, v44  }
0x55: {  	v33 =	vld [tilespmem:s15+$0xB80];
	v8 =	vmax.u32 v8, v44;
	v54 =	vmin.u32 v6, v52;
	v6 =	vmax.u32 v6, v52  }
0x56: {  	[tilespmem:$0x1FEB0] =	vst v43;
	v43 =	vld [tilespmem:s15+$0x1280];
	v58 =	vmin.u32 v1, v57;
	v1 =	vmax.u32 v1, v57;
	v10 =	vadd.s32 $0x33, v10  }
0x57: {  	vm11 =	vlt.s32 v23, $0x0;
	v0 =	vmax.u32 v0, v45;
	v55 =	vmin.u32 v8, v54  }
0x58: {  	v7 =	vmax.u32 v8, v54;
	v59 =	vmin.u32 v5, v58;
	v5 =	vmax.u32 v5, v58  }
0x59: {  	v16 =	vmin.u32 v2, v10;
	v2 =	vmax.u32 v2, v10;
	v10 =	vxor.u32 $0x80000000, v20  }
0x5a: {  	v40 =	vand.u32 $0x7FFFFFFF, v33;
	vm7 =	vlt.s32 v33, $0x0;
	v41 =	vxor.u32 $0xFFFF0000, v33  }
0x5b: {  	v20 =	vand.u32 $0x7FFFFFFF, v63;
	vm13 =	vlt.s32 v43, $0x0;
	v0 =	vmax.u32 v0, v55  }
0x5c: {  	v62 =	vmin.u32 v4, v59;
	v4 =	vmax.u32 v4, v59;
	v17 =	vmin.u32 v3, v16  }
0x5d: {  	[tilespmem:$0x1FEC0] =	vst v53;
	v53 =	vld [tilespmem:s15+$0x1300];
	v3 =	vmax.u32 v3, v16;
	v10 =	vsel vm5, v21, v10;
	v21 =	vxor.u32 $0xFFFF0000, v63  }
0x5e: {  	v14 =	vmin.u32 v6, v62;
	v6 =	vmax.u32 v6, v62;
	v18 =	vmin.u32 v1, v17  }
0x5f: {  	v1 =	vmax.u32 v1, v17;
	v10 =	vadd.s32 $0x32, v10;
	v15 =	vmin.u32 v7, v14  }
0x60: {  	v7 =	vmax.u32 v7, v14;
	v19 =	vmin.u32 v5, v18;
	v5 =	vmax.u32 v5, v18  }
0x61: {  	[tilespmem:$0x1FEA0] =	vst v33;
	v33 =	vld [tilespmem:s15+$0x1200];
	v26 =	vmin.u32 v2, v10;
	v2 =	vmax.u32 v2, v10;
	v10 =	vxor.u32 $0x80000000, v30  }
0x62: {  	v30 =	vand.u32 $0x7FFFFFFF, v23;
	vm14 =	vlt.s32 v53, $0x0;
	v0 =	vmax.u32 v0, v15  }
0x63: {  	v22 =	vmin.u32 v4, v19;
	v4 =	vmax.u32 v4, v19;
	v27 =	vmin.u32 v3, v26  }
0x64: {  	[tilespmem:$0x1FED0] =	vst v63;
	v63 =	vld [tilespmem:s15+$0x1380];
	v3 =	vmax.u32 v3, v26;
	v10 =	vsel vm6, v31, v10;
	v31 =	vxor.u32 $0xFFFF0000, v23  }
0x65: {  	v24 =	vmin.u32 v6, v22;
	v6 =	vmax.u32 v6, v22;
	v28 =	vmin.u32 v1, v27  }
0x66: {  	v1 =	vmax.u32 v1, v27;
	v10 =	vadd.s32 $0x31, v10;
	vm12 =	vlt.s32 v33, $0x0  }
0x67: {  	v25 =	vmin.u32 v7, v24;
	v7 =	vmax.u32 v7, v24;
	v29 =	vmin.u32 v5, v28  }
0x68: {  	v5 =	vmax.u32 v5, v28;
	v36 =	vmin.u32 v2, v10;
	v2 =	vmax.u32 v2, v10  }
0x69: {  	v10 =	vxor.u32 $0x80000000, v40;
	v40 =	vand.u32 $0x7FFFFFFF, v33;
	vm15 =	vlt.s32 v63, $0x0  }
0x6a: {  	v0 =	vmax.u32 v0, v25;
	v32 =	vmin.u32 v4, v29;
	v4 =	vmax.u32 v4, v29  }
0x6b: {  	v37 =	vmin.u32 v3, v36;
	v3 =	vmax.u32 v3, v36;
	v10 =	vsel vm7, v41, v10  }
0x6c: {  	v41 =	vxor.u32 $0xFFFF0000, v33;
	v34 =	vmin.u32 v6, v32;
	v6 =	vmax.u32 v6, v32  }
0x6d: {  	v38 =	vmin.u32 v1, v37;
	v1 =	vmax.u32 v1, v37;
	v10 =	vadd.s32 $0x30, v10  }
0x6e: {  	v35 =	vmin.u32 v7, v34;
	v7 =	vmax.u32 v7, v34;
	v39 =	vmin.u32 v5, v38  }
0x6f: {  	v5 =	vmax.u32 v5, v38;
	v46 =	vmin.u32 v2, v10;
	v2 =	vmax.u32 v2, v10  }
0x70: {  	v10 =	vxor.u32 $0x80000000, v50;
	v50 =	vand.u32 $0x7FFFFFFF, v43;
	v0 =	vmax.u32 v0, v35  }
0x71: {  	v42 =	vmin.u32 v4, v39;
	v4 =	vmax.u32 v4, v39;
	v47 =	vmin.u32 v3, v46  }
0x72: {  	v3 =	vmax.u32 v3, v46;
	v10 =	vsel vm8, v51, v10;
	v51 =	vxor.u32 $0xFFFF0000, v43  }
0x73: {  	v44 =	vmin.u32 v6, v42;
	v6 =	vmax.u32 v6, v42;
	v48 =	vmin.u32 v1, v47  }
0x74: {  	v1 =	vmax.u32 v1, v47;
	v10 =	vadd.s32 $0x2F, v10;
	v45 =	vmin.u32 v7, v44  }
0x75: {  	v7 =	vmax.u32 v7, v44;
	v49 =	vmin.u32 v5, v48;
	v5 =	vmax.u32 v5, v48  }
0x76: {  	v56 =	vmin.u32 v2, v10;
	v2 =	vmax.u32 v2, v10;
	v10 =	vxor.u32 $0x80000000, v60  }
0x77: {  	v60 =	vand.u32 $0x7FFFFFFF, v53;
	v0 =	vmax.u32 v0, v45;
	v52 =	vmin.u32 v4, v49  }
0x78: {  	v4 =	vmax.u32 v4, v49;
	v57 =	vmin.u32 v3, v56;
	v3 =	vmax.u32 v3, v56  }
0x79: {  	v10 =	vsel vm9, v61, v10;
	v61 =	vxor.u32 $0xFFFF0000, v53;
	v54 =	vmin.u32 v6, v52  }
0x7a: {  	v6 =	vmax.u32 v6, v52;
	v58 =	vmin.u32 v1, v57;
	v1 =	vmax.u32 v1, v57  }
0x7b: {  	v10 =	vadd.s32 $0x2E, v10;
	v55 =	vmin.u32 v7, v54;
	v7 =	vmax.u32 v7, v54  }
0x7c: {  	v59 =	vmin.u32 v5, v58;
	v5 =	vmax.u32 v5, v58;
	v16 =	vmin.u32 v2, v10  }
0x7d: {  	v2 =	vmax.u32 v2, v10;
	v10 =	vxor.u32 $0x80000000, v20;
	v20 =	vxor.u32 $0xFFFF0000, v63  }
0x7e: {  	v0 =	vmax.u32 v0, v55;
	v62 =	vmin.u32 v4, v59;
	v4 =	vmax.u32 v4, v59  }
0x7f: {  	v17 =	vmin.u32 v3, v16;
	v3 =	vmax.u32 v3, v16;
	v10 =	vsel vm10, v21, v10  }
0x80: {  	v14 =	vmin.u32 v6, v62;
	v6 =	vmax.u32 v6, v62;
	v18 =	vmin.u32 v1, v17  }
0x81: {  	v1 =	vmax.u32 v1, v17;
	v10 =	vadd.s32 $0x2D, v10;
	v15 =	vmin.u32 v7, v14  }
0x82: {  	v7 =	vmax.u32 v7, v14;
	v19 =	vmin.u32 v5, v18;
	v5 =	vmax.u32 v5, v18  }
0x83: {  	v26 =	vmin.u32 v2, v10;
	v2 =	vmax.u32 v2, v10;
	v10 =	vxor.u32 $0x80000000, v30  }
0x84: {  	v0 =	vmax.u32 v0, v15;
	v22 =	vmin.u32 v4, v19;
	v4 =	vmax.u32 v4, v19  }
0x85: {  	v27 =	vmin.u32 v3, v26;
	v3 =	vmax.u32 v3, v26;
	v10 =	vsel vm11, v31, v10  }
0x86: {  	v19 =	vand.u32 $0x7FFFFFFF, v63;
	v24 =	vmin.u32 v6, v22;
	v6 =	vmax.u32 v6, v22  }
0x87: {  	v28 =	vmin.u32 v1, v27;
	v1 =	vmax.u32 v1, v27;
	v10 =	vadd.s32 $0x2C, v10  }
0x88: {  	v25 =	vmin.u32 v7, v24;
	v7 =	vmax.u32 v7, v24;
	v29 =	vmin.u32 v5, v28  }
0x89: {  	v5 =	vmax.u32 v5, v28;
	v36 =	vmin.u32 v2, v10;
	v2 =	vmax.u32 v2, v10  }
0x8a: {  	v10 =	vxor.u32 $0x80000000, v40;
	v0 =	vmax.u32 v0, v25;
	v32 =	vmin.u32 v4, v29  }
0x8b: {  	v4 =	vmax.u32 v4, v29;
	v37 =	vmin.u32 v3, v36;
	v3 =	vmax.u32 v3, v36  }
0x8c: {  	v10 =	vsel vm12, v41, v10;
	v34 =	vmin.u32 v6, v32;
	v6 =	vmax.u32 v6, v32  }
0x8d: {  	v22 =	vld [tilespmem:s15+$0x1800];
	v38 =	vmin.u32 v1, v37;
	v1 =	vmax.u32 v1, v37;
	v10 =	vadd.s32 $0x2B, v10  }
0x8e: {  	v35 =	vmin.u32 v7, v34;
	v7 =	vmax.u32 v7, v34;
	v39 =	vmin.u32 v5, v38  }
0x8f: {  	v5 =	vmax.u32 v5, v38;
	v46 =	vmin.u32 v2, v10;
	v2 =	vmax.u32 v2, v10  }
0x90: {  	v10 =	vxor.u32 $0x80000000, v50;
	v0 =	vmax.u32 v0, v35;
	v42 =	vmin.u32 v4, v39  }
0x91: {  	v4 =	vmax.u32 v4, v39;
	v47 =	vmin.u32 v3, v46;
	v3 =	vmax.u32 v3, v46  }
0x92: {  	v10 =	vsel vm13, v51, v10;
	v29 =	vand.u32 $0x7FFFFFFF, v22;
	vm4 =	vlt.s32 v22, $0x0  }
0x93: {  	v30 =	vxor.u32 $0xFFFF0000, v22;
	v44 =	vmin.u32 v6, v42;
	v6 =	vmax.u32 v6, v42  }
0x94: {  	v32 =	vld [tilespmem:s15+$0x1880];
	v48 =	vmin.u32 v1, v47;
	v1 =	vmax.u32 v1, v47;
	v10 =	vadd.s32 $0x2A, v10  }
0x95: {  	v45 =	vmin.u32 v7, v44;
	v7 =	vmax.u32 v7, v44;
	v49 =	vmin.u32 v5, v48  }
0x96: {  	v5 =	vmax.u32 v5, v48;
	v56 =	vmin.u32 v2, v10;
	v2 =	vmax.u32 v2, v10  }
0x97: {  	v10 =	vxor.u32 $0x80000000, v60;
	v0 =	vmax.u32 v0, v45;
	v52 =	vmin.u32 v4, v49  }
0x98: {  	v4 =	vmax.u32 v4, v49;
	v57 =	vmin.u32 v3, v56;
	v3 =	vmax.u32 v3, v56  }
0x99: {  	v10 =	vsel vm14, v61, v10;
	v39 =	vand.u32 $0x7FFFFFFF, v32;
	vm5 =	vlt.s32 v32, $0x0  }
0x9a: {  	v40 =	vxor.u32 $0xFFFF0000, v32;
	v54 =	vmin.u32 v6, v52;
	v6 =	vmax.u32 v6, v52  }
0x9b: {  	v42 =	vld [tilespmem:s15+$0x1900];
	v58 =	vmin.u32 v1, v57;
	v1 =	vmax.u32 v1, v57;
	v10 =	vadd.s32 $0x29, v10  }
0x9c: {  	v55 =	vmin.u32 v7, v54;
	v7 =	vmax.u32 v7, v54;
	v59 =	vmin.u32 v5, v58  }
0x9d: {  	v5 =	vmax.u32 v5, v58;
	v15 =	vmin.u32 v2, v10;
	v2 =	vmax.u32 v2, v10  }
0x9e: {  	v10 =	vxor.u32 $0x80000000, v19;
	v0 =	vmax.u32 v0, v55;
	v62 =	vmin.u32 v4, v59  }
0x9f: {  	v4 =	vmax.u32 v4, v59;
	v16 =	vmin.u32 v3, v15;
	v3 =	vmax.u32 v3, v15  }
0xa0: {  	v10 =	vsel vm15, v20, v10;
	v49 =	vand.u32 $0x7FFFFFFF, v42;
	vm6 =	vlt.s32 v42, $0x0  }
0xa1: {  	v50 =	vxor.u32 $0xFFFF0000, v42;
	v13 =	vmin.u32 v6, v62;
	v6 =	vmax.u32 v6, v62  }
0xa2: {  	v52 =	vld [tilespmem:s15+$0x1980];
	v17 =	vmin.u32 v1, v16;
	v1 =	vmax.u32 v1, v16;
	v10 =	vadd.s32 $0x28, v10  }
0xa3: {  	v14 =	vmin.u32 v7, v13;
	v7 =	vmax.u32 v7, v13;
	v18 =	vmin.u32 v5, v17  }
0xa4: {  	v5 =	vmax.u32 v5, v17;
	v25 =	vmin.u32 v2, v10;
	v2 =	vmax.u32 v2, v10  }
0xa5: {  	v10 =	vxor.u32 $0x80000000, v29;
	v0 =	vmax.u32 v0, v14;
	v21 =	vmin.u32 v4, v18  }
0xa6: {  	v4 =	vmax.u32 v4, v18;
	v26 =	vmin.u32 v3, v25;
	v3 =	vmax.u32 v3, v25  }
0xa7: {  	v10 =	vsel vm4, v30, v10;
	v59 =	vand.u32 $0x7FFFFFFF, v52;
	vm7 =	vlt.s32 v52, $0x0  }
0xa8: {  	[tilespmem:$0x1FEE0] =	vst v23;
	v60 =	vxor.u32 $0xFFFF0000, v52;
	v23 =	vmin.u32 v6, v21;
	v6 =	vmax.u32 v6, v21  }
0xa9: {  	v62 =	vld [tilespmem:s15+$0x1A00];
	v27 =	vmin.u32 v1, v26;
	v1 =	vmax.u32 v1, v26;
	v10 =	vadd.s32 $0x27, v10  }
0xaa: {  	v24 =	vmin.u32 v7, v23;
	v7 =	vmax.u32 v7, v23;
	v28 =	vmin.u32 v5, v27  }
0xab: {  	v5 =	vmax.u32 v5, v27;
	v35 =	vmin.u32 v2, v10;
	v2 =	vmax.u32 v2, v10  }
0xac: {  	v10 =	vxor.u32 $0x80000000, v39;
	v0 =	vmax.u32 v0, v24;
	v31 =	vmin.u32 v4, v28  }
0xad: {  	v4 =	vmax.u32 v4, v28;
	v36 =	vmin.u32 v3, v35;
	v3 =	vmax.u32 v3, v35  }
0xae: {  	v10 =	vsel vm5, v40, v10;
	v18 =	vand.u32 $0x7FFFFFFF, v62;
	vm8 =	vlt.s32 v62, $0x0  }
0xaf: {  	[tilespmem:$0x1FEF0] =	vst v33;
	v19 =	vxor.u32 $0xFFFF0000, v62;
	v33 =	vmin.u32 v6, v31;
	v6 =	vmax.u32 v6, v31  }
0xb0: {  	v21 =	vld [tilespmem:s15+$0x1A80];
	v37 =	vmin.u32 v1, v36;
	v1 =	vmax.u32 v1, v36;
	v10 =	vadd.s32 $0x26, v10  }
0xb1: {  	v34 =	vmin.u32 v7, v33;
	v7 =	vmax.u32 v7, v33;
	v38 =	vmin.u32 v5, v37  }
0xb2: {  	v5 =	vmax.u32 v5, v37;
	v45 =	vmin.u32 v2, v10;
	v2 =	vmax.u32 v2, v10  }
0xb3: {  	v10 =	vxor.u32 $0x80000000, v49;
	v0 =	vmax.u32 v0, v34;
	v41 =	vmin.u32 v4, v38  }
0xb4: {  	v4 =	vmax.u32 v4, v38;
	v46 =	vmin.u32 v3, v45;
	v3 =	vmax.u32 v3, v45  }
0xb5: {  	v10 =	vsel vm6, v50, v10;
	v28 =	vand.u32 $0x7FFFFFFF, v21;
	vm9 =	vlt.s32 v21, $0x0  }
0xb6: {  	[tilespmem:$0x1FF00] =	vst v43;
	v29 =	vxor.u32 $0xFFFF0000, v21;
	v43 =	vmin.u32 v6, v41;
	v6 =	vmax.u32 v6, v41  }
0xb7: {  	v31 =	vld [tilespmem:s15+$0x1B00];
	v47 =	vmin.u32 v1, v46;
	v1 =	vmax.u32 v1, v46;
	v10 =	vadd.s32 $0x25, v10  }
0xb8: {  	v44 =	vmin.u32 v7, v43;
	v7 =	vmax.u32 v7, v43;
	v48 =	vmin.u32 v5, v47  }
0xb9: {  	v5 =	vmax.u32 v5, v47;
	v55 =	vmin.u32 v2, v10;
	v2 =	vmax.u32 v2, v10  }
0xba: {  	v10 =	vxor.u32 $0x80000000, v59;
	v0 =	vmax.u32 v0, v44;
	v51 =	vmin.u32 v4, v48  }
0xbb: {  	v4 =	vmax.u32 v4, v48;
	v56 =	vmin.u32 v3, v55;
	v3 =	vmax.u32 v3, v55  }
0xbc: {  	v10 =	vsel vm7, v60, v10;
	v38 =	vand.u32 $0x7FFFFFFF, v31;
	vm10 =	vlt.s32 v31, $0x0  }
0xbd: {  	[tilespmem:$0x1FF10] =	vst v53;
	v39 =	vxor.u32 $0xFFFF0000, v31;
	v53 =	vmin.u32 v6, v51;
	v6 =	vmax.u32 v6, v51  }
0xbe: {  	v41 =	vld [tilespmem:s15+$0x1B80];
	v57 =	vmin.u32 v1, v56;
	v1 =	vmax.u32 v1, v56;
	v10 =	vadd.s32 $0x24, v10  }
0xbf: {  	v54 =	vmin.u32 v7, v53;
	v7 =	vmax.u32 v7, v53;
	v58 =	vmin.u32 v5, v57  }
0xc0: {  	v5 =	vmax.u32 v5, v57;
	v14 =	vmin.u32 v2, v10;
	v2 =	vmax.u32 v2, v10  }
0xc1: {  	v10 =	vxor.u32 $0x80000000, v18;
	v0 =	vmax.u32 v0, v54;
	v61 =	vmin.u32 v4, v58  }
0xc2: {  	v4 =	vmax.u32 v4, v58;
	v15 =	vmin.u32 v3, v14;
	v3 =	vmax.u32 v3, v14  }
0xc3: {  	v10 =	vsel vm8, v19, v10;
	v48 =	vand.u32 $0x7FFFFFFF, v41;
	vm11 =	vlt.s32 v41, $0x0  }
0xc4: {  	[tilespmem:$0x1FF20] =	vst v63;
	v49 =	vxor.u32 $0xFFFF0000, v41;
	v63 =	vmin.u32 v6, v61;
	v6 =	vmax.u32 v6, v61  }
0xc5: {  	v51 =	vld [tilespmem:s15+$0x2000];
	v16 =	vmin.u32 v1, v15;
	v1 =	vmax.u32 v1, v15;
	v10 =	vadd.s32 $0x23, v10  }
0xc6: {  	v13 =	vmin.u32 v7, v63;
	v7 =	vmax.u32 v7, v63;
	v17 =	vmin.u32 v5, v16  }
0xc7: {  	v5 =	vmax.u32 v5, v16;
	v24 =	vmin.u32 v2, v10;
	v2 =	vmax.u32 v2, v10  }
0xc8: {  	v10 =	vxor.u32 $0x80000000, v28;
	v0 =	vmax.u32 v0, v13;
	v20 =	vmin.u32 v4, v17  }
0xc9: {  	v4 =	vmax.u32 v4, v17;
	v25 =	vmin.u32 v3, v24;
	v3 =	vmax.u32 v3, v24  }
0xca: {  	v10 =	vsel vm9, v29, v10;
	v58 =	vand.u32 $0x7FFFFFFF, v51;
	vm12 =	vlt.s32 v51, $0x0  }
0xcb: {  	[tilespmem:$0x1FF30] =	vst v22;
	v59 =	vxor.u32 $0xFFFF0000, v51;
	v22 =	vmin.u32 v6, v20;
	v6 =	vmax.u32 v6, v20  }
0xcc: {  	v61 =	vld [tilespmem:s15+$0x2080];
	v26 =	vmin.u32 v1, v25;
	v1 =	vmax.u32 v1, v25;
	v10 =	vadd.s32 $0x22, v10  }
0xcd: {  	v23 =	vmin.u32 v7, v22;
	v7 =	vmax.u32 v7, v22;
	v27 =	vmin.u32 v5, v26  }
0xce: {  	v5 =	vmax.u32 v5, v26;
	v34 =	vmin.u32 v2, v10;
	v2 =	vmax.u32 v2, v10  }
0xcf: {  	v10 =	vxor.u32 $0x80000000, v38;
	v0 =	vmax.u32 v0, v23;
	v30 =	vmin.u32 v4, v27  }
0xd0: {  	v4 =	vmax.u32 v4, v27;
	v35 =	vmin.u32 v3, v34;
	v3 =	vmax.u32 v3, v34  }
0xd1: {  	v10 =	vsel vm10, v39, v10;
	v17 =	vand.u32 $0x7FFFFFFF, v61;
	vm13 =	vlt.s32 v61, $0x0  }
0xd2: {  	[tilespmem:$0x1FF40] =	vst v32;
	v18 =	vxor.u32 $0xFFFF0000, v61;
	v32 =	vmin.u32 v6, v30;
	v6 =	vmax.u32 v6, v30  }
0xd3: {  	v20 =	vld [tilespmem:s15+$0x2100];
	v36 =	vmin.u32 v1, v35;
	v1 =	vmax.u32 v1, v35;
	v10 =	vadd.s32 $0x21, v10  }
0xd4: {  	v33 =	vmin.u32 v7, v32;
	v7 =	vmax.u32 v7, v32;
	v37 =	vmin.u32 v5, v36  }
0xd5: {  	v5 =	vmax.u32 v5, v36;
	v44 =	vmin.u32 v2, v10;
	v2 =	vmax.u32 v2, v10  }
0xd6: {  	v38 =	vld [tilespmem:s15+$0x2280];
	v10 =	vxor.u32 $0x80000000, v48;
	v0 =	vmax.u32 v0, v33;
	v40 =	vmin.u32 v4, v37  }
0xd7: {  	v4 =	vmax.u32 v4, v37;
	v45 =	vmin.u32 v3, v44;
	v3 =	vmax.u32 v3, v44  }
0xd8: {  	v10 =	vsel vm11, v49, v10;
	v27 =	vand.u32 $0x7FFFFFFF, v20;
	vm14 =	vlt.s32 v20, $0x0  }
0xd9: {  	[tilespmem:$0x1FF50] =	vst v42;
	v28 =	vxor.u32 $0xFFFF0000, v20;
	v42 =	vmin.u32 v6, v40;
	v6 =	vmax.u32 v6, v40  }
0xda: {  	v46 =	vmin.u32 v1, v45;
	v1 =	vmax.u32 v1, v45;
	v10 =	vadd.s32 $0x20, v10  }
0xdb: {  	vm5 =	vlt.s32 v38, $0x0;
	v43 =	vmin.u32 v7, v42;
	v7 =	vmax.u32 v7, v42  }
0xdc: {  	v36 =	vld [tilespmem:s15+$0x2180];
	v47 =	vmin.u32 v5, v46;
	v5 =	vmax.u32 v5, v46;
	v54 =	vmin.u32 v2, v10  }
0xdd: {  	v2 =	vmax.u32 v2, v10;
	v10 =	vxor.u32 $0x80000000, v58;
	v58 =	vxor.u32 $0xFFFF0000, v38  }
0xde: {  	v0 =	vmax.u32 v0, v43;
	v50 =	vmin.u32 v4, v47;
	v4 =	vmax.u32 v4, v47  }
0xdf: {  	v55 =	vmin.u32 v3, v54;
	v3 =	vmax.u32 v3, v54;
	v10 =	vsel vm12, v59, v10  }
0xe0: {  	[tilespmem:$0x1FF60] =	vst v52;
	v37 =	vld [tilespmem:s15+$0x2200];
	v52 =	vmin.u32 v6, v50;
	v6 =	vmax.u32 v6, v50;
	v56 =	vmin.u32 v1, v55  }
0xe1: {  	v1 =	vmax.u32 v1, v55;
	v10 =	vadd.s32 $0x1F, v10;
	v39 =	vand.u32 $0x7FFFFFFF, v36  }
0xe2: {  	vm15 =	vlt.s32 v36, $0x0;
	v40 =	vxor.u32 $0xFFFF0000, v36;
	v53 =	vmin.u32 v7, v52  }
0xe3: {  	v7 =	vmax.u32 v7, v52;
	v57 =	vmin.u32 v5, v56;
	v5 =	vmax.u32 v5, v56  }
0xe4: {  	v13 =	vmin.u32 v2, v10;
	v2 =	vmax.u32 v2, v10;
	v10 =	vxor.u32 $0x80000000, v17  }
0xe5: {  	v48 =	vand.u32 $0x7FFFFFFF, v37;
	vm4 =	vlt.s32 v37, $0x0;
	v49 =	vxor.u32 $0xFFFF0000, v37  }
0xe6: {  	v0 =	vmax.u32 v0, v53;
	v60 =	vmin.u32 v4, v57;
	v4 =	vmax.u32 v4, v57  }
0xe7: {  	v14 =	vmin.u32 v3, v13;
	v3 =	vmax.u32 v3, v13;
	v10 =	vsel vm13, v18, v10  }
0xe8: {  	[tilespmem:$0x1FF70] =	vst v62;
	v57 =	vand.u32 $0x7FFFFFFF, v38;
	v62 =	vmin.u32 v6, v60;
	v6 =	vmax.u32 v6, v60  }
0xe9: {  	v15 =	vmin.u32 v1, v14;
	v1 =	vmax.u32 v1, v14;
	v10 =	vadd.s32 $0x1E, v10  }
0xea: {  	v63 =	vmin.u32 v7, v62;
	v7 =	vmax.u32 v7, v62;
	v16 =	vmin.u32 v5, v15  }
0xeb: {  	v5 =	vmax.u32 v5, v15;
	v23 =	vmin.u32 v2, v10;
	v2 =	vmax.u32 v2, v10  }
0xec: {  	v10 =	vxor.u32 $0x80000000, v27;
	v0 =	vmax.u32 v0, v63;
	v19 =	vmin.u32 v4, v16  }
0xed: {  	v4 =	vmax.u32 v4, v16;
	v24 =	vmin.u32 v3, v23;
	v3 =	vmax.u32 v3, v23  }
0xee: {  	[tilespmem:$0x1FF80] =	vst v21;
	v10 =	vsel vm14, v28, v10;
	v21 =	vmin.u32 v6, v19;
	v6 =	vmax.u32 v6, v19  }
0xef: {  	v25 =	vmin.u32 v1, v24;
	v1 =	vmax.u32 v1, v24;
	v10 =	vadd.s32 $0x1D, v10  }
0xf0: {  	v22 =	vmin.u32 v7, v21;
	v7 =	vmax.u32 v7, v21;
	v26 =	vmin.u32 v5, v25  }
0xf1: {  	v5 =	vmax.u32 v5, v25;
	v32 =	vmin.u32 v2, v10;
	v2 =	vmax.u32 v2, v10  }
0xf2: {  	v10 =	vxor.u32 $0x80000000, v39;
	v0 =	vmax.u32 v0, v22;
	v29 =	vmin.u32 v4, v26  }
0xf3: {  	v4 =	vmax.u32 v4, v26;
	v33 =	vmin.u32 v3, v32;
	v3 =	vmax.u32 v3, v32  }
0xf4: {  	v10 =	vsel vm15, v40, v10;
	v30 =	vmin.u32 v6, v29;
	v6 =	vmax.u32 v6, v29  }
0xf5: {  	v34 =	vmin.u32 v1, v33;
	v1 =	vmax.u32 v1, v33;
	v10 =	vadd.s32 $0x1C, v10  }
0xf6: {  	[tilespmem:$0x1FF90] =	vst v31;
	v31 =	vmin.u32 v7, v30;
	v7 =	vmax.u32 v7, v30;
	v35 =	vmin.u32 v5, v34  }
0xf7: {  	v39 =	vld [tilespmem:s15+$0x2300];
	v5 =	vmax.u32 v5, v34;
	v44 =	vmin.u32 v2, v10;
	v2 =	vmax.u32 v2, v10  }
0xf8: {  	[tilespmem:$0x1FFA0] =	vst v41;
	v10 =	vxor.u32 $0x80000000, v48;
	v0 =	vmax.u32 v0, v31;
	v41 =	vmin.u32 v4, v35  }
0xf9: {  	v4 =	vmax.u32 v4, v35;
	v45 =	vmin.u32 v3, v44;
	v3 =	vmax.u32 v3, v44  }
0xfa: {  	v40 =	vld [tilespmem:s15+$0x2380];
	v10 =	vsel vm4, v49, v10;
	v42 =	vmin.u32 v6, v41;
	v6 =	vmax.u32 v6, v41  }
0xfb: {  	v46 =	vmin.u32 v1, v45;
	v1 =	vmax.u32 v1, v45;
	v10 =	vadd.s32 $0x1B, v10  }
0xfc: {  	v14 =	vand.u32 $0x7FFFFFFF, v39;
	vm6 =	vlt.s32 v39, $0x0;
	v15 =	vxor.u32 $0xFFFF0000, v39  }
0xfd: {  	v43 =	vmin.u32 v7, v42;
	v7 =	vmax.u32 v7, v42;
	v47 =	vmin.u32 v5, v46  }
0xfe: {  	v5 =	vmax.u32 v5, v46;
	v53 =	vmin.u32 v2, v10;
	v2 =	vmax.u32 v2, v10  }
0xff: {  	v10 =	vxor.u32 $0x80000000, v57;
	v23 =	vand.u32 $0x7FFFFFFF, v40;
	vm7 =	vlt.s32 v40, $0x0  }
0x100: {  	v24 =	vxor.u32 $0xFFFF0000, v40;
	v0 =	vmax.u32 v0, v43;
	v50 =	vmin.u32 v4, v47  }
0x101: {  	v4 =	vmax.u32 v4, v47;
	v54 =	vmin.u32 v3, v53;
	v3 =	vmax.u32 v3, v53  }
0x102: {  	[tilespmem:$0x1FFB0] =	vst v51;
	v10 =	vsel vm5, v58, v10;
	v51 =	vmin.u32 v6, v50;
	v6 =	vmax.u32 v6, v50  }
0x103: {  	v41 =	vld [tilespmem:s15+$0x2800];
	v55 =	vmin.u32 v1, v54;
	v1 =	vmax.u32 v1, v54;
	v10 =	vadd.s32 $0x1A, v10  }
0x104: {  	v52 =	vmin.u32 v7, v51;
	v7 =	vmax.u32 v7, v51;
	v56 =	vmin.u32 v5, v55  }
0x105: {  	v5 =	vmax.u32 v5, v55;
	v62 =	vmin.u32 v2, v10;
	v2 =	vmax.u32 v2, v10  }
0x106: {  	v42 =	vld [tilespmem:s15+$0x2880];
	v10 =	vxor.u32 $0x80000000, v14;
	v0 =	vmax.u32 v0, v52;
	v59 =	vmin.u32 v4, v56  }
0x107: {  	v4 =	vmax.u32 v4, v56;
	v63 =	vmin.u32 v3, v62;
	v3 =	vmax.u32 v3, v62  }
0x108: {  	v10 =	vsel vm6, v15, v10;
	v32 =	vand.u32 $0x7FFFFFFF, v41;
	vm8 =	vlt.s32 v41, $0x0  }
0x109: {  	v33 =	vxor.u32 $0xFFFF0000, v41;
	v60 =	vmin.u32 v6, v59;
	v6 =	vmax.u32 v6, v59  }
0x10a: {  	[tilespmem:$0x1FE50] =	vst v12;
	v12 =	vmin.u32 v1, v63;
	v1 =	vmax.u32 v1, v63;
	v10 =	vadd.s32 $0x19, v10  }
0x10b: {  	v48 =	vand.u32 $0x7FFFFFFF, v42;
	vm9 =	vlt.s32 v42, $0x0;
	v49 =	vxor.u32 $0xFFFF0000, v42  }
0x10c: {  	[tilespmem:$0x1FFC0] =	vst v61;
	v61 =	vmin.u32 v7, v60;
	v7 =	vmax.u32 v7, v60;
	v13 =	vmin.u32 v5, v12  }
0x10d: {  	v5 =	vmax.u32 v5, v12;
	v19 =	vmin.u32 v2, v10;
	v2 =	vmax.u32 v2, v10  }
0x10e: {  	v10 =	vxor.u32 $0x80000000, v23;
	v0 =	vmax.u32 v0, v61;
	v16 =	vmin.u32 v4, v13  }
0x10f: {  	[tilespmem:$0x1FFD0] =	vst v20;
	v4 =	vmax.u32 v4, v13;
	v20 =	vmin.u32 v3, v19;
	v3 =	vmax.u32 v3, v19  }
0x110: {  	v10 =	vsel vm7, v24, v10;
	v17 =	vmin.u32 v6, v16;
	v6 =	vmax.u32 v6, v16  }
0x111: {  	v21 =	vmin.u32 v1, v20;
	v1 =	vmax.u32 v1, v20;
	v10 =	vadd.s32 $0x18, v10  }
0x112: {  	v18 =	vmin.u32 v7, v17;
	v7 =	vmax.u32 v7, v17;
	v22 =	vmin.u32 v5, v21  }
0x113: {  	v5 =	vmax.u32 v5, v21;
	v28 =	vmin.u32 v2, v10;
	v2 =	vmax.u32 v2, v10  }
0x114: {  	v10 =	vxor.u32 $0x80000000, v32;
	v0 =	vmax.u32 v0, v18;
	v25 =	vmin.u32 v4, v22  }
0x115: {  	v4 =	vmax.u32 v4, v22;
	v29 =	vmin.u32 v3, v28;
	v3 =	vmax.u32 v3, v28  }
0x116: {  	v10 =	vsel vm8, v33, v10;
	v26 =	vmin.u32 v6, v25;
	v6 =	vmax.u32 v6, v25  }
0x117: {  	v30 =	vmin.u32 v1, v29;
	v1 =	vmax.u32 v1, v29;
	v10 =	vadd.s32 $0x17, v10  }
0x118: {  	v27 =	vmin.u32 v7, v26;
	v7 =	vmax.u32 v7, v26;
	v31 =	vmin.u32 v5, v30  }
0x119: {  	v5 =	vmax.u32 v5, v30;
	v44 =	vmin.u32 v2, v10;
	v2 =	vmax.u32 v2, v10  }
0x11a: {  	v10 =	vxor.u32 $0x80000000, v48;
	v0 =	vmax.u32 v0, v27;
	v34 =	vmin.u32 v4, v31  }
0x11b: {  	v4 =	vmax.u32 v4, v31;
	v45 =	vmin.u32 v3, v44;
	v3 =	vmax.u32 v3, v44  }
0x11c: {  	v10 =	vsel vm9, v49, v10;
	v35 =	vmin.u32 v6, v34;
	v6 =	vmax.u32 v6, v34  }
0x11d: {  	v46 =	vmin.u32 v1, v45;
	v1 =	vmax.u32 v1, v45;
	v10 =	vadd.s32 $0x16, v10  }
0x11e: {  	v43 =	vmin.u32 v7, v35;
	v7 =	vmax.u32 v7, v35;
	v47 =	vmin.u32 v5, v46  }
0x11f: {  	v44 =	vld [tilespmem:s15+$0x2980];
	v5 =	vmax.u32 v5, v46;
	v53 =	vmin.u32 v2, v10;
	v2 =	vmax.u32 v2, v10  }
0x120: {  	v0 =	vmax.u32 v0, v43;
	v50 =	vmin.u32 v4, v47;
	v4 =	vmax.u32 v4, v47  }
0x121: {  	v45 =	vld [tilespmem:s15+$0x2A00];
	v54 =	vmin.u32 v3, v53;
	v3 =	vmax.u32 v3, v53;
	v51 =	vmin.u32 v6, v50  }
0x122: {  	v6 =	vmax.u32 v6, v50;
	v55 =	vmin.u32 v1, v54;
	v1 =	vmax.u32 v1, v54  }
0x123: {  	v46 =	vld [tilespmem:s15+$0x2A80];
	v52 =	vmin.u32 v7, v51;
	v7 =	vmax.u32 v7, v51;
	v56 =	vmin.u32 v5, v55  }
0x124: {  	v43 =	vld [tilespmem:s15+$0x2900];
	v5 =	vmax.u32 v5, v55;
	v14 =	vand.u32 $0x7FFFFFFF, v44;
	vm11 =	vlt.s32 v44, $0x0  }
0x125: {  	v15 =	vxor.u32 $0xFFFF0000, v44;
	v0 =	vmax.u32 v0, v52;
	v59 =	vmin.u32 v4, v56  }
0x126: {  	v47 =	vld [tilespmem:s15+$0x2B00];
	v4 =	vmax.u32 v4, v56;
	v23 =	vand.u32 $0x7FFFFFFF, v45;
	vm12 =	vlt.s32 v45, $0x0  }
0x127: {  	v24 =	vxor.u32 $0xFFFF0000, v45;
	v60 =	vmin.u32 v6, v59;
	v6 =	vmax.u32 v6, v59  }
0x128: {  	v32 =	vand.u32 $0x7FFFFFFF, v46;
	vm13 =	vlt.s32 v46, $0x0;
	v33 =	vxor.u32 $0xFFFF0000, v46  }
0x129: {  	v57 =	vand.u32 $0x7FFFFFFF, v43;
	vm10 =	vlt.s32 v43, $0x0;
	v58 =	vxor.u32 $0xFFFF0000, v43  }
0x12a: {  	v61 =	vmin.u32 v7, v60;
	v7 =	vmax.u32 v7, v60;
	v10 =	vxor.u32 $0x80000000, v57  }
0x12b: {  	v53 =	vand.u32 $0x7FFFFFFF, v47;
	vm14 =	vlt.s32 v47, $0x0;
	v10 =	vsel vm10, v58, v10  }
0x12c: {  	v54 =	vxor.u32 $0xFFFF0000, v47;
	v0 =	vmax.u32 v0, v61;
	v10 =	vadd.s32 $0x15, v10  }
0x12d: {  	v62 =	vmin.u32 v2, v10;
	v2 =	vmax.u32 v2, v10;
	v10 =	vxor.u32 $0x80000000, v14  }
0x12e: {  	v63 =	vmin.u32 v3, v62;
	v3 =	vmax.u32 v3, v62;
	v10 =	vsel vm11, v15, v10  }
0x12f: {  	v12 =	vmin.u32 v1, v63;
	v1 =	vmax.u32 v1, v63;
	v10 =	vadd.s32 $0x14, v10  }
0x130: {  	v13 =	vmin.u32 v5, v12;
	v5 =	vmax.u32 v5, v12;
	v19 =	vmin.u32 v2, v10  }
0x131: {  	v2 =	vmax.u32 v2, v10;
	v10 =	vxor.u32 $0x80000000, v23;
	v16 =	vmin.u32 v4, v13  }
0x132: {  	v4 =	vmax.u32 v4, v13;
	v20 =	vmin.u32 v3, v19;
	v3 =	vmax.u32 v3, v19  }
0x133: {  	v10 =	vsel vm12, v24, v10;
	v17 =	vmin.u32 v6, v16;
	v6 =	vmax.u32 v6, v16  }
0x134: {  	v21 =	vmin.u32 v1, v20;
	v1 =	vmax.u32 v1, v20;
	v10 =	vadd.s32 $0x13, v10  }
0x135: {  	v18 =	vmin.u32 v7, v17;
	v7 =	vmax.u32 v7, v17;
	v22 =	vmin.u32 v5, v21  }
0x136: {  	v5 =	vmax.u32 v5, v21;
	v28 =	vmin.u32 v2, v10;
	v2 =	vmax.u32 v2, v10  }
0x137: {  	v10 =	vxor.u32 $0x80000000, v32;
	v0 =	vmax.u32 v0, v18;
	v25 =	vmin.u32 v4, v22  }
0x138: {  	v4 =	vmax.u32 v4, v22;
	v29 =	vmin.u32 v3, v28;
	v3 =	vmax.u32 v3, v28  }
0x139: {  	v10 =	vsel vm13, v33, v10;
	v26 =	vmin.u32 v6, v25;
	v6 =	vmax.u32 v6, v25  }
0x13a: {  	v30 =	vmin.u32 v1, v29;
	v1 =	vmax.u32 v1, v29;
	v10 =	vadd.s32 $0x12, v10  }
0x13b: {  	v27 =	vmin.u32 v7, v26;
	v7 =	vmax.u32 v7, v26;
	v31 =	vmin.u32 v5, v30  }
0x13c: {  	v32 =	vld [tilespmem:s15+$0x3100];
	v5 =	vmax.u32 v5, v30;
	v49 =	vmin.u32 v2, v10;
	v2 =	vmax.u32 v2, v10  }
0x13d: {  	v10 =	vxor.u32 $0x80000000, v53;
	v0 =	vmax.u32 v0, v27;
	v34 =	vmin.u32 v4, v31  }
0x13e: {  	v4 =	vmax.u32 v4, v31;
	v50 =	vmin.u32 v3, v49;
	v3 =	vmax.u32 v3, v49  }
0x13f: {  	v10 =	vsel vm14, v54, v10;
	v35 =	vmin.u32 v6, v34;
	v6 =	vmax.u32 v6, v34  }
0x140: {  	v51 =	vmin.u32 v1, v50;
	v1 =	vmax.u32 v1, v50;
	v10 =	vadd.s32 $0x11, v10  }
0x141: {  	vm6 =	vlt.s32 v32, $0x0;
	v30 =	vxor.u32 $0xFFFF0000, v32;
	v48 =	vmin.u32 v7, v35  }
0x142: {  	v7 =	vmax.u32 v7, v35;
	v52 =	vmin.u32 v5, v51;
	v5 =	vmax.u32 v5, v51  }
0x143: {  	v58 =	vmin.u32 v2, v10;
	v2 =	vmax.u32 v2, v10;
	v0 =	vmax.u32 v0, v48  }
0x144: {  	v51 =	vld [tilespmem:s15+$0x3000];
	v55 =	vmin.u32 v4, v52;
	v4 =	vmax.u32 v4, v52;
	v59 =	vmin.u32 v3, v58  }
0x145: {  	v48 =	vld [tilespmem:s15+$0x2B80];
	v3 =	vmax.u32 v3, v58;
	v56 =	vmin.u32 v6, v55;
	v6 =	vmax.u32 v6, v55  }
0x146: {  	v60 =	vmin.u32 v1, v59;
	v1 =	vmax.u32 v1, v59;
	v57 =	vmin.u32 v7, v56  }
0x147: {  	v52 =	vld [tilespmem:s15+$0x3080];
	v7 =	vmax.u32 v7, v56;
	v61 =	vmin.u32 v5, v60;
	v5 =	vmax.u32 v5, v60  }
0x148: {  	v58 =	vld [tilespmem:s15+$0x3180];
	v0 =	vmax.u32 v0, v57;
	v12 =	vmin.u32 v4, v61;
	v4 =	vmax.u32 v4, v61  }
0x149: {  	v13 =	vmin.u32 v6, v12;
	v6 =	vmax.u32 v6, v12;
	v19 =	vand.u32 $0x7FFFFFFF, v51  }
0x14a: {  	v59 =	vld [tilespmem:s15+$0x3200];
	vm4 =	vlt.s32 v51, $0x0;
	v20 =	vxor.u32 $0xFFFF0000, v51;
	v62 =	vand.u32 $0x7FFFFFFF, v48  }
0x14b: {  	v60 =	vld [tilespmem:s15+$0x3280];
	vm15 =	vlt.s32 v48, $0x0;
	v63 =	vxor.u32 $0xFFFF0000, v48;
	v14 =	vmin.u32 v7, v13  }
0x14c: {  	v61 =	vld [tilespmem:s15+$0x3300];
	v7 =	vmax.u32 v7, v13;
	v23 =	vand.u32 $0x7FFFFFFF, v52;
	vm5 =	vlt.s32 v52, $0x0  }
0x14d: {  	v24 =	vxor.u32 $0xFFFF0000, v52;
	vm7 =	vlt.s32 v58, $0x0;
	v10 =	vxor.u32 $0x80000000, v62  }
0x14e: {  	v33 =	vand.u32 $0x7FFFFFFF, v58;
	v34 =	vxor.u32 $0xFFFF0000, v58;
	v62 =	vld [tilespmem:s15+$0x3380];
	v10 =	vsel vm15, v63, v10  }
0x14f: {  	v0 =	vmax.u32 v0, v14;
	vm8 =	vlt.s32 v59, $0x0;
	v10 =	vadd.s32 $0x10, v10  }
0x150: {  	v14 =	vxor.u32 $0xFFFF0000, v59;
	vm9 =	vlt.s32 v60, $0x0;
	v63 =	vld [tilespmem:s15+$0x3800];
	v15 =	vmin.u32 v2, v10  }
0x151: {  	vm10 =	vlt.s32 v61, $0x0;
	v2 =	vmax.u32 v2, v10;
	v16 =	vmin.u32 v3, v15  }
0x152: {  	v3 =	vmax.u32 v3, v15;
	v15 =	vand.u32 $0x7FFFFFFF, v60;
	v17 =	vmin.u32 v1, v16  }
0x153: {  	v56 =	vld [tilespmem:s15+$0x3A00];
	v1 =	vmax.u32 v1, v16;
	v16 =	vxor.u32 $0xFFFF0000, v60;
	vm11 =	vlt.s32 v62, $0x0  }
0x154: {  	v18 =	vmax.u32 v5, v17;
	v5 =	vmin.u32 v5, v17;
	v17 =	vand.u32 $0x7FFFFFFF, v61  }
0x155: {  	[tilespmem:$0x1FE10] =	vst v9;
	vm12 =	vlt.s32 v63, $0x0;
	v9 =	vmax.u32 v4, v5;
	v4 =	vmin.u32 v4, v5  }
0x156: {  	v5 =	vxor.u32 $0x80000000, v19;
	v19 =	vand.u32 $0x7FFFFFFF, v62;
	v21 =	vmax.u32 v6, v4  }
0x157: {  	v57 =	vld [tilespmem:s15+$0x3A80];
	v4 =	vmin.u32 v6, v4;
	v5 =	vsel vm4, v20, v5;
	v10 =	vxor.u32 $0x80000000, v19  }
0x158: {  	vm4 =	vlt.s32 v56, $0x0;
	v6 =	vmax.u32 v7, v4;
	v5 =	vadd.s32 $0xF, v5  }
0x159: {  	v4 =	vmin.u32 v7, v4;
	v22 =	vmax.u32 v2, v5;
	v2 =	vmin.u32 v2, v5  }
0x15a: {  	v0 =	vmax.u32 v0, v4;
	v5 =	vmax.u32 v3, v2;
	v2 =	vmin.u32 v3, v2  }
0x15b: {  	v3 =	vxor.u32 $0x80000000, v23;
	v25 =	vmax.u32 v1, v2;
	v1 =	vmin.u32 v1, v2  }
0x15c: {  	v26 =	vsel vm5, v24, v3;
	vm5 =	vlt.s32 v57, $0x0;
	v27 =	vmax.u32 v18, v1  }
0x15d: {  	v1 =	vmin.u32 v18, v1;
	v2 =	vadd.s32 $0xE, v26;
	v18 =	vxor.u32 $0xFFFF0000, v61  }
0x15e: {  	v28 =	vmax.u32 v9, v1;
	v1 =	vmin.u32 v9, v1;
	v29 =	vmin.u32 v22, v2  }
0x15f: {  	v53 =	vmax.u32 v22, v2;
	v9 =	vmax.u32 v21, v1;
	v1 =	vmin.u32 v21, v1  }
0x160: {  	v49 =	vmin.u32 v5, v29;
	v55 =	vmax.u32 v5, v29;
	v29 =	vand.u32 $0x7FFFFFFF, v32  }
0x161: {  	v21 =	vxor.u32 $0xFFFF0000, v62;
	v13 =	vmax.u32 v6, v1;
	v1 =	vmin.u32 v6, v1  }
0x162: {  	v50 =	vmin.u32 v25, v49;
	v5 =	vmax.u32 v25, v49;
	v8 =	vxor.u32 $0x80000000, v29  }
0x163: {  	v6 =	vxor.u32 $0x80000000, v33;
	v21 =	vsel vm11, v21, v10;
	v25 =	vxor.u32 $0xFFFF0000, v63  }
0x164: {  	v33 =	vxor.u32 $0xFFFF0000, v56;
	v0 =	vmax.u32 v0, v1;
	v54 =	vmin.u32 v27, v50  }
0x165: {  	v3 =	vmax.u32 v27, v50;
	v31 =	vsel vm6, v30, v8;
	v35 =	vsel vm7, v34, v6  }
0x166: {  	v8 =	vxor.u32 $0x80000000, v15;
	v34 =	vand.u32 $0x7FFFFFFF, v57;
	v22 =	vmin.u32 v28, v54  }
0x167: {  	v2 =	vmax.u32 v28, v54;
	v4 =	vadd.s32 $0xC, v35;
	v23 =	vmin.u32 v9, v22  }
0x168: {  	v35 =	vxor.u32 $0xFFFF0000, v57;
	v24 =	vmax.u32 v9, v22;
	v28 =	vmin.u32 v13, v23  }
0x169: {  	v49 =	vmax.u32 v13, v23;
	v13 =	vand.u32 $0x7FFFFFFF, v59;
	v23 =	vand.u32 $0x7FFFFFFF, v63  }
0x16a: {  	v54 =	vld [tilespmem:s15+$0x3900];
	v50 =	vmax.u32 v0, v28;
	v0 =	vadd.s32 $0xD, v31;
	v6 =	vxor.u32 $0x80000000, v13  }
0x16b: {  	v13 =	vsel vm9, v16, v8;
	v8 =	vxor.u32 $0x80000000, v17;
	v10 =	vxor.u32 $0x80000000, v23  }
0x16c: {  	v31 =	vand.u32 $0x7FFFFFFF, v56;
	v20 =	vmax.u32 v53, v0;
	v0 =	vmin.u32 v53, v0  }
0x16d: {  	v22 =	vsel vm8, v14, v6;
	v17 =	vsel vm10, v18, v8;
	v10 =	vsel vm12, v25, v10  }
0x16e: {  	v13 =	vadd.s32 $0xA, v13;
	v15 =	vmax.u32 v55, v0;
	v0 =	vmin.u32 v55, v0  }
0x16f: {  	v27 =	vand.u32 $0x7FFFFFFF, v54;
	vm14 =	vlt.s32 v54, $0x0;
	v28 =	vxor.u32 $0xFFFF0000, v54  }
0x170: {  	v53 =	vld [tilespmem:s15+$0x3880];
	v8 =	vadd.s32 $0xB, v22;
	v17 =	vadd.s32 $0x9, v17;
	v11 =	vmax.u32 v5, v0  }
0x171: {  	v0 =	vmin.u32 v5, v0;
	v5 =	vmax.u32 v20, v4;
	v4 =	vmin.u32 v20, v4  }
0x172: {  	v55 =	vld [tilespmem:s15+$0x3980];
	v7 =	vmax.u32 v3, v0;
	v0 =	vmin.u32 v3, v0;
	v3 =	vxor.u32 $0x80000000, v27  }
0x173: {  	v9 =	vmax.u32 v5, v8;
	v27 =	vadd.s32 $0x8, v21;
	v16 =	vsel vm14, v28, v3  }
0x174: {  	v6 =	vmax.u32 v2, v0;
	v28 =	vadd.s32 $0x7, v10;
	v10 =	vmax.u32 v9, v13  }
0x175: {  	vm13 =	vlt.s32 v53, $0x0;
	v26 =	vand.u32 $0x7FFFFFFF, v53;
	v14 =	vxor.u32 $0xFFFF0000, v53  }
0x176: {  	v25 =	vmax.u32 v10, v17;
	v22 =	vadd.s32 $0x5, v16;
	v12 =	vxor.u32 $0x80000000, v26  }
0x177: {  	vm15 =	vlt.s32 v55, $0x0;
	v29 =	vand.u32 $0x7FFFFFFF, v55;
	v30 =	vxor.u32 $0xFFFF0000, v55  }
0x178: {  	v26 =	vmin.u32 v2, v0;
	v0 =	vxor.u32 $0x80000000, v31;
	v3 =	vxor.u32 $0x80000000, v29;
	v29 =	vld [tilespmem:s15+$0x3B80]  }
0x179: {  	v12 =	vsel vm13, v14, v12;
	v14 =	vmax.u32 v25, v27;
	v18 =	vsel vm15, v30, v3;
	v30 =	vld [tilespmem:s15+$0x3B00]  }
0x17a: {  	v2 =	vxor.u32 $0x80000000, v34;
	v21 =	vadd.s32 $0x6, v12;
	v12 =	vmax.u32 v14, v28  }
0x17b: {  	v19 =	vsel vm4, v33, v0;
	v23 =	vsel vm5, v35, v2;
	v16 =	vmax.u32 v12, v21  }
0x17c: {  	v34 =	vadd.s32 $0x3, v19;
	v33 =	vadd.s32 $0x4, v18;
	v18 =	vmax.u32 v16, v22  }
0x17d: {  	v35 =	vadd.s32 $0x2, v23;
	v19 =	vmax.u32 v18, v33;
	v3 =	vand.u32 $0x7FFFFFFF, v29  }
0x17e: {  	vm7 =	vlt.s32 v29, $0x0;
	v23 =	vmax.u32 v19, v34;
	v0 =	vand.u32 $0x7FFFFFFF, v30  }
0x17f: {  	vm6 =	vlt.s32 v30, $0x0;
	v2 =	vxor.u32 $0xFFFF0000, v30;
	v1 =	vxor.u32 $0x80000000, v0  }
0x180: {  	v0 =	vxor.u32 $0xFFFF0000, v29;
	v31 =	vsel vm6, v2, v1;
	v1 =	vxor.u32 $0x80000000, v3  }
0x181: {  	v3 =	vmax.u32 v24, v26;
	v2 =	vadd.s32 $0x1, v31;
	v31 =	vmax.u32 v23, v35  }
0x182: {  	v24 =	vmin.u32 v24, v26;
	v0 =	vsel vm7, v0, v1;
	v26 =	vmax.u32 v31, v2  }
0x183: {  	v1 =	vmax.u32 v49, v24;
	v24 =	vmin.u32 v49, v24;
	v49 =	vmax.u32 v26, v0  }
0x184: {  	v20 =	vmin.u32 v15, v4;
	[tilespmem:$0x1FFF0] =	vst v0;
	v0 =	vimm.s32 $0xFFFF0000;
	vm8 =	vlt.s32 v49, $0x0  }
0x185: {  	v24 =	vmax.u32 v50, v24;
	v50 =	vand.u32 $0xFFFF0000, v49;
	v0 =	vsel vm8, $0x80000000, v0  }
0x186: {  	v50 =	vxor.u32 v50, v0;
	v0 =	vmin.u32 v11, v20  }
0x187: {  	v11 =	vmax.u32 v11, v20;
	v20 =	vmin.u32 v7, v0  }
0x188: {  	[tilespmem:$0x1FFE0] =	vst v2;
	v2 =	vmax.u32 v7, v0;
	v7 =	vmax.u32 v6, v20;
	v6 =	vmin.u32 v6, v20;
	v20 =	vld [tilespmem:$0x1FDC0];
	_ =	sdelay $0x2  }
0x189: {  	v4 =	vmax.u32 v15, v4;
	v15 =	vld [tilespmem:$0x1FDB0];
	_ =	sdelay $0x1  }
0x18a: {  	v20 =	vsub.f32 v20, v50  }
0x18b: {  	v0 =	vmin.u32 v3, v6;
	v3 =	vmax.u32 v3, v6  }
0x18c: {  	v6 =	vmax.u32 v1, v0;
	v0 =	vmin.u32 v1, v0;
	v1 =	vmul.f32 $1.442695020e+00, v20;
	v20 =	vld [tilespmem:$0x1FDD0]  }
0x18d: {  	v15 =	vsub.f32 v15, v50;
	_ =	sdelay $0x1  }
0x18e: {  	v15 =	vmul.f32 $1.442695020e+00, v15;
	_ =	sdelay $0x1  }
0x18f: {  	(erf) = vpow2.f32 v15;
	v15 =	vsub.f32 v20, v50;
	v20 =	vld [tilespmem:$0x1FDE0];
	_ =	sdelay $0x4  }
0x190: {  	v5 =	vmin.u32 v5, v8;
	v8 =	vsub.f32 v20, v50  }
0x191: {  	v0 =	vmax.u32 v24, v0;
	v24 =	vmin.u32 v4, v5  }
0x192: {  	v20 =	vmul.f32 $1.442695020e+00, v8;
	v8 =	vmax.u32 v11, v24;
	v11 =	vmin.u32 v11, v24;
	v24 =	vld [tilespmem:$0x1FDF0]  }
0x193: {  	(erf) = vpow2.f32 v1  }
0x194: {  	v1 =	vmul.f32 $1.442695020e+00, v15;
	v15 =	vmax.u32 v2, v11;
	v2 =	vmin.u32 v2, v11;
	v11 =	vld [tilespmem:$0x1FE00];
	_ =	sdelay $0x1  }
0x195: {  	(erf) = vpow2.f32 v1  }
0x196: {  	(erf) = vpow2.f32 v20;
	v20 =	vld [tilespmem:$0x1FE10];
	v1 =	vsub.f32 v24, v50  }
0x197: {  	v4 =	vmax.u32 v4, v5  }
0x198: {  	v5 =	vsub.f32 v11, v50;
	v11 =	vmin.u32 v7, v2;
	v1 =	vmul.f32 $1.442695020e+00, v1  }
0x199: {  	v2 =	vmax.u32 v7, v2;
	v7 =	vmax.u32 v3, v11;
	v3 =	vmin.u32 v3, v11  }
0x19a: {  	(erf) = vpow2.f32 v1;
	v1 =	vmul.f32 $1.442695020e+00, v5;
	v5 =	vmax.u32 v6, v3  }
0x19b: {  	v3 =	vmin.u32 v6, v3;
	v6 =	vmin.u32 v9, v13;
	v9 =	vsub.f32 v20, v50;
	v13 =	vld [tilespmem:$0x1FE20];
	_ =	sdelay $0x1  }
0x19c: {  	v20 =	vmul.f32 $1.442695020e+00, v9  }
0x19d: {  	v24 =	vpop (erf);
	(erf) = vpow2.f32 v1  }
0x19e: {  	v1 =	vadd.f32 $0.0e+00, v24;
	v24 =	vpop (erf);
	(erf) = vpow2.f32 v20;
	v20 =	vld [tilespmem:$0x1FE30]  }
0x19f: {  	v11 =	vsub.f32 v13, v50;
	v13 =	vld [tilespmem:$0x1FE40];
	_ =	sdelay $0x1  }
0x1a0: {  	v1 =	vadd.f32 v1, v24  }
0x1a1: {  	v9 =	vmax.u32 v4, v6;
	v4 =	vmin.u32 v4, v6;
	v24 =	vpop (erf);
	v6 =	vmul.f32 $1.442695020e+00, v11  }
0x1a2: {  	v0 =	vmax.u32 v0, v3;
	v1 =	vadd.f32 v1, v24;
	v24 =	vld [tilespmem:$0x1FE50];
	v3 =	vsub.f32 v20, v50  }
0x1a3: {  	(erf) = vpow2.f32 v6;
	v6 =	vsub.f32 v13, v50  }
0x1a4: {  	v20 =	vpop (erf);
	v3 =	vmul.f32 $1.442695020e+00, v3  }
0x1a5: {  	v1 =	vadd.f32 v1, v20;
	v20 =	vmul.f32 $1.442695020e+00, v6  }
0x1a6: {  	v11 =	vmax.u32 v8, v4;
	(erf) = vpow2.f32 v3  }
0x1a7: {  	v4 =	vmin.u32 v8, v4;
	v13 =	vsub.f32 v24, v50;
	v24 =	vpop (erf);
	(erf) = vpow2.f32 v20;
	v20 =	vld [tilespmem:$0x1FE60]  }
0x1a8: {  	v8 =	vmax.u32 v15, v4;
	v4 =	vmin.u32 v15, v4;
	v15 =	vld [tilespmem:$0x1FE70]  }
0x1a9: {  	v1 =	vadd.f32 v1, v24  }
0x1aa: {  	v6 =	vmax.u32 v2, v4;
	v24 =	vpop (erf)  }
0x1ab: {  	v2 =	vmin.u32 v2, v4;
	v4 =	vmul.f32 $1.442695020e+00, v13;
	v1 =	vadd.f32 v1, v24  }
0x1ac: {  	v3 =	vsub.f32 v20, v50;
	v20 =	vpop (erf)  }
0x1ad: {  	(erf) = vpow2.f32 v4;
	v4 =	vsub.f32 v15, v50;
	v1 =	vadd.f32 v1, v20;
	v20 =	vld [tilespmem:$0x1FE90]  }
0x1ae: {  	v17 =	vmin.u32 v10, v17  }
0x1af: {  	v13 =	vmax.u32 v7, v2;
	v2 =	vmin.u32 v7, v2;
	v15 =	vld [tilespmem:$0x1FE80];
	v24 =	vmul.f32 $1.442695020e+00, v4  }
0x1b0: {  	v7 =	vmin.u32 v5, v2;
	v3 =	vmul.f32 $1.442695020e+00, v3  }
0x1b1: {  	v2 =	vmax.u32 v5, v2;
	v5 =	vmin.u32 v9, v17;
	v4 =	vmax.u32 v9, v17;
	v17 =	vpop (erf)  }
0x1b2: {  	v1 =	vadd.f32 v1, v17;
	(erf) = vpow2.f32 v3;
	v9 =	vsub.f32 v20, v50  }
0x1b3: {  	v0 =	vmax.u32 v0, v7;
	v17 =	vld [tilespmem:$0x1FEA0];
	(erf) = vpow2.f32 v24;
	v24 =	vpop (erf)  }
0x1b4: {  	v7 =	vsub.f32 v15, v50;
	v1 =	vadd.f32 v1, v24;
	v15 =	vmul.f32 $1.442695020e+00, v9;
	v9 =	vld [tilespmem:$0x1FEB0]  }
0x1b5: {  	v20 =	vpop (erf)  }
0x1b6: {  	v1 =	vadd.f32 v1, v20;
	v20 =	vld [tilespmem:$0x1FEC0]  }
0x1b7: {  	v7 =	vmul.f32 $1.442695020e+00, v7;
	v3 =	vmax.u32 v11, v5;
	v5 =	vmin.u32 v11, v5  }
0x1b8: {  	v11 =	vmax.u32 v8, v5;
	v5 =	vmin.u32 v8, v5;
	v8 =	vsub.f32 v17, v50  }
0x1b9: {  	(erf) = vpow2.f32 v7;
	v7 =	vsub.f32 v9, v50  }
0x1ba: {  	v24 =	vmul.f32 $1.442695020e+00, v8  }
0x1bb: {  	v17 =	vmul.f32 $1.442695020e+00, v7;
	v7 =	vsub.f32 v20, v50;
	v20 =	vld [tilespmem:$0x1FED0]  }
0x1bc: {  	(erf) = vpow2.f32 v15;
	v15 =	vpop (erf)  }
0x1bd: {  	(erf) = vpow2.f32 v24;
	v1 =	vadd.f32 v1, v15  }
0x1be: {  	v24 =	vpop (erf);
	(erf) = vpow2.f32 v17;
	v17 =	vmul.f32 $1.442695020e+00, v7  }
0x1bf: {  	v10 =	vmax.u32 v6, v5;
	v1 =	vadd.f32 v1, v24  }
0x1c0: {  	v5 =	vmin.u32 v6, v5;
	v24 =	vpop (erf);
	(erf) = vpow2.f32 v17;
	v17 =	vld [tilespmem:$0x1FEE0];
	v6 =	vsub.f32 v20, v50  }
0x1c1: {  	v25 =	vmin.u32 v25, v27;
	v1 =	vadd.f32 v1, v24;
	v24 =	vld [tilespmem:$0x1FEF0]  }
0x1c2: {  	v9 =	vmax.u32 v13, v5;
	v5 =	vmin.u32 v13, v5;
	v27 =	vmul.f32 $1.442695020e+00, v6  }
0x1c3: {  	v13 =	vmax.u32 v2, v5;
	v2 =	vmin.u32 v2, v5  }
0x1c4: {  	v15 =	vmin.u32 v4, v25;
	v0 =	vmax.u32 v0, v2;
	v20 =	vpop (erf);
	(erf) = vpow2.f32 v27;
	v27 =	vld [tilespmem:$0x1FF00]  }
0x1c5: {  	v2 =	vmax.u32 v4, v25;
	v7 =	vmax.u32 v3, v15;
	v4 =	vsub.f32 v17, v50  }
0x1c6: {  	v3 =	vmin.u32 v3, v15;
	v1 =	vadd.f32 v1, v20;
	v5 =	vsub.f32 v24, v50  }
0x1c7: {  	v25 =	vpop (erf);
	v20 =	vld [tilespmem:$0x1FF10];
	v6 =	vmax.u32 v11, v3;
	v3 =	vmin.u32 v11, v3;
	v4 =	vmul.f32 $1.442695020e+00, v4  }
0x1c8: {  	v1 =	vadd.f32 v1, v25;
	v25 =	vld [tilespmem:$0x1FF20];
	v15 =	vmul.f32 $1.442695020e+00, v5;
	v5 =	vmax.u32 v10, v3  }
0x1c9: {  	v17 =	vpop (erf);
	v3 =	vmin.u32 v10, v3;
	(erf) = vpow2.f32 v4;
	v8 =	vsub.f32 v27, v50  }
0x1ca: {  	v1 =	vadd.f32 v1, v17;
	v10 =	vmax.u32 v9, v3;
	v17 =	vld [tilespmem:$0x1FF30]  }
0x1cb: {  	v3 =	vmin.u32 v9, v3;
	(erf) = vpow2.f32 v15;
	v8 =	vmul.f32 $1.442695020e+00, v8  }
0x1cc: {  	v24 =	vpop (erf);
	v9 =	vmax.u32 v13, v3;
	v3 =	vmin.u32 v13, v3;
	v4 =	vsub.f32 v20, v50  }
0x1cd: {  	v1 =	vadd.f32 v1, v24;
	(erf) = vpow2.f32 v8;
	v8 =	vsub.f32 v25, v50;
	v25 =	vld [tilespmem:$0x1FF40]  }
0x1ce: {  	v28 =	vmin.u32 v14, v28;
	v0 =	vmax.u32 v0, v3;
	v27 =	vpop (erf);
	v4 =	vmul.f32 $1.442695020e+00, v4  }
0x1cf: {  	v1 =	vadd.f32 v1, v27;
	v15 =	vmul.f32 $1.442695020e+00, v8;
	v8 =	vsub.f32 v17, v50  }
0x1d0: {  	v3 =	vmax.u32 v2, v28;
	v2 =	vmin.u32 v2, v28;
	v20 =	vpop (erf);
	(erf) = vpow2.f32 v4  }
0x1d1: {  	v1 =	vadd.f32 v1, v20;
	(erf) = vpow2.f32 v15;
	v24 =	vmul.f32 $1.442695020e+00, v8;
	v15 =	vld [tilespmem:$0x1FF50]  }
0x1d2: {  	v8 =	vmax.u32 v7, v2;
	v2 =	vmin.u32 v7, v2;
	v27 =	vpop (erf);
	v7 =	vsub.f32 v25, v50  }
0x1d3: {  	v1 =	vadd.f32 v1, v27;
	v4 =	vmax.u32 v6, v2;
	v2 =	vmin.u32 v6, v2;
	v25 =	vld [tilespmem:$0x1FF60]  }
0x1d4: {  	v17 =	vpop (erf);
	(erf) = vpow2.f32 v24;
	v13 =	vmax.u32 v5, v2  }
0x1d5: {  	v2 =	vmin.u32 v5, v2;
	v28 =	vmul.f32 $1.442695020e+00, v7;
	v1 =	vadd.f32 v1, v17  }
0x1d6: {  	v11 =	vmax.u32 v10, v2;
	v2 =	vmin.u32 v10, v2;
	v10 =	vld [tilespmem:$0x1FF70];
	v7 =	vsub.f32 v15, v50  }
0x1d7: {  	v20 =	vpop (erf)  }
0x1d8: {  	v1 =	vadd.f32 v1, v20;
	v24 =	vmul.f32 $1.442695020e+00, v7;
	v7 =	vsub.f32 v25, v50  }
0x1d9: {  	v19 =	vmin.u32 v19, v34;
	v17 =	vld [tilespmem:$0x1FF80];
	(erf) = vpow2.f32 v28;
	v27 =	vpop (erf)  }
0x1da: {  	v20 =	vmin.u32 v12, v21;
	v12 =	vld [tilespmem:$0x1FFA0];
	v1 =	vadd.f32 v1, v27;
	v28 =	vmul.f32 $1.442695020e+00, v7  }
0x1db: {  	v7 =	vsub.f32 v10, v50;
	v10 =	vmax.u32 v9, v2;
	v2 =	vmin.u32 v9, v2  }
0x1dc: {  	v25 =	vld [tilespmem:$0x1FF90];
	(erf) = vpow2.f32 v24;
	v14 =	vpop (erf);
	v9 =	vmax.u32 v3, v20;
	v0 =	vmax.u32 v0, v2  }
0x1dd: {  	v1 =	vadd.f32 v1, v14;
	v2 =	vmin.u32 v3, v20;
	(erf) = vpow2.f32 v28  }
0x1de: {  	v15 =	vmul.f32 $1.442695020e+00, v7;
	v7 =	vsub.f32 v17, v50;
	v21 =	vpop (erf);
	v3 =	vmin.u32 v8, v2  }
0x1df: {  	v2 =	vmax.u32 v8, v2;
	v8 =	vsub.f32 v12, v50;
	v17 =	vld [tilespmem:$0x1FFB0];
	v1 =	vadd.f32 v1, v21  }
0x1e0: {  	v6 =	vmax.u32 v4, v3;
	v3 =	vmin.u32 v4, v3;
	(erf) = vpow2.f32 v15  }
0x1e1: {  	v24 =	vmul.f32 $1.442695020e+00, v7;
	v7 =	vsub.f32 v25, v50;
	v4 =	vmin.u32 v13, v3  }
0x1e2: {  	v15 =	vmul.f32 $1.442695020e+00, v8;
	v3 =	vmax.u32 v13, v3;
	v13 =	vsub.f32 v36, v50  }
0x1e3: {  	v28 =	vpop (erf);
	v20 =	vmin.u32 v11, v4;
	v4 =	vmax.u32 v11, v4;
	(erf) = vpow2.f32 v24;
	v24 =	vld [tilespmem:$0x1FFC0]  }
0x1e4: {  	v27 =	vmul.f32 $1.442695020e+00, v7;
	v1 =	vadd.f32 v1, v28;
	v8 =	vsub.f32 v17, v50  }
0x1e5: {  	v7 =	vmax.u32 v10, v20;
	v5 =	vmin.u32 v10, v20;
	v20 =	vmul.f32 $1.442695020e+00, v13  }
0x1e6: {  	v28 =	vld [tilespmem:$0x1FFD0];
	v0 =	vmax.u32 v0, v5;
	(erf) = vpow2.f32 v27;
	v8 =	vmul.f32 $1.442695020e+00, v8  }
0x1e7: {  	v17 =	vmin.u32 v16, v22;
	v22 =	vsub.f32 v37, v50;
	v14 =	vpop (erf);
	(erf) = vpow2.f32 v15  }
0x1e8: {  	v1 =	vadd.f32 v1, v14;
	v21 =	vpop (erf);
	v12 =	vsub.f32 v24, v50;
	(erf) = vpow2.f32 v8  }
0x1e9: {  	v8 =	vmax.u32 v9, v17;
	v9 =	vmin.u32 v9, v17;
	v17 =	vsub.f32 v40, v50  }
0x1ea: {  	v40 =	vsub.f32 v44, v50;
	v1 =	vadd.f32 v1, v21;
	v24 =	vmin.u32 v2, v9  }
0x1eb: {  	v2 =	vmax.u32 v2, v9;
	v27 =	vmul.f32 $1.442695020e+00, v12;
	v12 =	vsub.f32 v28, v50  }
0x1ec: {  	v25 =	vpop (erf);
	v9 =	vmax.u32 v6, v24;
	v5 =	vmin.u32 v6, v24;
	v24 =	vmin.u32 v18, v33  }
0x1ed: {  	v18 =	vsub.f32 v46, v50;
	v1 =	vadd.f32 v1, v25;
	v25 =	vmul.f32 $1.442695020e+00, v22  }
0x1ee: {  	v10 =	vmax.u32 v3, v5;
	v3 =	vmin.u32 v3, v5;
	v22 =	vsub.f32 v41, v50  }
0x1ef: {  	v11 =	vmax.u32 v8, v24;
	(erf) = vpow2.f32 v27;
	v15 =	vmul.f32 $1.442695020e+00, v12  }
0x1f0: {  	v14 =	vpop (erf);
	v27 =	vsub.f32 v38, v50;
	v38 =	vsub.f32 v39, v50;
	v5 =	vmax.u32 v4, v3  }
0x1f1: {  	v3 =	vmin.u32 v4, v3;
	v1 =	vadd.f32 v1, v14;
	(erf) = vpow2.f32 v15  }
0x1f2: {  	v12 =	vmax.u32 v7, v3;
	v3 =	vmin.u32 v7, v3;
	v21 =	vpop (erf);
	(erf) = vpow2.f32 v20  }
0x1f3: {  	v36 =	vmul.f32 $1.442695020e+00, v27;
	v16 =	vmul.f32 $1.442695020e+00, v38;
	v1 =	vadd.f32 v1, v21  }
0x1f4: {  	v0 =	vmax.u32 v0, v3;
	v27 =	vmul.f32 $1.442695020e+00, v22;
	v28 =	vpop (erf);
	(erf) = vpow2.f32 v25  }
0x1f5: {  	v3 =	vmin.u32 v8, v24;
	v15 =	vsub.f32 v45, v50;
	v1 =	vadd.f32 v1, v28  }
0x1f6: {  	v22 =	vsub.f32 v47, v50;
	v24 =	vmax.u32 v11, v19;
	v37 =	vpop (erf);
	(erf) = vpow2.f32 v36  }
0x1f7: {  	v11 =	vmin.u32 v11, v19;
	v47 =	vsub.f32 v58, v50;
	v1 =	vadd.f32 v1, v37  }
0x1f8: {  	v58 =	vsub.f32 v59, v50;
	v21 =	vmul.f32 $1.442695020e+00, v17;
	v8 =	vmax.u32 v2, v3;
	v39 =	vpop (erf)  }
0x1f9: {  	v2 =	vmin.u32 v2, v3;
	(erf) = vpow2.f32 v16;
	v1 =	vadd.f32 v1, v39  }
0x1fa: {  	v19 =	vsub.f32 v61, v50;
	v41 =	vmax.u32 v9, v2;
	v28 =	vsub.f32 v42, v50;
	v20 =	vpop (erf)  }
0x1fb: {  	v2 =	vmin.u32 v9, v2;
	v1 =	vadd.f32 v1, v20;
	v25 =	vpop (erf);
	(erf) = vpow2.f32 v21  }
0x1fc: {  	v17 =	vmul.f32 $1.442695020e+00, v15;
	v42 =	vmin.u32 v10, v2;
	v36 =	vmul.f32 $1.442695020e+00, v28  }
0x1fd: {  	v37 =	vsub.f32 v43, v50;
	v33 =	vpop (erf);
	(erf) = vpow2.f32 v27;
	v1 =	vadd.f32 v1, v25  }
0x1fe: {  	v15 =	vsub.f32 v60, v50;
	v2 =	vmax.u32 v10, v2;
	v3 =	vmin.u32 v5, v42  }
0x1ff: {  	v39 =	vmul.f32 $1.442695020e+00, v37;
	v38 =	vpop (erf);
	(erf) = vpow2.f32 v36;
	v1 =	vadd.f32 v1, v33  }
0x200: {  	v44 =	vmax.u32 v5, v42;
	v43 =	vmul.f32 $1.442695020e+00, v40;
	v4 =	vmax.u32 v12, v3  }
0x201: {  	v3 =	vmin.u32 v12, v3;
	(erf) = vpow2.f32 v39;
	v1 =	vadd.f32 v1, v38  }
0x202: {  	v28 =	vsub.f32 v48, v50;
	v12 =	vmax.u32 v8, v11;
	v8 =	vmin.u32 v8, v11;
	v14 =	vpop (erf)  }
0x203: {  	v48 =	vmin.u32 v23, v35;
	(erf) = vpow2.f32 v43;
	v1 =	vadd.f32 v1, v14  }
0x204: {  	v0 =	vmax.u32 v0, v3;
	v7 =	vmin.u32 v41, v8;
	v59 =	vmax.u32 v24, v48;
	v16 =	vpop (erf)  }
0x205: {  	v21 =	vmul.f32 $1.442695020e+00, v18;
	(erf) = vpow2.f32 v17;
	v1 =	vadd.f32 v1, v16  }
0x206: {  	v3 =	vmin.u32 v24, v48;
	v48 =	vsub.f32 v57, v50;
	v57 =	vsub.f32 v29, v50;
	v20 =	vpop (erf)  }
0x207: {  	v27 =	vmul.f32 $1.442695020e+00, v22;
	(erf) = vpow2.f32 v21;
	v1 =	vadd.f32 v1, v20  }
0x208: {  	v29 =	vimm.s32 $0xFFFF0000;
	v10 =	vmul.f32 $1.442695020e+00, v28;
	v33 =	vsub.f32 v51, v50;
	v25 =	vpop (erf)  }
0x209: {  	v61 =	vmul.f32 $1.442695020e+00, v57;
	(erf) = vpow2.f32 v27;
	v1 =	vadd.f32 v1, v25  }
0x20a: {  	v36 =	vmax.u32 v41, v8;
	v5 =	vmul.f32 $1.442695020e+00, v33;
	v38 =	vsub.f32 v52, v50;
	v34 =	vpop (erf)  }
0x20b: {  	v35 =	vld [tilespmem:$0x1FFE0];
	v41 =	vsub.f32 v32, v50;
	(erf) = vpow2.f32 v10;
	v1 =	vadd.f32 v1, v34  }
0x20c: {  	v39 =	vmin.u32 v2, v7;
	v40 =	vmul.f32 $1.442695020e+00, v38;
	v37 =	vpop (erf);
	(erf) = vpow2.f32 v5  }
0x20d: {  	v22 =	vsub.f32 v62, v50;
	v42 =	vmax.u32 v44, v39;
	v1 =	vadd.f32 v1, v37  }
0x20e: {  	v5 =	vmin.u32 v44, v39;
	v44 =	vmul.f32 $1.442695020e+00, v41;
	v43 =	vpop (erf);
	(erf) = vpow2.f32 v40  }
0x20f: {  	v18 =	vmul.f32 $1.442695020e+00, v15;
	v2 =	vmax.u32 v2, v7;
	v1 =	vadd.f32 v1, v43  }
0x210: {  	v24 =	vmul.f32 $1.442695020e+00, v22;
	v7 =	vmin.u32 v31, v35;
	v46 =	vpop (erf);
	(erf) = vpow2.f32 v44  }
0x211: {  	v35 =	vimm.s32 $0xFFFF0000;
	v52 =	vmul.f32 $1.442695020e+00, v47;
	v1 =	vadd.f32 v1, v46  }
0x212: {  	v14 =	vmul.f32 $1.442695020e+00, v58;
	v38 =	vsub.f32 v54, v50;
	v54 =	vsub.f32 v30, v50;
	v51 =	vpop (erf)  }
0x213: {  	v16 =	vmax.u32 v12, v3;
	(erf) = vpow2.f32 v52;
	v1 =	vadd.f32 v1, v51  }
0x214: {  	v3 =	vmin.u32 v12, v3;
	v21 =	vmul.f32 $1.442695020e+00, v19;
	v8 =	vmul.f32 $1.442695020e+00, v38;
	v13 =	vpop (erf)  }
0x215: {  	v12 =	vmax.u32 v36, v3;
	v17 =	vpop (erf);
	(erf) = vpow2.f32 v14;
	v1 =	vadd.f32 v1, v13  }
0x216: {  	v3 =	vmin.u32 v36, v3;
	v36 =	vmin.u32 v59, v7;
	v7 =	vmax.u32 v59, v7  }
0x217: {  	v9 =	vmax.u32 v2, v3;
	v20 =	vpop (erf);
	(erf) = vpow2.f32 v18;
	v1 =	vadd.f32 v1, v17  }
0x218: {  	v2 =	vmin.u32 v2, v3;
	v3 =	vmax.u32 v16, v36;
	v25 =	vsub.f32 v63, v50  }
0x219: {  	v27 =	vmax.u32 v42, v2;
	v23 =	vpop (erf);
	(erf) = vpow2.f32 v21;
	v1 =	vadd.f32 v1, v20  }
0x21a: {  	v2 =	vmin.u32 v42, v2;
	v39 =	vmin.u32 v16, v36;
	v32 =	vmul.f32 $1.442695020e+00, v25  }
0x21b: {  	v34 =	vsub.f32 v53, v50;
	(erf) = vpow2.f32 v24;
	v1 =	vadd.f32 v1, v23  }
0x21c: {  	v41 =	vsub.f32 v55, v50;
	v45 =	vmax.u32 v4, v5;
	v4 =	vmin.u32 v4, v5;
	v33 =	vpop (erf)  }
0x21d: {  	v5 =	vmul.f32 $1.442695020e+00, v34;
	(erf) = vpow2.f32 v32;
	v1 =	vadd.f32 v1, v33  }
0x21e: {  	v36 =	vimm.s32 $0xFFFF0000;
	v42 =	vmin.u32 v12, v39;
	v53 =	vmul.f32 $1.442695020e+00, v48;
	v37 =	vpop (erf)  }
0x21f: {  	v0 =	vmax.u32 v0, v4;
	(erf) = vpow2.f32 v5;
	v1 =	vadd.f32 v1, v37  }
0x220: {  	v28 =	vmin.u32 v45, v2;
	v2 =	vmax.u32 v45, v2;
	v45 =	vsub.f32 v56, v50;
	v40 =	vpop (erf)  }
0x221: {  	v44 =	vmul.f32 $1.442695020e+00, v41;
	(erf) = vpow2.f32 v8;
	v1 =	vadd.f32 v1, v40  }
0x222: {  	v4 =	vmax.u32 v12, v39;
	v11 =	vmul.f32 $1.442695020e+00, v45;
	v46 =	vmin.u32 v9, v42;
	v43 =	vpop (erf)  }
0x223: {  	v55 =	vld [tilespmem:$0x1FFF0];
	v6 =	vmin.u32 v27, v46;
	(erf) = vpow2.f32 v44;
	v1 =	vadd.f32 v1, v43  }
0x224: {  	v56 =	vmul.f32 $1.442695020e+00, v54;
	v0 =	vmax.u32 v0, v28;
	v58 =	vmax.u32 v2, v6;
	v47 =	vpop (erf)  }
0x225: {  	v2 =	vmin.u32 v2, v6;
	(erf) = vpow2.f32 v11;
	v1 =	vadd.f32 v1, v47  }
0x226: {  	v51 =	vmax.u32 v27, v46;
	v27 =	vsub.f32 v50, v50;
	v0 =	vmax.u32 v0, v2;
	v52 =	vpop (erf)  }
0x227: {  	v21 =	vimm.s32 $0xFFFF0000;
	(erf) = vpow2.f32 v53;
	v1 =	vadd.f32 v1, v52  }
0x228: {  	v24 =	vimm.s32 $0xFFFF0000;
	v32 =	vimm.s32 $0xFFFF0000;
	v8 =	vmin.u32 v26, v55;
	v60 =	vpop (erf)  }
0x229: {  	v59 =	vmin.u32 v7, v8;
	(erf) = vpow2.f32 v56;
	v1 =	vadd.f32 v1, v60  }
0x22a: {  	v5 =	vmax.u32 v9, v42;
	v62 =	vmax.u32 v7, v8;
	v63 =	vmin.u32 v3, v59;
	v13 =	vpop (erf)  }
0x22b: {  	v3 =	vmax.u32 v3, v59;
	(erf) = vpow2.f32 v61;
	v1 =	vadd.f32 v1, v13  }
0x22c: {  	vm9 =	vlt.s32 v62, $0x0;
	v20 =	vand.u32 $0xFFFF0000, v62;
	v11 =	vmul.f32 $1.442695020e+00, v27;
	v16 =	vpop (erf)  }
0x22d: {  	v14 =	vmin.u32 v4, v63;
	v4 =	vmax.u32 v4, v63;
	v1 =	vadd.f32 v1, v16  }
0x22e: {  	v9 =	vsel vm9, $0x80000000, v21;
	vm10 =	vlt.s32 v3, $0x0;
	v23 =	vand.u32 $0xFFFF0000, v3;
	v19 =	vpop (erf)  }
0x22f: {  	v15 =	vmin.u32 v5, v14;
	v5 =	vmax.u32 v5, v14;
	v1 =	vadd.f32 v1, v19  }
0x230: {  	v12 =	vsel vm10, $0x80000000, v24;
	v28 =	vand.u32 $0xFFFF0000, v4;
	vm11 =	vlt.s32 v4, $0x0;
	v22 =	vpop (erf)  }
0x231: {  	v17 =	vmin.u32 v51, v15;
	v6 =	vmax.u32 v51, v15;
	v1 =	vadd.f32 v1, v22  }
0x232: {  	v25 =	vxor.u32 v23, v12;
	v10 =	vsel vm11, $0x80000000, v29;
	v31 =	vand.u32 $0xFFFF0000, v5;
	v26 =	vpop (erf)  }
0x233: {  	vm12 =	vlt.s32 v5, $0x0;
	v8 =	vmin.u32 v58, v17;
	v1 =	vadd.f32 v1, v26  }
0x234: {  	v18 =	vmax.u32 v58, v17;
	v0 =	vmax.u32 v0, v8;
	v8 =	vxor.u32 v20, v9;
	v30 =	vpop (erf)  }
0x235: {  	v10 =	vxor.u32 v28, v10;
	v8 =	vsub.f32 v8, v50;
	v1 =	vadd.f32 v1, v30  }
0x236: {  	v33 =	vsub.f32 v25, v50;
	v34 =	vand.u32 $0xFFFF0000, v6;
	(erf) = vpow2.f32 v11  }
0x237: {  	vm13 =	vlt.s32 v6, $0x0;
	v8 =	vmul.f32 $1.442695020e+00, v8;
	(erf) = vrcp.f32 v1  }
0x238: {  	v10 =	vsub.f32 v10, v50;
	vm14 =	vlt.s32 v18, $0x0;
	v39 =	vand.u32 $0xFFFF0000, v18  }
0x239: {  	v11 =	vsel vm12, $0x80000000, v32;
	v1 =	vmul.f32 $1.442695020e+00, v33;
	(erf) = vpow2.f32 v8  }
0x23a: {  	v40 =	vsel vm14, $0x80000000, v36;
	v37 =	vmul.f32 $1.442695020e+00, v10;
	v11 =	vxor.u32 v31, v11  }
0x23b: {  	v38 =	vsub.f32 v11, v50;
	v8 =	vsel vm13, $0x80000000, v35;
	(erf) = vpow2.f32 v1  }
0x23c: {  	vm15 =	vlt.s32 v0, $0x0;
	v10 =	vxor.u32 v39, v40;
	v8 =	vxor.u32 v34, v8  }
0x23d: {  	v41 =	vmul.f32 $1.442695020e+00, v38;
	v8 =	vsub.f32 v8, v50;
	(erf) = vpow2.f32 v37  }
0x23e: {  	v43 =	vand.u32 $0xFFFF0000, v0;
	v44 =	vsel vm15, $0x80000000, v36;
	v42 =	vsub.f32 v10, v50  }
0x23f: {  	v10 =	vxor.u32 v43, v44;
	v45 =	vpop (erf);
	(erf) = vpow2.f32 v41;
	v8 =	vmul.f32 $1.442695020e+00, v8  }
0x240: {  	v10 =	vsub.f32 v10, v50;
	v9 =	vmul.f32 $1.442695020e+00, v42;
	v46 =	vpop (erf)  }
0x241: {  	v47 =	vandn.u32 $0x3F, v49;
	(erf) = vpow2.f32 v8;
	v1 =	vmul.f32 v46, v45  }
0x242: {  	[tilespmem:s15+$0x4000] =	vst v47;
	v51 =	vmul.f32 $1.442695020e+00, v10;
	v48 =	vpop (erf)  }
0x243: {  	v49 =	vandn.u32 $0x3F, v62;
	(erf) = vpow2.f32 v9;
	v50 =	vmul.f32 v46, v48;
	[tilespmem:s15+$0x4800] =	vst v1  }
0x244: {  	v52 =	vpop (erf);
	[tilespmem:s31+$0x4000] =	vst v49  }
0x245: {  	v53 =	vandn.u32 $0x3F, v3;
	(erf) = vpow2.f32 v51;
	v1 =	vmul.f32 v46, v52;
	[tilespmem:s31+$0x4800] =	vst v50  }
0x246: {  	v54 =	vpop (erf);
	[tilespmem:s15+$0x4100] =	vst v53  }
0x247: {  	v55 =	vandn.u32 $0x3F, v4;
	v2 =	vmul.f32 v46, v54;
	[tilespmem:s15+$0x4900] =	vst v1  }
0x248: {  	v56 =	vpop (erf);
	[tilespmem:s16+$0x4000] =	vst v55  }
0x249: {  	v57 =	vandn.u32 $0x3F, v5;
	v1 =	vmul.f32 v46, v56;
	[tilespmem:s16+$0x4800] =	vst v2  }
0x24a: {  	[tilespmem:s15+$0x4200] =	vst v57;
	v58 =	vpop (erf)  }
0x24b: {  	v59 =	vandn.u32 $0x3F, v6;
	[tilespmem:s15+$0x4A00] =	vst v1;
	v2 =	vmul.f32 v46, v58  }
0x24c: {  	p0 =	sne.s32 s14, $0xF0;
	[tilespmem:s18+$0x4000] =	vst v59;
	v60 =	vpop (erf)  }
.Ltmp0:
0x24d: {  	v61 =	vandn.u32 $0x3F, v18;
	[tilespmem:s18+$0x4800] =	vst v2;
	v1 =	vmul.f32 v46, v60;
	(pc) =	sbr.rel @p0 .LBB2_2-.Ltmp0, $4  }
0x24e: {  	v62 =	vpop (erf);
	[tilespmem:s15+$0x4300] =	vst v61  }
0x24f: {  	v0 =	vandn.u32 $0x3F, v0;
	v63 =	vmul.f32 v46, v62;
	[tilespmem:s15+$0x4B00] =	vst v1  }
0x250: {  	[tilespmem:s19+$0x4000] =	vst v0  }
0x251: {  	s13 =	sadd.s32 $0x80, s13;
	s14 =	sadd.s32 $0x10, s14;
	[tilespmem:s19+$0x4800] =	vst v63  }
0x252: {  	[hbm4b:s4+s2] =	stream.linear.scatter [tilespmem:s10], [sflag:$0x1], $0x800, $0x38;
	[tilespmem:$0x5000] =	vst v63  }
0x253: {  	s12 =	sadd.s32 $0x1, s12;
	_ =	swait.ge [sflag:s9], $0x800  }
0x254: {  	p0 =	sne.s32 s12, s6;
	[sflag:s9] =	ssyncset.done $0x0  }
.Ltmp1:
0x255: {  	[sflag:s9] =	ssyncadd.s32 $0xFFFFF800;
	(pc) =	sbr.rel @p0 .LBB2_1-.Ltmp1, $4  }
0x256: {  	[hbm4b:s5+s2] =	stream.linear.scatter [tilespmem:s11], [sflag:$0x1], $0x800, $0x38;
	[tilespmem:$0x5000] =	vst v63  }
0x257: {  	_ =	swait.ge [sflag:s9], $0x800  }
0x258: {  	[sflag:s9] =	ssyncset.done $0x0  }
0x259: {  	[sflag:s9] =	ssyncadd.s32 $0xFFFFF800  }
0x25a: {  	_ =	sfence.sel $0x180000  }
0x25b: {  	[bflag:$0x0] =	sbarrier.arrive $0xFFFF  }
0x25c: {  	p0 =	sne.s32 s1, $0x0;
	_ =	strace $0x90000047  }
0x25d: {  	s0 =	sadd.s32 @!p0 $0x100000, s0;
	[bflag:$0x2] =	sbarrier.arrive $0xFFFF  }
0x25e: {  	[sflag:s0] =	ssyncadd.tile.s32 @!p0 $0x1;
	_ =	shalt  }
.Lfunc_end2:
_tile_overlayer_lowered:
.L_overlay_start_2:
0x25f: {  	(tag) =	ssettag $0x2  }
0x260: {  	s0 =	rddreg [dreg:$0x0];
	s2 =	stileid.u32  }
0x261: {  	s1 =	rddreg [dreg:$0x1];
	p0 =	sne.s32 s2, $0x0  }
0x262: {  	s3 =	rddreg [dreg:$0x2];
	[bflag:$0x3] =	sbarrier.arrive $0xFFFF;
	s2 =	simm.s32 @!p0 $0x1C01  }
0x263: {  	[timem:s3], [sflag:s2] =	dma.local @!p0 [hbm:s0], s1  }
0x264: {  	s0 =	simm.s32 @!p0 $0x1  }
0x265: {  	_ =	swait.ge @!p0 [sflag:s0], s1  }
0x266: {  	s1 =	ssub.s32 @!p0 $0x0, s1;
	[sflag:s0] =	ssyncset.done @!p0 $0x0  }
0x267: {  	[sflag:s0] =	ssyncadd.s32 @!p0 s1  }
0x268: {  	[bflag:$0x3] =	sbarrier.arrive $0xFFFF  }
0x269: {  	_ =	shalt  }

</sc_bundles>
